<compile_context>
chip_gen: v7x
topology: tpu7x:2x2x1
jax: 0.10.2.dev20260603
libtpu: 0.0.44.dev20260713+nightly
codegen_flags: <defaults>
</compile_context>

<pallas_src>
import functools

import jax
import jax.numpy as jnp
from jax import lax
from jax.experimental import pallas as pl
from jax.experimental.pallas import tpu as pltpu
from jax.experimental.pallas import tpu_sc as plsc

NC = 2
NS = 16
LANES = 16

N = 10000
E = 320000
D = 128
DE = 16
H = 2
HD = D // H
RH = 32

NPAD = 10240
CB = 80
EPC = E // NS
CPC = EPC // CB
UW = 80

EPW32 = E // 32

_HI = jax.lax.Precision.HIGHEST


def _dot3(a, b):
    ah = a.astype(jnp.bfloat16).astype(jnp.float32)
    al = a - ah
    bh = b.astype(jnp.bfloat16).astype(jnp.float32)
    bl = b - bh
    return (jnp.dot(ah, bh, preferred_element_type=jnp.float32)
            + jnp.dot(ah, bl, preferred_element_type=jnp.float32)
            + jnp.dot(al, bh, preferred_element_type=jnp.float32))


def _mesh():
    return plsc.VectorSubcoreMesh(core_axis_name="c", subcore_axis_name="s")


_SC_PARAMS = pltpu.CompilerParams(needs_layout_passes=False,
                                  use_tc_tiling_on_sc=False)



def _dist_body(px_hbm, py_hbm, pz_hbm, src_hbm, dst_hbm, d2_hbm,
               px_v, py_v, pz_v, src_v, dst_v, d2_v):
    wid = lax.axis_index("s") * NC + lax.axis_index("c")
    base = pl.multiple_of(wid * EPW32, 8)
    pltpu.sync_copy(px_hbm, px_v)
    pltpu.sync_copy(py_hbm, py_v)
    pltpu.sync_copy(pz_hbm, pz_v)
    pltpu.sync_copy(src_hbm.at[pl.ds(base, EPW32)], src_v)
    pltpu.sync_copy(dst_hbm.at[pl.ds(base, EPW32)], dst_v)

    def body(g, carry):
        si = src_v[pl.ds(g * LANES, LANES)]
        di = dst_v[pl.ds(g * LANES, LANES)]
        dx = plsc.load_gather(px_v, [di]) - plsc.load_gather(px_v, [si])
        dy = plsc.load_gather(py_v, [di]) - plsc.load_gather(py_v, [si])
        dz = plsc.load_gather(pz_v, [di]) - plsc.load_gather(pz_v, [si])
        d2_v[pl.ds(g * LANES, LANES)] = dx * dx + dy * dy + dz * dz
        return carry

    lax.fori_loop(0, EPW32 // LANES, body, 0)
    pltpu.sync_copy(d2_v, d2_hbm.at[pl.ds(base, EPW32)])


def _sc_dist(px, py, pz, src, dst):
    f = functools.partial(
        pl.kernel,
        out_type=jax.ShapeDtypeStruct((E,), jnp.float32),
        mesh=_mesh(),
        compiler_params=_SC_PARAMS,
        scratch_types=[
            pltpu.VMEM((N,), jnp.float32),
            pltpu.VMEM((N,), jnp.float32),
            pltpu.VMEM((N,), jnp.float32),
            pltpu.VMEM((EPW32,), jnp.int32),
            pltpu.VMEM((EPW32,), jnp.int32),
            pltpu.VMEM((EPW32,), jnp.float32),
        ],
    )(_dist_body)
    return f(px, py, pz, src, dst)



def _edge_body(xq_hbm, xk_hbm, xv_hbm, rad_hbm, srcx_hbm, dst_hbm,
               zer_hbm, u_hbm,
               dstall,
               sga, dga, dsa, qva, kva, vva, rva, wva,
               sgb, dgb, dsb, qvb, kvb, vvb, rvb, wvb,
               uac, sema, semb, semsga, semsgb):
    cid = lax.axis_index("c")
    sid = lax.axis_index("s")

    rb = sid * (NPAD // NS)
    nps = NPAD // NS
    pltpu.sync_copy(zer_hbm.at[pl.ds(rb, nps)], uac.at[pl.ds(rb, nps)])

    ebase = pl.multiple_of(sid * EPC, 8)
    pltpu.sync_copy(dst_hbm.at[pl.ds(ebase, EPC)], dstall)
    plsc.subcore_barrier()

    lane = lax.broadcasted_iota(jnp.int32, (LANES,), 0)
    noff = cid * N

    bufs_a = (sga, dga, dsa, qva, kva, vva, rva, wva, sema, semsga)
    bufs_b = (sgb, dgb, dsb, qvb, kvb, vvb, rvb, wvb, semb, semsgb)

    def issue_sg(t, bufs):
        sg, sem = bufs[0], bufs[9]
        t = jnp.minimum(t, CPC - 1)
        base = pl.multiple_of(sid * EPC, 8) + t * CB
        pltpu.async_copy(srcx_hbm.at[cid, pl.ds(base, CB)], sg, sem)

    def wait_sg(bufs):
        sg, sem = bufs[0], bufs[9]
        pltpu.make_async_copy(srcx_hbm.at[cid, pl.ds(0, CB)], sg, sem).wait()

    def issue_gathers(t, bufs):
        sg, dg, dsc, qv, kv, vv, rv, wv, sem = bufs[:9]
        t = jnp.minimum(t, CPC - 1)
        off = t * CB
        for g in range(CB // LANES):
            dsg = pl.ds(g * LANES, LANES)
            d16 = dstall[pl.ds(off + g * LANES, LANES)]
            dg[dsg] = d16 + noff
            dsc[dsg] = d16
        wait_sg(bufs)
        pltpu.async_copy(xq_hbm.at[dg], qv, sem)
        pltpu.async_copy(xk_hbm.at[sg], kv, sem)
        pltpu.async_copy(xv_hbm.at[sg], vv, sem)
        rbase = pl.multiple_of(cid * E + sid * EPC, 8) + t * CB
        pltpu.async_copy(rad_hbm.at[pl.ds(rbase, CB)], rv, sem)

    def drain(bufs):
        sg, dg, dsc, qv, kv, vv, rv, wv, sem = bufs[:9]
        pltpu.make_async_copy(xq_hbm.at[dg], qv, sem).wait()
        pltpu.make_async_copy(xk_hbm.at[sg], kv, sem).wait()
        pltpu.make_async_copy(xv_hbm.at[sg], vv, sem).wait()
        pltpu.make_async_copy(rad_hbm.at[pl.ds(0, CB)], rv, sem).wait()

    def compute(bufs):
        sg, dg, dsc, qv, kv, vv, rv, wv = bufs[:8]

        def ebody(i, carry):
            h = jnp.zeros((LANES,), jnp.float32)
            vrs = []
            for j in range(4):
                dsj = pl.ds(j * LANES, LANES)
                rj = rv[i, dsj]
                h = h + qv[i, dsj] * (kv[i, dsj] * rj)
                vrs.append(vv[i, dsj] * rj)
            l = jnp.minimum(jnp.sum(h) * 0.125, 75.0)
            ev = jnp.exp(jnp.full((LANES,), l, jnp.float32))
            for j in range(4):
                wv[i, pl.ds(j * LANES, LANES)] = vrs[j] * ev
            wv[i, pl.ds(HD, LANES)] = jnp.where(lane == 0, ev, 0.0)
            return carry

        lax.fori_loop(0, CB, ebody, 0, unroll=2)
        pltpu.sync_copy(wv, uac.at[dsc], add=True)

    issue_sg(jnp.int32(0), bufs_a)
    issue_sg(jnp.int32(1), bufs_b)
    issue_gathers(jnp.int32(0), bufs_a)

    def cbody(u, carry):
        issue_gathers(2 * u + 1, bufs_b)
        drain(bufs_a)
        issue_sg(2 * u + 2, bufs_a)
        compute(bufs_a)
        issue_gathers(2 * u + 2, bufs_a)
        drain(bufs_b)
        issue_sg(2 * u + 3, bufs_b)
        compute(bufs_b)
        return carry

    lax.fori_loop(0, CPC // 2, cbody, 0)
    drain(bufs_a)
    wait_sg(bufs_b)
    plsc.subcore_barrier()
    pltpu.sync_copy(uac.at[pl.ds(rb, nps)], u_hbm.at[cid, pl.ds(rb, nps)])


def _sc_edge(xq, xk, xv, rad, srcx, dst, zer):
    dbl = [
        pltpu.VMEM((CB,), jnp.int32),
        pltpu.VMEM((CB,), jnp.int32),
        pltpu.VMEM((CB,), jnp.int32),
        pltpu.VMEM((CB, HD), jnp.float32),
        pltpu.VMEM((CB, HD), jnp.float32),
        pltpu.VMEM((CB, HD), jnp.float32),
        pltpu.VMEM((CB, HD), jnp.float32),
        pltpu.VMEM((CB, UW), jnp.float32),
    ]
    f = functools.partial(
        pl.kernel,
        out_type=jax.ShapeDtypeStruct((NC, NPAD, UW), jnp.float32),
        mesh=_mesh(),
        compiler_params=_SC_PARAMS,
        scratch_types=(
            [pltpu.VMEM((EPC,), jnp.int32)]
            + dbl + dbl
            + [pltpu.VMEM_SHARED((NPAD, UW), jnp.float32),
               pltpu.SemaphoreType.DMA,
               pltpu.SemaphoreType.DMA,
               pltpu.SemaphoreType.DMA,
               pltpu.SemaphoreType.DMA]),
    )(_edge_body)
    return f(xq, xk, xv, rad, srcx, dst, zer)



NB = 1000
EB = 4000


def _proj_body(x_ref, wq_ref, wk_ref, wv_ref, ws_ref,
               xq_ref, xk_ref, xv_ref, xs_ref):
    x = x_ref[...]
    xq = jnp.dot(x, wq_ref[...], precision=_HI)
    xk = jnp.dot(x, wk_ref[...], precision=_HI)
    xv = jnp.dot(x, wv_ref[...], precision=_HI)
    xq_ref[0] = xq[:, :HD]
    xq_ref[1] = xq[:, HD:]
    xk_ref[0] = xk[:, :HD]
    xk_ref[1] = xk[:, HD:]
    xv_ref[0] = xv[:, :HD]
    xv_ref[1] = xv[:, HD:]
    xs_ref[...] = jnp.dot(x, ws_ref[...], precision=_HI)


def _tc_proj(x, wq, wk, wv, ws):
    wspec = pl.BlockSpec((D, D), lambda i: (0, 0))
    nspec = pl.BlockSpec((NB, D), lambda i: (i, 0))
    hspec = pl.BlockSpec((NC, NB, HD), lambda i: (0, i, 0))
    hshape = jax.ShapeDtypeStruct((NC, N, HD), jnp.float32)
    xq, xk, xv, xs = pl.pallas_call(
        _proj_body,
        grid=(N // NB,),
        in_specs=[nspec, wspec, wspec, wspec, wspec],
        out_specs=[hspec, hspec, hspec, nspec],
        out_shape=[hshape, hshape, hshape,
                   jax.ShapeDtypeStruct((N, D), jnp.float32)],
    )(x, wq, wk, wv, ws)
    return (xq.reshape(NC * N, HD), xk.reshape(NC * N, HD),
            xv.reshape(NC * N, HD), xs)


def _radial_body(d2_ref, ef_ref, wd_ref, we_ref, b1_ref, g_ref, be_ref,
                 r2_ref, b2_ref, rad_ref):
    dist = jnp.sqrt(d2_ref[...] + 1e-12)
    ef = ef_ref[...]
    h = dist * wd_ref[...] + _dot3(ef, we_ref[...]) + b1_ref[...]
    mu = jnp.mean(h, axis=1, keepdims=True)
    hc = h - mu
    var = jnp.mean(hc * hc, axis=1, keepdims=True)
    hn = hc / jnp.sqrt(var + 1e-5) * g_ref[...] + be_ref[...]
    hr = jnp.maximum(hn, 0.0)
    rad = _dot3(hr, r2_ref[...]) + b2_ref[...]
    rad_ref[0] = rad[:, :HD]
    rad_ref[1] = rad[:, HD:]


def _tc_radial(l, d2c, ef, R1, b1, lng, lnb, R2, b2):
    espec = pl.BlockSpec((EB, DE), lambda i: (i, 0))
    dspec = pl.BlockSpec((EB, 1), lambda i: (i, 0))
    ospec = pl.BlockSpec((NC, EB, HD), lambda i: (0, i, 0))

    def w(shape):
        return pl.BlockSpec(shape, lambda i: (0, 0))

    args = [d2c, ef, R1[l, 0:1, :], R1[l, 1:, :], b1[l:l + 1, :],
            lng[l:l + 1, :], lnb[l:l + 1, :], R2[l], b2[l:l + 1, :]]
    in_specs = [dspec, espec, w((1, RH)), w((DE, RH)), w((1, RH)),
                w((1, RH)), w((1, RH)), w((RH, D)), w((1, D))]
    rad = pl.pallas_call(
        _radial_body,
        grid=(E // EB,),
        in_specs=in_specs,
        out_specs=ospec,
        out_shape=jax.ShapeDtypeStruct((NC, E, HD), jnp.float32),
    )(*args)
    return rad.reshape(NC * E, HD)


def _combine(u, xs):
    agg_halves = []
    for c in range(NC):
        sc = u[c][:, HD:HD + 1]
        agg_halves.append(u[c][:, :HD]
                          / (jnp.broadcast_to(sc, (NB, HD)) + 1e-9))
    agg = jnp.concatenate(agg_halves, axis=1)
    return agg + xs


def _norm_se3(out, g, b):
    nrm = jnp.abs(out)
    phase = out / (nrm + 1e-8)
    return jnp.maximum(nrm * g + b, 0.0) * phase


def _combine_proj_body(u_ref, xs_ref, g_ref, b_ref,
                       wq_ref, wk_ref, wv_ref, ws_ref,
                       xq_ref, xk_ref, xv_ref, xso_ref):
    out = _combine(u_ref[...], xs_ref[...])
    x = _norm_se3(out, g_ref[...], b_ref[...])
    xq = jnp.dot(x, wq_ref[...], precision=_HI)
    xk = jnp.dot(x, wk_ref[...], precision=_HI)
    xv = jnp.dot(x, wv_ref[...], precision=_HI)
    xq_ref[0] = xq[:, :HD]
    xq_ref[1] = xq[:, HD:]
    xk_ref[0] = xk[:, :HD]
    xk_ref[1] = xk[:, HD:]
    xv_ref[0] = xv[:, :HD]
    xv_ref[1] = xv[:, HD:]
    xso_ref[...] = jnp.dot(x, ws_ref[...], precision=_HI)


def _tc_combine_proj(u, xs, g, b, wq, wk, wv, ws):
    uspec = pl.BlockSpec((NC, NB, UW), lambda i: (0, i, 0))
    nspec = pl.BlockSpec((NB, D), lambda i: (i, 0))
    gspec = pl.BlockSpec((1, D), lambda i: (0, 0))
    wspec = pl.BlockSpec((D, D), lambda i: (0, 0))
    hspec = pl.BlockSpec((NC, NB, HD), lambda i: (0, i, 0))
    hshape = jax.ShapeDtypeStruct((NC, N, HD), jnp.float32)
    xq, xk, xv, xso = pl.pallas_call(
        _combine_proj_body,
        grid=(N // NB,),
        in_specs=[uspec, nspec, gspec, gspec,
                  wspec, wspec, wspec, wspec],
        out_specs=[hspec, hspec, hspec, nspec],
        out_shape=[hshape, hshape, hshape,
                   jax.ShapeDtypeStruct((N, D), jnp.float32)],
    )(u, xs, g, b, wq, wk, wv, ws)
    return (xq.reshape(NC * N, HD), xk.reshape(NC * N, HD),
            xv.reshape(NC * N, HD), xso)


def _combine_final_body(u_ref, xs_ref, g_ref, b_ref, wout_ref, y_ref):
    out = _combine(u_ref[...], xs_ref[...])
    xn = _norm_se3(out, g_ref[...], b_ref[...])
    y_ref[...] = jnp.dot(xn, wout_ref[...], precision=_HI)


def _tc_combine_final(u, xs, g, b, wout):
    uspec = pl.BlockSpec((NC, NB, UW), lambda i: (0, i, 0))
    nspec = pl.BlockSpec((NB, D), lambda i: (i, 0))
    gspec = pl.BlockSpec((1, D), lambda i: (0, 0))
    out_shape = jax.ShapeDtypeStruct((N, D), jnp.float32)
    return pl.pallas_call(
        _combine_final_body,
        grid=(N // NB,),
        in_specs=[uspec, nspec, gspec, gspec,
                  pl.BlockSpec((D, D), lambda i: (0, 0))],
        out_specs=nspec,
        out_shape=out_shape,
    )(u, xs, g, b, wout)



def kernel(node_feats, edge_feats, pos, edge_index, Wq, Wk, Wv, Wskip,
           R1, b1, lng, lnb, R2, b2, ng, nb, Wout):
    x = node_feats[..., 0]
    ef = edge_feats[..., 0]
    src = edge_index[0]
    dst = edge_index[1]
    px = jnp.asarray(pos[:, 0])
    py = jnp.asarray(pos[:, 1])
    pz = jnp.asarray(pos[:, 2])

    d2 = _sc_dist(px, py, pz, src, dst)
    d2c = d2.reshape(E, 1)
    rad0 = _tc_radial(0, d2c, ef, R1, b1, lng, lnb, R2, b2)
    zer = jnp.zeros((NPAD, UW), jnp.float32)

    xq0, xk0, xv0, xs0 = _tc_proj(x, Wq[0], Wk[0], Wv[0], Wskip[0])
    srcx = jnp.stack([src, src + N])
    u0 = _sc_edge(xq0, xk0, xv0, rad0, srcx, dst, zer)
    rad1 = _tc_radial(1, d2c, ef, R1, b1, lng, lnb, R2, b2)
    xq1, xk1, xv1, xs1 = _tc_combine_proj(
        u0, xs0, ng[0:1, :], nb[0:1, :], Wq[1], Wk[1], Wv[1], Wskip[1])
    u1 = _sc_edge(xq1, xk1, xv1, rad1, srcx, dst, zer)
    y = _tc_combine_final(u1, xs1, ng[1:2, :], nb[1:2, :], Wout)
    return y[..., None]

# --- scband reference (transcript-rebuilt; emitter-appended) ---
"""Pipeline reference for scband-interaction-module-56599079027125 (READ-ONLY COPY).

The authoritative reference and input builder live on the scoring server;
editing this copy changes nothing except your own understanding.
"""

import jax, jax.numpy as jnp
import numpy as np

N = 10000
E = 320000
D = 128
DE = 16
H = 2
RH = 32


def setup_inputs(seed: int = 0):
    key = jax.random.key(seed)
    ks = jax.random.split(key, 16)
    s = 1.0 / np.sqrt(D)
    inp = {}
    inp["node_feats"] = jax.random.normal(ks[0], (N, D, 1), jnp.float32)
    inp["edge_feats"] = jax.random.normal(ks[1], (E, DE, 1), jnp.float32)
    inp["pos"] = jax.random.normal(ks[2], (N, 3), jnp.float32)
    inp["edge_index"] = jax.random.randint(ks[3], (2, E), 0, N, dtype=jnp.int32)
    inp["Wq"] = jax.random.normal(ks[4], (2, D, D), jnp.float32) * s
    inp["Wk"] = jax.random.normal(ks[5], (2, D, D), jnp.float32) * s
    inp["Wv"] = jax.random.normal(ks[6], (2, D, D), jnp.float32) * s
    inp["Wskip"] = jax.random.normal(ks[7], (2, D, D), jnp.float32) * s
    inp["R1"] = jax.random.normal(ks[8], (2, 1 + DE, RH), jnp.float32) * (1.0 / np.sqrt(1 + DE))
    inp["b1"] = jnp.zeros((2, RH), jnp.float32)
    inp["lng"] = jnp.ones((2, RH), jnp.float32)
    inp["lnb"] = jnp.zeros((2, RH), jnp.float32)
    inp["R2"] = jax.random.normal(ks[9], (2, RH, D), jnp.float32) * (1.0 / np.sqrt(RH))
    inp["b2"] = jnp.ones((2, D), jnp.float32)
    inp["ng"] = jnp.ones((2, D), jnp.float32)
    inp["nb"] = jnp.zeros((2, D), jnp.float32)
    inp["Wout"] = jax.random.normal(ks[10], (D, D), jnp.float32) * s
    return inp


def _forward(node_feats, edge_feats, pos, edge_index, Wq, Wk, Wv, Wskip, R1, b1, lng, lnb, R2, b2, ng, nb, Wout):
    src = edge_index[0]
    dst = edge_index[1]
    x = node_feats[..., 0]          # [N, D] degree-0 scalar channels
    ef = edge_feats[..., 0]         # [E, DE]
    rel = pos[dst] - pos[src]
    dist = jnp.sqrt(jnp.sum(rel * rel, axis=-1, keepdims=True) + 1e-12)
    edge_in = jnp.concatenate([dist, ef], axis=-1)  # [E, 1+DE]
    n_nodes = x.shape[0]
    hd = D // H
    for l in range(2):
        # radial MLP with LayerNorm (use_layer_norm=True)
        h = edge_in @ R1[l] + b1[l]
        mu = jnp.mean(h, axis=-1, keepdims=True)
        var = jnp.var(h, axis=-1, keepdims=True)
        h = (h - mu) / jnp.sqrt(var + 1e-5) * lng[l] + lnb[l]
        h = jax.nn.relu(h)
        radial = h @ R2[l] + b2[l]  # [E, D] radial kernel (degree-0 ConvSE3)
        # attention (AttentionBlockSE3, n_head=2)
        q = (x @ Wq[l])[dst]
        k = (x @ Wk[l])[src] * radial
        v = (x @ Wv[l])[src] * radial
        qh = q.reshape(-1, H, hd)
        kh = k.reshape(-1, H, hd)
        vh = v.reshape(-1, H, hd)
        logits = jnp.sum(qh * kh, axis=-1) / np.sqrt(hd)  # [E, H]
        m = jax.lax.stop_gradient(jax.ops.segment_max(logits, dst, num_segments=n_nodes))
        e = jnp.exp(logits - m[dst])
        ssum = jax.ops.segment_sum(e, dst, num_segments=n_nodes)
        alpha = e / (ssum[dst] + 1e-9)
        agg = jax.ops.segment_sum(alpha[..., None] * vh, dst, num_segments=n_nodes)
        out = agg.reshape(n_nodes, D) + x @ Wskip[l]  # self-interaction skip
        # NormSE3 (degree-0): norm / nonlinearity / re-phase
        nrm = jnp.abs(out)
        phase = out / (nrm + 1e-8)
        x = jax.nn.relu(nrm * ng[l] + nb[l]) * phase
    return (x @ Wout)[..., None]


def reference(node_feats, edge_feats, pos, edge_index, Wq, Wk, Wv, Wskip, R1, b1, lng, lnb, R2, b2, ng, nb, Wout):
    return _forward(node_feats, edge_feats, pos, edge_index, Wq, Wk, Wv, Wskip, R1, b1, lng, lnb, R2, b2, ng, nb, Wout)

if __name__ == "__main__":
    import jax
    _d = setup_inputs()
    print(jax.jit(kernel)(*tuple(_d.values())))

</pallas_src>

<mosaic_0001>
#map = affine_map<(d0, d1) -> (0)>
module attributes {stable_mosaic.version = 14 : i64} {
  func.func @_dist_body(%arg0: i32, %arg1: i32, %arg2: memref<10000xf32, #tpu.memory_space<hbm>>, %arg3: memref<10000xf32, #tpu.memory_space<hbm>>, %arg4: memref<10000xf32, #tpu.memory_space<hbm>>, %arg5: memref<320000xi32, #tpu.memory_space<hbm>>, %arg6: memref<320000xi32, #tpu.memory_space<hbm>>, %arg7: memref<320000xf32, #tpu.memory_space<hbm>>, %arg8: memref<10000xf32, #tpu.memory_space<vmem>>, %arg9: memref<10000xf32, #tpu.memory_space<vmem>>, %arg10: memref<10000xf32, #tpu.memory_space<vmem>>, %arg11: memref<10000xi32, #tpu.memory_space<vmem>>, %arg12: memref<10000xi32, #tpu.memory_space<vmem>>, %arg13: memref<10000xf32, #tpu.memory_space<vmem>>) attributes {dimension_semantics = [#tpu.dimension_semantics<core_parallel>, #tpu.dimension_semantics<subcore_parallel>], iteration_bounds = array<i64: 2, 16>, scalar_prefetch = 0 : i64, scratch_operands = 6 : i64, tpu.core_type = #tpu.core_type<sc_vector_subcore>, window_params = [{transform_indices = #map}, {transform_indices = #map}, {transform_indices = #map}, {transform_indices = #map}, {transform_indices = #map}, {transform_indices = #map}]} {
    %mul3A = arith.constant 2 : i32
    %mul3A_0 = arith.muli %arg1, %mul3A : i32
    %add3A = arith.addi %mul3A_0, %arg0 : i32
    %mul3A_1 = arith.constant 10000 : i32
    %mul3A_2 = arith.muli %add3A, %mul3A_1 : i32
    %multiple_of3A = tpu.assume_multiple %mul3A_2, 8 : i32
    "tpu.region"() ({
      %run_scoped3A = tpu.sem_alloc : memref<!tpu.dma_semaphore, #tpu.memory_space<semaphore_mem>>
      tpu.enqueue_dma source(%arg2 : memref<10000xf32, #tpu.memory_space<hbm>>) target(%arg8 : memref<10000xf32, #tpu.memory_space<vmem>>) target_semaphore(%run_scoped3A : memref<!tpu.dma_semaphore, #tpu.memory_space<semaphore_mem>>)
      tpu.wait_dma2 semaphore(%run_scoped3A : memref<!tpu.dma_semaphore, #tpu.memory_space<semaphore_mem>>) src(%arg2 : memref<10000xf32, #tpu.memory_space<hbm>>) dst(%arg8 : memref<10000xf32, #tpu.memory_space<vmem>>)
      tpu.yield
    }) : () -> ()
    "tpu.region"() ({
      %run_scoped3A = tpu.sem_alloc : memref<!tpu.dma_semaphore, #tpu.memory_space<semaphore_mem>>
      tpu.enqueue_dma source(%arg3 : memref<10000xf32, #tpu.memory_space<hbm>>) target(%arg9 : memref<10000xf32, #tpu.memory_space<vmem>>) target_semaphore(%run_scoped3A : memref<!tpu.dma_semaphore, #tpu.memory_space<semaphore_mem>>)
      tpu.wait_dma2 semaphore(%run_scoped3A : memref<!tpu.dma_semaphore, #tpu.memory_space<semaphore_mem>>) src(%arg3 : memref<10000xf32, #tpu.memory_space<hbm>>) dst(%arg9 : memref<10000xf32, #tpu.memory_space<vmem>>)
      tpu.yield
    }) : () -> ()
    "tpu.region"() ({
      %run_scoped3A = tpu.sem_alloc : memref<!tpu.dma_semaphore, #tpu.memory_space<semaphore_mem>>
      tpu.enqueue_dma source(%arg4 : memref<10000xf32, #tpu.memory_space<hbm>>) target(%arg10 : memref<10000xf32, #tpu.memory_space<vmem>>) target_semaphore(%run_scoped3A : memref<!tpu.dma_semaphore, #tpu.memory_space<semaphore_mem>>)
      tpu.wait_dma2 semaphore(%run_scoped3A : memref<!tpu.dma_semaphore, #tpu.memory_space<semaphore_mem>>) src(%arg4 : memref<10000xf32, #tpu.memory_space<hbm>>) dst(%arg10 : memref<10000xf32, #tpu.memory_space<vmem>>)
      tpu.yield
    }) : () -> ()
    "tpu.region"() ({
      %run_scoped3A = tpu.sem_alloc : memref<!tpu.dma_semaphore, #tpu.memory_space<semaphore_mem>>
      %dma_start3A = tpu.memref_slice %arg5[%multiple_of3A] : memref<320000xi32, #tpu.memory_space<hbm>> -> memref<10000xi32, #tpu.memory_space<hbm>>
      %dma_start3A_8 = tpu.memref_slice %arg5[%multiple_of3A] : memref<320000xi32, #tpu.memory_space<hbm>> -> memref<10000xi32, #tpu.memory_space<hbm>>
      tpu.enqueue_dma source(%dma_start3A_8 : memref<10000xi32, #tpu.memory_space<hbm>>) target(%arg11 : memref<10000xi32, #tpu.memory_space<vmem>>) target_semaphore(%run_scoped3A : memref<!tpu.dma_semaphore, #tpu.memory_space<semaphore_mem>>)
      %dma_wait3A = tpu.memref_slice %arg5[%multiple_of3A] : memref<320000xi32, #tpu.memory_space<hbm>> -> memref<10000xi32, #tpu.memory_space<hbm>>
      %dma_wait3A_9 = tpu.memref_slice %arg5[%multiple_of3A] : memref<320000xi32, #tpu.memory_space<hbm>> -> memref<10000xi32, #tpu.memory_space<hbm>>
      tpu.wait_dma2 semaphore(%run_scoped3A : memref<!tpu.dma_semaphore, #tpu.memory_space<semaphore_mem>>) src(%dma_wait3A_9 : memref<10000xi32, #tpu.memory_space<hbm>>) dst(%arg11 : memref<10000xi32, #tpu.memory_space<vmem>>)
      tpu.yield
    }) : () -> ()
    "tpu.region"() ({
      %run_scoped3A = tpu.sem_alloc : memref<!tpu.dma_semaphore, #tpu.memory_space<semaphore_mem>>
      %dma_start3A = tpu.memref_slice %arg6[%multiple_of3A] : memref<320000xi32, #tpu.memory_space<hbm>> -> memref<10000xi32, #tpu.memory_space<hbm>>
      %dma_start3A_8 = tpu.memref_slice %arg6[%multiple_of3A] : memref<320000xi32, #tpu.memory_space<hbm>> -> memref<10000xi32, #tpu.memory_space<hbm>>
      tpu.enqueue_dma source(%dma_start3A_8 : memref<10000xi32, #tpu.memory_space<hbm>>) target(%arg12 : memref<10000xi32, #tpu.memory_space<vmem>>) target_semaphore(%run_scoped3A : memref<!tpu.dma_semaphore, #tpu.memory_space<semaphore_mem>>)
      %dma_wait3A = tpu.memref_slice %arg6[%multiple_of3A] : memref<320000xi32, #tpu.memory_space<hbm>> -> memref<10000xi32, #tpu.memory_space<hbm>>
      %dma_wait3A_9 = tpu.memref_slice %arg6[%multiple_of3A] : memref<320000xi32, #tpu.memory_space<hbm>> -> memref<10000xi32, #tpu.memory_space<hbm>>
      tpu.wait_dma2 semaphore(%run_scoped3A : memref<!tpu.dma_semaphore, #tpu.memory_space<semaphore_mem>>) src(%dma_wait3A_9 : memref<10000xi32, #tpu.memory_space<hbm>>) dst(%arg12 : memref<10000xi32, #tpu.memory_space<vmem>>)
      tpu.yield
    }) : () -> ()
    %scan3A = arith.constant 0 : i32
    %scan3A_3 = arith.constant 0 : i32
    %scan3A_4 = arith.constant 625 : i32
    %scan3A_5 = arith.addi %scan3A_3, %scan3A_4 : i32
    %scan3A_6 = arith.constant 1 : i32
    scf.for %scan3A_8 = %scan3A_3 to %scan3A_5 step %scan3A_6  : i32 {
      %mul3A_9 = arith.constant 16 : i32
      %mul3A_10 = arith.muli %scan3A_8, %mul3A_9 : i32
      %get3A = arith.index_cast %mul3A_10 : i32 to index
      %get3A_11 = tpu.vector_load %arg11[%get3A] {strides = array<i32>} : memref<10000xi32, #tpu.memory_space<vmem>>, vector<16xi32>,
      %mul3A_12 = arith.constant 16 : i32
      %mul3A_13 = arith.muli %scan3A_8, %mul3A_12 : i32
      %get3A_14 = arith.index_cast %mul3A_13 : i32 to index
      %get3A_15 = tpu.vector_load %arg12[%get3A_14] {strides = array<i32>} : memref<10000xi32, #tpu.memory_space<vmem>>, vector<16xi32>,
      %gather3A = tpu.vector_load_idx %arg8[%get3A_15] : memref<10000xf32, #tpu.memory_space<vmem>>[vector<16xi32>], vector<16xf32>,
      %gather3A_16 = tpu.vector_load_idx %arg8[%get3A_11] : memref<10000xf32, #tpu.memory_space<vmem>>[vector<16xi32>], vector<16xf32>,
      %sub3A = arith.subf %gather3A, %gather3A_16 : vector<16xf32>
      %gather3A_17 = tpu.vector_load_idx %arg9[%get3A_15] : memref<10000xf32, #tpu.memory_space<vmem>>[vector<16xi32>], vector<16xf32>,
      %gather3A_18 = tpu.vector_load_idx %arg9[%get3A_11] : memref<10000xf32, #tpu.memory_space<vmem>>[vector<16xi32>], vector<16xf32>,
      %sub3A_19 = arith.subf %gather3A_17, %gather3A_18 : vector<16xf32>
      %gather3A_20 = tpu.vector_load_idx %arg10[%get3A_15] : memref<10000xf32, #tpu.memory_space<vmem>>[vector<16xi32>], vector<16xf32>,
      %gather3A_21 = tpu.vector_load_idx %arg10[%get3A_11] : memref<10000xf32, #tpu.memory_space<vmem>>[vector<16xi32>], vector<16xf32>,
      %sub3A_22 = arith.subf %gather3A_20, %gather3A_21 : vector<16xf32>
      %mul3A_23 = arith.mulf %sub3A, %sub3A : vector<16xf32>
      %mul3A_24 = arith.mulf %sub3A_19, %sub3A_19 : vector<16xf32>
      %add3A_25 = arith.addf %mul3A_23, %mul3A_24 : vector<16xf32>
      %mul3A_26 = arith.mulf %sub3A_22, %sub3A_22 : vector<16xf32>
      %add3A_27 = arith.addf %add3A_25, %mul3A_26 : vector<16xf32>
      %mul3A_28 = arith.constant 16 : i32
      %mul3A_29 = arith.muli %scan3A_8, %mul3A_28 : i32
      %swap3A = arith.index_cast %mul3A_29 : i32 to index
      %swap3A_30 = tpu.vector_load %arg13[%swap3A] {strides = array<i32>} : memref<10000xf32, #tpu.memory_space<vmem>>, vector<16xf32>,
      tpu.vector_store %arg13[%swap3A], %add3A_27 {strides = array<i32>} : memref<10000xf32, #tpu.memory_space<vmem>>, vector<16xf32>,
    }
    %scan3A_7 = arith.constant 625 : i32
    "tpu.region"() ({
      %run_scoped3A = tpu.sem_alloc : memref<!tpu.dma_semaphore, #tpu.memory_space<semaphore_mem>>
      %dma_start3A = tpu.memref_slice %arg7[%multiple_of3A] : memref<320000xf32, #tpu.memory_space<hbm>> -> memref<10000xf32, #tpu.memory_space<hbm>>
      %dma_start3A_8 = tpu.memref_slice %arg7[%multiple_of3A] : memref<320000xf32, #tpu.memory_space<hbm>> -> memref<10000xf32, #tpu.memory_space<hbm>>
      tpu.enqueue_dma source(%arg13 : memref<10000xf32, #tpu.memory_space<vmem>>) target(%dma_start3A_8 : memref<10000xf32, #tpu.memory_space<hbm>>) target_semaphore(%run_scoped3A : memref<!tpu.dma_semaphore, #tpu.memory_space<semaphore_mem>>)
      %dma_wait3A = tpu.memref_slice %arg7[%multiple_of3A] : memref<320000xf32, #tpu.memory_space<hbm>> -> memref<10000xf32, #tpu.memory_space<hbm>>
      %dma_wait3A_9 = tpu.memref_slice %arg7[%multiple_of3A] : memref<320000xf32, #tpu.memory_space<hbm>> -> memref<10000xf32, #tpu.memory_space<hbm>>
      tpu.wait_dma2 semaphore(%run_scoped3A : memref<!tpu.dma_semaphore, #tpu.memory_space<semaphore_mem>>) src(%arg13 : memref<10000xf32, #tpu.memory_space<vmem>>) dst(%dma_wait3A_9 : memref<10000xf32, #tpu.memory_space<hbm>>)
      tpu.yield
    }) : () -> ()
    return
  }
}

#map = affine_map<(d0, d1) -> (0, 0)>
#map1 = affine_map<(d0, d1) -> (0)>
#map2 = affine_map<(d0, d1) -> (0, 0, 0)>
module attributes {stable_mosaic.version = 14 : i64} {
  func.func @_edge_body(%arg0: i32, %arg1: i32, %arg2: memref<20000x64xf32, #tpu.memory_space<hbm>>, %arg3: memref<20000x64xf32, #tpu.memory_space<hbm>>, %arg4: memref<20000x64xf32, #tpu.memory_space<hbm>>, %arg5: memref<640000x64xf32, #tpu.memory_space<hbm>>, %arg6: memref<2x320000xi32, #tpu.memory_space<hbm>>, %arg7: memref<320000xi32, #tpu.memory_space<hbm>>, %arg8: memref<10240x80xf32, #tpu.memory_space<hbm>>, %arg9: memref<2x10240x80xf32, #tpu.memory_space<hbm>>, %arg10: memref<20000xi32, #tpu.memory_space<vmem>>, %arg11: memref<80xi32, #tpu.memory_space<vmem>>, %arg12: memref<80xi32, #tpu.memory_space<vmem>>, %arg13: memref<80xi32, #tpu.memory_space<vmem>>, %arg14: memref<80x64xf32, #tpu.memory_space<vmem>>, %arg15: memref<80x64xf32, #tpu.memory_space<vmem>>, %arg16: memref<80x64xf32, #tpu.memory_space<vmem>>, %arg17: memref<80x64xf32, #tpu.memory_space<vmem>>, %arg18: memref<80x80xf32, #tpu.memory_space<vmem>>, %arg19: memref<80xi32, #tpu.memory_space<vmem>>, %arg20: memref<80xi32, #tpu.memory_space<vmem>>, %arg21: memref<80xi32, #tpu.memory_space<vmem>>, %arg22: memref<80x64xf32, #tpu.memory_space<vmem>>, %arg23: memref<80x64xf32, #tpu.memory_space<vmem>>, %arg24: memref<80x64xf32, #tpu.memory_space<vmem>>, %arg25: memref<80x64xf32, #tpu.memory_space<vmem>>, %arg26: memref<80x80xf32, #tpu.memory_space<vmem>>, %arg27: memref<10240x80xf32, #tpu.memory_space<vmem_shared>>, %arg28: memref<!tpu.dma_semaphore, #tpu.memory_space<semaphore_mem>>, %arg29: memref<!tpu.dma_semaphore, #tpu.memory_space<semaphore_mem>>, %arg30: memref<!tpu.dma_semaphore, #tpu.memory_space<semaphore_mem>>, %arg31: memref<!tpu.dma_semaphore, #tpu.memory_space<semaphore_mem>>) attributes {dimension_semantics = [#tpu.dimension_semantics<core_parallel>, #tpu.dimension_semantics<subcore_parallel>], iteration_bounds = array<i64: 2, 16>, scalar_prefetch = 0 : i64, scratch_operands = 22 : i64, tpu.core_type = #tpu.core_type<sc_vector_subcore>, window_params = [{transform_indices = #map}, {transform_indices = #map}, {transform_indices = #map}, {transform_indices = #map}, {transform_indices = #map}, {transform_indices = #map1}, {transform_indices = #map}, {transform_indices = #map2}]} {
    %mul3A = arith.constant 640 : i32
    %mul3A_0 = arith.muli %arg1, %mul3A : i32
    "tpu.region"() ({
      %run_scoped3A = tpu.sem_alloc : memref<!tpu.dma_semaphore, #tpu.memory_space<semaphore_mem>>
      %dma_start3A_135 = arith.constant 0 : i32
      %dma_start3A_136 = tpu.memref_slice %arg27[%mul3A_0, %dma_start3A_135] : memref<10240x80xf32, #tpu.memory_space<vmem_shared>> -> memref<640x80xf32, #tpu.memory_space<vmem_shared>>
      %dma_start3A_137 = arith.constant 0 : i32
      %dma_start3A_138 = tpu.memref_slice %arg8[%mul3A_0, %dma_start3A_137] : memref<10240x80xf32, #tpu.memory_space<hbm>> -> memref<640x80xf32, #tpu.memory_space<hbm>>
      tpu.enqueue_dma source(%dma_start3A_138 : memref<640x80xf32, #tpu.memory_space<hbm>>) target(%dma_start3A_136 : memref<640x80xf32, #tpu.memory_space<vmem_shared>>) target_semaphore(%run_scoped3A : memref<!tpu.dma_semaphore, #tpu.memory_space<semaphore_mem>>)
      %dma_wait3A_139 = arith.constant 0 : i32
      %dma_wait3A_140 = tpu.memref_slice %arg27[%mul3A_0, %dma_wait3A_139] : memref<10240x80xf32, #tpu.memory_space<vmem_shared>> -> memref<640x80xf32, #tpu.memory_space<vmem_shared>>
      %dma_wait3A_141 = arith.constant 0 : i32
      %dma_wait3A_142 = tpu.memref_slice %arg8[%mul3A_0, %dma_wait3A_141] : memref<10240x80xf32, #tpu.memory_space<hbm>> -> memref<640x80xf32, #tpu.memory_space<hbm>>
      tpu.wait_dma2 semaphore(%run_scoped3A : memref<!tpu.dma_semaphore, #tpu.memory_space<semaphore_mem>>) src(%dma_wait3A_142 : memref<640x80xf32, #tpu.memory_space<hbm>>) dst(%dma_wait3A_140 : memref<640x80xf32, #tpu.memory_space<vmem_shared>>)
      tpu.yield
    }) : () -> ()
    %mul3A_1 = arith.constant 20000 : i32
    %mul3A_2 = arith.muli %arg1, %mul3A_1 : i32
    %multiple_of3A = tpu.assume_multiple %mul3A_2, 8 : i32
    "tpu.region"() ({
      %run_scoped3A = tpu.sem_alloc : memref<!tpu.dma_semaphore, #tpu.memory_space<semaphore_mem>>
      %dma_start3A_135 = tpu.memref_slice %arg7[%multiple_of3A] : memref<320000xi32, #tpu.memory_space<hbm>> -> memref<20000xi32, #tpu.memory_space<hbm>>
      %dma_start3A_136 = tpu.memref_slice %arg7[%multiple_of3A] : memref<320000xi32, #tpu.memory_space<hbm>> -> memref<20000xi32, #tpu.memory_space<hbm>>
      tpu.enqueue_dma source(%dma_start3A_136 : memref<20000xi32, #tpu.memory_space<hbm>>) target(%arg10 : memref<20000xi32, #tpu.memory_space<vmem>>) target_semaphore(%run_scoped3A : memref<!tpu.dma_semaphore, #tpu.memory_space<semaphore_mem>>)
      %dma_wait3A_137 = tpu.memref_slice %arg7[%multiple_of3A] : memref<320000xi32, #tpu.memory_space<hbm>> -> memref<20000xi32, #tpu.memory_space<hbm>>
      %dma_wait3A_138 = tpu.memref_slice %arg7[%multiple_of3A] : memref<320000xi32, #tpu.memory_space<hbm>> -> memref<20000xi32, #tpu.memory_space<hbm>>
      tpu.wait_dma2 semaphore(%run_scoped3A : memref<!tpu.dma_semaphore, #tpu.memory_space<semaphore_mem>>) src(%dma_wait3A_138 : memref<20000xi32, #tpu.memory_space<hbm>>) dst(%arg10 : memref<20000xi32, #tpu.memory_space<vmem>>)
      tpu.yield
    }) : () -> ()
    %barrier3A = arith.constant 0 : index
    tpu.barrier barrier_id(%barrier3A)
    %iota3A = tpu.iota {dimensions = array<i32: 0>} : vector<16xi32>
    %mul3A_3 = arith.constant 10000 : i32
    %mul3A_4 = arith.muli %arg0, %mul3A_3 : i32
    %min3A = arith.constant 0 : i32
    %min3A_5 = arith.constant 249 : i32
    %min3A_6 = arith.minsi %min3A, %min3A_5 : i32
    %mul3A_7 = arith.constant 20000 : i32
    %mul3A_8 = arith.muli %arg1, %mul3A_7 : i32
    %multiple_of3A_9 = tpu.assume_multiple %mul3A_8, 8 : i32
    %mul3A_10 = arith.constant 80 : i32
    %mul3A_11 = arith.muli %min3A_6, %mul3A_10 : i32
    %add3A = arith.addi %multiple_of3A_9, %mul3A_11 : i32
    %dma_start3A = tpu.memref_slice %arg6[%arg0, %add3A] : memref<2x320000xi32, #tpu.memory_space<hbm>> -> memref<1x80xi32, #tpu.memory_space<hbm>>
    %dma_start3A_12 = tpu.memref_squeeze %dma_start3A : memref<1x80xi32, #tpu.memory_space<hbm>> -> memref<80xi32, #tpu.memory_space<hbm>>
    %dma_start3A_13 = tpu.memref_slice %arg6[%arg0, %add3A] : memref<2x320000xi32, #tpu.memory_space<hbm>> -> memref<1x80xi32, #tpu.memory_space<hbm>>
    %dma_start3A_14 = tpu.memref_squeeze %dma_start3A_13 : memref<1x80xi32, #tpu.memory_space<hbm>> -> memref<80xi32, #tpu.memory_space<hbm>>
    tpu.enqueue_dma source(%dma_start3A_14 : memref<80xi32, #tpu.memory_space<hbm>>) target(%arg11 : memref<80xi32, #tpu.memory_space<vmem>>) target_semaphore(%arg30 : memref<!tpu.dma_semaphore, #tpu.memory_space<semaphore_mem>>)
    %min3A_15 = arith.constant 1 : i32
    %min3A_16 = arith.constant 249 : i32
    %min3A_17 = arith.minsi %min3A_15, %min3A_16 : i32
    %mul3A_18 = arith.constant 20000 : i32
    %mul3A_19 = arith.muli %arg1, %mul3A_18 : i32
    %multiple_of3A_20 = tpu.assume_multiple %mul3A_19, 8 : i32
    %mul3A_21 = arith.constant 80 : i32
    %mul3A_22 = arith.muli %min3A_17, %mul3A_21 : i32
    %add3A_23 = arith.addi %multiple_of3A_20, %mul3A_22 : i32
    %dma_start3A_24 = tpu.memref_slice %arg6[%arg0, %add3A_23] : memref<2x320000xi32, #tpu.memory_space<hbm>> -> memref<1x80xi32, #tpu.memory_space<hbm>>
    %dma_start3A_25 = tpu.memref_squeeze %dma_start3A_24 : memref<1x80xi32, #tpu.memory_space<hbm>> -> memref<80xi32, #tpu.memory_space<hbm>>
    %dma_start3A_26 = tpu.memref_slice %arg6[%arg0, %add3A_23] : memref<2x320000xi32, #tpu.memory_space<hbm>> -> memref<1x80xi32, #tpu.memory_space<hbm>>
    %dma_start3A_27 = tpu.memref_squeeze %dma_start3A_26 : memref<1x80xi32, #tpu.memory_space<hbm>> -> memref<80xi32, #tpu.memory_space<hbm>>
    tpu.enqueue_dma source(%dma_start3A_27 : memref<80xi32, #tpu.memory_space<hbm>>) target(%arg19 : memref<80xi32, #tpu.memory_space<vmem>>) target_semaphore(%arg31 : memref<!tpu.dma_semaphore, #tpu.memory_space<semaphore_mem>>)
    %min3A_28 = arith.constant 0 : i32
    %min3A_29 = arith.constant 249 : i32
    %min3A_30 = arith.minsi %min3A_28, %min3A_29 : i32
    %mul3A_31 = arith.constant 80 : i32
    %mul3A_32 = arith.muli %min3A_30, %mul3A_31 : i32
    %add3A_33 = arith.constant 0 : i32
    %add3A_34 = arith.addi %mul3A_32, %add3A_33 : i32
    %get3A = arith.index_cast %add3A_34 : i32 to index
    %get3A_35 = tpu.vector_load %arg10[%get3A] {strides = array<i32>} : memref<20000xi32, #tpu.memory_space<vmem>>, vector<16xi32>,
    %add3A_36 = vector.broadcast %mul3A_4 : i32 to vector<16xi32>
    %add3A_37 = arith.addi %get3A_35, %add3A_36 : vector<16xi32>
    %swap3A = arith.constant 0 : index
    %swap3A_38 = tpu.vector_load %arg12[%swap3A] {strides = array<i32>} : memref<80xi32, #tpu.memory_space<vmem>>, vector<16xi32>,
    tpu.vector_store %arg12[%swap3A], %add3A_37 {strides = array<i32>} : memref<80xi32, #tpu.memory_space<vmem>>, vector<16xi32>,
    %swap3A_39 = arith.constant 0 : index
    %swap3A_40 = tpu.vector_load %arg13[%swap3A_39] {strides = array<i32>} : memref<80xi32, #tpu.memory_space<vmem>>, vector<16xi32>,
    tpu.vector_store %arg13[%swap3A_39], %get3A_35 {strides = array<i32>} : memref<80xi32, #tpu.memory_space<vmem>>, vector<16xi32>,
    %add3A_41 = arith.constant 16 : i32
    %add3A_42 = arith.addi %mul3A_32, %add3A_41 : i32
    %get3A_43 = arith.index_cast %add3A_42 : i32 to index
    %get3A_44 = tpu.vector_load %arg10[%get3A_43] {strides = array<i32>} : memref<20000xi32, #tpu.memory_space<vmem>>, vector<16xi32>,
    %add3A_45 = vector.broadcast %mul3A_4 : i32 to vector<16xi32>
    %add3A_46 = arith.addi %get3A_44, %add3A_45 : vector<16xi32>
    %swap3A_47 = arith.constant 16 : index
    %swap3A_48 = tpu.vector_load %arg12[%swap3A_47] {strides = array<i32>} : memref<80xi32, #tpu.memory_space<vmem>>, vector<16xi32>,
    tpu.vector_store %arg12[%swap3A_47], %add3A_46 {strides = array<i32>} : memref<80xi32, #tpu.memory_space<vmem>>, vector<16xi32>,
    %swap3A_49 = arith.constant 16 : index
    %swap3A_50 = tpu.vector_load %arg13[%swap3A_49] {strides = array<i32>} : memref<80xi32, #tpu.memory_space<vmem>>, vector<16xi32>,
    tpu.vector_store %arg13[%swap3A_49], %get3A_44 {strides = array<i32>} : memref<80xi32, #tpu.memory_space<vmem>>, vector<16xi32>,
    %add3A_51 = arith.constant 32 : i32
    %add3A_52 = arith.addi %mul3A_32, %add3A_51 : i32
    %get3A_53 = arith.index_cast %add3A_52 : i32 to index
    %get3A_54 = tpu.vector_load %arg10[%get3A_53] {strides = array<i32>} : memref<20000xi32, #tpu.memory_space<vmem>>, vector<16xi32>,
    %add3A_55 = vector.broadcast %mul3A_4 : i32 to vector<16xi32>
    %add3A_56 = arith.addi %get3A_54, %add3A_55 : vector<16xi32>
    %swap3A_57 = arith.constant 32 : index
    %swap3A_58 = tpu.vector_load %arg12[%swap3A_57] {strides = array<i32>} : memref<80xi32, #tpu.memory_space<vmem>>, vector<16xi32>,
    tpu.vector_store %arg12[%swap3A_57], %add3A_56 {strides = array<i32>} : memref<80xi32, #tpu.memory_space<vmem>>, vector<16xi32>,
    %swap3A_59 = arith.constant 32 : index
    %swap3A_60 = tpu.vector_load %arg13[%swap3A_59] {strides = array<i32>} : memref<80xi32, #tpu.memory_space<vmem>>, vector<16xi32>,
    tpu.vector_store %arg13[%swap3A_59], %get3A_54 {strides = array<i32>} : memref<80xi32, #tpu.memory_space<vmem>>, vector<16xi32>,
    %add3A_61 = arith.constant 48 : i32
    %add3A_62 = arith.addi %mul3A_32, %add3A_61 : i32
    %get3A_63 = arith.index_cast %add3A_62 : i32 to index
    %get3A_64 = tpu.vector_load %arg10[%get3A_63] {strides = array<i32>} : memref<20000xi32, #tpu.memory_space<vmem>>, vector<16xi32>,
    %add3A_65 = vector.broadcast %mul3A_4 : i32 to vector<16xi32>
    %add3A_66 = arith.addi %get3A_64, %add3A_65 : vector<16xi32>
    %swap3A_67 = arith.constant 48 : index
    %swap3A_68 = tpu.vector_load %arg12[%swap3A_67] {strides = array<i32>} : memref<80xi32, #tpu.memory_space<vmem>>, vector<16xi32>,
    tpu.vector_store %arg12[%swap3A_67], %add3A_66 {strides = array<i32>} : memref<80xi32, #tpu.memory_space<vmem>>, vector<16xi32>,
    %swap3A_69 = arith.constant 48 : index
    %swap3A_70 = tpu.vector_load %arg13[%swap3A_69] {strides = array<i32>} : memref<80xi32, #tpu.memory_space<vmem>>, vector<16xi32>,
    tpu.vector_store %arg13[%swap3A_69], %get3A_64 {strides = array<i32>} : memref<80xi32, #tpu.memory_space<vmem>>, vector<16xi32>,
    %add3A_71 = arith.constant 64 : i32
    %add3A_72 = arith.addi %mul3A_32, %add3A_71 : i32
    %get3A_73 = arith.index_cast %add3A_72 : i32 to index
    %get3A_74 = tpu.vector_load %arg10[%get3A_73] {strides = array<i32>} : memref<20000xi32, #tpu.memory_space<vmem>>, vector<16xi32>,
    %add3A_75 = vector.broadcast %mul3A_4 : i32 to vector<16xi32>
    %add3A_76 = arith.addi %get3A_74, %add3A_75 : vector<16xi32>
    %swap3A_77 = arith.constant 64 : index
    %swap3A_78 = tpu.vector_load %arg12[%swap3A_77] {strides = array<i32>} : memref<80xi32, #tpu.memory_space<vmem>>, vector<16xi32>,
    tpu.vector_store %arg12[%swap3A_77], %add3A_76 {strides = array<i32>} : memref<80xi32, #tpu.memory_space<vmem>>, vector<16xi32>,
    %swap3A_79 = arith.constant 64 : index
    %swap3A_80 = tpu.vector_load %arg13[%swap3A_79] {strides = array<i32>} : memref<80xi32, #tpu.memory_space<vmem>>, vector<16xi32>,
    tpu.vector_store %arg13[%swap3A_79], %get3A_74 {strides = array<i32>} : memref<80xi32, #tpu.memory_space<vmem>>, vector<16xi32>,
    %dma_wait3A = arith.constant 0 : i32
    %dma_wait3A_81 = tpu.memref_slice %arg6[%arg0, %dma_wait3A] : memref<2x320000xi32, #tpu.memory_space<hbm>> -> memref<1x80xi32, #tpu.memory_space<hbm>>
    %dma_wait3A_82 = tpu.memref_squeeze %dma_wait3A_81 : memref<1x80xi32, #tpu.memory_space<hbm>> -> memref<80xi32, #tpu.memory_space<hbm>>
    %dma_wait3A_83 = arith.constant 0 : i32
    %dma_wait3A_84 = tpu.memref_slice %arg6[%arg0, %dma_wait3A_83] : memref<2x320000xi32, #tpu.memory_space<hbm>> -> memref<1x80xi32, #tpu.memory_space<hbm>>
    %dma_wait3A_85 = tpu.memref_squeeze %dma_wait3A_84 : memref<1x80xi32, #tpu.memory_space<hbm>> -> memref<80xi32, #tpu.memory_space<hbm>>
    tpu.wait_dma2 semaphore(%arg30 : memref<!tpu.dma_semaphore, #tpu.memory_space<semaphore_mem>>) src(%dma_wait3A_85 : memref<80xi32, #tpu.memory_space<hbm>>) dst(%arg11 : memref<80xi32, #tpu.memory_space<vmem>>)
    %dma_start3A_86 = arith.constant 0 : i32
    %dma_start3A_87 = arith.constant 0 : i32
    %dma_start3A_88 = tpu.memref_slice %arg2[%dma_start3A_86, %dma_start3A_87] : memref<20000x64xf32, #tpu.memory_space<hbm>> -> memref<20000x64xf32, #tpu.memory_space<hbm>>
    tpu.enqueue_indirect_dma source(%dma_start3A_88 : memref<20000x64xf32, #tpu.memory_space<hbm>>) target(%arg14 : memref<80x64xf32, #tpu.memory_space<vmem>>) offsets(%arg12 : memref<80xi32, #tpu.memory_space<vmem>>) semaphore(%arg28 : memref<!tpu.dma_semaphore, #tpu.memory_space<semaphore_mem>>)
    %dma_start3A_89 = arith.constant 0 : i32
    %dma_start3A_90 = arith.constant 0 : i32
    %dma_start3A_91 = tpu.memref_slice %arg3[%dma_start3A_89, %dma_start3A_90] : memref<20000x64xf32, #tpu.memory_space<hbm>> -> memref<20000x64xf32, #tpu.memory_space<hbm>>
    tpu.enqueue_indirect_dma source(%dma_start3A_91 : memref<20000x64xf32, #tpu.memory_space<hbm>>) target(%arg15 : memref<80x64xf32, #tpu.memory_space<vmem>>) offsets(%arg11 : memref<80xi32, #tpu.memory_space<vmem>>) semaphore(%arg28 : memref<!tpu.dma_semaphore, #tpu.memory_space<semaphore_mem>>)
    %dma_start3A_92 = arith.constant 0 : i32
    %dma_start3A_93 = arith.constant 0 : i32
    %dma_start3A_94 = tpu.memref_slice %arg4[%dma_start3A_92, %dma_start3A_93] : memref<20000x64xf32, #tpu.memory_space<hbm>> -> memref<20000x64xf32, #tpu.memory_space<hbm>>
    tpu.enqueue_indirect_dma source(%dma_start3A_94 : memref<20000x64xf32, #tpu.memory_space<hbm>>) target(%arg16 : memref<80x64xf32, #tpu.memory_space<vmem>>) offsets(%arg11 : memref<80xi32, #tpu.memory_space<vmem>>) semaphore(%arg28 : memref<!tpu.dma_semaphore, #tpu.memory_space<semaphore_mem>>)
    %mul3A_95 = arith.constant 320000 : i32
    %mul3A_96 = arith.muli %arg0, %mul3A_95 : i32
    %mul3A_97 = arith.constant 20000 : i32
    %mul3A_98 = arith.muli %arg1, %mul3A_97 : i32
    %add3A_99 = arith.addi %mul3A_96, %mul3A_98 : i32
    %multiple_of3A_100 = tpu.assume_multiple %add3A_99, 8 : i32
    %mul3A_101 = arith.constant 80 : i32
    %mul3A_102 = arith.muli %min3A_30, %mul3A_101 : i32
    %add3A_103 = arith.addi %multiple_of3A_100, %mul3A_102 : i32
    %dma_start3A_104 = arith.constant 0 : i32
    %dma_start3A_105 = tpu.memref_slice %arg5[%add3A_103, %dma_start3A_104] : memref<640000x64xf32, #tpu.memory_space<hbm>> -> memref<80x64xf32, #tpu.memory_space<hbm>>
    %dma_start3A_106 = arith.constant 0 : i32
    %dma_start3A_107 = tpu.memref_slice %arg5[%add3A_103, %dma_start3A_106] : memref<640000x64xf32, #tpu.memory_space<hbm>> -> memref<80x64xf32, #tpu.memory_space<hbm>>
    tpu.enqueue_dma source(%dma_start3A_107 : memref<80x64xf32, #tpu.memory_space<hbm>>) target(%arg17 : memref<80x64xf32, #tpu.memory_space<vmem>>) target_semaphore(%arg28 : memref<!tpu.dma_semaphore, #tpu.memory_space<semaphore_mem>>)
    %scan3A = arith.constant 0 : i32
    %scan3A_108 = arith.constant 0 : i32
    %scan3A_109 = arith.constant 125 : i32
    %scan3A_110 = arith.addi %scan3A_108, %scan3A_109 : i32
    %scan3A_111 = arith.constant 1 : i32
    scf.for %scan3A_135 = %scan3A_108 to %scan3A_110 step %scan3A_111  : i32 {
      %mul3A_136 = arith.constant 2 : i32
      %mul3A_137 = arith.muli %mul3A_136, %scan3A_135 : i32
      %add3A_138 = arith.constant 1 : i32
      %add3A_139 = arith.addi %mul3A_137, %add3A_138 : i32
      %min3A_140 = arith.constant 249 : i32
      %min3A_141 = arith.minsi %add3A_139, %min3A_140 : i32
      %mul3A_142 = arith.constant 80 : i32
      %mul3A_143 = arith.muli %min3A_141, %mul3A_142 : i32
      %add3A_144 = arith.constant 0 : i32
      %add3A_145 = arith.addi %mul3A_143, %add3A_144 : i32
      %get3A_146 = arith.index_cast %add3A_145 : i32 to index
      %get3A_147 = tpu.vector_load %arg10[%get3A_146] {strides = array<i32>} : memref<20000xi32, #tpu.memory_space<vmem>>, vector<16xi32>,
      %add3A_148 = vector.broadcast %mul3A_4 : i32 to vector<16xi32>
      %add3A_149 = arith.addi %get3A_147, %add3A_148 : vector<16xi32>
      %swap3A_150 = arith.constant 0 : index
      %swap3A_151 = tpu.vector_load %arg20[%swap3A_150] {strides = array<i32>} : memref<80xi32, #tpu.memory_space<vmem>>, vector<16xi32>,
      tpu.vector_store %arg20[%swap3A_150], %add3A_149 {strides = array<i32>} : memref<80xi32, #tpu.memory_space<vmem>>, vector<16xi32>,
      %swap3A_152 = arith.constant 0 : index
      %swap3A_153 = tpu.vector_load %arg21[%swap3A_152] {strides = array<i32>} : memref<80xi32, #tpu.memory_space<vmem>>, vector<16xi32>,
      tpu.vector_store %arg21[%swap3A_152], %get3A_147 {strides = array<i32>} : memref<80xi32, #tpu.memory_space<vmem>>, vector<16xi32>,
      %add3A_154 = arith.constant 16 : i32
      %add3A_155 = arith.addi %mul3A_143, %add3A_154 : i32
      %get3A_156 = arith.index_cast %add3A_155 : i32 to index
      %get3A_157 = tpu.vector_load %arg10[%get3A_156] {strides = array<i32>} : memref<20000xi32, #tpu.memory_space<vmem>>, vector<16xi32>,
      %add3A_158 = vector.broadcast %mul3A_4 : i32 to vector<16xi32>
      %add3A_159 = arith.addi %get3A_157, %add3A_158 : vector<16xi32>
      %swap3A_160 = arith.constant 16 : index
      %swap3A_161 = tpu.vector_load %arg20[%swap3A_160] {strides = array<i32>} : memref<80xi32, #tpu.memory_space<vmem>>, vector<16xi32>,
      tpu.vector_store %arg20[%swap3A_160], %add3A_159 {strides = array<i32>} : memref<80xi32, #tpu.memory_space<vmem>>, vector<16xi32>,
      %swap3A_162 = arith.constant 16 : index
      %swap3A_163 = tpu.vector_load %arg21[%swap3A_162] {strides = array<i32>} : memref<80xi32, #tpu.memory_space<vmem>>, vector<16xi32>,
      tpu.vector_store %arg21[%swap3A_162], %get3A_157 {strides = array<i32>} : memref<80xi32, #tpu.memory_space<vmem>>, vector<16xi32>,
      %add3A_164 = arith.constant 32 : i32
      %add3A_165 = arith.addi %mul3A_143, %add3A_164 : i32
      %get3A_166 = arith.index_cast %add3A_165 : i32 to index
      %get3A_167 = tpu.vector_load %arg10[%get3A_166] {strides = array<i32>} : memref<20000xi32, #tpu.memory_space<vmem>>, vector<16xi32>,
      %add3A_168 = vector.broadcast %mul3A_4 : i32 to vector<16xi32>
      %add3A_169 = arith.addi %get3A_167, %add3A_168 : vector<16xi32>
      %swap3A_170 = arith.constant 32 : index
      %swap3A_171 = tpu.vector_load %arg20[%swap3A_170] {strides = array<i32>} : memref<80xi32, #tpu.memory_space<vmem>>, vector<16xi32>,
      tpu.vector_store %arg20[%swap3A_170], %add3A_169 {strides = array<i32>} : memref<80xi32, #tpu.memory_space<vmem>>, vector<16xi32>,
      %swap3A_172 = arith.constant 32 : index
      %swap3A_173 = tpu.vector_load %arg21[%swap3A_172] {strides = array<i32>} : memref<80xi32, #tpu.memory_space<vmem>>, vector<16xi32>,
      tpu.vector_store %arg21[%swap3A_172], %get3A_167 {strides = array<i32>} : memref<80xi32, #tpu.memory_space<vmem>>, vector<16xi32>,
      %add3A_174 = arith.constant 48 : i32
      %add3A_175 = arith.addi %mul3A_143, %add3A_174 : i32
      %get3A_176 = arith.index_cast %add3A_175 : i32 to index
      %get3A_177 = tpu.vector_load %arg10[%get3A_176] {strides = array<i32>} : memref<20000xi32, #tpu.memory_space<vmem>>, vector<16xi32>,
      %add3A_178 = vector.broadcast %mul3A_4 : i32 to vector<16xi32>
      %add3A_179 = arith.addi %get3A_177, %add3A_178 : vector<16xi32>
      %swap3A_180 = arith.constant 48 : index
      %swap3A_181 = tpu.vector_load %arg20[%swap3A_180] {strides = array<i32>} : memref<80xi32, #tpu.memory_space<vmem>>, vector<16xi32>,
      tpu.vector_store %arg20[%swap3A_180], %add3A_179 {strides = array<i32>} : memref<80xi32, #tpu.memory_space<vmem>>, vector<16xi32>,
      %swap3A_182 = arith.constant 48 : index
      %swap3A_183 = tpu.vector_load %arg21[%swap3A_182] {strides = array<i32>} : memref<80xi32, #tpu.memory_space<vmem>>, vector<16xi32>,
      tpu.vector_store %arg21[%swap3A_182], %get3A_177 {strides = array<i32>} : memref<80xi32, #tpu.memory_space<vmem>>, vector<16xi32>,
      %add3A_184 = arith.constant 64 : i32
      %add3A_185 = arith.addi %mul3A_143, %add3A_184 : i32
      %get3A_186 = arith.index_cast %add3A_185 : i32 to index
      %get3A_187 = tpu.vector_load %arg10[%get3A_186] {strides = array<i32>} : memref<20000xi32, #tpu.memory_space<vmem>>, vector<16xi32>,
      %add3A_188 = vector.broadcast %mul3A_4 : i32 to vector<16xi32>
      %add3A_189 = arith.addi %get3A_187, %add3A_188 : vector<16xi32>
      %swap3A_190 = arith.constant 64 : index
      %swap3A_191 = tpu.vector_load %arg20[%swap3A_190] {strides = array<i32>} : memref<80xi32, #tpu.memory_space<vmem>>, vector<16xi32>,
      tpu.vector_store %arg20[%swap3A_190], %add3A_189 {strides = array<i32>} : memref<80xi32, #tpu.memory_space<vmem>>, vector<16xi32>,
      %swap3A_192 = arith.constant 64 : index
      %swap3A_193 = tpu.vector_load %arg21[%swap3A_192] {strides = array<i32>} : memref<80xi32, #tpu.memory_space<vmem>>, vector<16xi32>,
      tpu.vector_store %arg21[%swap3A_192], %get3A_187 {strides = array<i32>} : memref<80xi32, #tpu.memory_space<vmem>>, vector<16xi32>,
      %dma_wait3A_194 = arith.constant 0 : i32
      %dma_wait3A_195 = tpu.memref_slice %arg6[%arg0, %dma_wait3A_194] : memref<2x320000xi32, #tpu.memory_space<hbm>> -> memref<1x80xi32, #tpu.memory_space<hbm>>
      %dma_wait3A_196 = tpu.memref_squeeze %dma_wait3A_195 : memref<1x80xi32, #tpu.memory_space<hbm>> -> memref<80xi32, #tpu.memory_space<hbm>>
      %dma_wait3A_197 = arith.constant 0 : i32
      %dma_wait3A_198 = tpu.memref_slice %arg6[%arg0, %dma_wait3A_197] : memref<2x320000xi32, #tpu.memory_space<hbm>> -> memref<1x80xi32, #tpu.memory_space<hbm>>
      %dma_wait3A_199 = tpu.memref_squeeze %dma_wait3A_198 : memref<1x80xi32, #tpu.memory_space<hbm>> -> memref<80xi32, #tpu.memory_space<hbm>>
      tpu.wait_dma2 semaphore(%arg31 : memref<!tpu.dma_semaphore, #tpu.memory_space<semaphore_mem>>) src(%dma_wait3A_199 : memref<80xi32, #tpu.memory_space<hbm>>) dst(%arg19 : memref<80xi32, #tpu.memory_space<vmem>>)
      %dma_start3A_200 = arith.constant 0 : i32
      %dma_start3A_201 = arith.constant 0 : i32
      %dma_start3A_202 = tpu.memref_slice %arg2[%dma_start3A_200, %dma_start3A_201] : memref<20000x64xf32, #tpu.memory_space<hbm>> -> memref<20000x64xf32, #tpu.memory_space<hbm>>
      tpu.enqueue_indirect_dma source(%dma_start3A_202 : memref<20000x64xf32, #tpu.memory_space<hbm>>) target(%arg22 : memref<80x64xf32, #tpu.memory_space<vmem>>) offsets(%arg20 : memref<80xi32, #tpu.memory_space<vmem>>) semaphore(%arg29 : memref<!tpu.dma_semaphore, #tpu.memory_space<semaphore_mem>>)
      %dma_start3A_203 = arith.constant 0 : i32
      %dma_start3A_204 = arith.constant 0 : i32
      %dma_start3A_205 = tpu.memref_slice %arg3[%dma_start3A_203, %dma_start3A_204] : memref<20000x64xf32, #tpu.memory_space<hbm>> -> memref<20000x64xf32, #tpu.memory_space<hbm>>
      tpu.enqueue_indirect_dma source(%dma_start3A_205 : memref<20000x64xf32, #tpu.memory_space<hbm>>) target(%arg23 : memref<80x64xf32, #tpu.memory_space<vmem>>) offsets(%arg19 : memref<80xi32, #tpu.memory_space<vmem>>) semaphore(%arg29 : memref<!tpu.dma_semaphore, #tpu.memory_space<semaphore_mem>>)
      %dma_start3A_206 = arith.constant 0 : i32
      %dma_start3A_207 = arith.constant 0 : i32
      %dma_start3A_208 = tpu.memref_slice %arg4[%dma_start3A_206, %dma_start3A_207] : memref<20000x64xf32, #tpu.memory_space<hbm>> -> memref<20000x64xf32, #tpu.memory_space<hbm>>
      tpu.enqueue_indirect_dma source(%dma_start3A_208 : memref<20000x64xf32, #tpu.memory_space<hbm>>) target(%arg24 : memref<80x64xf32, #tpu.memory_space<vmem>>) offsets(%arg19 : memref<80xi32, #tpu.memory_space<vmem>>) semaphore(%arg29 : memref<!tpu.dma_semaphore, #tpu.memory_space<semaphore_mem>>)
      %mul3A_209 = arith.constant 320000 : i32
      %mul3A_210 = arith.muli %arg0, %mul3A_209 : i32
      %mul3A_211 = arith.constant 20000 : i32
      %mul3A_212 = arith.muli %arg1, %mul3A_211 : i32
      %add3A_213 = arith.addi %mul3A_210, %mul3A_212 : i32
      %multiple_of3A_214 = tpu.assume_multiple %add3A_213, 8 : i32
      %mul3A_215 = arith.constant 80 : i32
      %mul3A_216 = arith.muli %min3A_141, %mul3A_215 : i32
      %add3A_217 = arith.addi %multiple_of3A_214, %mul3A_216 : i32
      %dma_start3A_218 = arith.constant 0 : i32
      %dma_start3A_219 = tpu.memref_slice %arg5[%add3A_217, %dma_start3A_218] : memref<640000x64xf32, #tpu.memory_space<hbm>> -> memref<80x64xf32, #tpu.memory_space<hbm>>
      %dma_start3A_220 = arith.constant 0 : i32
      %dma_start3A_221 = tpu.memref_slice %arg5[%add3A_217, %dma_start3A_220] : memref<640000x64xf32, #tpu.memory_space<hbm>> -> memref<80x64xf32, #tpu.memory_space<hbm>>
      tpu.enqueue_dma source(%dma_start3A_221 : memref<80x64xf32, #tpu.memory_space<hbm>>) target(%arg25 : memref<80x64xf32, #tpu.memory_space<vmem>>) target_semaphore(%arg29 : memref<!tpu.dma_semaphore, #tpu.memory_space<semaphore_mem>>)
      %dma_wait3A_222 = arith.constant 0 : i32
      %dma_wait3A_223 = arith.constant 0 : i32
      %dma_wait3A_224 = tpu.memref_slice %arg2[%dma_wait3A_222, %dma_wait3A_223] : memref<20000x64xf32, #tpu.memory_space<hbm>> -> memref<20000x64xf32, #tpu.memory_space<hbm>>
      tpu.wait_indirect_dma semaphore(%arg28 : memref<!tpu.dma_semaphore, #tpu.memory_space<semaphore_mem>>) src(%dma_wait3A_224 : memref<20000x64xf32, #tpu.memory_space<hbm>>) dst(%arg14 : memref<80x64xf32, #tpu.memory_space<vmem>>)
      %dma_wait3A_225 = arith.constant 0 : i32
      %dma_wait3A_226 = arith.constant 0 : i32
      %dma_wait3A_227 = tpu.memref_slice %arg3[%dma_wait3A_225, %dma_wait3A_226] : memref<20000x64xf32, #tpu.memory_space<hbm>> -> memref<20000x64xf32, #tpu.memory_space<hbm>>
      tpu.wait_indirect_dma semaphore(%arg28 : memref<!tpu.dma_semaphore, #tpu.memory_space<semaphore_mem>>) src(%dma_wait3A_227 : memref<20000x64xf32, #tpu.memory_space<hbm>>) dst(%arg15 : memref<80x64xf32, #tpu.memory_space<vmem>>)
      %dma_wait3A_228 = arith.constant 0 : i32
      %dma_wait3A_229 = arith.constant 0 : i32
      %dma_wait3A_230 = tpu.memref_slice %arg4[%dma_wait3A_228, %dma_wait3A_229] : memref<20000x64xf32, #tpu.memory_space<hbm>> -> memref<20000x64xf32, #tpu.memory_space<hbm>>
      tpu.wait_indirect_dma semaphore(%arg28 : memref<!tpu.dma_semaphore, #tpu.memory_space<semaphore_mem>>) src(%dma_wait3A_230 : memref<20000x64xf32, #tpu.memory_space<hbm>>) dst(%arg16 : memref<80x64xf32, #tpu.memory_space<vmem>>)
      %dma_wait3A_231 = arith.constant 0 : i32
      %dma_wait3A_232 = arith.constant 0 : i32
      %dma_wait3A_233 = tpu.memref_slice %arg5[%dma_wait3A_231, %dma_wait3A_232] : memref<640000x64xf32, #tpu.memory_space<hbm>> -> memref<80x64xf32, #tpu.memory_space<hbm>>
      %dma_wait3A_234 = arith.constant 0 : i32
      %dma_wait3A_235 = arith.constant 0 : i32
      %dma_wait3A_236 = tpu.memref_slice %arg5[%dma_wait3A_234, %dma_wait3A_235] : memref<640000x64xf32, #tpu.memory_space<hbm>> -> memref<80x64xf32, #tpu.memory_space<hbm>>
      tpu.wait_dma2 semaphore(%arg28 : memref<!tpu.dma_semaphore, #tpu.memory_space<semaphore_mem>>) src(%dma_wait3A_236 : memref<80x64xf32, #tpu.memory_space<hbm>>) dst(%arg17 : memref<80x64xf32, #tpu.memory_space<vmem>>)
      %mul3A_237 = arith.constant 2 : i32
      %mul3A_238 = arith.muli %mul3A_237, %scan3A_135 : i32
      %add3A_239 = arith.constant 2 : i32
      %add3A_240 = arith.addi %mul3A_238, %add3A_239 : i32
      %min3A_241 = arith.constant 249 : i32
      %min3A_242 = arith.minsi %add3A_240, %min3A_241 : i32
      %mul3A_243 = arith.constant 20000 : i32
      %mul3A_244 = arith.muli %arg1, %mul3A_243 : i32
      %multiple_of3A_245 = tpu.assume_multiple %mul3A_244, 8 : i32
      %mul3A_246 = arith.constant 80 : i32
      %mul3A_247 = arith.muli %min3A_242, %mul3A_246 : i32
      %add3A_248 = arith.addi %multiple_of3A_245, %mul3A_247 : i32
      %dma_start3A_249 = tpu.memref_slice %arg6[%arg0, %add3A_248] : memref<2x320000xi32, #tpu.memory_space<hbm>> -> memref<1x80xi32, #tpu.memory_space<hbm>>
      %dma_start3A_250 = tpu.memref_squeeze %dma_start3A_249 : memref<1x80xi32, #tpu.memory_space<hbm>> -> memref<80xi32, #tpu.memory_space<hbm>>
      %dma_start3A_251 = tpu.memref_slice %arg6[%arg0, %add3A_248] : memref<2x320000xi32, #tpu.memory_space<hbm>> -> memref<1x80xi32, #tpu.memory_space<hbm>>
      %dma_start3A_252 = tpu.memref_squeeze %dma_start3A_251 : memref<1x80xi32, #tpu.memory_space<hbm>> -> memref<80xi32, #tpu.memory_space<hbm>>
      tpu.enqueue_dma source(%dma_start3A_252 : memref<80xi32, #tpu.memory_space<hbm>>) target(%arg11 : memref<80xi32, #tpu.memory_space<vmem>>) target_semaphore(%arg30 : memref<!tpu.dma_semaphore, #tpu.memory_space<semaphore_mem>>)
      %scan3A_253 = arith.constant 0 : i32
      %scan3A_254 = arith.constant 0 : i32
      %scan3A_255 = arith.constant 80 : i32
      %scan3A_256 = arith.addi %scan3A_254, %scan3A_255 : i32
      %scan3A_257 = arith.constant 2 : i32
      scf.for %scan3A_382 = %scan3A_254 to %scan3A_256 step %scan3A_257  : i32 {
        %broadcast_in_dim3A = arith.constant 0.000000e+00 : f32
        %broadcast_in_dim3A_383 = vector.broadcast %broadcast_in_dim3A : f32 to vector<16xf32>
        %get3A_384 = arith.index_cast %scan3A_382 : i32 to index
        %get3A_385 = arith.constant 0 : index
        %get3A_386 = tpu.vector_load %arg17[%get3A_384, %get3A_385] {strides = array<i32>} : memref<80x64xf32, #tpu.memory_space<vmem>>, vector<16xf32>,
        %get3A_387 = arith.index_cast %scan3A_382 : i32 to index
        %get3A_388 = arith.constant 0 : index
        %get3A_389 = tpu.vector_load %arg14[%get3A_387, %get3A_388] {strides = array<i32>} : memref<80x64xf32, #tpu.memory_space<vmem>>, vector<16xf32>,
        %get3A_390 = arith.index_cast %scan3A_382 : i32 to index
        %get3A_391 = arith.constant 0 : index
        %get3A_392 = tpu.vector_load %arg15[%get3A_390, %get3A_391] {strides = array<i32>} : memref<80x64xf32, #tpu.memory_space<vmem>>, vector<16xf32>,
        %mul3A_393 = arith.mulf %get3A_392, %get3A_386 : vector<16xf32>
        %mul3A_394 = arith.mulf %get3A_389, %mul3A_393 : vector<16xf32>
        %add3A_395 = arith.addf %broadcast_in_dim3A_383, %mul3A_394 : vector<16xf32>
        %get3A_396 = arith.index_cast %scan3A_382 : i32 to index
        %get3A_397 = arith.constant 0 : index
        %get3A_398 = tpu.vector_load %arg16[%get3A_396, %get3A_397] {strides = array<i32>} : memref<80x64xf32, #tpu.memory_space<vmem>>, vector<16xf32>,
        %mul3A_399 = arith.mulf %get3A_398, %get3A_386 : vector<16xf32>
        %get3A_400 = arith.index_cast %scan3A_382 : i32 to index
        %get3A_401 = arith.constant 16 : index
        %get3A_402 = tpu.vector_load %arg17[%get3A_400, %get3A_401] {strides = array<i32>} : memref<80x64xf32, #tpu.memory_space<vmem>>, vector<16xf32>,
        %get3A_403 = arith.index_cast %scan3A_382 : i32 to index
        %get3A_404 = arith.constant 16 : index
        %get3A_405 = tpu.vector_load %arg14[%get3A_403, %get3A_404] {strides = array<i32>} : memref<80x64xf32, #tpu.memory_space<vmem>>, vector<16xf32>,
        %get3A_406 = arith.index_cast %scan3A_382 : i32 to index
        %get3A_407 = arith.constant 16 : index
        %get3A_408 = tpu.vector_load %arg15[%get3A_406, %get3A_407] {strides = array<i32>} : memref<80x64xf32, #tpu.memory_space<vmem>>, vector<16xf32>,
        %mul3A_409 = arith.mulf %get3A_408, %get3A_402 : vector<16xf32>
        %mul3A_410 = arith.mulf %get3A_405, %mul3A_409 : vector<16xf32>
        %add3A_411 = arith.addf %add3A_395, %mul3A_410 : vector<16xf32>
        %get3A_412 = arith.index_cast %scan3A_382 : i32 to index
        %get3A_413 = arith.constant 16 : index
        %get3A_414 = tpu.vector_load %arg16[%get3A_412, %get3A_413] {strides = array<i32>} : memref<80x64xf32, #tpu.memory_space<vmem>>, vector<16xf32>,
        %mul3A_415 = arith.mulf %get3A_414, %get3A_402 : vector<16xf32>
        %get3A_416 = arith.index_cast %scan3A_382 : i32 to index
        %get3A_417 = arith.constant 32 : index
        %get3A_418 = tpu.vector_load %arg17[%get3A_416, %get3A_417] {strides = array<i32>} : memref<80x64xf32, #tpu.memory_space<vmem>>, vector<16xf32>,
        %get3A_419 = arith.index_cast %scan3A_382 : i32 to index
        %get3A_420 = arith.constant 32 : index
        %get3A_421 = tpu.vector_load %arg14[%get3A_419, %get3A_420] {strides = array<i32>} : memref<80x64xf32, #tpu.memory_space<vmem>>, vector<16xf32>,
        %get3A_422 = arith.index_cast %scan3A_382 : i32 to index
        %get3A_423 = arith.constant 32 : index
        %get3A_424 = tpu.vector_load %arg15[%get3A_422, %get3A_423] {strides = array<i32>} : memref<80x64xf32, #tpu.memory_space<vmem>>, vector<16xf32>,
        %mul3A_425 = arith.mulf %get3A_424, %get3A_418 : vector<16xf32>
        %mul3A_426 = arith.mulf %get3A_421, %mul3A_425 : vector<16xf32>
        %add3A_427 = arith.addf %add3A_411, %mul3A_426 : vector<16xf32>
        %get3A_428 = arith.index_cast %scan3A_382 : i32 to index
        %get3A_429 = arith.constant 32 : index
        %get3A_430 = tpu.vector_load %arg16[%get3A_428, %get3A_429] {strides = array<i32>} : memref<80x64xf32, #tpu.memory_space<vmem>>, vector<16xf32>,
        %mul3A_431 = arith.mulf %get3A_430, %get3A_418 : vector<16xf32>
        %get3A_432 = arith.index_cast %scan3A_382 : i32 to index
        %get3A_433 = arith.constant 48 : index
        %get3A_434 = tpu.vector_load %arg17[%get3A_432, %get3A_433] {strides = array<i32>} : memref<80x64xf32, #tpu.memory_space<vmem>>, vector<16xf32>,
        %get3A_435 = arith.index_cast %scan3A_382 : i32 to index
        %get3A_436 = arith.constant 48 : index
        %get3A_437 = tpu.vector_load %arg14[%get3A_435, %get3A_436] {strides = array<i32>} : memref<80x64xf32, #tpu.memory_space<vmem>>, vector<16xf32>,
        %get3A_438 = arith.index_cast %scan3A_382 : i32 to index
        %get3A_439 = arith.constant 48 : index
        %get3A_440 = tpu.vector_load %arg15[%get3A_438, %get3A_439] {strides = array<i32>} : memref<80x64xf32, #tpu.memory_space<vmem>>, vector<16xf32>,
        %mul3A_441 = arith.mulf %get3A_440, %get3A_434 : vector<16xf32>
        %mul3A_442 = arith.mulf %get3A_437, %mul3A_441 : vector<16xf32>
        %add3A_443 = arith.addf %add3A_427, %mul3A_442 : vector<16xf32>
        %get3A_444 = arith.index_cast %scan3A_382 : i32 to index
        %get3A_445 = arith.constant 48 : index
        %get3A_446 = tpu.vector_load %arg16[%get3A_444, %get3A_445] {strides = array<i32>} : memref<80x64xf32, #tpu.memory_space<vmem>>, vector<16xf32>,
        %mul3A_447 = arith.mulf %get3A_446, %get3A_434 : vector<16xf32>
        %reduce_sum3A = arith.constant true
        %reduce_sum3A_448 = vector.broadcast %reduce_sum3A : i1 to vector<16xi1>
        %reduce_sum3A_449 = tpu.scan <sum>, %add3A_443 masked %reduce_sum3A_448 : vector<16xf32>, vector<16xi1> -> vector<16xf32>
        %reduce_sum3A_450 = vector.extract %reduce_sum3A_449[15] : f32 from vector<16xf32>
        %mul3A_451 = arith.constant 1.250000e-01 : f32
        %mul3A_452 = arith.mulf %reduce_sum3A_450, %mul3A_451 : f32
        %min3A_453 = arith.constant 7.500000e+01 : f32
        %min3A_454 = arith.minimumf %mul3A_452, %min3A_453 : f32
        %broadcast_in_dim3A_455 = vector.broadcast %min3A_454 : f32 to vector<16xf32>
        %exp3A = math.exp %broadcast_in_dim3A_455 : vector<16xf32>
        %mul3A_456 = arith.mulf %mul3A_399, %exp3A : vector<16xf32>
        %swap3A_457 = arith.index_cast %scan3A_382 : i32 to index
        %swap3A_458 = arith.constant 0 : index
        %swap3A_459 = tpu.vector_load %arg18[%swap3A_457, %swap3A_458] {strides = array<i32>} : memref<80x80xf32, #tpu.memory_space<vmem>>, vector<16xf32>,
        tpu.vector_store %arg18[%swap3A_457, %swap3A_458], %mul3A_456 {strides = array<i32>} : memref<80x80xf32, #tpu.memory_space<vmem>>, vector<16xf32>,
        %mul3A_460 = arith.mulf %mul3A_415, %exp3A : vector<16xf32>
        %swap3A_461 = arith.index_cast %scan3A_382 : i32 to index
        %swap3A_462 = arith.constant 16 : index
        %swap3A_463 = tpu.vector_load %arg18[%swap3A_461, %swap3A_462] {strides = array<i32>} : memref<80x80xf32, #tpu.memory_space<vmem>>, vector<16xf32>,
        tpu.vector_store %arg18[%swap3A_461, %swap3A_462], %mul3A_460 {strides = array<i32>} : memref<80x80xf32, #tpu.memory_space<vmem>>, vector<16xf32>,
        %mul3A_464 = arith.mulf %mul3A_431, %exp3A : vector<16xf32>
        %swap3A_465 = arith.index_cast %scan3A_382 : i32 to index
        %swap3A_466 = arith.constant 32 : index
        %swap3A_467 = tpu.vector_load %arg18[%swap3A_465, %swap3A_466] {strides = array<i32>} : memref<80x80xf32, #tpu.memory_space<vmem>>, vector<16xf32>,
        tpu.vector_store %arg18[%swap3A_465, %swap3A_466], %mul3A_464 {strides = array<i32>} : memref<80x80xf32, #tpu.memory_space<vmem>>, vector<16xf32>,
        %mul3A_468 = arith.mulf %mul3A_447, %exp3A : vector<16xf32>
        %swap3A_469 = arith.index_cast %scan3A_382 : i32 to index
        %swap3A_470 = arith.constant 48 : index
        %swap3A_471 = tpu.vector_load %arg18[%swap3A_469, %swap3A_470] {strides = array<i32>} : memref<80x80xf32, #tpu.memory_space<vmem>>, vector<16xf32>,
        tpu.vector_store %arg18[%swap3A_469, %swap3A_470], %mul3A_468 {strides = array<i32>} : memref<80x80xf32, #tpu.memory_space<vmem>>, vector<16xf32>,
        %eq3A = arith.constant 0 : i32
        %eq3A_472 = vector.broadcast %eq3A : i32 to vector<16xi32>
        %eq3A_473 = arith.cmpi eq, %iota3A, %eq3A_472 : vector<16xi32>
        %jit3A = arith.constant 0.000000e+00 : f32
        %broadcast_in_dim3A_474 = vector.broadcast %jit3A : f32 to vector<16xf32>
        %select_n3A = arith.select %eq3A_473, %exp3A, %broadcast_in_dim3A_474 : vector<16xi1>, vector<16xf32>
        %swap3A_475 = arith.index_cast %scan3A_382 : i32 to index
        %swap3A_476 = arith.constant 64 : index
        %swap3A_477 = tpu.vector_load %arg18[%swap3A_475, %swap3A_476] {strides = array<i32>} : memref<80x80xf32, #tpu.memory_space<vmem>>, vector<16xf32>,
        tpu.vector_store %arg18[%swap3A_475, %swap3A_476], %select_n3A {strides = array<i32>} : memref<80x80xf32, #tpu.memory_space<vmem>>, vector<16xf32>,
        %scan3A_478 = arith.constant 1 : i32
        %scan3A_479 = arith.addi %scan3A_382, %scan3A_478 : i32
        %broadcast_in_dim3A_480 = arith.constant 0.000000e+00 : f32
        %broadcast_in_dim3A_481 = vector.broadcast %broadcast_in_dim3A_480 : f32 to vector<16xf32>
        %get3A_482 = arith.index_cast %scan3A_479 : i32 to index
        %get3A_483 = arith.constant 0 : index
        %get3A_484 = tpu.vector_load %arg17[%get3A_482, %get3A_483] {strides = array<i32>} : memref<80x64xf32, #tpu.memory_space<vmem>>, vector<16xf32>,
        %get3A_485 = arith.index_cast %scan3A_479 : i32 to index
        %get3A_486 = arith.constant 0 : index
        %get3A_487 = tpu.vector_load %arg14[%get3A_485, %get3A_486] {strides = array<i32>} : memref<80x64xf32, #tpu.memory_space<vmem>>, vector<16xf32>,
        %get3A_488 = arith.index_cast %scan3A_479 : i32 to index
        %get3A_489 = arith.constant 0 : index
        %get3A_490 = tpu.vector_load %arg15[%get3A_488, %get3A_489] {strides = array<i32>} : memref<80x64xf32, #tpu.memory_space<vmem>>, vector<16xf32>,
        %mul3A_491 = arith.mulf %get3A_490, %get3A_484 : vector<16xf32>
        %mul3A_492 = arith.mulf %get3A_487, %mul3A_491 : vector<16xf32>
        %add3A_493 = arith.addf %broadcast_in_dim3A_481, %mul3A_492 : vector<16xf32>
        %get3A_494 = arith.index_cast %scan3A_479 : i32 to index
        %get3A_495 = arith.constant 0 : index
        %get3A_496 = tpu.vector_load %arg16[%get3A_494, %get3A_495] {strides = array<i32>} : memref<80x64xf32, #tpu.memory_space<vmem>>, vector<16xf32>,
        %mul3A_497 = arith.mulf %get3A_496, %get3A_484 : vector<16xf32>
        %get3A_498 = arith.index_cast %scan3A_479 : i32 to index
        %get3A_499 = arith.constant 16 : index
        %get3A_500 = tpu.vector_load %arg17[%get3A_498, %get3A_499] {strides = array<i32>} : memref<80x64xf32, #tpu.memory_space<vmem>>, vector<16xf32>,
        %get3A_501 = arith.index_cast %scan3A_479 : i32 to index
        %get3A_502 = arith.constant 16 : index
        %get3A_503 = tpu.vector_load %arg14[%get3A_501, %get3A_502] {strides = array<i32>} : memref<80x64xf32, #tpu.memory_space<vmem>>, vector<16xf32>,
        %get3A_504 = arith.index_cast %scan3A_479 : i32 to index
        %get3A_505 = arith.constant 16 : index
        %get3A_506 = tpu.vector_load %arg15[%get3A_504, %get3A_505] {strides = array<i32>} : memref<80x64xf32, #tpu.memory_space<vmem>>, vector<16xf32>,
        %mul3A_507 = arith.mulf %get3A_506, %get3A_500 : vector<16xf32>
        %mul3A_508 = arith.mulf %get3A_503, %mul3A_507 : vector<16xf32>
        %add3A_509 = arith.addf %add3A_493, %mul3A_508 : vector<16xf32>
        %get3A_510 = arith.index_cast %scan3A_479 : i32 to index
        %get3A_511 = arith.constant 16 : index
        %get3A_512 = tpu.vector_load %arg16[%get3A_510, %get3A_511] {strides = array<i32>} : memref<80x64xf32, #tpu.memory_space<vmem>>, vector<16xf32>,
        %mul3A_513 = arith.mulf %get3A_512, %get3A_500 : vector<16xf32>
        %get3A_514 = arith.index_cast %scan3A_479 : i32 to index
        %get3A_515 = arith.constant 32 : index
        %get3A_516 = tpu.vector_load %arg17[%get3A_514, %get3A_515] {strides = array<i32>} : memref<80x64xf32, #tpu.memory_space<vmem>>, vector<16xf32>,
        %get3A_517 = arith.index_cast %scan3A_479 : i32 to index
        %get3A_518 = arith.constant 32 : index
        %get3A_519 = tpu.vector_load %arg14[%get3A_517, %get3A_518] {strides = array<i32>} : memref<80x64xf32, #tpu.memory_space<vmem>>, vector<16xf32>,
        %get3A_520 = arith.index_cast %scan3A_479 : i32 to index
        %get3A_521 = arith.constant 32 : index
        %get3A_522 = tpu.vector_load %arg15[%get3A_520, %get3A_521] {strides = array<i32>} : memref<80x64xf32, #tpu.memory_space<vmem>>, vector<16xf32>,
        %mul3A_523 = arith.mulf %get3A_522, %get3A_516 : vector<16xf32>
        %mul3A_524 = arith.mulf %get3A_519, %mul3A_523 : vector<16xf32>
        %add3A_525 = arith.addf %add3A_509, %mul3A_524 : vector<16xf32>
        %get3A_526 = arith.index_cast %scan3A_479 : i32 to index
        %get3A_527 = arith.constant 32 : index
        %get3A_528 = tpu.vector_load %arg16[%get3A_526, %get3A_527] {strides = array<i32>} : memref<80x64xf32, #tpu.memory_space<vmem>>, vector<16xf32>,
        %mul3A_529 = arith.mulf %get3A_528, %get3A_516 : vector<16xf32>
        %get3A_530 = arith.index_cast %scan3A_479 : i32 to index
        %get3A_531 = arith.constant 48 : index
        %get3A_532 = tpu.vector_load %arg17[%get3A_530, %get3A_531] {strides = array<i32>} : memref<80x64xf32, #tpu.memory_space<vmem>>, vector<16xf32>,
        %get3A_533 = arith.index_cast %scan3A_479 : i32 to index
        %get3A_534 = arith.constant 48 : index
        %get3A_535 = tpu.vector_load %arg14[%get3A_533, %get3A_534] {strides = array<i32>} : memref<80x64xf32, #tpu.memory_space<vmem>>, vector<16xf32>,
        %get3A_536 = arith.index_cast %scan3A_479 : i32 to index
        %get3A_537 = arith.constant 48 : index
        %get3A_538 = tpu.vector_load %arg15[%get3A_536, %get3A_537] {strides = array<i32>} : memref<80x64xf32, #tpu.memory_space<vmem>>, vector<16xf32>,
        %mul3A_539 = arith.mulf %get3A_538, %get3A_532 : vector<16xf32>
        %mul3A_540 = arith.mulf %get3A_535, %mul3A_539 : vector<16xf32>
        %add3A_541 = arith.addf %add3A_525, %mul3A_540 : vector<16xf32>
        %get3A_542 = arith.index_cast %scan3A_479 : i32 to index
        %get3A_543 = arith.constant 48 : index
        %get3A_544 = tpu.vector_load %arg16[%get3A_542, %get3A_543] {strides = array<i32>} : memref<80x64xf32, #tpu.memory_space<vmem>>, vector<16xf32>,
        %mul3A_545 = arith.mulf %get3A_544, %get3A_532 : vector<16xf32>
        %reduce_sum3A_546 = arith.constant true
        %reduce_sum3A_547 = vector.broadcast %reduce_sum3A_546 : i1 to vector<16xi1>
        %reduce_sum3A_548 = tpu.scan <sum>, %add3A_541 masked %reduce_sum3A_547 : vector<16xf32>, vector<16xi1> -> vector<16xf32>
        %reduce_sum3A_549 = vector.extract %reduce_sum3A_548[15] : f32 from vector<16xf32>
        %mul3A_550 = arith.constant 1.250000e-01 : f32
        %mul3A_551 = arith.mulf %reduce_sum3A_549, %mul3A_550 : f32
        %min3A_552 = arith.constant 7.500000e+01 : f32
        %min3A_553 = arith.minimumf %mul3A_551, %min3A_552 : f32
        %broadcast_in_dim3A_554 = vector.broadcast %min3A_553 : f32 to vector<16xf32>
        %exp3A_555 = math.exp %broadcast_in_dim3A_554 : vector<16xf32>
        %mul3A_556 = arith.mulf %mul3A_497, %exp3A_555 : vector<16xf32>
        %swap3A_557 = arith.index_cast %scan3A_479 : i32 to index
        %swap3A_558 = arith.constant 0 : index
        %swap3A_559 = tpu.vector_load %arg18[%swap3A_557, %swap3A_558] {strides = array<i32>} : memref<80x80xf32, #tpu.memory_space<vmem>>, vector<16xf32>,
        tpu.vector_store %arg18[%swap3A_557, %swap3A_558], %mul3A_556 {strides = array<i32>} : memref<80x80xf32, #tpu.memory_space<vmem>>, vector<16xf32>,
        %mul3A_560 = arith.mulf %mul3A_513, %exp3A_555 : vector<16xf32>
        %swap3A_561 = arith.index_cast %scan3A_479 : i32 to index
        %swap3A_562 = arith.constant 16 : index
        %swap3A_563 = tpu.vector_load %arg18[%swap3A_561, %swap3A_562] {strides = array<i32>} : memref<80x80xf32, #tpu.memory_space<vmem>>, vector<16xf32>,
        tpu.vector_store %arg18[%swap3A_561, %swap3A_562], %mul3A_560 {strides = array<i32>} : memref<80x80xf32, #tpu.memory_space<vmem>>, vector<16xf32>,
        %mul3A_564 = arith.mulf %mul3A_529, %exp3A_555 : vector<16xf32>
        %swap3A_565 = arith.index_cast %scan3A_479 : i32 to index
        %swap3A_566 = arith.constant 32 : index
        %swap3A_567 = tpu.vector_load %arg18[%swap3A_565, %swap3A_566] {strides = array<i32>} : memref<80x80xf32, #tpu.memory_space<vmem>>, vector<16xf32>,
        tpu.vector_store %arg18[%swap3A_565, %swap3A_566], %mul3A_564 {strides = array<i32>} : memref<80x80xf32, #tpu.memory_space<vmem>>, vector<16xf32>,
        %mul3A_568 = arith.mulf %mul3A_545, %exp3A_555 : vector<16xf32>
        %swap3A_569 = arith.index_cast %scan3A_479 : i32 to index
        %swap3A_570 = arith.constant 48 : index
        %swap3A_571 = tpu.vector_load %arg18[%swap3A_569, %swap3A_570] {strides = array<i32>} : memref<80x80xf32, #tpu.memory_space<vmem>>, vector<16xf32>,
        tpu.vector_store %arg18[%swap3A_569, %swap3A_570], %mul3A_568 {strides = array<i32>} : memref<80x80xf32, #tpu.memory_space<vmem>>, vector<16xf32>,
        %eq3A_572 = arith.constant 0 : i32
        %eq3A_573 = vector.broadcast %eq3A_572 : i32 to vector<16xi32>
        %eq3A_574 = arith.cmpi eq, %iota3A, %eq3A_573 : vector<16xi32>
        %jit3A_575 = arith.constant 0.000000e+00 : f32
        %broadcast_in_dim3A_576 = vector.broadcast %jit3A_575 : f32 to vector<16xf32>
        %select_n3A_577 = arith.select %eq3A_574, %exp3A_555, %broadcast_in_dim3A_576 : vector<16xi1>, vector<16xf32>
        %swap3A_578 = arith.index_cast %scan3A_479 : i32 to index
        %swap3A_579 = arith.constant 64 : index
        %swap3A_580 = tpu.vector_load %arg18[%swap3A_578, %swap3A_579] {strides = array<i32>} : memref<80x80xf32, #tpu.memory_space<vmem>>, vector<16xf32>,
        tpu.vector_store %arg18[%swap3A_578, %swap3A_579], %select_n3A_577 {strides = array<i32>} : memref<80x80xf32, #tpu.memory_space<vmem>>, vector<16xf32>,
      }
      %scan3A_258 = arith.constant 80 : i32
      "tpu.region"() ({
        %run_scoped3A = tpu.sem_alloc : memref<!tpu.dma_semaphore, #tpu.memory_space<semaphore_mem>>
        %dma_start3A_382 = arith.constant 0 : i32
        %dma_start3A_383 = arith.constant 0 : i32
        %dma_start3A_384 = tpu.memref_slice %arg27[%dma_start3A_382, %dma_start3A_383] : memref<10240x80xf32, #tpu.memory_space<vmem_shared>> -> memref<10240x80xf32, #tpu.memory_space<vmem_shared>>
        tpu.enqueue_indirect_dma source(%arg18 : memref<80x80xf32, #tpu.memory_space<vmem>>) target(%dma_start3A_384 : memref<10240x80xf32, #tpu.memory_space<vmem_shared>>) offsets(%arg13 : memref<80xi32, #tpu.memory_space<vmem>>) semaphore(%run_scoped3A : memref<!tpu.dma_semaphore, #tpu.memory_space<semaphore_mem>>) {add = true}
        %dma_wait3A_385 = arith.constant 0 : i32
        %dma_wait3A_386 = arith.constant 0 : i32
        %dma_wait3A_387 = tpu.memref_slice %arg27[%dma_wait3A_385, %dma_wait3A_386] : memref<10240x80xf32, #tpu.memory_space<vmem_shared>> -> memref<10240x80xf32, #tpu.memory_space<vmem_shared>>
        tpu.wait_indirect_dma semaphore(%run_scoped3A : memref<!tpu.dma_semaphore, #tpu.memory_space<semaphore_mem>>) src(%arg18 : memref<80x80xf32, #tpu.memory_space<vmem>>) dst(%dma_wait3A_387 : memref<10240x80xf32, #tpu.memory_space<vmem_shared>>)
        tpu.yield
      }) : () -> ()
      %mul3A_259 = arith.constant 2 : i32
      %mul3A_260 = arith.muli %mul3A_259, %scan3A_135 : i32
      %add3A_261 = arith.constant 2 : i32
      %add3A_262 = arith.addi %mul3A_260, %add3A_261 : i32
      %min3A_263 = arith.constant 249 : i32
      %min3A_264 = arith.minsi %add3A_262, %min3A_263 : i32
      %mul3A_265 = arith.constant 80 : i32
      %mul3A_266 = arith.muli %min3A_264, %mul3A_265 : i32
      %add3A_267 = arith.constant 0 : i32
      %add3A_268 = arith.addi %mul3A_266, %add3A_267 : i32
      %get3A_269 = arith.index_cast %add3A_268 : i32 to index
      %get3A_270 = tpu.vector_load %arg10[%get3A_269] {strides = array<i32>} : memref<20000xi32, #tpu.memory_space<vmem>>, vector<16xi32>,
      %add3A_271 = vector.broadcast %mul3A_4 : i32 to vector<16xi32>
      %add3A_272 = arith.addi %get3A_270, %add3A_271 : vector<16xi32>
      %swap3A_273 = arith.constant 0 : index
      %swap3A_274 = tpu.vector_load %arg12[%swap3A_273] {strides = array<i32>} : memref<80xi32, #tpu.memory_space<vmem>>, vector<16xi32>,
      tpu.vector_store %arg12[%swap3A_273], %add3A_272 {strides = array<i32>} : memref<80xi32, #tpu.memory_space<vmem>>, vector<16xi32>,
      %swap3A_275 = arith.constant 0 : index
      %swap3A_276 = tpu.vector_load %arg13[%swap3A_275] {strides = array<i32>} : memref<80xi32, #tpu.memory_space<vmem>>, vector<16xi32>,
      tpu.vector_store %arg13[%swap3A_275], %get3A_270 {strides = array<i32>} : memref<80xi32, #tpu.memory_space<vmem>>, vector<16xi32>,
      %add3A_277 = arith.constant 16 : i32
      %add3A_278 = arith.addi %mul3A_266, %add3A_277 : i32
      %get3A_279 = arith.index_cast %add3A_278 : i32 to index
      %get3A_280 = tpu.vector_load %arg10[%get3A_279] {strides = array<i32>} : memref<20000xi32, #tpu.memory_space<vmem>>, vector<16xi32>,
      %add3A_281 = vector.broadcast %mul3A_4 : i32 to vector<16xi32>
      %add3A_282 = arith.addi %get3A_280, %add3A_281 : vector<16xi32>
      %swap3A_283 = arith.constant 16 : index
      %swap3A_284 = tpu.vector_load %arg12[%swap3A_283] {strides = array<i32>} : memref<80xi32, #tpu.memory_space<vmem>>, vector<16xi32>,
      tpu.vector_store %arg12[%swap3A_283], %add3A_282 {strides = array<i32>} : memref<80xi32, #tpu.memory_space<vmem>>, vector<16xi32>,
      %swap3A_285 = arith.constant 16 : index
      %swap3A_286 = tpu.vector_load %arg13[%swap3A_285] {strides = array<i32>} : memref<80xi32, #tpu.memory_space<vmem>>, vector<16xi32>,
      tpu.vector_store %arg13[%swap3A_285], %get3A_280 {strides = array<i32>} : memref<80xi32, #tpu.memory_space<vmem>>, vector<16xi32>,
      %add3A_287 = arith.constant 32 : i32
      %add3A_288 = arith.addi %mul3A_266, %add3A_287 : i32
      %get3A_289 = arith.index_cast %add3A_288 : i32 to index
      %get3A_290 = tpu.vector_load %arg10[%get3A_289] {strides = array<i32>} : memref<20000xi32, #tpu.memory_space<vmem>>, vector<16xi32>,
      %add3A_291 = vector.broadcast %mul3A_4 : i32 to vector<16xi32>
      %add3A_292 = arith.addi %get3A_290, %add3A_291 : vector<16xi32>
      %swap3A_293 = arith.constant 32 : index
      %swap3A_294 = tpu.vector_load %arg12[%swap3A_293] {strides = array<i32>} : memref<80xi32, #tpu.memory_space<vmem>>, vector<16xi32>,
      tpu.vector_store %arg12[%swap3A_293], %add3A_292 {strides = array<i32>} : memref<80xi32, #tpu.memory_space<vmem>>, vector<16xi32>,
      %swap3A_295 = arith.constant 32 : index
      %swap3A_296 = tpu.vector_load %arg13[%swap3A_295] {strides = array<i32>} : memref<80xi32, #tpu.memory_space<vmem>>, vector<16xi32>,
      tpu.vector_store %arg13[%swap3A_295], %get3A_290 {strides = array<i32>} : memref<80xi32, #tpu.memory_space<vmem>>, vector<16xi32>,
      %add3A_297 = arith.constant 48 : i32
      %add3A_298 = arith.addi %mul3A_266, %add3A_297 : i32
      %get3A_299 = arith.index_cast %add3A_298 : i32 to index
      %get3A_300 = tpu.vector_load %arg10[%get3A_299] {strides = array<i32>} : memref<20000xi32, #tpu.memory_space<vmem>>, vector<16xi32>,
      %add3A_301 = vector.broadcast %mul3A_4 : i32 to vector<16xi32>
      %add3A_302 = arith.addi %get3A_300, %add3A_301 : vector<16xi32>
      %swap3A_303 = arith.constant 48 : index
      %swap3A_304 = tpu.vector_load %arg12[%swap3A_303] {strides = array<i32>} : memref<80xi32, #tpu.memory_space<vmem>>, vector<16xi32>,
      tpu.vector_store %arg12[%swap3A_303], %add3A_302 {strides = array<i32>} : memref<80xi32, #tpu.memory_space<vmem>>, vector<16xi32>,
      %swap3A_305 = arith.constant 48 : index
      %swap3A_306 = tpu.vector_load %arg13[%swap3A_305] {strides = array<i32>} : memref<80xi32, #tpu.memory_space<vmem>>, vector<16xi32>,
      tpu.vector_store %arg13[%swap3A_305], %get3A_300 {strides = array<i32>} : memref<80xi32, #tpu.memory_space<vmem>>, vector<16xi32>,
      %add3A_307 = arith.constant 64 : i32
      %add3A_308 = arith.addi %mul3A_266, %add3A_307 : i32
      %get3A_309 = arith.index_cast %add3A_308 : i32 to index
      %get3A_310 = tpu.vector_load %arg10[%get3A_309] {strides = array<i32>} : memref<20000xi32, #tpu.memory_space<vmem>>, vector<16xi32>,
      %add3A_311 = vector.broadcast %mul3A_4 : i32 to vector<16xi32>
      %add3A_312 = arith.addi %get3A_310, %add3A_311 : vector<16xi32>
      %swap3A_313 = arith.constant 64 : index
      %swap3A_314 = tpu.vector_load %arg12[%swap3A_313] {strides = array<i32>} : memref<80xi32, #tpu.memory_space<vmem>>, vector<16xi32>,
      tpu.vector_store %arg12[%swap3A_313], %add3A_312 {strides = array<i32>} : memref<80xi32, #tpu.memory_space<vmem>>, vector<16xi32>,
      %swap3A_315 = arith.constant 64 : index
      %swap3A_316 = tpu.vector_load %arg13[%swap3A_315] {strides = array<i32>} : memref<80xi32, #tpu.memory_space<vmem>>, vector<16xi32>,
      tpu.vector_store %arg13[%swap3A_315], %get3A_310 {strides = array<i32>} : memref<80xi32, #tpu.memory_space<vmem>>, vector<16xi32>,
      %dma_wait3A_317 = arith.constant 0 : i32
      %dma_wait3A_318 = tpu.memref_slice %arg6[%arg0, %dma_wait3A_317] : memref<2x320000xi32, #tpu.memory_space<hbm>> -> memref<1x80xi32, #tpu.memory_space<hbm>>
      %dma_wait3A_319 = tpu.memref_squeeze %dma_wait3A_318 : memref<1x80xi32, #tpu.memory_space<hbm>> -> memref<80xi32, #tpu.memory_space<hbm>>
      %dma_wait3A_320 = arith.constant 0 : i32
      %dma_wait3A_321 = tpu.memref_slice %arg6[%arg0, %dma_wait3A_320] : memref<2x320000xi32, #tpu.memory_space<hbm>> -> memref<1x80xi32, #tpu.memory_space<hbm>>
      %dma_wait3A_322 = tpu.memref_squeeze %dma_wait3A_321 : memref<1x80xi32, #tpu.memory_space<hbm>> -> memref<80xi32, #tpu.memory_space<hbm>>
      tpu.wait_dma2 semaphore(%arg30 : memref<!tpu.dma_semaphore, #tpu.memory_space<semaphore_mem>>) src(%dma_wait3A_322 : memref<80xi32, #tpu.memory_space<hbm>>) dst(%arg11 : memref<80xi32, #tpu.memory_space<vmem>>)
      %dma_start3A_323 = arith.constant 0 : i32
      %dma_start3A_324 = arith.constant 0 : i32
      %dma_start3A_325 = tpu.memref_slice %arg2[%dma_start3A_323, %dma_start3A_324] : memref<20000x64xf32, #tpu.memory_space<hbm>> -> memref<20000x64xf32, #tpu.memory_space<hbm>>
      tpu.enqueue_indirect_dma source(%dma_start3A_325 : memref<20000x64xf32, #tpu.memory_space<hbm>>) target(%arg14 : memref<80x64xf32, #tpu.memory_space<vmem>>) offsets(%arg12 : memref<80xi32, #tpu.memory_space<vmem>>) semaphore(%arg28 : memref<!tpu.dma_semaphore, #tpu.memory_space<semaphore_mem>>)
      %dma_start3A_326 = arith.constant 0 : i32
      %dma_start3A_327 = arith.constant 0 : i32
      %dma_start3A_328 = tpu.memref_slice %arg3[%dma_start3A_326, %dma_start3A_327] : memref<20000x64xf32, #tpu.memory_space<hbm>> -> memref<20000x64xf32, #tpu.memory_space<hbm>>
      tpu.enqueue_indirect_dma source(%dma_start3A_328 : memref<20000x64xf32, #tpu.memory_space<hbm>>) target(%arg15 : memref<80x64xf32, #tpu.memory_space<vmem>>) offsets(%arg11 : memref<80xi32, #tpu.memory_space<vmem>>) semaphore(%arg28 : memref<!tpu.dma_semaphore, #tpu.memory_space<semaphore_mem>>)
      %dma_start3A_329 = arith.constant 0 : i32
      %dma_start3A_330 = arith.constant 0 : i32
      %dma_start3A_331 = tpu.memref_slice %arg4[%dma_start3A_329, %dma_start3A_330] : memref<20000x64xf32, #tpu.memory_space<hbm>> -> memref<20000x64xf32, #tpu.memory_space<hbm>>
      tpu.enqueue_indirect_dma source(%dma_start3A_331 : memref<20000x64xf32, #tpu.memory_space<hbm>>) target(%arg16 : memref<80x64xf32, #tpu.memory_space<vmem>>) offsets(%arg11 : memref<80xi32, #tpu.memory_space<vmem>>) semaphore(%arg28 : memref<!tpu.dma_semaphore, #tpu.memory_space<semaphore_mem>>)
      %mul3A_332 = arith.constant 320000 : i32
      %mul3A_333 = arith.muli %arg0, %mul3A_332 : i32
      %mul3A_334 = arith.constant 20000 : i32
      %mul3A_335 = arith.muli %arg1, %mul3A_334 : i32
      %add3A_336 = arith.addi %mul3A_333, %mul3A_335 : i32
      %multiple_of3A_337 = tpu.assume_multiple %add3A_336, 8 : i32
      %mul3A_338 = arith.constant 80 : i32
      %mul3A_339 = arith.muli %min3A_264, %mul3A_338 : i32
      %add3A_340 = arith.addi %multiple_of3A_337, %mul3A_339 : i32
      %dma_start3A_341 = arith.constant 0 : i32
      %dma_start3A_342 = tpu.memref_slice %arg5[%add3A_340, %dma_start3A_341] : memref<640000x64xf32, #tpu.memory_space<hbm>> -> memref<80x64xf32, #tpu.memory_space<hbm>>
      %dma_start3A_343 = arith.constant 0 : i32
      %dma_start3A_344 = tpu.memref_slice %arg5[%add3A_340, %dma_start3A_343] : memref<640000x64xf32, #tpu.memory_space<hbm>> -> memref<80x64xf32, #tpu.memory_space<hbm>>
      tpu.enqueue_dma source(%dma_start3A_344 : memref<80x64xf32, #tpu.memory_space<hbm>>) target(%arg17 : memref<80x64xf32, #tpu.memory_space<vmem>>) target_semaphore(%arg28 : memref<!tpu.dma_semaphore, #tpu.memory_space<semaphore_mem>>)
      %dma_wait3A_345 = arith.constant 0 : i32
      %dma_wait3A_346 = arith.constant 0 : i32
      %dma_wait3A_347 = tpu.memref_slice %arg2[%dma_wait3A_345, %dma_wait3A_346] : memref<20000x64xf32, #tpu.memory_space<hbm>> -> memref<20000x64xf32, #tpu.memory_space<hbm>>
      tpu.wait_indirect_dma semaphore(%arg29 : memref<!tpu.dma_semaphore, #tpu.memory_space<semaphore_mem>>) src(%dma_wait3A_347 : memref<20000x64xf32, #tpu.memory_space<hbm>>) dst(%arg22 : memref<80x64xf32, #tpu.memory_space<vmem>>)
      %dma_wait3A_348 = arith.constant 0 : i32
      %dma_wait3A_349 = arith.constant 0 : i32
      %dma_wait3A_350 = tpu.memref_slice %arg3[%dma_wait3A_348, %dma_wait3A_349] : memref<20000x64xf32, #tpu.memory_space<hbm>> -> memref<20000x64xf32, #tpu.memory_space<hbm>>
      tpu.wait_indirect_dma semaphore(%arg29 : memref<!tpu.dma_semaphore, #tpu.memory_space<semaphore_mem>>) src(%dma_wait3A_350 : memref<20000x64xf32, #tpu.memory_space<hbm>>) dst(%arg23 : memref<80x64xf32, #tpu.memory_space<vmem>>)
      %dma_wait3A_351 = arith.constant 0 : i32
      %dma_wait3A_352 = arith.constant 0 : i32
      %dma_wait3A_353 = tpu.memref_slice %arg4[%dma_wait3A_351, %dma_wait3A_352] : memref<20000x64xf32, #tpu.memory_space<hbm>> -> memref<20000x64xf32, #tpu.memory_space<hbm>>
      tpu.wait_indirect_dma semaphore(%arg29 : memref<!tpu.dma_semaphore, #tpu.memory_space<semaphore_mem>>) src(%dma_wait3A_353 : memref<20000x64xf32, #tpu.memory_space<hbm>>) dst(%arg24 : memref<80x64xf32, #tpu.memory_space<vmem>>)
      %dma_wait3A_354 = arith.constant 0 : i32
      %dma_wait3A_355 = arith.constant 0 : i32
      %dma_wait3A_356 = tpu.memref_slice %arg5[%dma_wait3A_354, %dma_wait3A_355] : memref<640000x64xf32, #tpu.memory_space<hbm>> -> memref<80x64xf32, #tpu.memory_space<hbm>>
      %dma_wait3A_357 = arith.constant 0 : i32
      %dma_wait3A_358 = arith.constant 0 : i32
      %dma_wait3A_359 = tpu.memref_slice %arg5[%dma_wait3A_357, %dma_wait3A_358] : memref<640000x64xf32, #tpu.memory_space<hbm>> -> memref<80x64xf32, #tpu.memory_space<hbm>>
      tpu.wait_dma2 semaphore(%arg29 : memref<!tpu.dma_semaphore, #tpu.memory_space<semaphore_mem>>) src(%dma_wait3A_359 : memref<80x64xf32, #tpu.memory_space<hbm>>) dst(%arg25 : memref<80x64xf32, #tpu.memory_space<vmem>>)
      %mul3A_360 = arith.constant 2 : i32
      %mul3A_361 = arith.muli %mul3A_360, %scan3A_135 : i32
      %add3A_362 = arith.constant 3 : i32
      %add3A_363 = arith.addi %mul3A_361, %add3A_362 : i32
      %min3A_364 = arith.constant 249 : i32
      %min3A_365 = arith.minsi %add3A_363, %min3A_364 : i32
      %mul3A_366 = arith.constant 20000 : i32
      %mul3A_367 = arith.muli %arg1, %mul3A_366 : i32
      %multiple_of3A_368 = tpu.assume_multiple %mul3A_367, 8 : i32
      %mul3A_369 = arith.constant 80 : i32
      %mul3A_370 = arith.muli %min3A_365, %mul3A_369 : i32
      %add3A_371 = arith.addi %multiple_of3A_368, %mul3A_370 : i32
      %dma_start3A_372 = tpu.memref_slice %arg6[%arg0, %add3A_371] : memref<2x320000xi32, #tpu.memory_space<hbm>> -> memref<1x80xi32, #tpu.memory_space<hbm>>
      %dma_start3A_373 = tpu.memref_squeeze %dma_start3A_372 : memref<1x80xi32, #tpu.memory_space<hbm>> -> memref<80xi32, #tpu.memory_space<hbm>>
      %dma_start3A_374 = tpu.memref_slice %arg6[%arg0, %add3A_371] : memref<2x320000xi32, #tpu.memory_space<hbm>> -> memref<1x80xi32, #tpu.memory_space<hbm>>
      %dma_start3A_375 = tpu.memref_squeeze %dma_start3A_374 : memref<1x80xi32, #tpu.memory_space<hbm>> -> memref<80xi32, #tpu.memory_space<hbm>>
      tpu.enqueue_dma source(%dma_start3A_375 : memref<80xi32, #tpu.memory_space<hbm>>) target(%arg19 : memref<80xi32, #tpu.memory_space<vmem>>) target_semaphore(%arg31 : memref<!tpu.dma_semaphore, #tpu.memory_space<semaphore_mem>>)
      %scan3A_376 = arith.constant 0 : i32
      %scan3A_377 = arith.constant 0 : i32
      %scan3A_378 = arith.constant 80 : i32
      %scan3A_379 = arith.addi %scan3A_377, %scan3A_378 : i32
      %scan3A_380 = arith.constant 2 : i32
      scf.for %scan3A_382 = %scan3A_377 to %scan3A_379 step %scan3A_380  : i32 {
        %broadcast_in_dim3A = arith.constant 0.000000e+00 : f32
        %broadcast_in_dim3A_383 = vector.broadcast %broadcast_in_dim3A : f32 to vector<16xf32>
        %get3A_384 = arith.index_cast %scan3A_382 : i32 to index
        %get3A_385 = arith.constant 0 : index
        %get3A_386 = tpu.vector_load %arg25[%get3A_384, %get3A_385] {strides = array<i32>} : memref<80x64xf32, #tpu.memory_space<vmem>>, vector<16xf32>,
        %get3A_387 = arith.index_cast %scan3A_382 : i32 to index
        %get3A_388 = arith.constant 0 : index
        %get3A_389 = tpu.vector_load %arg22[%get3A_387, %get3A_388] {strides = array<i32>} : memref<80x64xf32, #tpu.memory_space<vmem>>, vector<16xf32>,
        %get3A_390 = arith.index_cast %scan3A_382 : i32 to index
        %get3A_391 = arith.constant 0 : index
        %get3A_392 = tpu.vector_load %arg23[%get3A_390, %get3A_391] {strides = array<i32>} : memref<80x64xf32, #tpu.memory_space<vmem>>, vector<16xf32>,
        %mul3A_393 = arith.mulf %get3A_392, %get3A_386 : vector<16xf32>
        %mul3A_394 = arith.mulf %get3A_389, %mul3A_393 : vector<16xf32>
        %add3A_395 = arith.addf %broadcast_in_dim3A_383, %mul3A_394 : vector<16xf32>
        %get3A_396 = arith.index_cast %scan3A_382 : i32 to index
        %get3A_397 = arith.constant 0 : index
        %get3A_398 = tpu.vector_load %arg24[%get3A_396, %get3A_397] {strides = array<i32>} : memref<80x64xf32, #tpu.memory_space<vmem>>, vector<16xf32>,
        %mul3A_399 = arith.mulf %get3A_398, %get3A_386 : vector<16xf32>
        %get3A_400 = arith.index_cast %scan3A_382 : i32 to index
        %get3A_401 = arith.constant 16 : index
        %get3A_402 = tpu.vector_load %arg25[%get3A_400, %get3A_401] {strides = array<i32>} : memref<80x64xf32, #tpu.memory_space<vmem>>, vector<16xf32>,
        %get3A_403 = arith.index_cast %scan3A_382 : i32 to index
        %get3A_404 = arith.constant 16 : index
        %get3A_405 = tpu.vector_load %arg22[%get3A_403, %get3A_404] {strides = array<i32>} : memref<80x64xf32, #tpu.memory_space<vmem>>, vector<16xf32>,
        %get3A_406 = arith.index_cast %scan3A_382 : i32 to index
        %get3A_407 = arith.constant 16 : index
        %get3A_408 = tpu.vector_load %arg23[%get3A_406, %get3A_407] {strides = array<i32>} : memref<80x64xf32, #tpu.memory_space<vmem>>, vector<16xf32>,
        %mul3A_409 = arith.mulf %get3A_408, %get3A_402 : vector<16xf32>
        %mul3A_410 = arith.mulf %get3A_405, %mul3A_409 : vector<16xf32>
        %add3A_411 = arith.addf %add3A_395, %mul3A_410 : vector<16xf32>
        %get3A_412 = arith.index_cast %scan3A_382 : i32 to index
        %get3A_413 = arith.constant 16 : index
        %get3A_414 = tpu.vector_load %arg24[%get3A_412, %get3A_413] {strides = array<i32>} : memref<80x64xf32, #tpu.memory_space<vmem>>, vector<16xf32>,
        %mul3A_415 = arith.mulf %get3A_414, %get3A_402 : vector<16xf32>
        %get3A_416 = arith.index_cast %scan3A_382 : i32 to index
        %get3A_417 = arith.constant 32 : index
        %get3A_418 = tpu.vector_load %arg25[%get3A_416, %get3A_417] {strides = array<i32>} : memref<80x64xf32, #tpu.memory_space<vmem>>, vector<16xf32>,
        %get3A_419 = arith.index_cast %scan3A_382 : i32 to index
        %get3A_420 = arith.constant 32 : index
        %get3A_421 = tpu.vector_load %arg22[%get3A_419, %get3A_420] {strides = array<i32>} : memref<80x64xf32, #tpu.memory_space<vmem>>, vector<16xf32>,
        %get3A_422 = arith.index_cast %scan3A_382 : i32 to index
        %get3A_423 = arith.constant 32 : index
        %get3A_424 = tpu.vector_load %arg23[%get3A_422, %get3A_423] {strides = array<i32>} : memref<80x64xf32, #tpu.memory_space<vmem>>, vector<16xf32>,
        %mul3A_425 = arith.mulf %get3A_424, %get3A_418 : vector<16xf32>
        %mul3A_426 = arith.mulf %get3A_421, %mul3A_425 : vector<16xf32>
        %add3A_427 = arith.addf %add3A_411, %mul3A_426 : vector<16xf32>
        %get3A_428 = arith.index_cast %scan3A_382 : i32 to index
        %get3A_429 = arith.constant 32 : index
        %get3A_430 = tpu.vector_load %arg24[%get3A_428, %get3A_429] {strides = array<i32>} : memref<80x64xf32, #tpu.memory_space<vmem>>, vector<16xf32>,
        %mul3A_431 = arith.mulf %get3A_430, %get3A_418 : vector<16xf32>
        %get3A_432 = arith.index_cast %scan3A_382 : i32 to index
        %get3A_433 = arith.constant 48 : index
        %get3A_434 = tpu.vector_load %arg25[%get3A_432, %get3A_433] {strides = array<i32>} : memref<80x64xf32, #tpu.memory_space<vmem>>, vector<16xf32>,
        %get3A_435 = arith.index_cast %scan3A_382 : i32 to index
        %get3A_436 = arith.constant 48 : index
        %get3A_437 = tpu.vector_load %arg22[%get3A_435, %get3A_436] {strides = array<i32>} : memref<80x64xf32, #tpu.memory_space<vmem>>, vector<16xf32>,
        %get3A_438 = arith.index_cast %scan3A_382 : i32 to index
        %get3A_439 = arith.constant 48 : index
        %get3A_440 = tpu.vector_load %arg23[%get3A_438, %get3A_439] {strides = array<i32>} : memref<80x64xf32, #tpu.memory_space<vmem>>, vector<16xf32>,
        %mul3A_441 = arith.mulf %get3A_440, %get3A_434 : vector<16xf32>
        %mul3A_442 = arith.mulf %get3A_437, %mul3A_441 : vector<16xf32>
        %add3A_443 = arith.addf %add3A_427, %mul3A_442 : vector<16xf32>
        %get3A_444 = arith.index_cast %scan3A_382 : i32 to index
        %get3A_445 = arith.constant 48 : index
        %get3A_446 = tpu.vector_load %arg24[%get3A_444, %get3A_445] {strides = array<i32>} : memref<80x64xf32, #tpu.memory_space<vmem>>, vector<16xf32>,
        %mul3A_447 = arith.mulf %get3A_446, %get3A_434 : vector<16xf32>
        %reduce_sum3A = arith.constant true
        %reduce_sum3A_448 = vector.broadcast %reduce_sum3A : i1 to vector<16xi1>
        %reduce_sum3A_449 = tpu.scan <sum>, %add3A_443 masked %reduce_sum3A_448 : vector<16xf32>, vector<16xi1> -> vector<16xf32>
        %reduce_sum3A_450 = vector.extract %reduce_sum3A_449[15] : f32 from vector<16xf32>
        %mul3A_451 = arith.constant 1.250000e-01 : f32
        %mul3A_452 = arith.mulf %reduce_sum3A_450, %mul3A_451 : f32
        %min3A_453 = arith.constant 7.500000e+01 : f32
        %min3A_454 = arith.minimumf %mul3A_452, %min3A_453 : f32
        %broadcast_in_dim3A_455 = vector.broadcast %min3A_454 : f32 to vector<16xf32>
        %exp3A = math.exp %broadcast_in_dim3A_455 : vector<16xf32>
        %mul3A_456 = arith.mulf %mul3A_399, %exp3A : vector<16xf32>
        %swap3A_457 = arith.index_cast %scan3A_382 : i32 to index
        %swap3A_458 = arith.constant 0 : index
        %swap3A_459 = tpu.vector_load %arg26[%swap3A_457, %swap3A_458] {strides = array<i32>} : memref<80x80xf32, #tpu.memory_space<vmem>>, vector<16xf32>,
        tpu.vector_store %arg26[%swap3A_457, %swap3A_458], %mul3A_456 {strides = array<i32>} : memref<80x80xf32, #tpu.memory_space<vmem>>, vector<16xf32>,
        %mul3A_460 = arith.mulf %mul3A_415, %exp3A : vector<16xf32>
        %swap3A_461 = arith.index_cast %scan3A_382 : i32 to index
        %swap3A_462 = arith.constant 16 : index
        %swap3A_463 = tpu.vector_load %arg26[%swap3A_461, %swap3A_462] {strides = array<i32>} : memref<80x80xf32, #tpu.memory_space<vmem>>, vector<16xf32>,
        tpu.vector_store %arg26[%swap3A_461, %swap3A_462], %mul3A_460 {strides = array<i32>} : memref<80x80xf32, #tpu.memory_space<vmem>>, vector<16xf32>,
        %mul3A_464 = arith.mulf %mul3A_431, %exp3A : vector<16xf32>
        %swap3A_465 = arith.index_cast %scan3A_382 : i32 to index
        %swap3A_466 = arith.constant 32 : index
        %swap3A_467 = tpu.vector_load %arg26[%swap3A_465, %swap3A_466] {strides = array<i32>} : memref<80x80xf32, #tpu.memory_space<vmem>>, vector<16xf32>,
        tpu.vector_store %arg26[%swap3A_465, %swap3A_466], %mul3A_464 {strides = array<i32>} : memref<80x80xf32, #tpu.memory_space<vmem>>, vector<16xf32>,
        %mul3A_468 = arith.mulf %mul3A_447, %exp3A : vector<16xf32>
        %swap3A_469 = arith.index_cast %scan3A_382 : i32 to index
        %swap3A_470 = arith.constant 48 : index
        %swap3A_471 = tpu.vector_load %arg26[%swap3A_469, %swap3A_470] {strides = array<i32>} : memref<80x80xf32, #tpu.memory_space<vmem>>, vector<16xf32>,
        tpu.vector_store %arg26[%swap3A_469, %swap3A_470], %mul3A_468 {strides = array<i32>} : memref<80x80xf32, #tpu.memory_space<vmem>>, vector<16xf32>,
        %eq3A = arith.constant 0 : i32
        %eq3A_472 = vector.broadcast %eq3A : i32 to vector<16xi32>
        %eq3A_473 = arith.cmpi eq, %iota3A, %eq3A_472 : vector<16xi32>
        %jit3A = arith.constant 0.000000e+00 : f32
        %broadcast_in_dim3A_474 = vector.broadcast %jit3A : f32 to vector<16xf32>
        %select_n3A = arith.select %eq3A_473, %exp3A, %broadcast_in_dim3A_474 : vector<16xi1>, vector<16xf32>
        %swap3A_475 = arith.index_cast %scan3A_382 : i32 to index
        %swap3A_476 = arith.constant 64 : index
        %swap3A_477 = tpu.vector_load %arg26[%swap3A_475, %swap3A_476] {strides = array<i32>} : memref<80x80xf32, #tpu.memory_space<vmem>>, vector<16xf32>,
        tpu.vector_store %arg26[%swap3A_475, %swap3A_476], %select_n3A {strides = array<i32>} : memref<80x80xf32, #tpu.memory_space<vmem>>, vector<16xf32>,
        %scan3A_478 = arith.constant 1 : i32
        %scan3A_479 = arith.addi %scan3A_382, %scan3A_478 : i32
        %broadcast_in_dim3A_480 = arith.constant 0.000000e+00 : f32
        %broadcast_in_dim3A_481 = vector.broadcast %broadcast_in_dim3A_480 : f32 to vector<16xf32>
        %get3A_482 = arith.index_cast %scan3A_479 : i32 to index
        %get3A_483 = arith.constant 0 : index
        %get3A_484 = tpu.vector_load %arg25[%get3A_482, %get3A_483] {strides = array<i32>} : memref<80x64xf32, #tpu.memory_space<vmem>>, vector<16xf32>,
        %get3A_485 = arith.index_cast %scan3A_479 : i32 to index
        %get3A_486 = arith.constant 0 : index
        %get3A_487 = tpu.vector_load %arg22[%get3A_485, %get3A_486] {strides = array<i32>} : memref<80x64xf32, #tpu.memory_space<vmem>>, vector<16xf32>,
        %get3A_488 = arith.index_cast %scan3A_479 : i32 to index
        %get3A_489 = arith.constant 0 : index
        %get3A_490 = tpu.vector_load %arg23[%get3A_488, %get3A_489] {strides = array<i32>} : memref<80x64xf32, #tpu.memory_space<vmem>>, vector<16xf32>,
        %mul3A_491 = arith.mulf %get3A_490, %get3A_484 : vector<16xf32>
        %mul3A_492 = arith.mulf %get3A_487, %mul3A_491 : vector<16xf32>
        %add3A_493 = arith.addf %broadcast_in_dim3A_481, %mul3A_492 : vector<16xf32>
        %get3A_494 = arith.index_cast %scan3A_479 : i32 to index
        %get3A_495 = arith.constant 0 : index
        %get3A_496 = tpu.vector_load %arg24[%get3A_494, %get3A_495] {strides = array<i32>} : memref<80x64xf32, #tpu.memory_space<vmem>>, vector<16xf32>,
        %mul3A_497 = arith.mulf %get3A_496, %get3A_484 : vector<16xf32>
        %get3A_498 = arith.index_cast %scan3A_479 : i32 to index
        %get3A_499 = arith.constant 16 : index
        %get3A_500 = tpu.vector_load %arg25[%get3A_498, %get3A_499] {strides = array<i32>} : memref<80x64xf32, #tpu.memory_space<vmem>>, vector<16xf32>,
        %get3A_501 = arith.index_cast %scan3A_479 : i32 to index
        %get3A_502 = arith.constant 16 : index
        %get3A_503 = tpu.vector_load %arg22[%get3A_501, %get3A_502] {strides = array<i32>} : memref<80x64xf32, #tpu.memory_space<vmem>>, vector<16xf32>,
        %get3A_504 = arith.index_cast %scan3A_479 : i32 to index
        %get3A_505 = arith.constant 16 : index
        %get3A_506 = tpu.vector_load %arg23[%get3A_504, %get3A_505] {strides = array<i32>} : memref<80x64xf32, #tpu.memory_space<vmem>>, vector<16xf32>,
        %mul3A_507 = arith.mulf %get3A_506, %get3A_500 : vector<16xf32>
        %mul3A_508 = arith.mulf %get3A_503, %mul3A_507 : vector<16xf32>
        %add3A_509 = arith.addf %add3A_493, %mul3A_508 : vector<16xf32>
        %get3A_510 = arith.index_cast %scan3A_479 : i32 to index
        %get3A_511 = arith.constant 16 : index
        %get3A_512 = tpu.vector_load %arg24[%get3A_510, %get3A_511] {strides = array<i32>} : memref<80x64xf32, #tpu.memory_space<vmem>>, vector<16xf32>,
        %mul3A_513 = arith.mulf %get3A_512, %get3A_500 : vector<16xf32>
        %get3A_514 = arith.index_cast %scan3A_479 : i32 to index
        %get3A_515 = arith.constant 32 : index
        %get3A_516 = tpu.vector_load %arg25[%get3A_514, %get3A_515] {strides = array<i32>} : memref<80x64xf32, #tpu.memory_space<vmem>>, vector<16xf32>,
        %get3A_517 = arith.index_cast %scan3A_479 : i32 to index
        %get3A_518 = arith.constant 32 : index
        %get3A_519 = tpu.vector_load %arg22[%get3A_517, %get3A_518] {strides = array<i32>} : memref<80x64xf32, #tpu.memory_space<vmem>>, vector<16xf32>,
        %get3A_520 = arith.index_cast %scan3A_479 : i32 to index
        %get3A_521 = arith.constant 32 : index
        %get3A_522 = tpu.vector_load %arg23[%get3A_520, %get3A_521] {strides = array<i32>} : memref<80x64xf32, #tpu.memory_space<vmem>>, vector<16xf32>,
        %mul3A_523 = arith.mulf %get3A_522, %get3A_516 : vector<16xf32>
        %mul3A_524 = arith.mulf %get3A_519, %mul3A_523 : vector<16xf32>
        %add3A_525 = arith.addf %add3A_509, %mul3A_524 : vector<16xf32>
        %get3A_526 = arith.index_cast %scan3A_479 : i32 to index
        %get3A_527 = arith.constant 32 : index
        %get3A_528 = tpu.vector_load %arg24[%get3A_526, %get3A_527] {strides = array<i32>} : memref<80x64xf32, #tpu.memory_space<vmem>>, vector<16xf32>,
        %mul3A_529 = arith.mulf %get3A_528, %get3A_516 : vector<16xf32>
        %get3A_530 = arith.index_cast %scan3A_479 : i32 to index
        %get3A_531 = arith.constant 48 : index
        %get3A_532 = tpu.vector_load %arg25[%get3A_530, %get3A_531] {strides = array<i32>} : memref<80x64xf32, #tpu.memory_space<vmem>>, vector<16xf32>,
        %get3A_533 = arith.index_cast %scan3A_479 : i32 to index
        %get3A_534 = arith.constant 48 : index
        %get3A_535 = tpu.vector_load %arg22[%get3A_533, %get3A_534] {strides = array<i32>} : memref<80x64xf32, #tpu.memory_space<vmem>>, vector<16xf32>,
        %get3A_536 = arith.index_cast %scan3A_479 : i32 to index
        %get3A_537 = arith.constant 48 : index
        %get3A_538 = tpu.vector_load %arg23[%get3A_536, %get3A_537] {strides = array<i32>} : memref<80x64xf32, #tpu.memory_space<vmem>>, vector<16xf32>,
        %mul3A_539 = arith.mulf %get3A_538, %get3A_532 : vector<16xf32>
        %mul3A_540 = arith.mulf %get3A_535, %mul3A_539 : vector<16xf32>
        %add3A_541 = arith.addf %add3A_525, %mul3A_540 : vector<16xf32>
        %get3A_542 = arith.index_cast %scan3A_479 : i32 to index
        %get3A_543 = arith.constant 48 : index
        %get3A_544 = tpu.vector_load %arg24[%get3A_542, %get3A_543] {strides = array<i32>} : memref<80x64xf32, #tpu.memory_space<vmem>>, vector<16xf32>,
        %mul3A_545 = arith.mulf %get3A_544, %get3A_532 : vector<16xf32>
        %reduce_sum3A_546 = arith.constant true
        %reduce_sum3A_547 = vector.broadcast %reduce_sum3A_546 : i1 to vector<16xi1>
        %reduce_sum3A_548 = tpu.scan <sum>, %add3A_541 masked %reduce_sum3A_547 : vector<16xf32>, vector<16xi1> -> vector<16xf32>
        %reduce_sum3A_549 = vector.extract %reduce_sum3A_548[15] : f32 from vector<16xf32>
        %mul3A_550 = arith.constant 1.250000e-01 : f32
        %mul3A_551 = arith.mulf %reduce_sum3A_549, %mul3A_550 : f32
        %min3A_552 = arith.constant 7.500000e+01 : f32
        %min3A_553 = arith.minimumf %mul3A_551, %min3A_552 : f32
        %broadcast_in_dim3A_554 = vector.broadcast %min3A_553 : f32 to vector<16xf32>
        %exp3A_555 = math.exp %broadcast_in_dim3A_554 : vector<16xf32>
        %mul3A_556 = arith.mulf %mul3A_497, %exp3A_555 : vector<16xf32>
        %swap3A_557 = arith.index_cast %scan3A_479 : i32 to index
        %swap3A_558 = arith.constant 0 : index
        %swap3A_559 = tpu.vector_load %arg26[%swap3A_557, %swap3A_558] {strides = array<i32>} : memref<80x80xf32, #tpu.memory_space<vmem>>, vector<16xf32>,
        tpu.vector_store %arg26[%swap3A_557, %swap3A_558], %mul3A_556 {strides = array<i32>} : memref<80x80xf32, #tpu.memory_space<vmem>>, vector<16xf32>,
        %mul3A_560 = arith.mulf %mul3A_513, %exp3A_555 : vector<16xf32>
        %swap3A_561 = arith.index_cast %scan3A_479 : i32 to index
        %swap3A_562 = arith.constant 16 : index
        %swap3A_563 = tpu.vector_load %arg26[%swap3A_561, %swap3A_562] {strides = array<i32>} : memref<80x80xf32, #tpu.memory_space<vmem>>, vector<16xf32>,
        tpu.vector_store %arg26[%swap3A_561, %swap3A_562], %mul3A_560 {strides = array<i32>} : memref<80x80xf32, #tpu.memory_space<vmem>>, vector<16xf32>,
        %mul3A_564 = arith.mulf %mul3A_529, %exp3A_555 : vector<16xf32>
        %swap3A_565 = arith.index_cast %scan3A_479 : i32 to index
        %swap3A_566 = arith.constant 32 : index
        %swap3A_567 = tpu.vector_load %arg26[%swap3A_565, %swap3A_566] {strides = array<i32>} : memref<80x80xf32, #tpu.memory_space<vmem>>, vector<16xf32>,
        tpu.vector_store %arg26[%swap3A_565, %swap3A_566], %mul3A_564 {strides = array<i32>} : memref<80x80xf32, #tpu.memory_space<vmem>>, vector<16xf32>,
        %mul3A_568 = arith.mulf %mul3A_545, %exp3A_555 : vector<16xf32>
        %swap3A_569 = arith.index_cast %scan3A_479 : i32 to index
        %swap3A_570 = arith.constant 48 : index
        %swap3A_571 = tpu.vector_load %arg26[%swap3A_569, %swap3A_570] {strides = array<i32>} : memref<80x80xf32, #tpu.memory_space<vmem>>, vector<16xf32>,
        tpu.vector_store %arg26[%swap3A_569, %swap3A_570], %mul3A_568 {strides = array<i32>} : memref<80x80xf32, #tpu.memory_space<vmem>>, vector<16xf32>,
        %eq3A_572 = arith.constant 0 : i32
        %eq3A_573 = vector.broadcast %eq3A_572 : i32 to vector<16xi32>
        %eq3A_574 = arith.cmpi eq, %iota3A, %eq3A_573 : vector<16xi32>
        %jit3A_575 = arith.constant 0.000000e+00 : f32
        %broadcast_in_dim3A_576 = vector.broadcast %jit3A_575 : f32 to vector<16xf32>
        %select_n3A_577 = arith.select %eq3A_574, %exp3A_555, %broadcast_in_dim3A_576 : vector<16xi1>, vector<16xf32>
        %swap3A_578 = arith.index_cast %scan3A_479 : i32 to index
        %swap3A_579 = arith.constant 64 : index
        %swap3A_580 = tpu.vector_load %arg26[%swap3A_578, %swap3A_579] {strides = array<i32>} : memref<80x80xf32, #tpu.memory_space<vmem>>, vector<16xf32>,
        tpu.vector_store %arg26[%swap3A_578, %swap3A_579], %select_n3A_577 {strides = array<i32>} : memref<80x80xf32, #tpu.memory_space<vmem>>, vector<16xf32>,
      }
      %scan3A_381 = arith.constant 80 : i32
      "tpu.region"() ({
        %run_scoped3A = tpu.sem_alloc : memref<!tpu.dma_semaphore, #tpu.memory_space<semaphore_mem>>
        %dma_start3A_382 = arith.constant 0 : i32
        %dma_start3A_383 = arith.constant 0 : i32
        %dma_start3A_384 = tpu.memref_slice %arg27[%dma_start3A_382, %dma_start3A_383] : memref<10240x80xf32, #tpu.memory_space<vmem_shared>> -> memref<10240x80xf32, #tpu.memory_space<vmem_shared>>
        tpu.enqueue_indirect_dma source(%arg26 : memref<80x80xf32, #tpu.memory_space<vmem>>) target(%dma_start3A_384 : memref<10240x80xf32, #tpu.memory_space<vmem_shared>>) offsets(%arg21 : memref<80xi32, #tpu.memory_space<vmem>>) semaphore(%run_scoped3A : memref<!tpu.dma_semaphore, #tpu.memory_space<semaphore_mem>>) {add = true}
        %dma_wait3A_385 = arith.constant 0 : i32
        %dma_wait3A_386 = arith.constant 0 : i32
        %dma_wait3A_387 = tpu.memref_slice %arg27[%dma_wait3A_385, %dma_wait3A_386] : memref<10240x80xf32, #tpu.memory_space<vmem_shared>> -> memref<10240x80xf32, #tpu.memory_space<vmem_shared>>
        tpu.wait_indirect_dma semaphore(%run_scoped3A : memref<!tpu.dma_semaphore, #tpu.memory_space<semaphore_mem>>) src(%arg26 : memref<80x80xf32, #tpu.memory_space<vmem>>) dst(%dma_wait3A_387 : memref<10240x80xf32, #tpu.memory_space<vmem_shared>>)
        tpu.yield
      }) : () -> ()
    }
    %scan3A_112 = arith.constant 125 : i32
    %dma_wait3A_113 = arith.constant 0 : i32
    %dma_wait3A_114 = arith.constant 0 : i32
    %dma_wait3A_115 = tpu.memref_slice %arg2[%dma_wait3A_113, %dma_wait3A_114] : memref<20000x64xf32, #tpu.memory_space<hbm>> -> memref<20000x64xf32, #tpu.memory_space<hbm>>
    tpu.wait_indirect_dma semaphore(%arg28 : memref<!tpu.dma_semaphore, #tpu.memory_space<semaphore_mem>>) src(%dma_wait3A_115 : memref<20000x64xf32, #tpu.memory_space<hbm>>) dst(%arg14 : memref<80x64xf32, #tpu.memory_space<vmem>>)
    %dma_wait3A_116 = arith.constant 0 : i32
    %dma_wait3A_117 = arith.constant 0 : i32
    %dma_wait3A_118 = tpu.memref_slice %arg3[%dma_wait3A_116, %dma_wait3A_117] : memref<20000x64xf32, #tpu.memory_space<hbm>> -> memref<20000x64xf32, #tpu.memory_space<hbm>>
    tpu.wait_indirect_dma semaphore(%arg28 : memref<!tpu.dma_semaphore, #tpu.memory_space<semaphore_mem>>) src(%dma_wait3A_118 : memref<20000x64xf32, #tpu.memory_space<hbm>>) dst(%arg15 : memref<80x64xf32, #tpu.memory_space<vmem>>)
    %dma_wait3A_119 = arith.constant 0 : i32
    %dma_wait3A_120 = arith.constant 0 : i32
    %dma_wait3A_121 = tpu.memref_slice %arg4[%dma_wait3A_119, %dma_wait3A_120] : memref<20000x64xf32, #tpu.memory_space<hbm>> -> memref<20000x64xf32, #tpu.memory_space<hbm>>
    tpu.wait_indirect_dma semaphore(%arg28 : memref<!tpu.dma_semaphore, #tpu.memory_space<semaphore_mem>>) src(%dma_wait3A_121 : memref<20000x64xf32, #tpu.memory_space<hbm>>) dst(%arg16 : memref<80x64xf32, #tpu.memory_space<vmem>>)
    %dma_wait3A_122 = arith.constant 0 : i32
    %dma_wait3A_123 = arith.constant 0 : i32
    %dma_wait3A_124 = tpu.memref_slice %arg5[%dma_wait3A_122, %dma_wait3A_123] : memref<640000x64xf32, #tpu.memory_space<hbm>> -> memref<80x64xf32, #tpu.memory_space<hbm>>
    %dma_wait3A_125 = arith.constant 0 : i32
    %dma_wait3A_126 = arith.constant 0 : i32
    %dma_wait3A_127 = tpu.memref_slice %arg5[%dma_wait3A_125, %dma_wait3A_126] : memref<640000x64xf32, #tpu.memory_space<hbm>> -> memref<80x64xf32, #tpu.memory_space<hbm>>
    tpu.wait_dma2 semaphore(%arg28 : memref<!tpu.dma_semaphore, #tpu.memory_space<semaphore_mem>>) src(%dma_wait3A_127 : memref<80x64xf32, #tpu.memory_space<hbm>>) dst(%arg17 : memref<80x64xf32, #tpu.memory_space<vmem>>)
    %dma_wait3A_128 = arith.constant 0 : i32
    %dma_wait3A_129 = tpu.memref_slice %arg6[%arg0, %dma_wait3A_128] : memref<2x320000xi32, #tpu.memory_space<hbm>> -> memref<1x80xi32, #tpu.memory_space<hbm>>
    %dma_wait3A_130 = tpu.memref_squeeze %dma_wait3A_129 : memref<1x80xi32, #tpu.memory_space<hbm>> -> memref<80xi32, #tpu.memory_space<hbm>>
    %dma_wait3A_131 = arith.constant 0 : i32
    %dma_wait3A_132 = tpu.memref_slice %arg6[%arg0, %dma_wait3A_131] : memref<2x320000xi32, #tpu.memory_space<hbm>> -> memref<1x80xi32, #tpu.memory_space<hbm>>
    %dma_wait3A_133 = tpu.memref_squeeze %dma_wait3A_132 : memref<1x80xi32, #tpu.memory_space<hbm>> -> memref<80xi32, #tpu.memory_space<hbm>>
    tpu.wait_dma2 semaphore(%arg31 : memref<!tpu.dma_semaphore, #tpu.memory_space<semaphore_mem>>) src(%dma_wait3A_133 : memref<80xi32, #tpu.memory_space<hbm>>) dst(%arg19 : memref<80xi32, #tpu.memory_space<vmem>>)
    %barrier3A_134 = arith.constant 0 : index
    tpu.barrier barrier_id(%barrier3A_134)
    "tpu.region"() ({
      %run_scoped3A = tpu.sem_alloc : memref<!tpu.dma_semaphore, #tpu.memory_space<semaphore_mem>>
      %dma_start3A_135 = arith.constant 0 : i32
      %dma_start3A_136 = tpu.memref_slice %arg9[%arg0, %mul3A_0, %dma_start3A_135] : memref<2x10240x80xf32, #tpu.memory_space<hbm>> -> memref<1x640x80xf32, #tpu.memory_space<hbm>>
      %dma_start3A_137 = tpu.memref_squeeze %dma_start3A_136 : memref<1x640x80xf32, #tpu.memory_space<hbm>> -> memref<640x80xf32, #tpu.memory_space<hbm>>
      %dma_start3A_138 = arith.constant 0 : i32
      %dma_start3A_139 = tpu.memref_slice %arg27[%mul3A_0, %dma_start3A_138] : memref<10240x80xf32, #tpu.memory_space<vmem_shared>> -> memref<640x80xf32, #tpu.memory_space<vmem_shared>>
      tpu.enqueue_dma source(%dma_start3A_139 : memref<640x80xf32, #tpu.memory_space<vmem_shared>>) target(%dma_start3A_137 : memref<640x80xf32, #tpu.memory_space<hbm>>) target_semaphore(%run_scoped3A : memref<!tpu.dma_semaphore, #tpu.memory_space<semaphore_mem>>)
      %dma_wait3A_140 = arith.constant 0 : i32
      %dma_wait3A_141 = tpu.memref_slice %arg9[%arg0, %mul3A_0, %dma_wait3A_140] : memref<2x10240x80xf32, #tpu.memory_space<hbm>> -> memref<1x640x80xf32, #tpu.memory_space<hbm>>
      %dma_wait3A_142 = tpu.memref_squeeze %dma_wait3A_141 : memref<1x640x80xf32, #tpu.memory_space<hbm>> -> memref<640x80xf32, #tpu.memory_space<hbm>>
      %dma_wait3A_143 = arith.constant 0 : i32
      %dma_wait3A_144 = tpu.memref_slice %arg27[%mul3A_0, %dma_wait3A_143] : memref<10240x80xf32, #tpu.memory_space<vmem_shared>> -> memref<640x80xf32, #tpu.memory_space<vmem_shared>>
      tpu.wait_dma2 semaphore(%run_scoped3A : memref<!tpu.dma_semaphore, #tpu.memory_space<semaphore_mem>>) src(%dma_wait3A_144 : memref<640x80xf32, #tpu.memory_space<vmem_shared>>) dst(%dma_wait3A_142 : memref<640x80xf32, #tpu.memory_space<hbm>>)
      tpu.yield
    }) : () -> ()
    return
  }
}

#map = affine_map<(d0, d1) -> (0, 0)>
#map1 = affine_map<(d0, d1) -> (0)>
#map2 = affine_map<(d0, d1) -> (0, 0, 0)>
module attributes {stable_mosaic.version = 14 : i64} {
  func.func @_edge_body(%arg0: i32, %arg1: i32, %arg2: memref<20000x64xf32, #tpu.memory_space<hbm>>, %arg3: memref<20000x64xf32, #tpu.memory_space<hbm>>, %arg4: memref<20000x64xf32, #tpu.memory_space<hbm>>, %arg5: memref<640000x64xf32, #tpu.memory_space<hbm>>, %arg6: memref<2x320000xi32, #tpu.memory_space<hbm>>, %arg7: memref<320000xi32, #tpu.memory_space<hbm>>, %arg8: memref<10240x80xf32, #tpu.memory_space<hbm>>, %arg9: memref<2x10240x80xf32, #tpu.memory_space<hbm>>, %arg10: memref<20000xi32, #tpu.memory_space<vmem>>, %arg11: memref<80xi32, #tpu.memory_space<vmem>>, %arg12: memref<80xi32, #tpu.memory_space<vmem>>, %arg13: memref<80xi32, #tpu.memory_space<vmem>>, %arg14: memref<80x64xf32, #tpu.memory_space<vmem>>, %arg15: memref<80x64xf32, #tpu.memory_space<vmem>>, %arg16: memref<80x64xf32, #tpu.memory_space<vmem>>, %arg17: memref<80x64xf32, #tpu.memory_space<vmem>>, %arg18: memref<80x80xf32, #tpu.memory_space<vmem>>, %arg19: memref<80xi32, #tpu.memory_space<vmem>>, %arg20: memref<80xi32, #tpu.memory_space<vmem>>, %arg21: memref<80xi32, #tpu.memory_space<vmem>>, %arg22: memref<80x64xf32, #tpu.memory_space<vmem>>, %arg23: memref<80x64xf32, #tpu.memory_space<vmem>>, %arg24: memref<80x64xf32, #tpu.memory_space<vmem>>, %arg25: memref<80x64xf32, #tpu.memory_space<vmem>>, %arg26: memref<80x80xf32, #tpu.memory_space<vmem>>, %arg27: memref<10240x80xf32, #tpu.memory_space<vmem_shared>>, %arg28: memref<!tpu.dma_semaphore, #tpu.memory_space<semaphore_mem>>, %arg29: memref<!tpu.dma_semaphore, #tpu.memory_space<semaphore_mem>>, %arg30: memref<!tpu.dma_semaphore, #tpu.memory_space<semaphore_mem>>, %arg31: memref<!tpu.dma_semaphore, #tpu.memory_space<semaphore_mem>>) attributes {dimension_semantics = [#tpu.dimension_semantics<core_parallel>, #tpu.dimension_semantics<subcore_parallel>], iteration_bounds = array<i64: 2, 16>, scalar_prefetch = 0 : i64, scratch_operands = 22 : i64, tpu.core_type = #tpu.core_type<sc_vector_subcore>, window_params = [{transform_indices = #map}, {transform_indices = #map}, {transform_indices = #map}, {transform_indices = #map}, {transform_indices = #map}, {transform_indices = #map1}, {transform_indices = #map}, {transform_indices = #map2}]} {
    %mul3A = arith.constant 640 : i32
    %mul3A_0 = arith.muli %arg1, %mul3A : i32
    "tpu.region"() ({
      %run_scoped3A = tpu.sem_alloc : memref<!tpu.dma_semaphore, #tpu.memory_space<semaphore_mem>>
      %dma_start3A_135 = arith.constant 0 : i32
      %dma_start3A_136 = tpu.memref_slice %arg27[%mul3A_0, %dma_start3A_135] : memref<10240x80xf32, #tpu.memory_space<vmem_shared>> -> memref<640x80xf32, #tpu.memory_space<vmem_shared>>
      %dma_start3A_137 = arith.constant 0 : i32
      %dma_start3A_138 = tpu.memref_slice %arg8[%mul3A_0, %dma_start3A_137] : memref<10240x80xf32, #tpu.memory_space<hbm>> -> memref<640x80xf32, #tpu.memory_space<hbm>>
      tpu.enqueue_dma source(%dma_start3A_138 : memref<640x80xf32, #tpu.memory_space<hbm>>) target(%dma_start3A_136 : memref<640x80xf32, #tpu.memory_space<vmem_shared>>) target_semaphore(%run_scoped3A : memref<!tpu.dma_semaphore, #tpu.memory_space<semaphore_mem>>)
      %dma_wait3A_139 = arith.constant 0 : i32
      %dma_wait3A_140 = tpu.memref_slice %arg27[%mul3A_0, %dma_wait3A_139] : memref<10240x80xf32, #tpu.memory_space<vmem_shared>> -> memref<640x80xf32, #tpu.memory_space<vmem_shared>>
      %dma_wait3A_141 = arith.constant 0 : i32
      %dma_wait3A_142 = tpu.memref_slice %arg8[%mul3A_0, %dma_wait3A_141] : memref<10240x80xf32, #tpu.memory_space<hbm>> -> memref<640x80xf32, #tpu.memory_space<hbm>>
      tpu.wait_dma2 semaphore(%run_scoped3A : memref<!tpu.dma_semaphore, #tpu.memory_space<semaphore_mem>>) src(%dma_wait3A_142 : memref<640x80xf32, #tpu.memory_space<hbm>>) dst(%dma_wait3A_140 : memref<640x80xf32, #tpu.memory_space<vmem_shared>>)
      tpu.yield
    }) : () -> ()
    %mul3A_1 = arith.constant 20000 : i32
    %mul3A_2 = arith.muli %arg1, %mul3A_1 : i32
    %multiple_of3A = tpu.assume_multiple %mul3A_2, 8 : i32
    "tpu.region"() ({
      %run_scoped3A = tpu.sem_alloc : memref<!tpu.dma_semaphore, #tpu.memory_space<semaphore_mem>>
      %dma_start3A_135 = tpu.memref_slice %arg7[%multiple_of3A] : memref<320000xi32, #tpu.memory_space<hbm>> -> memref<20000xi32, #tpu.memory_space<hbm>>
      %dma_start3A_136 = tpu.memref_slice %arg7[%multiple_of3A] : memref<320000xi32, #tpu.memory_space<hbm>> -> memref<20000xi32, #tpu.memory_space<hbm>>
      tpu.enqueue_dma source(%dma_start3A_136 : memref<20000xi32, #tpu.memory_space<hbm>>) target(%arg10 : memref<20000xi32, #tpu.memory_space<vmem>>) target_semaphore(%run_scoped3A : memref<!tpu.dma_semaphore, #tpu.memory_space<semaphore_mem>>)
      %dma_wait3A_137 = tpu.memref_slice %arg7[%multiple_of3A] : memref<320000xi32, #tpu.memory_space<hbm>> -> memref<20000xi32, #tpu.memory_space<hbm>>
      %dma_wait3A_138 = tpu.memref_slice %arg7[%multiple_of3A] : memref<320000xi32, #tpu.memory_space<hbm>> -> memref<20000xi32, #tpu.memory_space<hbm>>
      tpu.wait_dma2 semaphore(%run_scoped3A : memref<!tpu.dma_semaphore, #tpu.memory_space<semaphore_mem>>) src(%dma_wait3A_138 : memref<20000xi32, #tpu.memory_space<hbm>>) dst(%arg10 : memref<20000xi32, #tpu.memory_space<vmem>>)
      tpu.yield
    }) : () -> ()
    %barrier3A = arith.constant 0 : index
    tpu.barrier barrier_id(%barrier3A)
    %iota3A = tpu.iota {dimensions = array<i32: 0>} : vector<16xi32>
    %mul3A_3 = arith.constant 10000 : i32
    %mul3A_4 = arith.muli %arg0, %mul3A_3 : i32
    %min3A = arith.constant 0 : i32
    %min3A_5 = arith.constant 249 : i32
    %min3A_6 = arith.minsi %min3A, %min3A_5 : i32
    %mul3A_7 = arith.constant 20000 : i32
    %mul3A_8 = arith.muli %arg1, %mul3A_7 : i32
    %multiple_of3A_9 = tpu.assume_multiple %mul3A_8, 8 : i32
    %mul3A_10 = arith.constant 80 : i32
    %mul3A_11 = arith.muli %min3A_6, %mul3A_10 : i32
    %add3A = arith.addi %multiple_of3A_9, %mul3A_11 : i32
    %dma_start3A = tpu.memref_slice %arg6[%arg0, %add3A] : memref<2x320000xi32, #tpu.memory_space<hbm>> -> memref<1x80xi32, #tpu.memory_space<hbm>>
    %dma_start3A_12 = tpu.memref_squeeze %dma_start3A : memref<1x80xi32, #tpu.memory_space<hbm>> -> memref<80xi32, #tpu.memory_space<hbm>>
    %dma_start3A_13 = tpu.memref_slice %arg6[%arg0, %add3A] : memref<2x320000xi32, #tpu.memory_space<hbm>> -> memref<1x80xi32, #tpu.memory_space<hbm>>
    %dma_start3A_14 = tpu.memref_squeeze %dma_start3A_13 : memref<1x80xi32, #tpu.memory_space<hbm>> -> memref<80xi32, #tpu.memory_space<hbm>>
    tpu.enqueue_dma source(%dma_start3A_14 : memref<80xi32, #tpu.memory_space<hbm>>) target(%arg11 : memref<80xi32, #tpu.memory_space<vmem>>) target_semaphore(%arg30 : memref<!tpu.dma_semaphore, #tpu.memory_space<semaphore_mem>>)
    %min3A_15 = arith.constant 1 : i32
    %min3A_16 = arith.constant 249 : i32
    %min3A_17 = arith.minsi %min3A_15, %min3A_16 : i32
    %mul3A_18 = arith.constant 20000 : i32
    %mul3A_19 = arith.muli %arg1, %mul3A_18 : i32
    %multiple_of3A_20 = tpu.assume_multiple %mul3A_19, 8 : i32
    %mul3A_21 = arith.constant 80 : i32
    %mul3A_22 = arith.muli %min3A_17, %mul3A_21 : i32
    %add3A_23 = arith.addi %multiple_of3A_20, %mul3A_22 : i32
    %dma_start3A_24 = tpu.memref_slice %arg6[%arg0, %add3A_23] : memref<2x320000xi32, #tpu.memory_space<hbm>> -> memref<1x80xi32, #tpu.memory_space<hbm>>
    %dma_start3A_25 = tpu.memref_squeeze %dma_start3A_24 : memref<1x80xi32, #tpu.memory_space<hbm>> -> memref<80xi32, #tpu.memory_space<hbm>>
    %dma_start3A_26 = tpu.memref_slice %arg6[%arg0, %add3A_23] : memref<2x320000xi32, #tpu.memory_space<hbm>> -> memref<1x80xi32, #tpu.memory_space<hbm>>
    %dma_start3A_27 = tpu.memref_squeeze %dma_start3A_26 : memref<1x80xi32, #tpu.memory_space<hbm>> -> memref<80xi32, #tpu.memory_space<hbm>>
    tpu.enqueue_dma source(%dma_start3A_27 : memref<80xi32, #tpu.memory_space<hbm>>) target(%arg19 : memref<80xi32, #tpu.memory_space<vmem>>) target_semaphore(%arg31 : memref<!tpu.dma_semaphore, #tpu.memory_space<semaphore_mem>>)
    %min3A_28 = arith.constant 0 : i32
    %min3A_29 = arith.constant 249 : i32
    %min3A_30 = arith.minsi %min3A_28, %min3A_29 : i32
    %mul3A_31 = arith.constant 80 : i32
    %mul3A_32 = arith.muli %min3A_30, %mul3A_31 : i32
    %add3A_33 = arith.constant 0 : i32
    %add3A_34 = arith.addi %mul3A_32, %add3A_33 : i32
    %get3A = arith.index_cast %add3A_34 : i32 to index
    %get3A_35 = tpu.vector_load %arg10[%get3A] {strides = array<i32>} : memref<20000xi32, #tpu.memory_space<vmem>>, vector<16xi32>,
    %add3A_36 = vector.broadcast %mul3A_4 : i32 to vector<16xi32>
    %add3A_37 = arith.addi %get3A_35, %add3A_36 : vector<16xi32>
    %swap3A = arith.constant 0 : index
    %swap3A_38 = tpu.vector_load %arg12[%swap3A] {strides = array<i32>} : memref<80xi32, #tpu.memory_space<vmem>>, vector<16xi32>,
    tpu.vector_store %arg12[%swap3A], %add3A_37 {strides = array<i32>} : memref<80xi32, #tpu.memory_space<vmem>>, vector<16xi32>,
    %swap3A_39 = arith.constant 0 : index
    %swap3A_40 = tpu.vector_load %arg13[%swap3A_39] {strides = array<i32>} : memref<80xi32, #tpu.memory_space<vmem>>, vector<16xi32>,
    tpu.vector_store %arg13[%swap3A_39], %get3A_35 {strides = array<i32>} : memref<80xi32, #tpu.memory_space<vmem>>, vector<16xi32>,
    %add3A_41 = arith.constant 16 : i32
    %add3A_42 = arith.addi %mul3A_32, %add3A_41 : i32
    %get3A_43 = arith.index_cast %add3A_42 : i32 to index
    %get3A_44 = tpu.vector_load %arg10[%get3A_43] {strides = array<i32>} : memref<20000xi32, #tpu.memory_space<vmem>>, vector<16xi32>,
    %add3A_45 = vector.broadcast %mul3A_4 : i32 to vector<16xi32>
    %add3A_46 = arith.addi %get3A_44, %add3A_45 : vector<16xi32>
    %swap3A_47 = arith.constant 16 : index
    %swap3A_48 = tpu.vector_load %arg12[%swap3A_47] {strides = array<i32>} : memref<80xi32, #tpu.memory_space<vmem>>, vector<16xi32>,
    tpu.vector_store %arg12[%swap3A_47], %add3A_46 {strides = array<i32>} : memref<80xi32, #tpu.memory_space<vmem>>, vector<16xi32>,
    %swap3A_49 = arith.constant 16 : index
    %swap3A_50 = tpu.vector_load %arg13[%swap3A_49] {strides = array<i32>} : memref<80xi32, #tpu.memory_space<vmem>>, vector<16xi32>,
    tpu.vector_store %arg13[%swap3A_49], %get3A_44 {strides = array<i32>} : memref<80xi32, #tpu.memory_space<vmem>>, vector<16xi32>,
    %add3A_51 = arith.constant 32 : i32
    %add3A_52 = arith.addi %mul3A_32, %add3A_51 : i32
    %get3A_53 = arith.index_cast %add3A_52 : i32 to index
    %get3A_54 = tpu.vector_load %arg10[%get3A_53] {strides = array<i32>} : memref<20000xi32, #tpu.memory_space<vmem>>, vector<16xi32>,
    %add3A_55 = vector.broadcast %mul3A_4 : i32 to vector<16xi32>
    %add3A_56 = arith.addi %get3A_54, %add3A_55 : vector<16xi32>
    %swap3A_57 = arith.constant 32 : index
    %swap3A_58 = tpu.vector_load %arg12[%swap3A_57] {strides = array<i32>} : memref<80xi32, #tpu.memory_space<vmem>>, vector<16xi32>,
    tpu.vector_store %arg12[%swap3A_57], %add3A_56 {strides = array<i32>} : memref<80xi32, #tpu.memory_space<vmem>>, vector<16xi32>,
    %swap3A_59 = arith.constant 32 : index
    %swap3A_60 = tpu.vector_load %arg13[%swap3A_59] {strides = array<i32>} : memref<80xi32, #tpu.memory_space<vmem>>, vector<16xi32>,
    tpu.vector_store %arg13[%swap3A_59], %get3A_54 {strides = array<i32>} : memref<80xi32, #tpu.memory_space<vmem>>, vector<16xi32>,
    %add3A_61 = arith.constant 48 : i32
    %add3A_62 = arith.addi %mul3A_32, %add3A_61 : i32
    %get3A_63 = arith.index_cast %add3A_62 : i32 to index
    %get3A_64 = tpu.vector_load %arg10[%get3A_63] {strides = array<i32>} : memref<20000xi32, #tpu.memory_space<vmem>>, vector<16xi32>,
    %add3A_65 = vector.broadcast %mul3A_4 : i32 to vector<16xi32>
    %add3A_66 = arith.addi %get3A_64, %add3A_65 : vector<16xi32>
    %swap3A_67 = arith.constant 48 : index
    %swap3A_68 = tpu.vector_load %arg12[%swap3A_67] {strides = array<i32>} : memref<80xi32, #tpu.memory_space<vmem>>, vector<16xi32>,
    tpu.vector_store %arg12[%swap3A_67], %add3A_66 {strides = array<i32>} : memref<80xi32, #tpu.memory_space<vmem>>, vector<16xi32>,
    %swap3A_69 = arith.constant 48 : index
    %swap3A_70 = tpu.vector_load %arg13[%swap3A_69] {strides = array<i32>} : memref<80xi32, #tpu.memory_space<vmem>>, vector<16xi32>,
    tpu.vector_store %arg13[%swap3A_69], %get3A_64 {strides = array<i32>} : memref<80xi32, #tpu.memory_space<vmem>>, vector<16xi32>,
    %add3A_71 = arith.constant 64 : i32
    %add3A_72 = arith.addi %mul3A_32, %add3A_71 : i32
    %get3A_73 = arith.index_cast %add3A_72 : i32 to index
    %get3A_74 = tpu.vector_load %arg10[%get3A_73] {strides = array<i32>} : memref<20000xi32, #tpu.memory_space<vmem>>, vector<16xi32>,
    %add3A_75 = vector.broadcast %mul3A_4 : i32 to vector<16xi32>
    %add3A_76 = arith.addi %get3A_74, %add3A_75 : vector<16xi32>
    %swap3A_77 = arith.constant 64 : index
    %swap3A_78 = tpu.vector_load %arg12[%swap3A_77] {strides = array<i32>} : memref<80xi32, #tpu.memory_space<vmem>>, vector<16xi32>,
    tpu.vector_store %arg12[%swap3A_77], %add3A_76 {strides = array<i32>} : memref<80xi32, #tpu.memory_space<vmem>>, vector<16xi32>,
    %swap3A_79 = arith.constant 64 : index
    %swap3A_80 = tpu.vector_load %arg13[%swap3A_79] {strides = array<i32>} : memref<80xi32, #tpu.memory_space<vmem>>, vector<16xi32>,
    tpu.vector_store %arg13[%swap3A_79], %get3A_74 {strides = array<i32>} : memref<80xi32, #tpu.memory_space<vmem>>, vector<16xi32>,
    %dma_wait3A = arith.constant 0 : i32
    %dma_wait3A_81 = tpu.memref_slice %arg6[%arg0, %dma_wait3A] : memref<2x320000xi32, #tpu.memory_space<hbm>> -> memref<1x80xi32, #tpu.memory_space<hbm>>
    %dma_wait3A_82 = tpu.memref_squeeze %dma_wait3A_81 : memref<1x80xi32, #tpu.memory_space<hbm>> -> memref<80xi32, #tpu.memory_space<hbm>>
    %dma_wait3A_83 = arith.constant 0 : i32
    %dma_wait3A_84 = tpu.memref_slice %arg6[%arg0, %dma_wait3A_83] : memref<2x320000xi32, #tpu.memory_space<hbm>> -> memref<1x80xi32, #tpu.memory_space<hbm>>
    %dma_wait3A_85 = tpu.memref_squeeze %dma_wait3A_84 : memref<1x80xi32, #tpu.memory_space<hbm>> -> memref<80xi32, #tpu.memory_space<hbm>>
    tpu.wait_dma2 semaphore(%arg30 : memref<!tpu.dma_semaphore, #tpu.memory_space<semaphore_mem>>) src(%dma_wait3A_85 : memref<80xi32, #tpu.memory_space<hbm>>) dst(%arg11 : memref<80xi32, #tpu.memory_space<vmem>>)
    %dma_start3A_86 = arith.constant 0 : i32
    %dma_start3A_87 = arith.constant 0 : i32
    %dma_start3A_88 = tpu.memref_slice %arg2[%dma_start3A_86, %dma_start3A_87] : memref<20000x64xf32, #tpu.memory_space<hbm>> -> memref<20000x64xf32, #tpu.memory_space<hbm>>
    tpu.enqueue_indirect_dma source(%dma_start3A_88 : memref<20000x64xf32, #tpu.memory_space<hbm>>) target(%arg14 : memref<80x64xf32, #tpu.memory_space<vmem>>) offsets(%arg12 : memref<80xi32, #tpu.memory_space<vmem>>) semaphore(%arg28 : memref<!tpu.dma_semaphore, #tpu.memory_space<semaphore_mem>>)
    %dma_start3A_89 = arith.constant 0 : i32
    %dma_start3A_90 = arith.constant 0 : i32
    %dma_start3A_91 = tpu.memref_slice %arg3[%dma_start3A_89, %dma_start3A_90] : memref<20000x64xf32, #tpu.memory_space<hbm>> -> memref<20000x64xf32, #tpu.memory_space<hbm>>
    tpu.enqueue_indirect_dma source(%dma_start3A_91 : memref<20000x64xf32, #tpu.memory_space<hbm>>) target(%arg15 : memref<80x64xf32, #tpu.memory_space<vmem>>) offsets(%arg11 : memref<80xi32, #tpu.memory_space<vmem>>) semaphore(%arg28 : memref<!tpu.dma_semaphore, #tpu.memory_space<semaphore_mem>>)
    %dma_start3A_92 = arith.constant 0 : i32
    %dma_start3A_93 = arith.constant 0 : i32
    %dma_start3A_94 = tpu.memref_slice %arg4[%dma_start3A_92, %dma_start3A_93] : memref<20000x64xf32, #tpu.memory_space<hbm>> -> memref<20000x64xf32, #tpu.memory_space<hbm>>
    tpu.enqueue_indirect_dma source(%dma_start3A_94 : memref<20000x64xf32, #tpu.memory_space<hbm>>) target(%arg16 : memref<80x64xf32, #tpu.memory_space<vmem>>) offsets(%arg11 : memref<80xi32, #tpu.memory_space<vmem>>) semaphore(%arg28 : memref<!tpu.dma_semaphore, #tpu.memory_space<semaphore_mem>>)
    %mul3A_95 = arith.constant 320000 : i32
    %mul3A_96 = arith.muli %arg0, %mul3A_95 : i32
    %mul3A_97 = arith.constant 20000 : i32
    %mul3A_98 = arith.muli %arg1, %mul3A_97 : i32
    %add3A_99 = arith.addi %mul3A_96, %mul3A_98 : i32
    %multiple_of3A_100 = tpu.assume_multiple %add3A_99, 8 : i32
    %mul3A_101 = arith.constant 80 : i32
    %mul3A_102 = arith.muli %min3A_30, %mul3A_101 : i32
    %add3A_103 = arith.addi %multiple_of3A_100, %mul3A_102 : i32
    %dma_start3A_104 = arith.constant 0 : i32
    %dma_start3A_105 = tpu.memref_slice %arg5[%add3A_103, %dma_start3A_104] : memref<640000x64xf32, #tpu.memory_space<hbm>> -> memref<80x64xf32, #tpu.memory_space<hbm>>
    %dma_start3A_106 = arith.constant 0 : i32
    %dma_start3A_107 = tpu.memref_slice %arg5[%add3A_103, %dma_start3A_106] : memref<640000x64xf32, #tpu.memory_space<hbm>> -> memref<80x64xf32, #tpu.memory_space<hbm>>
    tpu.enqueue_dma source(%dma_start3A_107 : memref<80x64xf32, #tpu.memory_space<hbm>>) target(%arg17 : memref<80x64xf32, #tpu.memory_space<vmem>>) target_semaphore(%arg28 : memref<!tpu.dma_semaphore, #tpu.memory_space<semaphore_mem>>)
    %scan3A = arith.constant 0 : i32
    %scan3A_108 = arith.constant 0 : i32
    %scan3A_109 = arith.constant 125 : i32
    %scan3A_110 = arith.addi %scan3A_108, %scan3A_109 : i32
    %scan3A_111 = arith.constant 1 : i32
    scf.for %scan3A_135 = %scan3A_108 to %scan3A_110 step %scan3A_111  : i32 {
      %mul3A_136 = arith.constant 2 : i32
      %mul3A_137 = arith.muli %mul3A_136, %scan3A_135 : i32
      %add3A_138 = arith.constant 1 : i32
      %add3A_139 = arith.addi %mul3A_137, %add3A_138 : i32
      %min3A_140 = arith.constant 249 : i32
      %min3A_141 = arith.minsi %add3A_139, %min3A_140 : i32
      %mul3A_142 = arith.constant 80 : i32
      %mul3A_143 = arith.muli %min3A_141, %mul3A_142 : i32
      %add3A_144 = arith.constant 0 : i32
      %add3A_145 = arith.addi %mul3A_143, %add3A_144 : i32
      %get3A_146 = arith.index_cast %add3A_145 : i32 to index
      %get3A_147 = tpu.vector_load %arg10[%get3A_146] {strides = array<i32>} : memref<20000xi32, #tpu.memory_space<vmem>>, vector<16xi32>,
      %add3A_148 = vector.broadcast %mul3A_4 : i32 to vector<16xi32>
      %add3A_149 = arith.addi %get3A_147, %add3A_148 : vector<16xi32>
      %swap3A_150 = arith.constant 0 : index
      %swap3A_151 = tpu.vector_load %arg20[%swap3A_150] {strides = array<i32>} : memref<80xi32, #tpu.memory_space<vmem>>, vector<16xi32>,
      tpu.vector_store %arg20[%swap3A_150], %add3A_149 {strides = array<i32>} : memref<80xi32, #tpu.memory_space<vmem>>, vector<16xi32>,
      %swap3A_152 = arith.constant 0 : index
      %swap3A_153 = tpu.vector_load %arg21[%swap3A_152] {strides = array<i32>} : memref<80xi32, #tpu.memory_space<vmem>>, vector<16xi32>,
      tpu.vector_store %arg21[%swap3A_152], %get3A_147 {strides = array<i32>} : memref<80xi32, #tpu.memory_space<vmem>>, vector<16xi32>,
      %add3A_154 = arith.constant 16 : i32
      %add3A_155 = arith.addi %mul3A_143, %add3A_154 : i32
      %get3A_156 = arith.index_cast %add3A_155 : i32 to index
      %get3A_157 = tpu.vector_load %arg10[%get3A_156] {strides = array<i32>} : memref<20000xi32, #tpu.memory_space<vmem>>, vector<16xi32>,
      %add3A_158 = vector.broadcast %mul3A_4 : i32 to vector<16xi32>
      %add3A_159 = arith.addi %get3A_157, %add3A_158 : vector<16xi32>
      %swap3A_160 = arith.constant 16 : index
      %swap3A_161 = tpu.vector_load %arg20[%swap3A_160] {strides = array<i32>} : memref<80xi32, #tpu.memory_space<vmem>>, vector<16xi32>,
      tpu.vector_store %arg20[%swap3A_160], %add3A_159 {strides = array<i32>} : memref<80xi32, #tpu.memory_space<vmem>>, vector<16xi32>,
      %swap3A_162 = arith.constant 16 : index
      %swap3A_163 = tpu.vector_load %arg21[%swap3A_162] {strides = array<i32>} : memref<80xi32, #tpu.memory_space<vmem>>, vector<16xi32>,
      tpu.vector_store %arg21[%swap3A_162], %get3A_157 {strides = array<i32>} : memref<80xi32, #tpu.memory_space<vmem>>, vector<16xi32>,
      %add3A_164 = arith.constant 32 : i32
      %add3A_165 = arith.addi %mul3A_143, %add3A_164 : i32
      %get3A_166 = arith.index_cast %add3A_165 : i32 to index
      %get3A_167 = tpu.vector_load %arg10[%get3A_166] {strides = array<i32>} : memref<20000xi32, #tpu.memory_space<vmem>>, vector<16xi32>,
      %add3A_168 = vector.broadcast %mul3A_4 : i32 to vector<16xi32>
      %add3A_169 = arith.addi %get3A_167, %add3A_168 : vector<16xi32>
      %swap3A_170 = arith.constant 32 : index
      %swap3A_171 = tpu.vector_load %arg20[%swap3A_170] {strides = array<i32>} : memref<80xi32, #tpu.memory_space<vmem>>, vector<16xi32>,
      tpu.vector_store %arg20[%swap3A_170], %add3A_169 {strides = array<i32>} : memref<80xi32, #tpu.memory_space<vmem>>, vector<16xi32>,
      %swap3A_172 = arith.constant 32 : index
      %swap3A_173 = tpu.vector_load %arg21[%swap3A_172] {strides = array<i32>} : memref<80xi32, #tpu.memory_space<vmem>>, vector<16xi32>,
      tpu.vector_store %arg21[%swap3A_172], %get3A_167 {strides = array<i32>} : memref<80xi32, #tpu.memory_space<vmem>>, vector<16xi32>,
      %add3A_174 = arith.constant 48 : i32
      %add3A_175 = arith.addi %mul3A_143, %add3A_174 : i32
      %get3A_176 = arith.index_cast %add3A_175 : i32 to index
      %get3A_177 = tpu.vector_load %arg10[%get3A_176] {strides = array<i32>} : memref<20000xi32, #tpu.memory_space<vmem>>, vector<16xi32>,
      %add3A_178 = vector.broadcast %mul3A_4 : i32 to vector<16xi32>
      %add3A_179 = arith.addi %get3A_177, %add3A_178 : vector<16xi32>
      %swap3A_180 = arith.constant 48 : index
      %swap3A_181 = tpu.vector_load %arg20[%swap3A_180] {strides = array<i32>} : memref<80xi32, #tpu.memory_space<vmem>>, vector<16xi32>,
      tpu.vector_store %arg20[%swap3A_180], %add3A_179 {strides = array<i32>} : memref<80xi32, #tpu.memory_space<vmem>>, vector<16xi32>,
      %swap3A_182 = arith.constant 48 : index
      %swap3A_183 = tpu.vector_load %arg21[%swap3A_182] {strides = array<i32>} : memref<80xi32, #tpu.memory_space<vmem>>, vector<16xi32>,
      tpu.vector_store %arg21[%swap3A_182], %get3A_177 {strides = array<i32>} : memref<80xi32, #tpu.memory_space<vmem>>, vector<16xi32>,
      %add3A_184 = arith.constant 64 : i32
      %add3A_185 = arith.addi %mul3A_143, %add3A_184 : i32
      %get3A_186 = arith.index_cast %add3A_185 : i32 to index
      %get3A_187 = tpu.vector_load %arg10[%get3A_186] {strides = array<i32>} : memref<20000xi32, #tpu.memory_space<vmem>>, vector<16xi32>,
      %add3A_188 = vector.broadcast %mul3A_4 : i32 to vector<16xi32>
      %add3A_189 = arith.addi %get3A_187, %add3A_188 : vector<16xi32>
      %swap3A_190 = arith.constant 64 : index
      %swap3A_191 = tpu.vector_load %arg20[%swap3A_190] {strides = array<i32>} : memref<80xi32, #tpu.memory_space<vmem>>, vector<16xi32>,
      tpu.vector_store %arg20[%swap3A_190], %add3A_189 {strides = array<i32>} : memref<80xi32, #tpu.memory_space<vmem>>, vector<16xi32>,
      %swap3A_192 = arith.constant 64 : index
      %swap3A_193 = tpu.vector_load %arg21[%swap3A_192] {strides = array<i32>} : memref<80xi32, #tpu.memory_space<vmem>>, vector<16xi32>,
      tpu.vector_store %arg21[%swap3A_192], %get3A_187 {strides = array<i32>} : memref<80xi32, #tpu.memory_space<vmem>>, vector<16xi32>,
      %dma_wait3A_194 = arith.constant 0 : i32
      %dma_wait3A_195 = tpu.memref_slice %arg6[%arg0, %dma_wait3A_194] : memref<2x320000xi32, #tpu.memory_space<hbm>> -> memref<1x80xi32, #tpu.memory_space<hbm>>
      %dma_wait3A_196 = tpu.memref_squeeze %dma_wait3A_195 : memref<1x80xi32, #tpu.memory_space<hbm>> -> memref<80xi32, #tpu.memory_space<hbm>>
      %dma_wait3A_197 = arith.constant 0 : i32
      %dma_wait3A_198 = tpu.memref_slice %arg6[%arg0, %dma_wait3A_197] : memref<2x320000xi32, #tpu.memory_space<hbm>> -> memref<1x80xi32, #tpu.memory_space<hbm>>
      %dma_wait3A_199 = tpu.memref_squeeze %dma_wait3A_198 : memref<1x80xi32, #tpu.memory_space<hbm>> -> memref<80xi32, #tpu.memory_space<hbm>>
      tpu.wait_dma2 semaphore(%arg31 : memref<!tpu.dma_semaphore, #tpu.memory_space<semaphore_mem>>) src(%dma_wait3A_199 : memref<80xi32, #tpu.memory_space<hbm>>) dst(%arg19 : memref<80xi32, #tpu.memory_space<vmem>>)
      %dma_start3A_200 = arith.constant 0 : i32
      %dma_start3A_201 = arith.constant 0 : i32
      %dma_start3A_202 = tpu.memref_slice %arg2[%dma_start3A_200, %dma_start3A_201] : memref<20000x64xf32, #tpu.memory_space<hbm>> -> memref<20000x64xf32, #tpu.memory_space<hbm>>
      tpu.enqueue_indirect_dma source(%dma_start3A_202 : memref<20000x64xf32, #tpu.memory_space<hbm>>) target(%arg22 : memref<80x64xf32, #tpu.memory_space<vmem>>) offsets(%arg20 : memref<80xi32, #tpu.memory_space<vmem>>) semaphore(%arg29 : memref<!tpu.dma_semaphore, #tpu.memory_space<semaphore_mem>>)
      %dma_start3A_203 = arith.constant 0 : i32
      %dma_start3A_204 = arith.constant 0 : i32
      %dma_start3A_205 = tpu.memref_slice %arg3[%dma_start3A_203, %dma_start3A_204] : memref<20000x64xf32, #tpu.memory_space<hbm>> -> memref<20000x64xf32, #tpu.memory_space<hbm>>
      tpu.enqueue_indirect_dma source(%dma_start3A_205 : memref<20000x64xf32, #tpu.memory_space<hbm>>) target(%arg23 : memref<80x64xf32, #tpu.memory_space<vmem>>) offsets(%arg19 : memref<80xi32, #tpu.memory_space<vmem>>) semaphore(%arg29 : memref<!tpu.dma_semaphore, #tpu.memory_space<semaphore_mem>>)
      %dma_start3A_206 = arith.constant 0 : i32
      %dma_start3A_207 = arith.constant 0 : i32
      %dma_start3A_208 = tpu.memref_slice %arg4[%dma_start3A_206, %dma_start3A_207] : memref<20000x64xf32, #tpu.memory_space<hbm>> -> memref<20000x64xf32, #tpu.memory_space<hbm>>
      tpu.enqueue_indirect_dma source(%dma_start3A_208 : memref<20000x64xf32, #tpu.memory_space<hbm>>) target(%arg24 : memref<80x64xf32, #tpu.memory_space<vmem>>) offsets(%arg19 : memref<80xi32, #tpu.memory_space<vmem>>) semaphore(%arg29 : memref<!tpu.dma_semaphore, #tpu.memory_space<semaphore_mem>>)
      %mul3A_209 = arith.constant 320000 : i32
      %mul3A_210 = arith.muli %arg0, %mul3A_209 : i32
      %mul3A_211 = arith.constant 20000 : i32
      %mul3A_212 = arith.muli %arg1, %mul3A_211 : i32
      %add3A_213 = arith.addi %mul3A_210, %mul3A_212 : i32
      %multiple_of3A_214 = tpu.assume_multiple %add3A_213, 8 : i32
      %mul3A_215 = arith.constant 80 : i32
      %mul3A_216 = arith.muli %min3A_141, %mul3A_215 : i32
      %add3A_217 = arith.addi %multiple_of3A_214, %mul3A_216 : i32
      %dma_start3A_218 = arith.constant 0 : i32
      %dma_start3A_219 = tpu.memref_slice %arg5[%add3A_217, %dma_start3A_218] : memref<640000x64xf32, #tpu.memory_space<hbm>> -> memref<80x64xf32, #tpu.memory_space<hbm>>
      %dma_start3A_220 = arith.constant 0 : i32
      %dma_start3A_221 = tpu.memref_slice %arg5[%add3A_217, %dma_start3A_220] : memref<640000x64xf32, #tpu.memory_space<hbm>> -> memref<80x64xf32, #tpu.memory_space<hbm>>
      tpu.enqueue_dma source(%dma_start3A_221 : memref<80x64xf32, #tpu.memory_space<hbm>>) target(%arg25 : memref<80x64xf32, #tpu.memory_space<vmem>>) target_semaphore(%arg29 : memref<!tpu.dma_semaphore, #tpu.memory_space<semaphore_mem>>)
      %dma_wait3A_222 = arith.constant 0 : i32
      %dma_wait3A_223 = arith.constant 0 : i32
      %dma_wait3A_224 = tpu.memref_slice %arg2[%dma_wait3A_222, %dma_wait3A_223] : memref<20000x64xf32, #tpu.memory_space<hbm>> -> memref<20000x64xf32, #tpu.memory_space<hbm>>
      tpu.wait_indirect_dma semaphore(%arg28 : memref<!tpu.dma_semaphore, #tpu.memory_space<semaphore_mem>>) src(%dma_wait3A_224 : memref<20000x64xf32, #tpu.memory_space<hbm>>) dst(%arg14 : memref<80x64xf32, #tpu.memory_space<vmem>>)
      %dma_wait3A_225 = arith.constant 0 : i32
      %dma_wait3A_226 = arith.constant 0 : i32
      %dma_wait3A_227 = tpu.memref_slice %arg3[%dma_wait3A_225, %dma_wait3A_226] : memref<20000x64xf32, #tpu.memory_space<hbm>> -> memref<20000x64xf32, #tpu.memory_space<hbm>>
      tpu.wait_indirect_dma semaphore(%arg28 : memref<!tpu.dma_semaphore, #tpu.memory_space<semaphore_mem>>) src(%dma_wait3A_227 : memref<20000x64xf32, #tpu.memory_space<hbm>>) dst(%arg15 : memref<80x64xf32, #tpu.memory_space<vmem>>)
      %dma_wait3A_228 = arith.constant 0 : i32
      %dma_wait3A_229 = arith.constant 0 : i32
      %dma_wait3A_230 = tpu.memref_slice %arg4[%dma_wait3A_228, %dma_wait3A_229] : memref<20000x64xf32, #tpu.memory_space<hbm>> -> memref<20000x64xf32, #tpu.memory_space<hbm>>
      tpu.wait_indirect_dma semaphore(%arg28 : memref<!tpu.dma_semaphore, #tpu.memory_space<semaphore_mem>>) src(%dma_wait3A_230 : memref<20000x64xf32, #tpu.memory_space<hbm>>) dst(%arg16 : memref<80x64xf32, #tpu.memory_space<vmem>>)
      %dma_wait3A_231 = arith.constant 0 : i32
      %dma_wait3A_232 = arith.constant 0 : i32
      %dma_wait3A_233 = tpu.memref_slice %arg5[%dma_wait3A_231, %dma_wait3A_232] : memref<640000x64xf32, #tpu.memory_space<hbm>> -> memref<80x64xf32, #tpu.memory_space<hbm>>
      %dma_wait3A_234 = arith.constant 0 : i32
      %dma_wait3A_235 = arith.constant 0 : i32
      %dma_wait3A_236 = tpu.memref_slice %arg5[%dma_wait3A_234, %dma_wait3A_235] : memref<640000x64xf32, #tpu.memory_space<hbm>> -> memref<80x64xf32, #tpu.memory_space<hbm>>
      tpu.wait_dma2 semaphore(%arg28 : memref<!tpu.dma_semaphore, #tpu.memory_space<semaphore_mem>>) src(%dma_wait3A_236 : memref<80x64xf32, #tpu.memory_space<hbm>>) dst(%arg17 : memref<80x64xf32, #tpu.memory_space<vmem>>)
      %mul3A_237 = arith.constant 2 : i32
      %mul3A_238 = arith.muli %mul3A_237, %scan3A_135 : i32
      %add3A_239 = arith.constant 2 : i32
      %add3A_240 = arith.addi %mul3A_238, %add3A_239 : i32
      %min3A_241 = arith.constant 249 : i32
      %min3A_242 = arith.minsi %add3A_240, %min3A_241 : i32
      %mul3A_243 = arith.constant 20000 : i32
      %mul3A_244 = arith.muli %arg1, %mul3A_243 : i32
      %multiple_of3A_245 = tpu.assume_multiple %mul3A_244, 8 : i32
      %mul3A_246 = arith.constant 80 : i32
      %mul3A_247 = arith.muli %min3A_242, %mul3A_246 : i32
      %add3A_248 = arith.addi %multiple_of3A_245, %mul3A_247 : i32
      %dma_start3A_249 = tpu.memref_slice %arg6[%arg0, %add3A_248] : memref<2x320000xi32, #tpu.memory_space<hbm>> -> memref<1x80xi32, #tpu.memory_space<hbm>>
      %dma_start3A_250 = tpu.memref_squeeze %dma_start3A_249 : memref<1x80xi32, #tpu.memory_space<hbm>> -> memref<80xi32, #tpu.memory_space<hbm>>
      %dma_start3A_251 = tpu.memref_slice %arg6[%arg0, %add3A_248] : memref<2x320000xi32, #tpu.memory_space<hbm>> -> memref<1x80xi32, #tpu.memory_space<hbm>>
      %dma_start3A_252 = tpu.memref_squeeze %dma_start3A_251 : memref<1x80xi32, #tpu.memory_space<hbm>> -> memref<80xi32, #tpu.memory_space<hbm>>
      tpu.enqueue_dma source(%dma_start3A_252 : memref<80xi32, #tpu.memory_space<hbm>>) target(%arg11 : memref<80xi32, #tpu.memory_space<vmem>>) target_semaphore(%arg30 : memref<!tpu.dma_semaphore, #tpu.memory_space<semaphore_mem>>)
      %scan3A_253 = arith.constant 0 : i32
      %scan3A_254 = arith.constant 0 : i32
      %scan3A_255 = arith.constant 80 : i32
      %scan3A_256 = arith.addi %scan3A_254, %scan3A_255 : i32
      %scan3A_257 = arith.constant 2 : i32
      scf.for %scan3A_382 = %scan3A_254 to %scan3A_256 step %scan3A_257  : i32 {
        %broadcast_in_dim3A = arith.constant 0.000000e+00 : f32
        %broadcast_in_dim3A_383 = vector.broadcast %broadcast_in_dim3A : f32 to vector<16xf32>
        %get3A_384 = arith.index_cast %scan3A_382 : i32 to index
        %get3A_385 = arith.constant 0 : index
        %get3A_386 = tpu.vector_load %arg17[%get3A_384, %get3A_385] {strides = array<i32>} : memref<80x64xf32, #tpu.memory_space<vmem>>, vector<16xf32>,
        %get3A_387 = arith.index_cast %scan3A_382 : i32 to index
        %get3A_388 = arith.constant 0 : index
        %get3A_389 = tpu.vector_load %arg14[%get3A_387, %get3A_388] {strides = array<i32>} : memref<80x64xf32, #tpu.memory_space<vmem>>, vector<16xf32>,
        %get3A_390 = arith.index_cast %scan3A_382 : i32 to index
        %get3A_391 = arith.constant 0 : index
        %get3A_392 = tpu.vector_load %arg15[%get3A_390, %get3A_391] {strides = array<i32>} : memref<80x64xf32, #tpu.memory_space<vmem>>, vector<16xf32>,
        %mul3A_393 = arith.mulf %get3A_392, %get3A_386 : vector<16xf32>
        %mul3A_394 = arith.mulf %get3A_389, %mul3A_393 : vector<16xf32>
        %add3A_395 = arith.addf %broadcast_in_dim3A_383, %mul3A_394 : vector<16xf32>
        %get3A_396 = arith.index_cast %scan3A_382 : i32 to index
        %get3A_397 = arith.constant 0 : index
        %get3A_398 = tpu.vector_load %arg16[%get3A_396, %get3A_397] {strides = array<i32>} : memref<80x64xf32, #tpu.memory_space<vmem>>, vector<16xf32>,
        %mul3A_399 = arith.mulf %get3A_398, %get3A_386 : vector<16xf32>
        %get3A_400 = arith.index_cast %scan3A_382 : i32 to index
        %get3A_401 = arith.constant 16 : index
        %get3A_402 = tpu.vector_load %arg17[%get3A_400, %get3A_401] {strides = array<i32>} : memref<80x64xf32, #tpu.memory_space<vmem>>, vector<16xf32>,
        %get3A_403 = arith.index_cast %scan3A_382 : i32 to index
        %get3A_404 = arith.constant 16 : index
        %get3A_405 = tpu.vector_load %arg14[%get3A_403, %get3A_404] {strides = array<i32>} : memref<80x64xf32, #tpu.memory_space<vmem>>, vector<16xf32>,
        %get3A_406 = arith.index_cast %scan3A_382 : i32 to index
        %get3A_407 = arith.constant 16 : index
        %get3A_408 = tpu.vector_load %arg15[%get3A_406, %get3A_407] {strides = array<i32>} : memref<80x64xf32, #tpu.memory_space<vmem>>, vector<16xf32>,
        %mul3A_409 = arith.mulf %get3A_408, %get3A_402 : vector<16xf32>
        %mul3A_410 = arith.mulf %get3A_405, %mul3A_409 : vector<16xf32>
        %add3A_411 = arith.addf %add3A_395, %mul3A_410 : vector<16xf32>
        %get3A_412 = arith.index_cast %scan3A_382 : i32 to index
        %get3A_413 = arith.constant 16 : index
        %get3A_414 = tpu.vector_load %arg16[%get3A_412, %get3A_413] {strides = array<i32>} : memref<80x64xf32, #tpu.memory_space<vmem>>, vector<16xf32>,
        %mul3A_415 = arith.mulf %get3A_414, %get3A_402 : vector<16xf32>
        %get3A_416 = arith.index_cast %scan3A_382 : i32 to index
        %get3A_417 = arith.constant 32 : index
        %get3A_418 = tpu.vector_load %arg17[%get3A_416, %get3A_417] {strides = array<i32>} : memref<80x64xf32, #tpu.memory_space<vmem>>, vector<16xf32>,
        %get3A_419 = arith.index_cast %scan3A_382 : i32 to index
        %get3A_420 = arith.constant 32 : index
        %get3A_421 = tpu.vector_load %arg14[%get3A_419, %get3A_420] {strides = array<i32>} : memref<80x64xf32, #tpu.memory_space<vmem>>, vector<16xf32>,
        %get3A_422 = arith.index_cast %scan3A_382 : i32 to index
        %get3A_423 = arith.constant 32 : index
        %get3A_424 = tpu.vector_load %arg15[%get3A_422, %get3A_423] {strides = array<i32>} : memref<80x64xf32, #tpu.memory_space<vmem>>, vector<16xf32>,
        %mul3A_425 = arith.mulf %get3A_424, %get3A_418 : vector<16xf32>
        %mul3A_426 = arith.mulf %get3A_421, %mul3A_425 : vector<16xf32>
        %add3A_427 = arith.addf %add3A_411, %mul3A_426 : vector<16xf32>
        %get3A_428 = arith.index_cast %scan3A_382 : i32 to index
        %get3A_429 = arith.constant 32 : index
        %get3A_430 = tpu.vector_load %arg16[%get3A_428, %get3A_429] {strides = array<i32>} : memref<80x64xf32, #tpu.memory_space<vmem>>, vector<16xf32>,
        %mul3A_431 = arith.mulf %get3A_430, %get3A_418 : vector<16xf32>
        %get3A_432 = arith.index_cast %scan3A_382 : i32 to index
        %get3A_433 = arith.constant 48 : index
        %get3A_434 = tpu.vector_load %arg17[%get3A_432, %get3A_433] {strides = array<i32>} : memref<80x64xf32, #tpu.memory_space<vmem>>, vector<16xf32>,
        %get3A_435 = arith.index_cast %scan3A_382 : i32 to index
        %get3A_436 = arith.constant 48 : index
        %get3A_437 = tpu.vector_load %arg14[%get3A_435, %get3A_436] {strides = array<i32>} : memref<80x64xf32, #tpu.memory_space<vmem>>, vector<16xf32>,
        %get3A_438 = arith.index_cast %scan3A_382 : i32 to index
        %get3A_439 = arith.constant 48 : index
        %get3A_440 = tpu.vector_load %arg15[%get3A_438, %get3A_439] {strides = array<i32>} : memref<80x64xf32, #tpu.memory_space<vmem>>, vector<16xf32>,
        %mul3A_441 = arith.mulf %get3A_440, %get3A_434 : vector<16xf32>
        %mul3A_442 = arith.mulf %get3A_437, %mul3A_441 : vector<16xf32>
        %add3A_443 = arith.addf %add3A_427, %mul3A_442 : vector<16xf32>
        %get3A_444 = arith.index_cast %scan3A_382 : i32 to index
        %get3A_445 = arith.constant 48 : index
        %get3A_446 = tpu.vector_load %arg16[%get3A_444, %get3A_445] {strides = array<i32>} : memref<80x64xf32, #tpu.memory_space<vmem>>, vector<16xf32>,
        %mul3A_447 = arith.mulf %get3A_446, %get3A_434 : vector<16xf32>
        %reduce_sum3A = arith.constant true
        %reduce_sum3A_448 = vector.broadcast %reduce_sum3A : i1 to vector<16xi1>
        %reduce_sum3A_449 = tpu.scan <sum>, %add3A_443 masked %reduce_sum3A_448 : vector<16xf32>, vector<16xi1> -> vector<16xf32>
        %reduce_sum3A_450 = vector.extract %reduce_sum3A_449[15] : f32 from vector<16xf32>
        %mul3A_451 = arith.constant 1.250000e-01 : f32
        %mul3A_452 = arith.mulf %reduce_sum3A_450, %mul3A_451 : f32
        %min3A_453 = arith.constant 7.500000e+01 : f32
        %min3A_454 = arith.minimumf %mul3A_452, %min3A_453 : f32
        %broadcast_in_dim3A_455 = vector.broadcast %min3A_454 : f32 to vector<16xf32>
        %exp3A = math.exp %broadcast_in_dim3A_455 : vector<16xf32>
        %mul3A_456 = arith.mulf %mul3A_399, %exp3A : vector<16xf32>
        %swap3A_457 = arith.index_cast %scan3A_382 : i32 to index
        %swap3A_458 = arith.constant 0 : index
        %swap3A_459 = tpu.vector_load %arg18[%swap3A_457, %swap3A_458] {strides = array<i32>} : memref<80x80xf32, #tpu.memory_space<vmem>>, vector<16xf32>,
        tpu.vector_store %arg18[%swap3A_457, %swap3A_458], %mul3A_456 {strides = array<i32>} : memref<80x80xf32, #tpu.memory_space<vmem>>, vector<16xf32>,
        %mul3A_460 = arith.mulf %mul3A_415, %exp3A : vector<16xf32>
        %swap3A_461 = arith.index_cast %scan3A_382 : i32 to index
        %swap3A_462 = arith.constant 16 : index
        %swap3A_463 = tpu.vector_load %arg18[%swap3A_461, %swap3A_462] {strides = array<i32>} : memref<80x80xf32, #tpu.memory_space<vmem>>, vector<16xf32>,
        tpu.vector_store %arg18[%swap3A_461, %swap3A_462], %mul3A_460 {strides = array<i32>} : memref<80x80xf32, #tpu.memory_space<vmem>>, vector<16xf32>,
        %mul3A_464 = arith.mulf %mul3A_431, %exp3A : vector<16xf32>
        %swap3A_465 = arith.index_cast %scan3A_382 : i32 to index
        %swap3A_466 = arith.constant 32 : index
        %swap3A_467 = tpu.vector_load %arg18[%swap3A_465, %swap3A_466] {strides = array<i32>} : memref<80x80xf32, #tpu.memory_space<vmem>>, vector<16xf32>,
        tpu.vector_store %arg18[%swap3A_465, %swap3A_466], %mul3A_464 {strides = array<i32>} : memref<80x80xf32, #tpu.memory_space<vmem>>, vector<16xf32>,
        %mul3A_468 = arith.mulf %mul3A_447, %exp3A : vector<16xf32>
        %swap3A_469 = arith.index_cast %scan3A_382 : i32 to index
        %swap3A_470 = arith.constant 48 : index
        %swap3A_471 = tpu.vector_load %arg18[%swap3A_469, %swap3A_470] {strides = array<i32>} : memref<80x80xf32, #tpu.memory_space<vmem>>, vector<16xf32>,
        tpu.vector_store %arg18[%swap3A_469, %swap3A_470], %mul3A_468 {strides = array<i32>} : memref<80x80xf32, #tpu.memory_space<vmem>>, vector<16xf32>,
        %eq3A = arith.constant 0 : i32
        %eq3A_472 = vector.broadcast %eq3A : i32 to vector<16xi32>
        %eq3A_473 = arith.cmpi eq, %iota3A, %eq3A_472 : vector<16xi32>
        %jit3A = arith.constant 0.000000e+00 : f32
        %broadcast_in_dim3A_474 = vector.broadcast %jit3A : f32 to vector<16xf32>
        %select_n3A = arith.select %eq3A_473, %exp3A, %broadcast_in_dim3A_474 : vector<16xi1>, vector<16xf32>
        %swap3A_475 = arith.index_cast %scan3A_382 : i32 to index
        %swap3A_476 = arith.constant 64 : index
        %swap3A_477 = tpu.vector_load %arg18[%swap3A_475, %swap3A_476] {strides = array<i32>} : memref<80x80xf32, #tpu.memory_space<vmem>>, vector<16xf32>,
        tpu.vector_store %arg18[%swap3A_475, %swap3A_476], %select_n3A {strides = array<i32>} : memref<80x80xf32, #tpu.memory_space<vmem>>, vector<16xf32>,
        %scan3A_478 = arith.constant 1 : i32
        %scan3A_479 = arith.addi %scan3A_382, %scan3A_478 : i32
        %broadcast_in_dim3A_480 = arith.constant 0.000000e+00 : f32
        %broadcast_in_dim3A_481 = vector.broadcast %broadcast_in_dim3A_480 : f32 to vector<16xf32>
        %get3A_482 = arith.index_cast %scan3A_479 : i32 to index
        %get3A_483 = arith.constant 0 : index
        %get3A_484 = tpu.vector_load %arg17[%get3A_482, %get3A_483] {strides = array<i32>} : memref<80x64xf32, #tpu.memory_space<vmem>>, vector<16xf32>,
        %get3A_485 = arith.index_cast %scan3A_479 : i32 to index
        %get3A_486 = arith.constant 0 : index
        %get3A_487 = tpu.vector_load %arg14[%get3A_485, %get3A_486] {strides = array<i32>} : memref<80x64xf32, #tpu.memory_space<vmem>>, vector<16xf32>,
        %get3A_488 = arith.index_cast %scan3A_479 : i32 to index
        %get3A_489 = arith.constant 0 : index
        %get3A_490 = tpu.vector_load %arg15[%get3A_488, %get3A_489] {strides = array<i32>} : memref<80x64xf32, #tpu.memory_space<vmem>>, vector<16xf32>,
        %mul3A_491 = arith.mulf %get3A_490, %get3A_484 : vector<16xf32>
        %mul3A_492 = arith.mulf %get3A_487, %mul3A_491 : vector<16xf32>
        %add3A_493 = arith.addf %broadcast_in_dim3A_481, %mul3A_492 : vector<16xf32>
        %get3A_494 = arith.index_cast %scan3A_479 : i32 to index
        %get3A_495 = arith.constant 0 : index
        %get3A_496 = tpu.vector_load %arg16[%get3A_494, %get3A_495] {strides = array<i32>} : memref<80x64xf32, #tpu.memory_space<vmem>>, vector<16xf32>,
        %mul3A_497 = arith.mulf %get3A_496, %get3A_484 : vector<16xf32>
        %get3A_498 = arith.index_cast %scan3A_479 : i32 to index
        %get3A_499 = arith.constant 16 : index
        %get3A_500 = tpu.vector_load %arg17[%get3A_498, %get3A_499] {strides = array<i32>} : memref<80x64xf32, #tpu.memory_space<vmem>>, vector<16xf32>,
        %get3A_501 = arith.index_cast %scan3A_479 : i32 to index
        %get3A_502 = arith.constant 16 : index
        %get3A_503 = tpu.vector_load %arg14[%get3A_501, %get3A_502] {strides = array<i32>} : memref<80x64xf32, #tpu.memory_space<vmem>>, vector<16xf32>,
        %get3A_504 = arith.index_cast %scan3A_479 : i32 to index
        %get3A_505 = arith.constant 16 : index
        %get3A_506 = tpu.vector_load %arg15[%get3A_504, %get3A_505] {strides = array<i32>} : memref<80x64xf32, #tpu.memory_space<vmem>>, vector<16xf32>,
        %mul3A_507 = arith.mulf %get3A_506, %get3A_500 : vector<16xf32>
        %mul3A_508 = arith.mulf %get3A_503, %mul3A_507 : vector<16xf32>
        %add3A_509 = arith.addf %add3A_493, %mul3A_508 : vector<16xf32>
        %get3A_510 = arith.index_cast %scan3A_479 : i32 to index
        %get3A_511 = arith.constant 16 : index
        %get3A_512 = tpu.vector_load %arg16[%get3A_510, %get3A_511] {strides = array<i32>} : memref<80x64xf32, #tpu.memory_space<vmem>>, vector<16xf32>,
        %mul3A_513 = arith.mulf %get3A_512, %get3A_500 : vector<16xf32>
        %get3A_514 = arith.index_cast %scan3A_479 : i32 to index
        %get3A_515 = arith.constant 32 : index
        %get3A_516 = tpu.vector_load %arg17[%get3A_514, %get3A_515] {strides = array<i32>} : memref<80x64xf32, #tpu.memory_space<vmem>>, vector<16xf32>,
        %get3A_517 = arith.index_cast %scan3A_479 : i32 to index
        %get3A_518 = arith.constant 32 : index
        %get3A_519 = tpu.vector_load %arg14[%get3A_517, %get3A_518] {strides = array<i32>} : memref<80x64xf32, #tpu.memory_space<vmem>>, vector<16xf32>,
        %get3A_520 = arith.index_cast %scan3A_479 : i32 to index
        %get3A_521 = arith.constant 32 : index
        %get3A_522 = tpu.vector_load %arg15[%get3A_520, %get3A_521] {strides = array<i32>} : memref<80x64xf32, #tpu.memory_space<vmem>>, vector<16xf32>,
        %mul3A_523 = arith.mulf %get3A_522, %get3A_516 : vector<16xf32>
        %mul3A_524 = arith.mulf %get3A_519, %mul3A_523 : vector<16xf32>
        %add3A_525 = arith.addf %add3A_509, %mul3A_524 : vector<16xf32>
        %get3A_526 = arith.index_cast %scan3A_479 : i32 to index
        %get3A_527 = arith.constant 32 : index
        %get3A_528 = tpu.vector_load %arg16[%get3A_526, %get3A_527] {strides = array<i32>} : memref<80x64xf32, #tpu.memory_space<vmem>>, vector<16xf32>,
        %mul3A_529 = arith.mulf %get3A_528, %get3A_516 : vector<16xf32>
        %get3A_530 = arith.index_cast %scan3A_479 : i32 to index
        %get3A_531 = arith.constant 48 : index
        %get3A_532 = tpu.vector_load %arg17[%get3A_530, %get3A_531] {strides = array<i32>} : memref<80x64xf32, #tpu.memory_space<vmem>>, vector<16xf32>,
        %get3A_533 = arith.index_cast %scan3A_479 : i32 to index
        %get3A_534 = arith.constant 48 : index
        %get3A_535 = tpu.vector_load %arg14[%get3A_533, %get3A_534] {strides = array<i32>} : memref<80x64xf32, #tpu.memory_space<vmem>>, vector<16xf32>,
        %get3A_536 = arith.index_cast %scan3A_479 : i32 to index
        %get3A_537 = arith.constant 48 : index
        %get3A_538 = tpu.vector_load %arg15[%get3A_536, %get3A_537] {strides = array<i32>} : memref<80x64xf32, #tpu.memory_space<vmem>>, vector<16xf32>,
        %mul3A_539 = arith.mulf %get3A_538, %get3A_532 : vector<16xf32>
        %mul3A_540 = arith.mulf %get3A_535, %mul3A_539 : vector<16xf32>
        %add3A_541 = arith.addf %add3A_525, %mul3A_540 : vector<16xf32>
        %get3A_542 = arith.index_cast %scan3A_479 : i32 to index
        %get3A_543 = arith.constant 48 : index
        %get3A_544 = tpu.vector_load %arg16[%get3A_542, %get3A_543] {strides = array<i32>} : memref<80x64xf32, #tpu.memory_space<vmem>>, vector<16xf32>,
        %mul3A_545 = arith.mulf %get3A_544, %get3A_532 : vector<16xf32>
        %reduce_sum3A_546 = arith.constant true
        %reduce_sum3A_547 = vector.broadcast %reduce_sum3A_546 : i1 to vector<16xi1>
        %reduce_sum3A_548 = tpu.scan <sum>, %add3A_541 masked %reduce_sum3A_547 : vector<16xf32>, vector<16xi1> -> vector<16xf32>
        %reduce_sum3A_549 = vector.extract %reduce_sum3A_548[15] : f32 from vector<16xf32>
        %mul3A_550 = arith.constant 1.250000e-01 : f32
        %mul3A_551 = arith.mulf %reduce_sum3A_549, %mul3A_550 : f32
        %min3A_552 = arith.constant 7.500000e+01 : f32
        %min3A_553 = arith.minimumf %mul3A_551, %min3A_552 : f32
        %broadcast_in_dim3A_554 = vector.broadcast %min3A_553 : f32 to vector<16xf32>
        %exp3A_555 = math.exp %broadcast_in_dim3A_554 : vector<16xf32>
        %mul3A_556 = arith.mulf %mul3A_497, %exp3A_555 : vector<16xf32>
        %swap3A_557 = arith.index_cast %scan3A_479 : i32 to index
        %swap3A_558 = arith.constant 0 : index
        %swap3A_559 = tpu.vector_load %arg18[%swap3A_557, %swap3A_558] {strides = array<i32>} : memref<80x80xf32, #tpu.memory_space<vmem>>, vector<16xf32>,
        tpu.vector_store %arg18[%swap3A_557, %swap3A_558], %mul3A_556 {strides = array<i32>} : memref<80x80xf32, #tpu.memory_space<vmem>>, vector<16xf32>,
        %mul3A_560 = arith.mulf %mul3A_513, %exp3A_555 : vector<16xf32>
        %swap3A_561 = arith.index_cast %scan3A_479 : i32 to index
        %swap3A_562 = arith.constant 16 : index
        %swap3A_563 = tpu.vector_load %arg18[%swap3A_561, %swap3A_562] {strides = array<i32>} : memref<80x80xf32, #tpu.memory_space<vmem>>, vector<16xf32>,
        tpu.vector_store %arg18[%swap3A_561, %swap3A_562], %mul3A_560 {strides = array<i32>} : memref<80x80xf32, #tpu.memory_space<vmem>>, vector<16xf32>,
        %mul3A_564 = arith.mulf %mul3A_529, %exp3A_555 : vector<16xf32>
        %swap3A_565 = arith.index_cast %scan3A_479 : i32 to index
        %swap3A_566 = arith.constant 32 : index
        %swap3A_567 = tpu.vector_load %arg18[%swap3A_565, %swap3A_566] {strides = array<i32>} : memref<80x80xf32, #tpu.memory_space<vmem>>, vector<16xf32>,
        tpu.vector_store %arg18[%swap3A_565, %swap3A_566], %mul3A_564 {strides = array<i32>} : memref<80x80xf32, #tpu.memory_space<vmem>>, vector<16xf32>,
        %mul3A_568 = arith.mulf %mul3A_545, %exp3A_555 : vector<16xf32>
        %swap3A_569 = arith.index_cast %scan3A_479 : i32 to index
        %swap3A_570 = arith.constant 48 : index
        %swap3A_571 = tpu.vector_load %arg18[%swap3A_569, %swap3A_570] {strides = array<i32>} : memref<80x80xf32, #tpu.memory_space<vmem>>, vector<16xf32>,
        tpu.vector_store %arg18[%swap3A_569, %swap3A_570], %mul3A_568 {strides = array<i32>} : memref<80x80xf32, #tpu.memory_space<vmem>>, vector<16xf32>,
        %eq3A_572 = arith.constant 0 : i32
        %eq3A_573 = vector.broadcast %eq3A_572 : i32 to vector<16xi32>
        %eq3A_574 = arith.cmpi eq, %iota3A, %eq3A_573 : vector<16xi32>
        %jit3A_575 = arith.constant 0.000000e+00 : f32
        %broadcast_in_dim3A_576 = vector.broadcast %jit3A_575 : f32 to vector<16xf32>
        %select_n3A_577 = arith.select %eq3A_574, %exp3A_555, %broadcast_in_dim3A_576 : vector<16xi1>, vector<16xf32>
        %swap3A_578 = arith.index_cast %scan3A_479 : i32 to index
        %swap3A_579 = arith.constant 64 : index
        %swap3A_580 = tpu.vector_load %arg18[%swap3A_578, %swap3A_579] {strides = array<i32>} : memref<80x80xf32, #tpu.memory_space<vmem>>, vector<16xf32>,
        tpu.vector_store %arg18[%swap3A_578, %swap3A_579], %select_n3A_577 {strides = array<i32>} : memref<80x80xf32, #tpu.memory_space<vmem>>, vector<16xf32>,
      }
      %scan3A_258 = arith.constant 80 : i32
      "tpu.region"() ({
        %run_scoped3A = tpu.sem_alloc : memref<!tpu.dma_semaphore, #tpu.memory_space<semaphore_mem>>
        %dma_start3A_382 = arith.constant 0 : i32
        %dma_start3A_383 = arith.constant 0 : i32
        %dma_start3A_384 = tpu.memref_slice %arg27[%dma_start3A_382, %dma_start3A_383] : memref<10240x80xf32, #tpu.memory_space<vmem_shared>> -> memref<10240x80xf32, #tpu.memory_space<vmem_shared>>
        tpu.enqueue_indirect_dma source(%arg18 : memref<80x80xf32, #tpu.memory_space<vmem>>) target(%dma_start3A_384 : memref<10240x80xf32, #tpu.memory_space<vmem_shared>>) offsets(%arg13 : memref<80xi32, #tpu.memory_space<vmem>>) semaphore(%run_scoped3A : memref<!tpu.dma_semaphore, #tpu.memory_space<semaphore_mem>>) {add = true}
        %dma_wait3A_385 = arith.constant 0 : i32
        %dma_wait3A_386 = arith.constant 0 : i32
        %dma_wait3A_387 = tpu.memref_slice %arg27[%dma_wait3A_385, %dma_wait3A_386] : memref<10240x80xf32, #tpu.memory_space<vmem_shared>> -> memref<10240x80xf32, #tpu.memory_space<vmem_shared>>
        tpu.wait_indirect_dma semaphore(%run_scoped3A : memref<!tpu.dma_semaphore, #tpu.memory_space<semaphore_mem>>) src(%arg18 : memref<80x80xf32, #tpu.memory_space<vmem>>) dst(%dma_wait3A_387 : memref<10240x80xf32, #tpu.memory_space<vmem_shared>>)
        tpu.yield
      }) : () -> ()
      %mul3A_259 = arith.constant 2 : i32
      %mul3A_260 = arith.muli %mul3A_259, %scan3A_135 : i32
      %add3A_261 = arith.constant 2 : i32
      %add3A_262 = arith.addi %mul3A_260, %add3A_261 : i32
      %min3A_263 = arith.constant 249 : i32
      %min3A_264 = arith.minsi %add3A_262, %min3A_263 : i32
      %mul3A_265 = arith.constant 80 : i32
      %mul3A_266 = arith.muli %min3A_264, %mul3A_265 : i32
      %add3A_267 = arith.constant 0 : i32
      %add3A_268 = arith.addi %mul3A_266, %add3A_267 : i32
      %get3A_269 = arith.index_cast %add3A_268 : i32 to index
      %get3A_270 = tpu.vector_load %arg10[%get3A_269] {strides = array<i32>} : memref<20000xi32, #tpu.memory_space<vmem>>, vector<16xi32>,
      %add3A_271 = vector.broadcast %mul3A_4 : i32 to vector<16xi32>
      %add3A_272 = arith.addi %get3A_270, %add3A_271 : vector<16xi32>
      %swap3A_273 = arith.constant 0 : index
      %swap3A_274 = tpu.vector_load %arg12[%swap3A_273] {strides = array<i32>} : memref<80xi32, #tpu.memory_space<vmem>>, vector<16xi32>,
      tpu.vector_store %arg12[%swap3A_273], %add3A_272 {strides = array<i32>} : memref<80xi32, #tpu.memory_space<vmem>>, vector<16xi32>,
      %swap3A_275 = arith.constant 0 : index
      %swap3A_276 = tpu.vector_load %arg13[%swap3A_275] {strides = array<i32>} : memref<80xi32, #tpu.memory_space<vmem>>, vector<16xi32>,
      tpu.vector_store %arg13[%swap3A_275], %get3A_270 {strides = array<i32>} : memref<80xi32, #tpu.memory_space<vmem>>, vector<16xi32>,
      %add3A_277 = arith.constant 16 : i32
      %add3A_278 = arith.addi %mul3A_266, %add3A_277 : i32
      %get3A_279 = arith.index_cast %add3A_278 : i32 to index
      %get3A_280 = tpu.vector_load %arg10[%get3A_279] {strides = array<i32>} : memref<20000xi32, #tpu.memory_space<vmem>>, vector<16xi32>,
      %add3A_281 = vector.broadcast %mul3A_4 : i32 to vector<16xi32>
      %add3A_282 = arith.addi %get3A_280, %add3A_281 : vector<16xi32>
      %swap3A_283 = arith.constant 16 : index
      %swap3A_284 = tpu.vector_load %arg12[%swap3A_283] {strides = array<i32>} : memref<80xi32, #tpu.memory_space<vmem>>, vector<16xi32>,
      tpu.vector_store %arg12[%swap3A_283], %add3A_282 {strides = array<i32>} : memref<80xi32, #tpu.memory_space<vmem>>, vector<16xi32>,
      %swap3A_285 = arith.constant 16 : index
      %swap3A_286 = tpu.vector_load %arg13[%swap3A_285] {strides = array<i32>} : memref<80xi32, #tpu.memory_space<vmem>>, vector<16xi32>,
      tpu.vector_store %arg13[%swap3A_285], %get3A_280 {strides = array<i32>} : memref<80xi32, #tpu.memory_space<vmem>>, vector<16xi32>,
      %add3A_287 = arith.constant 32 : i32
      %add3A_288 = arith.addi %mul3A_266, %add3A_287 : i32
      %get3A_289 = arith.index_cast %add3A_288 : i32 to index
      %get3A_290 = tpu.vector_load %arg10[%get3A_289] {strides = array<i32>} : memref<20000xi32, #tpu.memory_space<vmem>>, vector<16xi32>,
      %add3A_291 = vector.broadcast %mul3A_4 : i32 to vector<16xi32>
      %add3A_292 = arith.addi %get3A_290, %add3A_291 : vector<16xi32>
      %swap3A_293 = arith.constant 32 : index
      %swap3A_294 = tpu.vector_load %arg12[%swap3A_293] {strides = array<i32>} : memref<80xi32, #tpu.memory_space<vmem>>, vector<16xi32>,
      tpu.vector_store %arg12[%swap3A_293], %add3A_292 {strides = array<i32>} : memref<80xi32, #tpu.memory_space<vmem>>, vector<16xi32>,
      %swap3A_295 = arith.constant 32 : index
      %swap3A_296 = tpu.vector_load %arg13[%swap3A_295] {strides = array<i32>} : memref<80xi32, #tpu.memory_space<vmem>>, vector<16xi32>,
      tpu.vector_store %arg13[%swap3A_295], %get3A_290 {strides = array<i32>} : memref<80xi32, #tpu.memory_space<vmem>>, vector<16xi32>,
      %add3A_297 = arith.constant 48 : i32
      %add3A_298 = arith.addi %mul3A_266, %add3A_297 : i32
      %get3A_299 = arith.index_cast %add3A_298 : i32 to index
      %get3A_300 = tpu.vector_load %arg10[%get3A_299] {strides = array<i32>} : memref<20000xi32, #tpu.memory_space<vmem>>, vector<16xi32>,
      %add3A_301 = vector.broadcast %mul3A_4 : i32 to vector<16xi32>
      %add3A_302 = arith.addi %get3A_300, %add3A_301 : vector<16xi32>
      %swap3A_303 = arith.constant 48 : index
      %swap3A_304 = tpu.vector_load %arg12[%swap3A_303] {strides = array<i32>} : memref<80xi32, #tpu.memory_space<vmem>>, vector<16xi32>,
      tpu.vector_store %arg12[%swap3A_303], %add3A_302 {strides = array<i32>} : memref<80xi32, #tpu.memory_space<vmem>>, vector<16xi32>,
      %swap3A_305 = arith.constant 48 : index
      %swap3A_306 = tpu.vector_load %arg13[%swap3A_305] {strides = array<i32>} : memref<80xi32, #tpu.memory_space<vmem>>, vector<16xi32>,
      tpu.vector_store %arg13[%swap3A_305], %get3A_300 {strides = array<i32>} : memref<80xi32, #tpu.memory_space<vmem>>, vector<16xi32>,
      %add3A_307 = arith.constant 64 : i32
      %add3A_308 = arith.addi %mul3A_266, %add3A_307 : i32
      %get3A_309 = arith.index_cast %add3A_308 : i32 to index
      %get3A_310 = tpu.vector_load %arg10[%get3A_309] {strides = array<i32>} : memref<20000xi32, #tpu.memory_space<vmem>>, vector<16xi32>,
      %add3A_311 = vector.broadcast %mul3A_4 : i32 to vector<16xi32>
      %add3A_312 = arith.addi %get3A_310, %add3A_311 : vector<16xi32>
      %swap3A_313 = arith.constant 64 : index
      %swap3A_314 = tpu.vector_load %arg12[%swap3A_313] {strides = array<i32>} : memref<80xi32, #tpu.memory_space<vmem>>, vector<16xi32>,
      tpu.vector_store %arg12[%swap3A_313], %add3A_312 {strides = array<i32>} : memref<80xi32, #tpu.memory_space<vmem>>, vector<16xi32>,
      %swap3A_315 = arith.constant 64 : index
      %swap3A_316 = tpu.vector_load %arg13[%swap3A_315] {strides = array<i32>} : memref<80xi32, #tpu.memory_space<vmem>>, vector<16xi32>,
      tpu.vector_store %arg13[%swap3A_315], %get3A_310 {strides = array<i32>} : memref<80xi32, #tpu.memory_space<vmem>>, vector<16xi32>,
      %dma_wait3A_317 = arith.constant 0 : i32
      %dma_wait3A_318 = tpu.memref_slice %arg6[%arg0, %dma_wait3A_317] : memref<2x320000xi32, #tpu.memory_space<hbm>> -> memref<1x80xi32, #tpu.memory_space<hbm>>
      %dma_wait3A_319 = tpu.memref_squeeze %dma_wait3A_318 : memref<1x80xi32, #tpu.memory_space<hbm>> -> memref<80xi32, #tpu.memory_space<hbm>>
      %dma_wait3A_320 = arith.constant 0 : i32
      %dma_wait3A_321 = tpu.memref_slice %arg6[%arg0, %dma_wait3A_320] : memref<2x320000xi32, #tpu.memory_space<hbm>> -> memref<1x80xi32, #tpu.memory_space<hbm>>
      %dma_wait3A_322 = tpu.memref_squeeze %dma_wait3A_321 : memref<1x80xi32, #tpu.memory_space<hbm>> -> memref<80xi32, #tpu.memory_space<hbm>>
      tpu.wait_dma2 semaphore(%arg30 : memref<!tpu.dma_semaphore, #tpu.memory_space<semaphore_mem>>) src(%dma_wait3A_322 : memref<80xi32, #tpu.memory_space<hbm>>) dst(%arg11 : memref<80xi32, #tpu.memory_space<vmem>>)
      %dma_start3A_323 = arith.constant 0 : i32
      %dma_start3A_324 = arith.constant 0 : i32
      %dma_start3A_325 = tpu.memref_slice %arg2[%dma_start3A_323, %dma_start3A_324] : memref<20000x64xf32, #tpu.memory_space<hbm>> -> memref<20000x64xf32, #tpu.memory_space<hbm>>
      tpu.enqueue_indirect_dma source(%dma_start3A_325 : memref<20000x64xf32, #tpu.memory_space<hbm>>) target(%arg14 : memref<80x64xf32, #tpu.memory_space<vmem>>) offsets(%arg12 : memref<80xi32, #tpu.memory_space<vmem>>) semaphore(%arg28 : memref<!tpu.dma_semaphore, #tpu.memory_space<semaphore_mem>>)
      %dma_start3A_326 = arith.constant 0 : i32
      %dma_start3A_327 = arith.constant 0 : i32
      %dma_start3A_328 = tpu.memref_slice %arg3[%dma_start3A_326, %dma_start3A_327] : memref<20000x64xf32, #tpu.memory_space<hbm>> -> memref<20000x64xf32, #tpu.memory_space<hbm>>
      tpu.enqueue_indirect_dma source(%dma_start3A_328 : memref<20000x64xf32, #tpu.memory_space<hbm>>) target(%arg15 : memref<80x64xf32, #tpu.memory_space<vmem>>) offsets(%arg11 : memref<80xi32, #tpu.memory_space<vmem>>) semaphore(%arg28 : memref<!tpu.dma_semaphore, #tpu.memory_space<semaphore_mem>>)
      %dma_start3A_329 = arith.constant 0 : i32
      %dma_start3A_330 = arith.constant 0 : i32
      %dma_start3A_331 = tpu.memref_slice %arg4[%dma_start3A_329, %dma_start3A_330] : memref<20000x64xf32, #tpu.memory_space<hbm>> -> memref<20000x64xf32, #tpu.memory_space<hbm>>
      tpu.enqueue_indirect_dma source(%dma_start3A_331 : memref<20000x64xf32, #tpu.memory_space<hbm>>) target(%arg16 : memref<80x64xf32, #tpu.memory_space<vmem>>) offsets(%arg11 : memref<80xi32, #tpu.memory_space<vmem>>) semaphore(%arg28 : memref<!tpu.dma_semaphore, #tpu.memory_space<semaphore_mem>>)
      %mul3A_332 = arith.constant 320000 : i32
      %mul3A_333 = arith.muli %arg0, %mul3A_332 : i32
      %mul3A_334 = arith.constant 20000 : i32
      %mul3A_335 = arith.muli %arg1, %mul3A_334 : i32
      %add3A_336 = arith.addi %mul3A_333, %mul3A_335 : i32
      %multiple_of3A_337 = tpu.assume_multiple %add3A_336, 8 : i32
      %mul3A_338 = arith.constant 80 : i32
      %mul3A_339 = arith.muli %min3A_264, %mul3A_338 : i32
      %add3A_340 = arith.addi %multiple_of3A_337, %mul3A_339 : i32
      %dma_start3A_341 = arith.constant 0 : i32
      %dma_start3A_342 = tpu.memref_slice %arg5[%add3A_340, %dma_start3A_341] : memref<640000x64xf32, #tpu.memory_space<hbm>> -> memref<80x64xf32, #tpu.memory_space<hbm>>
      %dma_start3A_343 = arith.constant 0 : i32
      %dma_start3A_344 = tpu.memref_slice %arg5[%add3A_340, %dma_start3A_343] : memref<640000x64xf32, #tpu.memory_space<hbm>> -> memref<80x64xf32, #tpu.memory_space<hbm>>
      tpu.enqueue_dma source(%dma_start3A_344 : memref<80x64xf32, #tpu.memory_space<hbm>>) target(%arg17 : memref<80x64xf32, #tpu.memory_space<vmem>>) target_semaphore(%arg28 : memref<!tpu.dma_semaphore, #tpu.memory_space<semaphore_mem>>)
      %dma_wait3A_345 = arith.constant 0 : i32
      %dma_wait3A_346 = arith.constant 0 : i32
      %dma_wait3A_347 = tpu.memref_slice %arg2[%dma_wait3A_345, %dma_wait3A_346] : memref<20000x64xf32, #tpu.memory_space<hbm>> -> memref<20000x64xf32, #tpu.memory_space<hbm>>
      tpu.wait_indirect_dma semaphore(%arg29 : memref<!tpu.dma_semaphore, #tpu.memory_space<semaphore_mem>>) src(%dma_wait3A_347 : memref<20000x64xf32, #tpu.memory_space<hbm>>) dst(%arg22 : memref<80x64xf32, #tpu.memory_space<vmem>>)
      %dma_wait3A_348 = arith.constant 0 : i32
      %dma_wait3A_349 = arith.constant 0 : i32
      %dma_wait3A_350 = tpu.memref_slice %arg3[%dma_wait3A_348, %dma_wait3A_349] : memref<20000x64xf32, #tpu.memory_space<hbm>> -> memref<20000x64xf32, #tpu.memory_space<hbm>>
      tpu.wait_indirect_dma semaphore(%arg29 : memref<!tpu.dma_semaphore, #tpu.memory_space<semaphore_mem>>) src(%dma_wait3A_350 : memref<20000x64xf32, #tpu.memory_space<hbm>>) dst(%arg23 : memref<80x64xf32, #tpu.memory_space<vmem>>)
      %dma_wait3A_351 = arith.constant 0 : i32
      %dma_wait3A_352 = arith.constant 0 : i32
      %dma_wait3A_353 = tpu.memref_slice %arg4[%dma_wait3A_351, %dma_wait3A_352] : memref<20000x64xf32, #tpu.memory_space<hbm>> -> memref<20000x64xf32, #tpu.memory_space<hbm>>
      tpu.wait_indirect_dma semaphore(%arg29 : memref<!tpu.dma_semaphore, #tpu.memory_space<semaphore_mem>>) src(%dma_wait3A_353 : memref<20000x64xf32, #tpu.memory_space<hbm>>) dst(%arg24 : memref<80x64xf32, #tpu.memory_space<vmem>>)
      %dma_wait3A_354 = arith.constant 0 : i32
      %dma_wait3A_355 = arith.constant 0 : i32
      %dma_wait3A_356 = tpu.memref_slice %arg5[%dma_wait3A_354, %dma_wait3A_355] : memref<640000x64xf32, #tpu.memory_space<hbm>> -> memref<80x64xf32, #tpu.memory_space<hbm>>
      %dma_wait3A_357 = arith.constant 0 : i32
      %dma_wait3A_358 = arith.constant 0 : i32
      %dma_wait3A_359 = tpu.memref_slice %arg5[%dma_wait3A_357, %dma_wait3A_358] : memref<640000x64xf32, #tpu.memory_space<hbm>> -> memref<80x64xf32, #tpu.memory_space<hbm>>
      tpu.wait_dma2 semaphore(%arg29 : memref<!tpu.dma_semaphore, #tpu.memory_space<semaphore_mem>>) src(%dma_wait3A_359 : memref<80x64xf32, #tpu.memory_space<hbm>>) dst(%arg25 : memref<80x64xf32, #tpu.memory_space<vmem>>)
      %mul3A_360 = arith.constant 2 : i32
      %mul3A_361 = arith.muli %mul3A_360, %scan3A_135 : i32
      %add3A_362 = arith.constant 3 : i32
      %add3A_363 = arith.addi %mul3A_361, %add3A_362 : i32
      %min3A_364 = arith.constant 249 : i32
      %min3A_365 = arith.minsi %add3A_363, %min3A_364 : i32
      %mul3A_366 = arith.constant 20000 : i32
      %mul3A_367 = arith.muli %arg1, %mul3A_366 : i32
      %multiple_of3A_368 = tpu.assume_multiple %mul3A_367, 8 : i32
      %mul3A_369 = arith.constant 80 : i32
      %mul3A_370 = arith.muli %min3A_365, %mul3A_369 : i32
      %add3A_371 = arith.addi %multiple_of3A_368, %mul3A_370 : i32
      %dma_start3A_372 = tpu.memref_slice %arg6[%arg0, %add3A_371] : memref<2x320000xi32, #tpu.memory_space<hbm>> -> memref<1x80xi32, #tpu.memory_space<hbm>>
      %dma_start3A_373 = tpu.memref_squeeze %dma_start3A_372 : memref<1x80xi32, #tpu.memory_space<hbm>> -> memref<80xi32, #tpu.memory_space<hbm>>
      %dma_start3A_374 = tpu.memref_slice %arg6[%arg0, %add3A_371] : memref<2x320000xi32, #tpu.memory_space<hbm>> -> memref<1x80xi32, #tpu.memory_space<hbm>>
      %dma_start3A_375 = tpu.memref_squeeze %dma_start3A_374 : memref<1x80xi32, #tpu.memory_space<hbm>> -> memref<80xi32, #tpu.memory_space<hbm>>
      tpu.enqueue_dma source(%dma_start3A_375 : memref<80xi32, #tpu.memory_space<hbm>>) target(%arg19 : memref<80xi32, #tpu.memory_space<vmem>>) target_semaphore(%arg31 : memref<!tpu.dma_semaphore, #tpu.memory_space<semaphore_mem>>)
      %scan3A_376 = arith.constant 0 : i32
      %scan3A_377 = arith.constant 0 : i32
      %scan3A_378 = arith.constant 80 : i32
      %scan3A_379 = arith.addi %scan3A_377, %scan3A_378 : i32
      %scan3A_380 = arith.constant 2 : i32
      scf.for %scan3A_382 = %scan3A_377 to %scan3A_379 step %scan3A_380  : i32 {
        %broadcast_in_dim3A = arith.constant 0.000000e+00 : f32
        %broadcast_in_dim3A_383 = vector.broadcast %broadcast_in_dim3A : f32 to vector<16xf32>
        %get3A_384 = arith.index_cast %scan3A_382 : i32 to index
        %get3A_385 = arith.constant 0 : index
        %get3A_386 = tpu.vector_load %arg25[%get3A_384, %get3A_385] {strides = array<i32>} : memref<80x64xf32, #tpu.memory_space<vmem>>, vector<16xf32>,
        %get3A_387 = arith.index_cast %scan3A_382 : i32 to index
        %get3A_388 = arith.constant 0 : index
        %get3A_389 = tpu.vector_load %arg22[%get3A_387, %get3A_388] {strides = array<i32>} : memref<80x64xf32, #tpu.memory_space<vmem>>, vector<16xf32>,
        %get3A_390 = arith.index_cast %scan3A_382 : i32 to index
        %get3A_391 = arith.constant 0 : index
        %get3A_392 = tpu.vector_load %arg23[%get3A_390, %get3A_391] {strides = array<i32>} : memref<80x64xf32, #tpu.memory_space<vmem>>, vector<16xf32>,
        %mul3A_393 = arith.mulf %get3A_392, %get3A_386 : vector<16xf32>
        %mul3A_394 = arith.mulf %get3A_389, %mul3A_393 : vector<16xf32>
        %add3A_395 = arith.addf %broadcast_in_dim3A_383, %mul3A_394 : vector<16xf32>
        %get3A_396 = arith.index_cast %scan3A_382 : i32 to index
        %get3A_397 = arith.constant 0 : index
        %get3A_398 = tpu.vector_load %arg24[%get3A_396, %get3A_397] {strides = array<i32>} : memref<80x64xf32, #tpu.memory_space<vmem>>, vector<16xf32>,
        %mul3A_399 = arith.mulf %get3A_398, %get3A_386 : vector<16xf32>
        %get3A_400 = arith.index_cast %scan3A_382 : i32 to index
        %get3A_401 = arith.constant 16 : index
        %get3A_402 = tpu.vector_load %arg25[%get3A_400, %get3A_401] {strides = array<i32>} : memref<80x64xf32, #tpu.memory_space<vmem>>, vector<16xf32>,
        %get3A_403 = arith.index_cast %scan3A_382 : i32 to index
        %get3A_404 = arith.constant 16 : index
        %get3A_405 = tpu.vector_load %arg22[%get3A_403, %get3A_404] {strides = array<i32>} : memref<80x64xf32, #tpu.memory_space<vmem>>, vector<16xf32>,
        %get3A_406 = arith.index_cast %scan3A_382 : i32 to index
        %get3A_407 = arith.constant 16 : index
        %get3A_408 = tpu.vector_load %arg23[%get3A_406, %get3A_407] {strides = array<i32>} : memref<80x64xf32, #tpu.memory_space<vmem>>, vector<16xf32>,
        %mul3A_409 = arith.mulf %get3A_408, %get3A_402 : vector<16xf32>
        %mul3A_410 = arith.mulf %get3A_405, %mul3A_409 : vector<16xf32>
        %add3A_411 = arith.addf %add3A_395, %mul3A_410 : vector<16xf32>
        %get3A_412 = arith.index_cast %scan3A_382 : i32 to index
        %get3A_413 = arith.constant 16 : index
        %get3A_414 = tpu.vector_load %arg24[%get3A_412, %get3A_413] {strides = array<i32>} : memref<80x64xf32, #tpu.memory_space<vmem>>, vector<16xf32>,
        %mul3A_415 = arith.mulf %get3A_414, %get3A_402 : vector<16xf32>
        %get3A_416 = arith.index_cast %scan3A_382 : i32 to index
        %get3A_417 = arith.constant 32 : index
        %get3A_418 = tpu.vector_load %arg25[%get3A_416, %get3A_417] {strides = array<i32>} : memref<80x64xf32, #tpu.memory_space<vmem>>, vector<16xf32>,
        %get3A_419 = arith.index_cast %scan3A_382 : i32 to index
        %get3A_420 = arith.constant 32 : index
        %get3A_421 = tpu.vector_load %arg22[%get3A_419, %get3A_420] {strides = array<i32>} : memref<80x64xf32, #tpu.memory_space<vmem>>, vector<16xf32>,
        %get3A_422 = arith.index_cast %scan3A_382 : i32 to index
        %get3A_423 = arith.constant 32 : index
        %get3A_424 = tpu.vector_load %arg23[%get3A_422, %get3A_423] {strides = array<i32>} : memref<80x64xf32, #tpu.memory_space<vmem>>, vector<16xf32>,
        %mul3A_425 = arith.mulf %get3A_424, %get3A_418 : vector<16xf32>
        %mul3A_426 = arith.mulf %get3A_421, %mul3A_425 : vector<16xf32>
        %add3A_427 = arith.addf %add3A_411, %mul3A_426 : vector<16xf32>
        %get3A_428 = arith.index_cast %scan3A_382 : i32 to index
        %get3A_429 = arith.constant 32 : index
        %get3A_430 = tpu.vector_load %arg24[%get3A_428, %get3A_429] {strides = array<i32>} : memref<80x64xf32, #tpu.memory_space<vmem>>, vector<16xf32>,
        %mul3A_431 = arith.mulf %get3A_430, %get3A_418 : vector<16xf32>
        %get3A_432 = arith.index_cast %scan3A_382 : i32 to index
        %get3A_433 = arith.constant 48 : index
        %get3A_434 = tpu.vector_load %arg25[%get3A_432, %get3A_433] {strides = array<i32>} : memref<80x64xf32, #tpu.memory_space<vmem>>, vector<16xf32>,
        %get3A_435 = arith.index_cast %scan3A_382 : i32 to index
        %get3A_436 = arith.constant 48 : index
        %get3A_437 = tpu.vector_load %arg22[%get3A_435, %get3A_436] {strides = array<i32>} : memref<80x64xf32, #tpu.memory_space<vmem>>, vector<16xf32>,
        %get3A_438 = arith.index_cast %scan3A_382 : i32 to index
        %get3A_439 = arith.constant 48 : index
        %get3A_440 = tpu.vector_load %arg23[%get3A_438, %get3A_439] {strides = array<i32>} : memref<80x64xf32, #tpu.memory_space<vmem>>, vector<16xf32>,
        %mul3A_441 = arith.mulf %get3A_440, %get3A_434 : vector<16xf32>
        %mul3A_442 = arith.mulf %get3A_437, %mul3A_441 : vector<16xf32>
        %add3A_443 = arith.addf %add3A_427, %mul3A_442 : vector<16xf32>
        %get3A_444 = arith.index_cast %scan3A_382 : i32 to index
        %get3A_445 = arith.constant 48 : index
        %get3A_446 = tpu.vector_load %arg24[%get3A_444, %get3A_445] {strides = array<i32>} : memref<80x64xf32, #tpu.memory_space<vmem>>, vector<16xf32>,
        %mul3A_447 = arith.mulf %get3A_446, %get3A_434 : vector<16xf32>
        %reduce_sum3A = arith.constant true
        %reduce_sum3A_448 = vector.broadcast %reduce_sum3A : i1 to vector<16xi1>
        %reduce_sum3A_449 = tpu.scan <sum>, %add3A_443 masked %reduce_sum3A_448 : vector<16xf32>, vector<16xi1> -> vector<16xf32>
        %reduce_sum3A_450 = vector.extract %reduce_sum3A_449[15] : f32 from vector<16xf32>
        %mul3A_451 = arith.constant 1.250000e-01 : f32
        %mul3A_452 = arith.mulf %reduce_sum3A_450, %mul3A_451 : f32
        %min3A_453 = arith.constant 7.500000e+01 : f32
        %min3A_454 = arith.minimumf %mul3A_452, %min3A_453 : f32
        %broadcast_in_dim3A_455 = vector.broadcast %min3A_454 : f32 to vector<16xf32>
        %exp3A = math.exp %broadcast_in_dim3A_455 : vector<16xf32>
        %mul3A_456 = arith.mulf %mul3A_399, %exp3A : vector<16xf32>
        %swap3A_457 = arith.index_cast %scan3A_382 : i32 to index
        %swap3A_458 = arith.constant 0 : index
        %swap3A_459 = tpu.vector_load %arg26[%swap3A_457, %swap3A_458] {strides = array<i32>} : memref<80x80xf32, #tpu.memory_space<vmem>>, vector<16xf32>,
        tpu.vector_store %arg26[%swap3A_457, %swap3A_458], %mul3A_456 {strides = array<i32>} : memref<80x80xf32, #tpu.memory_space<vmem>>, vector<16xf32>,
        %mul3A_460 = arith.mulf %mul3A_415, %exp3A : vector<16xf32>
        %swap3A_461 = arith.index_cast %scan3A_382 : i32 to index
        %swap3A_462 = arith.constant 16 : index
        %swap3A_463 = tpu.vector_load %arg26[%swap3A_461, %swap3A_462] {strides = array<i32>} : memref<80x80xf32, #tpu.memory_space<vmem>>, vector<16xf32>,
        tpu.vector_store %arg26[%swap3A_461, %swap3A_462], %mul3A_460 {strides = array<i32>} : memref<80x80xf32, #tpu.memory_space<vmem>>, vector<16xf32>,
        %mul3A_464 = arith.mulf %mul3A_431, %exp3A : vector<16xf32>
        %swap3A_465 = arith.index_cast %scan3A_382 : i32 to index
        %swap3A_466 = arith.constant 32 : index
        %swap3A_467 = tpu.vector_load %arg26[%swap3A_465, %swap3A_466] {strides = array<i32>} : memref<80x80xf32, #tpu.memory_space<vmem>>, vector<16xf32>,
        tpu.vector_store %arg26[%swap3A_465, %swap3A_466], %mul3A_464 {strides = array<i32>} : memref<80x80xf32, #tpu.memory_space<vmem>>, vector<16xf32>,
        %mul3A_468 = arith.mulf %mul3A_447, %exp3A : vector<16xf32>
        %swap3A_469 = arith.index_cast %scan3A_382 : i32 to index
        %swap3A_470 = arith.constant 48 : index
        %swap3A_471 = tpu.vector_load %arg26[%swap3A_469, %swap3A_470] {strides = array<i32>} : memref<80x80xf32, #tpu.memory_space<vmem>>, vector<16xf32>,
        tpu.vector_store %arg26[%swap3A_469, %swap3A_470], %mul3A_468 {strides = array<i32>} : memref<80x80xf32, #tpu.memory_space<vmem>>, vector<16xf32>,
        %eq3A = arith.constant 0 : i32
        %eq3A_472 = vector.broadcast %eq3A : i32 to vector<16xi32>
        %eq3A_473 = arith.cmpi eq, %iota3A, %eq3A_472 : vector<16xi32>
        %jit3A = arith.constant 0.000000e+00 : f32
        %broadcast_in_dim3A_474 = vector.broadcast %jit3A : f32 to vector<16xf32>
        %select_n3A = arith.select %eq3A_473, %exp3A, %broadcast_in_dim3A_474 : vector<16xi1>, vector<16xf32>
        %swap3A_475 = arith.index_cast %scan3A_382 : i32 to index
        %swap3A_476 = arith.constant 64 : index
        %swap3A_477 = tpu.vector_load %arg26[%swap3A_475, %swap3A_476] {strides = array<i32>} : memref<80x80xf32, #tpu.memory_space<vmem>>, vector<16xf32>,
        tpu.vector_store %arg26[%swap3A_475, %swap3A_476], %select_n3A {strides = array<i32>} : memref<80x80xf32, #tpu.memory_space<vmem>>, vector<16xf32>,
        %scan3A_478 = arith.constant 1 : i32
        %scan3A_479 = arith.addi %scan3A_382, %scan3A_478 : i32
        %broadcast_in_dim3A_480 = arith.constant 0.000000e+00 : f32
        %broadcast_in_dim3A_481 = vector.broadcast %broadcast_in_dim3A_480 : f32 to vector<16xf32>
        %get3A_482 = arith.index_cast %scan3A_479 : i32 to index
        %get3A_483 = arith.constant 0 : index
        %get3A_484 = tpu.vector_load %arg25[%get3A_482, %get3A_483] {strides = array<i32>} : memref<80x64xf32, #tpu.memory_space<vmem>>, vector<16xf32>,
        %get3A_485 = arith.index_cast %scan3A_479 : i32 to index
        %get3A_486 = arith.constant 0 : index
        %get3A_487 = tpu.vector_load %arg22[%get3A_485, %get3A_486] {strides = array<i32>} : memref<80x64xf32, #tpu.memory_space<vmem>>, vector<16xf32>,
        %get3A_488 = arith.index_cast %scan3A_479 : i32 to index
        %get3A_489 = arith.constant 0 : index
        %get3A_490 = tpu.vector_load %arg23[%get3A_488, %get3A_489] {strides = array<i32>} : memref<80x64xf32, #tpu.memory_space<vmem>>, vector<16xf32>,
        %mul3A_491 = arith.mulf %get3A_490, %get3A_484 : vector<16xf32>
        %mul3A_492 = arith.mulf %get3A_487, %mul3A_491 : vector<16xf32>
        %add3A_493 = arith.addf %broadcast_in_dim3A_481, %mul3A_492 : vector<16xf32>
        %get3A_494 = arith.index_cast %scan3A_479 : i32 to index
        %get3A_495 = arith.constant 0 : index
        %get3A_496 = tpu.vector_load %arg24[%get3A_494, %get3A_495] {strides = array<i32>} : memref<80x64xf32, #tpu.memory_space<vmem>>, vector<16xf32>,
        %mul3A_497 = arith.mulf %get3A_496, %get3A_484 : vector<16xf32>
        %get3A_498 = arith.index_cast %scan3A_479 : i32 to index
        %get3A_499 = arith.constant 16 : index
        %get3A_500 = tpu.vector_load %arg25[%get3A_498, %get3A_499] {strides = array<i32>} : memref<80x64xf32, #tpu.memory_space<vmem>>, vector<16xf32>,
        %get3A_501 = arith.index_cast %scan3A_479 : i32 to index
        %get3A_502 = arith.constant 16 : index
        %get3A_503 = tpu.vector_load %arg22[%get3A_501, %get3A_502] {strides = array<i32>} : memref<80x64xf32, #tpu.memory_space<vmem>>, vector<16xf32>,
        %get3A_504 = arith.index_cast %scan3A_479 : i32 to index
        %get3A_505 = arith.constant 16 : index
        %get3A_506 = tpu.vector_load %arg23[%get3A_504, %get3A_505] {strides = array<i32>} : memref<80x64xf32, #tpu.memory_space<vmem>>, vector<16xf32>,
        %mul3A_507 = arith.mulf %get3A_506, %get3A_500 : vector<16xf32>
        %mul3A_508 = arith.mulf %get3A_503, %mul3A_507 : vector<16xf32>
        %add3A_509 = arith.addf %add3A_493, %mul3A_508 : vector<16xf32>
        %get3A_510 = arith.index_cast %scan3A_479 : i32 to index
        %get3A_511 = arith.constant 16 : index
        %get3A_512 = tpu.vector_load %arg24[%get3A_510, %get3A_511] {strides = array<i32>} : memref<80x64xf32, #tpu.memory_space<vmem>>, vector<16xf32>,
        %mul3A_513 = arith.mulf %get3A_512, %get3A_500 : vector<16xf32>
        %get3A_514 = arith.index_cast %scan3A_479 : i32 to index
        %get3A_515 = arith.constant 32 : index
        %get3A_516 = tpu.vector_load %arg25[%get3A_514, %get3A_515] {strides = array<i32>} : memref<80x64xf32, #tpu.memory_space<vmem>>, vector<16xf32>,
        %get3A_517 = arith.index_cast %scan3A_479 : i32 to index
        %get3A_518 = arith.constant 32 : index
        %get3A_519 = tpu.vector_load %arg22[%get3A_517, %get3A_518] {strides = array<i32>} : memref<80x64xf32, #tpu.memory_space<vmem>>, vector<16xf32>,
        %get3A_520 = arith.index_cast %scan3A_479 : i32 to index
        %get3A_521 = arith.constant 32 : index
        %get3A_522 = tpu.vector_load %arg23[%get3A_520, %get3A_521] {strides = array<i32>} : memref<80x64xf32, #tpu.memory_space<vmem>>, vector<16xf32>,
        %mul3A_523 = arith.mulf %get3A_522, %get3A_516 : vector<16xf32>
        %mul3A_524 = arith.mulf %get3A_519, %mul3A_523 : vector<16xf32>
        %add3A_525 = arith.addf %add3A_509, %mul3A_524 : vector<16xf32>
        %get3A_526 = arith.index_cast %scan3A_479 : i32 to index
        %get3A_527 = arith.constant 32 : index
        %get3A_528 = tpu.vector_load %arg24[%get3A_526, %get3A_527] {strides = array<i32>} : memref<80x64xf32, #tpu.memory_space<vmem>>, vector<16xf32>,
        %mul3A_529 = arith.mulf %get3A_528, %get3A_516 : vector<16xf32>
        %get3A_530 = arith.index_cast %scan3A_479 : i32 to index
        %get3A_531 = arith.constant 48 : index
        %get3A_532 = tpu.vector_load %arg25[%get3A_530, %get3A_531] {strides = array<i32>} : memref<80x64xf32, #tpu.memory_space<vmem>>, vector<16xf32>,
        %get3A_533 = arith.index_cast %scan3A_479 : i32 to index
        %get3A_534 = arith.constant 48 : index
        %get3A_535 = tpu.vector_load %arg22[%get3A_533, %get3A_534] {strides = array<i32>} : memref<80x64xf32, #tpu.memory_space<vmem>>, vector<16xf32>,
        %get3A_536 = arith.index_cast %scan3A_479 : i32 to index
        %get3A_537 = arith.constant 48 : index
        %get3A_538 = tpu.vector_load %arg23[%get3A_536, %get3A_537] {strides = array<i32>} : memref<80x64xf32, #tpu.memory_space<vmem>>, vector<16xf32>,
        %mul3A_539 = arith.mulf %get3A_538, %get3A_532 : vector<16xf32>
        %mul3A_540 = arith.mulf %get3A_535, %mul3A_539 : vector<16xf32>
        %add3A_541 = arith.addf %add3A_525, %mul3A_540 : vector<16xf32>
        %get3A_542 = arith.index_cast %scan3A_479 : i32 to index
        %get3A_543 = arith.constant 48 : index
        %get3A_544 = tpu.vector_load %arg24[%get3A_542, %get3A_543] {strides = array<i32>} : memref<80x64xf32, #tpu.memory_space<vmem>>, vector<16xf32>,
        %mul3A_545 = arith.mulf %get3A_544, %get3A_532 : vector<16xf32>
        %reduce_sum3A_546 = arith.constant true
        %reduce_sum3A_547 = vector.broadcast %reduce_sum3A_546 : i1 to vector<16xi1>
        %reduce_sum3A_548 = tpu.scan <sum>, %add3A_541 masked %reduce_sum3A_547 : vector<16xf32>, vector<16xi1> -> vector<16xf32>
        %reduce_sum3A_549 = vector.extract %reduce_sum3A_548[15] : f32 from vector<16xf32>
        %mul3A_550 = arith.constant 1.250000e-01 : f32
        %mul3A_551 = arith.mulf %reduce_sum3A_549, %mul3A_550 : f32
        %min3A_552 = arith.constant 7.500000e+01 : f32
        %min3A_553 = arith.minimumf %mul3A_551, %min3A_552 : f32
        %broadcast_in_dim3A_554 = vector.broadcast %min3A_553 : f32 to vector<16xf32>
        %exp3A_555 = math.exp %broadcast_in_dim3A_554 : vector<16xf32>
        %mul3A_556 = arith.mulf %mul3A_497, %exp3A_555 : vector<16xf32>
        %swap3A_557 = arith.index_cast %scan3A_479 : i32 to index
        %swap3A_558 = arith.constant 0 : index
        %swap3A_559 = tpu.vector_load %arg26[%swap3A_557, %swap3A_558] {strides = array<i32>} : memref<80x80xf32, #tpu.memory_space<vmem>>, vector<16xf32>,
        tpu.vector_store %arg26[%swap3A_557, %swap3A_558], %mul3A_556 {strides = array<i32>} : memref<80x80xf32, #tpu.memory_space<vmem>>, vector<16xf32>,
        %mul3A_560 = arith.mulf %mul3A_513, %exp3A_555 : vector<16xf32>
        %swap3A_561 = arith.index_cast %scan3A_479 : i32 to index
        %swap3A_562 = arith.constant 16 : index
        %swap3A_563 = tpu.vector_load %arg26[%swap3A_561, %swap3A_562] {strides = array<i32>} : memref<80x80xf32, #tpu.memory_space<vmem>>, vector<16xf32>,
        tpu.vector_store %arg26[%swap3A_561, %swap3A_562], %mul3A_560 {strides = array<i32>} : memref<80x80xf32, #tpu.memory_space<vmem>>, vector<16xf32>,
        %mul3A_564 = arith.mulf %mul3A_529, %exp3A_555 : vector<16xf32>
        %swap3A_565 = arith.index_cast %scan3A_479 : i32 to index
        %swap3A_566 = arith.constant 32 : index
        %swap3A_567 = tpu.vector_load %arg26[%swap3A_565, %swap3A_566] {strides = array<i32>} : memref<80x80xf32, #tpu.memory_space<vmem>>, vector<16xf32>,
        tpu.vector_store %arg26[%swap3A_565, %swap3A_566], %mul3A_564 {strides = array<i32>} : memref<80x80xf32, #tpu.memory_space<vmem>>, vector<16xf32>,
        %mul3A_568 = arith.mulf %mul3A_545, %exp3A_555 : vector<16xf32>
        %swap3A_569 = arith.index_cast %scan3A_479 : i32 to index
        %swap3A_570 = arith.constant 48 : index
        %swap3A_571 = tpu.vector_load %arg26[%swap3A_569, %swap3A_570] {strides = array<i32>} : memref<80x80xf32, #tpu.memory_space<vmem>>, vector<16xf32>,
        tpu.vector_store %arg26[%swap3A_569, %swap3A_570], %mul3A_568 {strides = array<i32>} : memref<80x80xf32, #tpu.memory_space<vmem>>, vector<16xf32>,
        %eq3A_572 = arith.constant 0 : i32
        %eq3A_573 = vector.broadcast %eq3A_572 : i32 to vector<16xi32>
        %eq3A_574 = arith.cmpi eq, %iota3A, %eq3A_573 : vector<16xi32>
        %jit3A_575 = arith.constant 0.000000e+00 : f32
        %broadcast_in_dim3A_576 = vector.broadcast %jit3A_575 : f32 to vector<16xf32>
        %select_n3A_577 = arith.select %eq3A_574, %exp3A_555, %broadcast_in_dim3A_576 : vector<16xi1>, vector<16xf32>
        %swap3A_578 = arith.index_cast %scan3A_479 : i32 to index
        %swap3A_579 = arith.constant 64 : index
        %swap3A_580 = tpu.vector_load %arg26[%swap3A_578, %swap3A_579] {strides = array<i32>} : memref<80x80xf32, #tpu.memory_space<vmem>>, vector<16xf32>,
        tpu.vector_store %arg26[%swap3A_578, %swap3A_579], %select_n3A_577 {strides = array<i32>} : memref<80x80xf32, #tpu.memory_space<vmem>>, vector<16xf32>,
      }
      %scan3A_381 = arith.constant 80 : i32
      "tpu.region"() ({
        %run_scoped3A = tpu.sem_alloc : memref<!tpu.dma_semaphore, #tpu.memory_space<semaphore_mem>>
        %dma_start3A_382 = arith.constant 0 : i32
        %dma_start3A_383 = arith.constant 0 : i32
        %dma_start3A_384 = tpu.memref_slice %arg27[%dma_start3A_382, %dma_start3A_383] : memref<10240x80xf32, #tpu.memory_space<vmem_shared>> -> memref<10240x80xf32, #tpu.memory_space<vmem_shared>>
        tpu.enqueue_indirect_dma source(%arg26 : memref<80x80xf32, #tpu.memory_space<vmem>>) target(%dma_start3A_384 : memref<10240x80xf32, #tpu.memory_space<vmem_shared>>) offsets(%arg21 : memref<80xi32, #tpu.memory_space<vmem>>) semaphore(%run_scoped3A : memref<!tpu.dma_semaphore, #tpu.memory_space<semaphore_mem>>) {add = true}
        %dma_wait3A_385 = arith.constant 0 : i32
        %dma_wait3A_386 = arith.constant 0 : i32
        %dma_wait3A_387 = tpu.memref_slice %arg27[%dma_wait3A_385, %dma_wait3A_386] : memref<10240x80xf32, #tpu.memory_space<vmem_shared>> -> memref<10240x80xf32, #tpu.memory_space<vmem_shared>>
        tpu.wait_indirect_dma semaphore(%run_scoped3A : memref<!tpu.dma_semaphore, #tpu.memory_space<semaphore_mem>>) src(%arg26 : memref<80x80xf32, #tpu.memory_space<vmem>>) dst(%dma_wait3A_387 : memref<10240x80xf32, #tpu.memory_space<vmem_shared>>)
        tpu.yield
      }) : () -> ()
    }
    %scan3A_112 = arith.constant 125 : i32
    %dma_wait3A_113 = arith.constant 0 : i32
    %dma_wait3A_114 = arith.constant 0 : i32
    %dma_wait3A_115 = tpu.memref_slice %arg2[%dma_wait3A_113, %dma_wait3A_114] : memref<20000x64xf32, #tpu.memory_space<hbm>> -> memref<20000x64xf32, #tpu.memory_space<hbm>>
    tpu.wait_indirect_dma semaphore(%arg28 : memref<!tpu.dma_semaphore, #tpu.memory_space<semaphore_mem>>) src(%dma_wait3A_115 : memref<20000x64xf32, #tpu.memory_space<hbm>>) dst(%arg14 : memref<80x64xf32, #tpu.memory_space<vmem>>)
    %dma_wait3A_116 = arith.constant 0 : i32
    %dma_wait3A_117 = arith.constant 0 : i32
    %dma_wait3A_118 = tpu.memref_slice %arg3[%dma_wait3A_116, %dma_wait3A_117] : memref<20000x64xf32, #tpu.memory_space<hbm>> -> memref<20000x64xf32, #tpu.memory_space<hbm>>
    tpu.wait_indirect_dma semaphore(%arg28 : memref<!tpu.dma_semaphore, #tpu.memory_space<semaphore_mem>>) src(%dma_wait3A_118 : memref<20000x64xf32, #tpu.memory_space<hbm>>) dst(%arg15 : memref<80x64xf32, #tpu.memory_space<vmem>>)
    %dma_wait3A_119 = arith.constant 0 : i32
    %dma_wait3A_120 = arith.constant 0 : i32
    %dma_wait3A_121 = tpu.memref_slice %arg4[%dma_wait3A_119, %dma_wait3A_120] : memref<20000x64xf32, #tpu.memory_space<hbm>> -> memref<20000x64xf32, #tpu.memory_space<hbm>>
    tpu.wait_indirect_dma semaphore(%arg28 : memref<!tpu.dma_semaphore, #tpu.memory_space<semaphore_mem>>) src(%dma_wait3A_121 : memref<20000x64xf32, #tpu.memory_space<hbm>>) dst(%arg16 : memref<80x64xf32, #tpu.memory_space<vmem>>)
    %dma_wait3A_122 = arith.constant 0 : i32
    %dma_wait3A_123 = arith.constant 0 : i32
    %dma_wait3A_124 = tpu.memref_slice %arg5[%dma_wait3A_122, %dma_wait3A_123] : memref<640000x64xf32, #tpu.memory_space<hbm>> -> memref<80x64xf32, #tpu.memory_space<hbm>>
    %dma_wait3A_125 = arith.constant 0 : i32
    %dma_wait3A_126 = arith.constant 0 : i32
    %dma_wait3A_127 = tpu.memref_slice %arg5[%dma_wait3A_125, %dma_wait3A_126] : memref<640000x64xf32, #tpu.memory_space<hbm>> -> memref<80x64xf32, #tpu.memory_space<hbm>>
    tpu.wait_dma2 semaphore(%arg28 : memref<!tpu.dma_semaphore, #tpu.memory_space<semaphore_mem>>) src(%dma_wait3A_127 : memref<80x64xf32, #tpu.memory_space<hbm>>) dst(%arg17 : memref<80x64xf32, #tpu.memory_space<vmem>>)
    %dma_wait3A_128 = arith.constant 0 : i32
    %dma_wait3A_129 = tpu.memref_slice %arg6[%arg0, %dma_wait3A_128] : memref<2x320000xi32, #tpu.memory_space<hbm>> -> memref<1x80xi32, #tpu.memory_space<hbm>>
    %dma_wait3A_130 = tpu.memref_squeeze %dma_wait3A_129 : memref<1x80xi32, #tpu.memory_space<hbm>> -> memref<80xi32, #tpu.memory_space<hbm>>
    %dma_wait3A_131 = arith.constant 0 : i32
    %dma_wait3A_132 = tpu.memref_slice %arg6[%arg0, %dma_wait3A_131] : memref<2x320000xi32, #tpu.memory_space<hbm>> -> memref<1x80xi32, #tpu.memory_space<hbm>>
    %dma_wait3A_133 = tpu.memref_squeeze %dma_wait3A_132 : memref<1x80xi32, #tpu.memory_space<hbm>> -> memref<80xi32, #tpu.memory_space<hbm>>
    tpu.wait_dma2 semaphore(%arg31 : memref<!tpu.dma_semaphore, #tpu.memory_space<semaphore_mem>>) src(%dma_wait3A_133 : memref<80xi32, #tpu.memory_space<hbm>>) dst(%arg19 : memref<80xi32, #tpu.memory_space<vmem>>)
    %barrier3A_134 = arith.constant 0 : index
    tpu.barrier barrier_id(%barrier3A_134)
    "tpu.region"() ({
      %run_scoped3A = tpu.sem_alloc : memref<!tpu.dma_semaphore, #tpu.memory_space<semaphore_mem>>
      %dma_start3A_135 = arith.constant 0 : i32
      %dma_start3A_136 = tpu.memref_slice %arg9[%arg0, %mul3A_0, %dma_start3A_135] : memref<2x10240x80xf32, #tpu.memory_space<hbm>> -> memref<1x640x80xf32, #tpu.memory_space<hbm>>
      %dma_start3A_137 = tpu.memref_squeeze %dma_start3A_136 : memref<1x640x80xf32, #tpu.memory_space<hbm>> -> memref<640x80xf32, #tpu.memory_space<hbm>>
      %dma_start3A_138 = arith.constant 0 : i32
      %dma_start3A_139 = tpu.memref_slice %arg27[%mul3A_0, %dma_start3A_138] : memref<10240x80xf32, #tpu.memory_space<vmem_shared>> -> memref<640x80xf32, #tpu.memory_space<vmem_shared>>
      tpu.enqueue_dma source(%dma_start3A_139 : memref<640x80xf32, #tpu.memory_space<vmem_shared>>) target(%dma_start3A_137 : memref<640x80xf32, #tpu.memory_space<hbm>>) target_semaphore(%run_scoped3A : memref<!tpu.dma_semaphore, #tpu.memory_space<semaphore_mem>>)
      %dma_wait3A_140 = arith.constant 0 : i32
      %dma_wait3A_141 = tpu.memref_slice %arg9[%arg0, %mul3A_0, %dma_wait3A_140] : memref<2x10240x80xf32, #tpu.memory_space<hbm>> -> memref<1x640x80xf32, #tpu.memory_space<hbm>>
      %dma_wait3A_142 = tpu.memref_squeeze %dma_wait3A_141 : memref<1x640x80xf32, #tpu.memory_space<hbm>> -> memref<640x80xf32, #tpu.memory_space<hbm>>
      %dma_wait3A_143 = arith.constant 0 : i32
      %dma_wait3A_144 = tpu.memref_slice %arg27[%mul3A_0, %dma_wait3A_143] : memref<10240x80xf32, #tpu.memory_space<vmem_shared>> -> memref<640x80xf32, #tpu.memory_space<vmem_shared>>
      tpu.wait_dma2 semaphore(%run_scoped3A : memref<!tpu.dma_semaphore, #tpu.memory_space<semaphore_mem>>) src(%dma_wait3A_144 : memref<640x80xf32, #tpu.memory_space<vmem_shared>>) dst(%dma_wait3A_142 : memref<640x80xf32, #tpu.memory_space<hbm>>)
      tpu.yield
    }) : () -> ()
    return
  }
}

module attributes {stable_mosaic.version = 14 : i64} {
  func.func @_proj_body(%arg0: i32, %arg1: memref<1000x128xf32, #tpu.memory_space<vmem>>, %arg2: memref<128x128xf32, #tpu.memory_space<vmem>>, %arg3: memref<128x128xf32, #tpu.memory_space<vmem>>, %arg4: memref<128x128xf32, #tpu.memory_space<vmem>>, %arg5: memref<128x128xf32, #tpu.memory_space<vmem>>, %arg6: memref<2x1000x64xf32, #tpu.memory_space<vmem>>, %arg7: memref<2x1000x64xf32, #tpu.memory_space<vmem>>, %arg8: memref<2x1000x64xf32, #tpu.memory_space<vmem>>, %arg9: memref<1000x128xf32, #tpu.memory_space<vmem>>) attributes {dimension_semantics = [#tpu.dimension_semantics<arbitrary>], iteration_bounds = array<i64: 10>, scalar_prefetch = 0 : i64, scratch_operands = 0 : i64, tpu.core_type = #tpu.core_type<tc>, window_params = [{transform_indices = @transform_0, window_bounds = array<i64: 1000, 128>}, {pipeline_mode = #tpu.pipeline_mode<synchronous>, transform_indices = @transform_1, window_bounds = array<i64: 128, 128>}, {pipeline_mode = #tpu.pipeline_mode<synchronous>, transform_indices = @transform_2, window_bounds = array<i64: 128, 128>}, {pipeline_mode = #tpu.pipeline_mode<synchronous>, transform_indices = @transform_3, window_bounds = array<i64: 128, 128>}, {pipeline_mode = #tpu.pipeline_mode<synchronous>, transform_indices = @transform_4, window_bounds = array<i64: 128, 128>}, {transform_indices = @transform_5, window_bounds = array<i64: 2, 1000, 64>}, {transform_indices = @transform_6, window_bounds = array<i64: 2, 1000, 64>}, {transform_indices = @transform_7, window_bounds = array<i64: 2, 1000, 64>}, {transform_indices = @transform_8, window_bounds = array<i64: 1000, 128>}]} {
    %get3A = arith.constant 0 : index
    %get3A_0 = arith.constant 0 : index
    %get3A_1 = vector.load %arg1[%get3A, %get3A_0] : memref<1000x128xf32, #tpu.memory_space<vmem>>, vector<1000x128xf32>
    %get3A_2 = arith.constant 0 : index
    %get3A_3 = arith.constant 0 : index
    %get3A_4 = vector.load %arg2[%get3A_2, %get3A_3] : memref<128x128xf32, #tpu.memory_space<vmem>>, vector<128x128xf32>
    %dot_general3A = arith.constant dense<0.000000e+00> : vector<1000x128xf32>
    %dot_general3A_5 = tpu.matmul %get3A_1, %get3A_4, %dot_general3A {dimension_numbers = #tpu.dot_dimension_numbers<[1], [0], [0], [1], [0, 0, 1, 1], [], []>, precision = #tpu.contract_precision<fp32>, transpose_lhs_hint = false} : vector<1000x128xf32>, vector<128x128xf32>, vector<1000x128xf32> -> vector<1000x128xf32>
    %get3A_6 = arith.constant 0 : index
    %get3A_7 = arith.constant 0 : index
    %get3A_8 = vector.load %arg3[%get3A_6, %get3A_7] : memref<128x128xf32, #tpu.memory_space<vmem>>, vector<128x128xf32>
    %dot_general3A_9 = arith.constant dense<0.000000e+00> : vector<1000x128xf32>
    %dot_general3A_10 = tpu.matmul %get3A_1, %get3A_8, %dot_general3A_9 {dimension_numbers = #tpu.dot_dimension_numbers<[1], [0], [0], [1], [0, 0, 1, 1], [], []>, precision = #tpu.contract_precision<fp32>, transpose_lhs_hint = false} : vector<1000x128xf32>, vector<128x128xf32>, vector<1000x128xf32> -> vector<1000x128xf32>
    %get3A_11 = arith.constant 0 : index
    %get3A_12 = arith.constant 0 : index
    %get3A_13 = vector.load %arg4[%get3A_11, %get3A_12] : memref<128x128xf32, #tpu.memory_space<vmem>>, vector<128x128xf32>
    %dot_general3A_14 = arith.constant dense<0.000000e+00> : vector<1000x128xf32>
    %dot_general3A_15 = tpu.matmul %get3A_1, %get3A_13, %dot_general3A_14 {dimension_numbers = #tpu.dot_dimension_numbers<[1], [0], [0], [1], [0, 0, 1, 1], [], []>, precision = #tpu.contract_precision<fp32>, transpose_lhs_hint = false} : vector<1000x128xf32>, vector<128x128xf32>, vector<1000x128xf32> -> vector<1000x128xf32>
    %slice3A = vector.extract_strided_slice %dot_general3A_5 {offsets = [0, 0], sizes = [1000, 64], strides = [1, 1]} : vector<1000x128xf32> to vector<1000x64xf32>
    %swap3A = arith.constant 0 : index
    %swap3A_16 = arith.constant 0 : index
    %swap3A_17 = arith.constant 0 : index
    %swap3A_18 = vector.load %arg6[%swap3A, %swap3A_16, %swap3A_17] : memref<2x1000x64xf32, #tpu.memory_space<vmem>>, vector<1x1000x64xf32>
    %swap3A_19 = vector.shape_cast %swap3A_18 : vector<1x1000x64xf32> to vector<1000x64xf32>
    %swap3A_20 = vector.shape_cast %slice3A : vector<1000x64xf32> to vector<1x1000x64xf32>
    tpu.vector_store %arg6[%swap3A, %swap3A_16, %swap3A_17], %swap3A_20 {strides = array<i32>} : memref<2x1000x64xf32, #tpu.memory_space<vmem>>, vector<1x1000x64xf32>,
    %slice3A_21 = vector.extract_strided_slice %dot_general3A_5 {offsets = [0, 64], sizes = [1000, 64], strides = [1, 1]} : vector<1000x128xf32> to vector<1000x64xf32>
    %swap3A_22 = arith.constant 1 : index
    %swap3A_23 = arith.constant 0 : index
    %swap3A_24 = arith.constant 0 : index
    %swap3A_25 = vector.load %arg6[%swap3A_22, %swap3A_23, %swap3A_24] : memref<2x1000x64xf32, #tpu.memory_space<vmem>>, vector<1x1000x64xf32>
    %swap3A_26 = vector.shape_cast %swap3A_25 : vector<1x1000x64xf32> to vector<1000x64xf32>
    %swap3A_27 = vector.shape_cast %slice3A_21 : vector<1000x64xf32> to vector<1x1000x64xf32>
    tpu.vector_store %arg6[%swap3A_22, %swap3A_23, %swap3A_24], %swap3A_27 {strides = array<i32>} : memref<2x1000x64xf32, #tpu.memory_space<vmem>>, vector<1x1000x64xf32>,
    %slice3A_28 = vector.extract_strided_slice %dot_general3A_10 {offsets = [0, 0], sizes = [1000, 64], strides = [1, 1]} : vector<1000x128xf32> to vector<1000x64xf32>
    %swap3A_29 = arith.constant 0 : index
    %swap3A_30 = arith.constant 0 : index
    %swap3A_31 = arith.constant 0 : index
    %swap3A_32 = vector.load %arg7[%swap3A_29, %swap3A_30, %swap3A_31] : memref<2x1000x64xf32, #tpu.memory_space<vmem>>, vector<1x1000x64xf32>
    %swap3A_33 = vector.shape_cast %swap3A_32 : vector<1x1000x64xf32> to vector<1000x64xf32>
    %swap3A_34 = vector.shape_cast %slice3A_28 : vector<1000x64xf32> to vector<1x1000x64xf32>
    tpu.vector_store %arg7[%swap3A_29, %swap3A_30, %swap3A_31], %swap3A_34 {strides = array<i32>} : memref<2x1000x64xf32, #tpu.memory_space<vmem>>, vector<1x1000x64xf32>,
    %slice3A_35 = vector.extract_strided_slice %dot_general3A_10 {offsets = [0, 64], sizes = [1000, 64], strides = [1, 1]} : vector<1000x128xf32> to vector<1000x64xf32>
    %swap3A_36 = arith.constant 1 : index
    %swap3A_37 = arith.constant 0 : index
    %swap3A_38 = arith.constant 0 : index
    %swap3A_39 = vector.load %arg7[%swap3A_36, %swap3A_37, %swap3A_38] : memref<2x1000x64xf32, #tpu.memory_space<vmem>>, vector<1x1000x64xf32>
    %swap3A_40 = vector.shape_cast %swap3A_39 : vector<1x1000x64xf32> to vector<1000x64xf32>
    %swap3A_41 = vector.shape_cast %slice3A_35 : vector<1000x64xf32> to vector<1x1000x64xf32>
    tpu.vector_store %arg7[%swap3A_36, %swap3A_37, %swap3A_38], %swap3A_41 {strides = array<i32>} : memref<2x1000x64xf32, #tpu.memory_space<vmem>>, vector<1x1000x64xf32>,
    %slice3A_42 = vector.extract_strided_slice %dot_general3A_15 {offsets = [0, 0], sizes = [1000, 64], strides = [1, 1]} : vector<1000x128xf32> to vector<1000x64xf32>
    %swap3A_43 = arith.constant 0 : index
    %swap3A_44 = arith.constant 0 : index
    %swap3A_45 = arith.constant 0 : index
    %swap3A_46 = vector.load %arg8[%swap3A_43, %swap3A_44, %swap3A_45] : memref<2x1000x64xf32, #tpu.memory_space<vmem>>, vector<1x1000x64xf32>
    %swap3A_47 = vector.shape_cast %swap3A_46 : vector<1x1000x64xf32> to vector<1000x64xf32>
    %swap3A_48 = vector.shape_cast %slice3A_42 : vector<1000x64xf32> to vector<1x1000x64xf32>
    tpu.vector_store %arg8[%swap3A_43, %swap3A_44, %swap3A_45], %swap3A_48 {strides = array<i32>} : memref<2x1000x64xf32, #tpu.memory_space<vmem>>, vector<1x1000x64xf32>,
    %slice3A_49 = vector.extract_strided_slice %dot_general3A_15 {offsets = [0, 64], sizes = [1000, 64], strides = [1, 1]} : vector<1000x128xf32> to vector<1000x64xf32>
    %swap3A_50 = arith.constant 1 : index
    %swap3A_51 = arith.constant 0 : index
    %swap3A_52 = arith.constant 0 : index
    %swap3A_53 = vector.load %arg8[%swap3A_50, %swap3A_51, %swap3A_52] : memref<2x1000x64xf32, #tpu.memory_space<vmem>>, vector<1x1000x64xf32>
    %swap3A_54 = vector.shape_cast %swap3A_53 : vector<1x1000x64xf32> to vector<1000x64xf32>
    %swap3A_55 = vector.shape_cast %slice3A_49 : vector<1000x64xf32> to vector<1x1000x64xf32>
    tpu.vector_store %arg8[%swap3A_50, %swap3A_51, %swap3A_52], %swap3A_55 {strides = array<i32>} : memref<2x1000x64xf32, #tpu.memory_space<vmem>>, vector<1x1000x64xf32>,
    %get3A_56 = arith.constant 0 : index
    %get3A_57 = arith.constant 0 : index
    %get3A_58 = vector.load %arg5[%get3A_56, %get3A_57] : memref<128x128xf32, #tpu.memory_space<vmem>>, vector<128x128xf32>
    %dot_general3A_59 = arith.constant dense<0.000000e+00> : vector<1000x128xf32>
    %dot_general3A_60 = tpu.matmul %get3A_1, %get3A_58, %dot_general3A_59 {dimension_numbers = #tpu.dot_dimension_numbers<[1], [0], [0], [1], [0, 0, 1, 1], [], []>, precision = #tpu.contract_precision<fp32>, transpose_lhs_hint = false} : vector<1000x128xf32>, vector<128x128xf32>, vector<1000x128xf32> -> vector<1000x128xf32>
    %swap3A_61 = arith.constant 0 : index
    %swap3A_62 = arith.constant 0 : index
    %swap3A_63 = vector.load %arg9[%swap3A_61, %swap3A_62] : memref<1000x128xf32, #tpu.memory_space<vmem>>, vector<1000x128xf32>
    tpu.vector_store %arg9[%swap3A_61, %swap3A_62], %dot_general3A_60 {strides = array<i32>} : memref<1000x128xf32, #tpu.memory_space<vmem>>, vector<1000x128xf32>,
    return
  }
  func.func @transform_0(%arg0: i32) -> (i32, i32) {
    %c0_i32 = arith.constant 0 : i32
    %c0_i32_0 = arith.constant 0 : i32
    return %arg0, %c0_i32 : i32, i32
  }
  func.func @transform_1(%arg0: i32) -> (i32, i32) {
    %c0_i32 = arith.constant 0 : i32
    %c0_i32_0 = arith.constant 0 : i32
    %c0_i32_1 = arith.constant 0 : i32
    return %c0_i32, %c0_i32_0 : i32, i32
  }
  func.func @transform_2(%arg0: i32) -> (i32, i32) {
    %c0_i32 = arith.constant 0 : i32
    %c0_i32_0 = arith.constant 0 : i32
    %c0_i32_1 = arith.constant 0 : i32
    return %c0_i32, %c0_i32_0 : i32, i32
  }
  func.func @transform_3(%arg0: i32) -> (i32, i32) {
    %c0_i32 = arith.constant 0 : i32
    %c0_i32_0 = arith.constant 0 : i32
    %c0_i32_1 = arith.constant 0 : i32
    return %c0_i32, %c0_i32_0 : i32, i32
  }
  func.func @transform_4(%arg0: i32) -> (i32, i32) {
    %c0_i32 = arith.constant 0 : i32
    %c0_i32_0 = arith.constant 0 : i32
    %c0_i32_1 = arith.constant 0 : i32
    return %c0_i32, %c0_i32_0 : i32, i32
  }
  func.func @transform_5(%arg0: i32) -> (i32, i32, i32) {
    %c0_i32 = arith.constant 0 : i32
    %c0_i32_0 = arith.constant 0 : i32
    %c0_i32_1 = arith.constant 0 : i32
    return %c0_i32, %arg0, %c0_i32_0 : i32, i32, i32
  }
  func.func @transform_6(%arg0: i32) -> (i32, i32, i32) {
    %c0_i32 = arith.constant 0 : i32
    %c0_i32_0 = arith.constant 0 : i32
    %c0_i32_1 = arith.constant 0 : i32
    return %c0_i32, %arg0, %c0_i32_0 : i32, i32, i32
  }
  func.func @transform_7(%arg0: i32) -> (i32, i32, i32) {
    %c0_i32 = arith.constant 0 : i32
    %c0_i32_0 = arith.constant 0 : i32
    %c0_i32_1 = arith.constant 0 : i32
    return %c0_i32, %arg0, %c0_i32_0 : i32, i32, i32
  }
  func.func @transform_8(%arg0: i32) -> (i32, i32) {
    %c0_i32 = arith.constant 0 : i32
    %c0_i32_0 = arith.constant 0 : i32
    return %arg0, %c0_i32 : i32, i32
  }
}

module attributes {stable_mosaic.version = 14 : i64} {
  func.func @_radial_body(%arg0: i32, %arg1: memref<4000x1xf32, #tpu.memory_space<vmem>>, %arg2: memref<4000x16xf32, #tpu.memory_space<vmem>>, %arg3: memref<1x32xf32, #tpu.memory_space<vmem>>, %arg4: memref<16x32xf32, #tpu.memory_space<vmem>>, %arg5: memref<1x32xf32, #tpu.memory_space<vmem>>, %arg6: memref<1x32xf32, #tpu.memory_space<vmem>>, %arg7: memref<1x32xf32, #tpu.memory_space<vmem>>, %arg8: memref<32x128xf32, #tpu.memory_space<vmem>>, %arg9: memref<1x128xf32, #tpu.memory_space<vmem>>, %arg10: memref<2x4000x64xf32, #tpu.memory_space<vmem>>) attributes {dimension_semantics = [#tpu.dimension_semantics<arbitrary>], iteration_bounds = array<i64: 80>, scalar_prefetch = 0 : i64, scratch_operands = 0 : i64, tpu.core_type = #tpu.core_type<tc>, window_params = [{transform_indices = @transform_0, window_bounds = array<i64: 4000, 1>}, {transform_indices = @transform_1, window_bounds = array<i64: 4000, 16>}, {pipeline_mode = #tpu.pipeline_mode<synchronous>, transform_indices = @transform_2, window_bounds = array<i64: 1, 32>}, {pipeline_mode = #tpu.pipeline_mode<synchronous>, transform_indices = @transform_3, window_bounds = array<i64: 16, 32>}, {pipeline_mode = #tpu.pipeline_mode<synchronous>, transform_indices = @transform_4, window_bounds = array<i64: 1, 32>}, {pipeline_mode = #tpu.pipeline_mode<synchronous>, transform_indices = @transform_5, window_bounds = array<i64: 1, 32>}, {pipeline_mode = #tpu.pipeline_mode<synchronous>, transform_indices = @transform_6, window_bounds = array<i64: 1, 32>}, {pipeline_mode = #tpu.pipeline_mode<synchronous>, transform_indices = @transform_7, window_bounds = array<i64: 32, 128>}, {pipeline_mode = #tpu.pipeline_mode<synchronous>, transform_indices = @transform_8, window_bounds = array<i64: 1, 128>}, {transform_indices = @transform_9, window_bounds = array<i64: 2, 4000, 64>}]} {
    %get3A = arith.constant 0 : index
    %get3A_0 = arith.constant 0 : index
    %get3A_1 = vector.load %arg1[%get3A, %get3A_0] : memref<4000x1xf32, #tpu.memory_space<vmem>>, vector<4000x1xf32>
    %add3A = arith.constant 9.99999996E-13 : f32
    %add3A_2 = vector.broadcast %add3A : f32 to vector<4000x1xf32>
    %add3A_3 = arith.addf %get3A_1, %add3A_2 : vector<4000x1xf32>
    %sqrt3A = math.sqrt %add3A_3 : vector<4000x1xf32>
    %get3A_4 = arith.constant 0 : index
    %get3A_5 = arith.constant 0 : index
    %get3A_6 = vector.load %arg2[%get3A_4, %get3A_5] : memref<4000x16xf32, #tpu.memory_space<vmem>>, vector<4000x16xf32>
    %get3A_7 = arith.constant 0 : index
    %get3A_8 = arith.constant 0 : index
    %get3A_9 = vector.load %arg3[%get3A_7, %get3A_8] : memref<1x32xf32, #tpu.memory_space<vmem>>, vector<1x32xf32>
    %mul3A = vector.broadcast %sqrt3A : vector<4000x1xf32> to vector<4000x32xf32>
    %mul3A_10 = vector.broadcast %get3A_9 : vector<1x32xf32> to vector<4000x32xf32>
    %mul3A_11 = arith.mulf %mul3A, %mul3A_10 : vector<4000x32xf32>
    %get3A_12 = arith.constant 0 : index
    %get3A_13 = arith.constant 0 : index
    %get3A_14 = vector.load %arg4[%get3A_12, %get3A_13] : memref<16x32xf32, #tpu.memory_space<vmem>>, vector<16x32xf32>
    %convert_element_type3A = arith.truncf %get3A_6 : vector<4000x16xf32> to vector<4000x16xbf16>
    %convert_element_type3A_15 = arith.extf %convert_element_type3A : vector<4000x16xbf16> to vector<4000x16xf32>
    %sub3A = arith.subf %get3A_6, %convert_element_type3A_15 : vector<4000x16xf32>
    %convert_element_type3A_16 = arith.truncf %get3A_14 : vector<16x32xf32> to vector<16x32xbf16>
    %convert_element_type3A_17 = arith.extf %convert_element_type3A_16 : vector<16x32xbf16> to vector<16x32xf32>
    %sub3A_18 = arith.subf %get3A_14, %convert_element_type3A_17 : vector<16x32xf32>
    %dot_general3A = arith.constant dense<0.000000e+00> : vector<4000x32xf32>
    %dot_general3A_19 = tpu.matmul %convert_element_type3A_15, %convert_element_type3A_17, %dot_general3A {dimension_numbers = #tpu.dot_dimension_numbers<[1], [0], [0], [1], [0, 0, 1, 1], [], []>, transpose_lhs_hint = false} : vector<4000x16xf32>, vector<16x32xf32>, vector<4000x32xf32> -> vector<4000x32xf32>
    %dot_general3A_20 = arith.constant dense<0.000000e+00> : vector<4000x32xf32>
    %dot_general3A_21 = tpu.matmul %convert_element_type3A_15, %sub3A_18, %dot_general3A_20 {dimension_numbers = #tpu.dot_dimension_numbers<[1], [0], [0], [1], [0, 0, 1, 1], [], []>, transpose_lhs_hint = false} : vector<4000x16xf32>, vector<16x32xf32>, vector<4000x32xf32> -> vector<4000x32xf32>
    %add3A_22 = arith.addf %dot_general3A_19, %dot_general3A_21 : vector<4000x32xf32>
    %dot_general3A_23 = arith.constant dense<0.000000e+00> : vector<4000x32xf32>
    %dot_general3A_24 = tpu.matmul %sub3A, %convert_element_type3A_17, %dot_general3A_23 {dimension_numbers = #tpu.dot_dimension_numbers<[1], [0], [0], [1], [0, 0, 1, 1], [], []>, transpose_lhs_hint = false} : vector<4000x16xf32>, vector<16x32xf32>, vector<4000x32xf32> -> vector<4000x32xf32>
    %add3A_25 = arith.addf %add3A_22, %dot_general3A_24 : vector<4000x32xf32>
    %add3A_26 = arith.addf %mul3A_11, %add3A_25 : vector<4000x32xf32>
    %get3A_27 = arith.constant 0 : index
    %get3A_28 = arith.constant 0 : index
    %get3A_29 = vector.load %arg5[%get3A_27, %get3A_28] : memref<1x32xf32, #tpu.memory_space<vmem>>, vector<1x32xf32>
    %add3A_30 = vector.broadcast %get3A_29 : vector<1x32xf32> to vector<4000x32xf32>
    %add3A_31 = arith.addf %add3A_26, %add3A_30 : vector<4000x32xf32>
    %reduce_sum3A = arith.constant dense<0.000000e+00> : vector<4000xf32>
    %reduce_sum3A_32 = vector.multi_reduction <add>, %add3A_31, %reduce_sum3A [1] : vector<4000x32xf32> to vector<4000xf32>
    %broadcast_in_dim3A = vector.shape_cast %reduce_sum3A_32 : vector<4000xf32> to vector<4000x1xf32>
    %div3A = arith.constant 3.200000e+01 : f32
    %div3A_33 = vector.broadcast %div3A : f32 to vector<4000x1xf32>
    %div3A_34 = arith.divf %broadcast_in_dim3A, %div3A_33 : vector<4000x1xf32>
    %sub3A_35 = vector.broadcast %div3A_34 : vector<4000x1xf32> to vector<4000x32xf32>
    %sub3A_36 = arith.subf %add3A_31, %sub3A_35 : vector<4000x32xf32>
    %mul3A_37 = arith.mulf %sub3A_36, %sub3A_36 : vector<4000x32xf32>
    %reduce_sum3A_38 = arith.constant dense<0.000000e+00> : vector<4000xf32>
    %reduce_sum3A_39 = vector.multi_reduction <add>, %mul3A_37, %reduce_sum3A_38 [1] : vector<4000x32xf32> to vector<4000xf32>
    %broadcast_in_dim3A_40 = vector.shape_cast %reduce_sum3A_39 : vector<4000xf32> to vector<4000x1xf32>
    %div3A_41 = arith.constant 3.200000e+01 : f32
    %div3A_42 = vector.broadcast %div3A_41 : f32 to vector<4000x1xf32>
    %div3A_43 = arith.divf %broadcast_in_dim3A_40, %div3A_42 : vector<4000x1xf32>
    %add3A_44 = arith.constant 9.99999974E-6 : f32
    %add3A_45 = vector.broadcast %add3A_44 : f32 to vector<4000x1xf32>
    %add3A_46 = arith.addf %div3A_43, %add3A_45 : vector<4000x1xf32>
    %sqrt3A_47 = math.sqrt %add3A_46 : vector<4000x1xf32>
    %div3A_48 = vector.broadcast %sqrt3A_47 : vector<4000x1xf32> to vector<4000x32xf32>
    %div3A_49 = arith.divf %sub3A_36, %div3A_48 : vector<4000x32xf32>
    %get3A_50 = arith.constant 0 : index
    %get3A_51 = arith.constant 0 : index
    %get3A_52 = vector.load %arg6[%get3A_50, %get3A_51] : memref<1x32xf32, #tpu.memory_space<vmem>>, vector<1x32xf32>
    %mul3A_53 = vector.broadcast %get3A_52 : vector<1x32xf32> to vector<4000x32xf32>
    %mul3A_54 = arith.mulf %div3A_49, %mul3A_53 : vector<4000x32xf32>
    %get3A_55 = arith.constant 0 : index
    %get3A_56 = arith.constant 0 : index
    %get3A_57 = vector.load %arg7[%get3A_55, %get3A_56] : memref<1x32xf32, #tpu.memory_space<vmem>>, vector<1x32xf32>
    %add3A_58 = vector.broadcast %get3A_57 : vector<1x32xf32> to vector<4000x32xf32>
    %add3A_59 = arith.addf %mul3A_54, %add3A_58 : vector<4000x32xf32>
    %max3A = arith.constant 0.000000e+00 : f32
    %max3A_60 = vector.broadcast %max3A : f32 to vector<4000x32xf32>
    %max3A_61 = arith.maximumf %add3A_59, %max3A_60 : vector<4000x32xf32>
    %get3A_62 = arith.constant 0 : index
    %get3A_63 = arith.constant 0 : index
    %get3A_64 = vector.load %arg8[%get3A_62, %get3A_63] : memref<32x128xf32, #tpu.memory_space<vmem>>, vector<32x128xf32>
    %convert_element_type3A_65 = arith.truncf %max3A_61 : vector<4000x32xf32> to vector<4000x32xbf16>
    %convert_element_type3A_66 = arith.extf %convert_element_type3A_65 : vector<4000x32xbf16> to vector<4000x32xf32>
    %sub3A_67 = arith.subf %max3A_61, %convert_element_type3A_66 : vector<4000x32xf32>
    %convert_element_type3A_68 = arith.truncf %get3A_64 : vector<32x128xf32> to vector<32x128xbf16>
    %convert_element_type3A_69 = arith.extf %convert_element_type3A_68 : vector<32x128xbf16> to vector<32x128xf32>
    %sub3A_70 = arith.subf %get3A_64, %convert_element_type3A_69 : vector<32x128xf32>
    %dot_general3A_71 = arith.constant dense<0.000000e+00> : vector<4000x128xf32>
    %dot_general3A_72 = tpu.matmul %convert_element_type3A_66, %convert_element_type3A_69, %dot_general3A_71 {dimension_numbers = #tpu.dot_dimension_numbers<[1], [0], [0], [1], [0, 0, 1, 1], [], []>, transpose_lhs_hint = false} : vector<4000x32xf32>, vector<32x128xf32>, vector<4000x128xf32> -> vector<4000x128xf32>
    %dot_general3A_73 = arith.constant dense<0.000000e+00> : vector<4000x128xf32>
    %dot_general3A_74 = tpu.matmul %convert_element_type3A_66, %sub3A_70, %dot_general3A_73 {dimension_numbers = #tpu.dot_dimension_numbers<[1], [0], [0], [1], [0, 0, 1, 1], [], []>, transpose_lhs_hint = false} : vector<4000x32xf32>, vector<32x128xf32>, vector<4000x128xf32> -> vector<4000x128xf32>
    %add3A_75 = arith.addf %dot_general3A_72, %dot_general3A_74 : vector<4000x128xf32>
    %dot_general3A_76 = arith.constant dense<0.000000e+00> : vector<4000x128xf32>
    %dot_general3A_77 = tpu.matmul %sub3A_67, %convert_element_type3A_69, %dot_general3A_76 {dimension_numbers = #tpu.dot_dimension_numbers<[1], [0], [0], [1], [0, 0, 1, 1], [], []>, transpose_lhs_hint = false} : vector<4000x32xf32>, vector<32x128xf32>, vector<4000x128xf32> -> vector<4000x128xf32>
    %add3A_78 = arith.addf %add3A_75, %dot_general3A_77 : vector<4000x128xf32>
    %get3A_79 = arith.constant 0 : index
    %get3A_80 = arith.constant 0 : index
    %get3A_81 = vector.load %arg9[%get3A_79, %get3A_80] : memref<1x128xf32, #tpu.memory_space<vmem>>, vector<1x128xf32>
    %add3A_82 = vector.broadcast %get3A_81 : vector<1x128xf32> to vector<4000x128xf32>
    %add3A_83 = arith.addf %add3A_78, %add3A_82 : vector<4000x128xf32>
    %slice3A = vector.extract_strided_slice %add3A_83 {offsets = [0, 0], sizes = [4000, 64], strides = [1, 1]} : vector<4000x128xf32> to vector<4000x64xf32>
    %swap3A = arith.constant 0 : index
    %swap3A_84 = arith.constant 0 : index
    %swap3A_85 = arith.constant 0 : index
    %swap3A_86 = vector.load %arg10[%swap3A, %swap3A_84, %swap3A_85] : memref<2x4000x64xf32, #tpu.memory_space<vmem>>, vector<1x4000x64xf32>
    %swap3A_87 = vector.shape_cast %swap3A_86 : vector<1x4000x64xf32> to vector<4000x64xf32>
    %swap3A_88 = vector.shape_cast %slice3A : vector<4000x64xf32> to vector<1x4000x64xf32>
    tpu.vector_store %arg10[%swap3A, %swap3A_84, %swap3A_85], %swap3A_88 {strides = array<i32>} : memref<2x4000x64xf32, #tpu.memory_space<vmem>>, vector<1x4000x64xf32>,
    %slice3A_89 = vector.extract_strided_slice %add3A_83 {offsets = [0, 64], sizes = [4000, 64], strides = [1, 1]} : vector<4000x128xf32> to vector<4000x64xf32>
    %swap3A_90 = arith.constant 1 : index
    %swap3A_91 = arith.constant 0 : index
    %swap3A_92 = arith.constant 0 : index
    %swap3A_93 = vector.load %arg10[%swap3A_90, %swap3A_91, %swap3A_92] : memref<2x4000x64xf32, #tpu.memory_space<vmem>>, vector<1x4000x64xf32>
    %swap3A_94 = vector.shape_cast %swap3A_93 : vector<1x4000x64xf32> to vector<4000x64xf32>
    %swap3A_95 = vector.shape_cast %slice3A_89 : vector<4000x64xf32> to vector<1x4000x64xf32>
    tpu.vector_store %arg10[%swap3A_90, %swap3A_91, %swap3A_92], %swap3A_95 {strides = array<i32>} : memref<2x4000x64xf32, #tpu.memory_space<vmem>>, vector<1x4000x64xf32>,
    return
  }
  func.func @transform_0(%arg0: i32) -> (i32, i32) {
    %c0_i32 = arith.constant 0 : i32
    %c0_i32_0 = arith.constant 0 : i32
    return %arg0, %c0_i32 : i32, i32
  }
  func.func @transform_1(%arg0: i32) -> (i32, i32) {
    %c0_i32 = arith.constant 0 : i32
    %c0_i32_0 = arith.constant 0 : i32
    return %arg0, %c0_i32 : i32, i32
  }
  func.func @transform_2(%arg0: i32) -> (i32, i32) {
    %c0_i32 = arith.constant 0 : i32
    %c0_i32_0 = arith.constant 0 : i32
    %c0_i32_1 = arith.constant 0 : i32
    return %c0_i32, %c0_i32_0 : i32, i32
  }
  func.func @transform_3(%arg0: i32) -> (i32, i32) {
    %c0_i32 = arith.constant 0 : i32
    %c0_i32_0 = arith.constant 0 : i32
    %c0_i32_1 = arith.constant 0 : i32
    return %c0_i32, %c0_i32_0 : i32, i32
  }
  func.func @transform_4(%arg0: i32) -> (i32, i32) {
    %c0_i32 = arith.constant 0 : i32
    %c0_i32_0 = arith.constant 0 : i32
    %c0_i32_1 = arith.constant 0 : i32
    return %c0_i32, %c0_i32_0 : i32, i32
  }
  func.func @transform_5(%arg0: i32) -> (i32, i32) {
    %c0_i32 = arith.constant 0 : i32
    %c0_i32_0 = arith.constant 0 : i32
    %c0_i32_1 = arith.constant 0 : i32
    return %c0_i32, %c0_i32_0 : i32, i32
  }
  func.func @transform_6(%arg0: i32) -> (i32, i32) {
    %c0_i32 = arith.constant 0 : i32
    %c0_i32_0 = arith.constant 0 : i32
    %c0_i32_1 = arith.constant 0 : i32
    return %c0_i32, %c0_i32_0 : i32, i32
  }
  func.func @transform_7(%arg0: i32) -> (i32, i32) {
    %c0_i32 = arith.constant 0 : i32
    %c0_i32_0 = arith.constant 0 : i32
    %c0_i32_1 = arith.constant 0 : i32
    return %c0_i32, %c0_i32_0 : i32, i32
  }
  func.func @transform_8(%arg0: i32) -> (i32, i32) {
    %c0_i32 = arith.constant 0 : i32
    %c0_i32_0 = arith.constant 0 : i32
    %c0_i32_1 = arith.constant 0 : i32
    return %c0_i32, %c0_i32_0 : i32, i32
  }
  func.func @transform_9(%arg0: i32) -> (i32, i32, i32) {
    %c0_i32 = arith.constant 0 : i32
    %c0_i32_0 = arith.constant 0 : i32
    %c0_i32_1 = arith.constant 0 : i32
    return %c0_i32, %arg0, %c0_i32_0 : i32, i32, i32
  }
}

module attributes {stable_mosaic.version = 14 : i64} {
  func.func @_combine_proj_body(%arg0: i32, %arg1: memref<2x1000x80xf32, #tpu.memory_space<vmem>>, %arg2: memref<1000x128xf32, #tpu.memory_space<vmem>>, %arg3: memref<1x128xf32, #tpu.memory_space<vmem>>, %arg4: memref<1x128xf32, #tpu.memory_space<vmem>>, %arg5: memref<128x128xf32, #tpu.memory_space<vmem>>, %arg6: memref<128x128xf32, #tpu.memory_space<vmem>>, %arg7: memref<128x128xf32, #tpu.memory_space<vmem>>, %arg8: memref<128x128xf32, #tpu.memory_space<vmem>>, %arg9: memref<2x1000x64xf32, #tpu.memory_space<vmem>>, %arg10: memref<2x1000x64xf32, #tpu.memory_space<vmem>>, %arg11: memref<2x1000x64xf32, #tpu.memory_space<vmem>>, %arg12: memref<1000x128xf32, #tpu.memory_space<vmem>>) attributes {dimension_semantics = [#tpu.dimension_semantics<arbitrary>], iteration_bounds = array<i64: 10>, scalar_prefetch = 0 : i64, scratch_operands = 0 : i64, tpu.core_type = #tpu.core_type<tc>, window_params = [{transform_indices = @transform_0, window_bounds = array<i64: 2, 1000, 80>}, {transform_indices = @transform_1, window_bounds = array<i64: 1000, 128>}, {pipeline_mode = #tpu.pipeline_mode<synchronous>, transform_indices = @transform_2, window_bounds = array<i64: 1, 128>}, {pipeline_mode = #tpu.pipeline_mode<synchronous>, transform_indices = @transform_3, window_bounds = array<i64: 1, 128>}, {pipeline_mode = #tpu.pipeline_mode<synchronous>, transform_indices = @transform_4, window_bounds = array<i64: 128, 128>}, {pipeline_mode = #tpu.pipeline_mode<synchronous>, transform_indices = @transform_5, window_bounds = array<i64: 128, 128>}, {pipeline_mode = #tpu.pipeline_mode<synchronous>, transform_indices = @transform_6, window_bounds = array<i64: 128, 128>}, {pipeline_mode = #tpu.pipeline_mode<synchronous>, transform_indices = @transform_7, window_bounds = array<i64: 128, 128>}, {transform_indices = @transform_8, window_bounds = array<i64: 2, 1000, 64>}, {transform_indices = @transform_9, window_bounds = array<i64: 2, 1000, 64>}, {transform_indices = @transform_10, window_bounds = array<i64: 2, 1000, 64>}, {transform_indices = @transform_11, window_bounds = array<i64: 1000, 128>}]} {
    %get3A = arith.constant 0 : index
    %get3A_0 = arith.constant 0 : index
    %get3A_1 = arith.constant 0 : index
    %get3A_2 = vector.load %arg1[%get3A, %get3A_0, %get3A_1] : memref<2x1000x80xf32, #tpu.memory_space<vmem>>, vector<2x1000x80xf32>
    %get3A_3 = arith.constant 0 : index
    %get3A_4 = arith.constant 0 : index
    %get3A_5 = vector.load %arg2[%get3A_3, %get3A_4] : memref<1000x128xf32, #tpu.memory_space<vmem>>, vector<1000x128xf32>
    %slice3A = vector.extract_strided_slice %get3A_2 {offsets = [0, 0, 0], sizes = [1, 1000, 80], strides = [1, 1, 1]} : vector<2x1000x80xf32> to vector<1x1000x80xf32>
    %squeeze3A = vector.shape_cast %slice3A : vector<1x1000x80xf32> to vector<1000x80xf32>
    %slice3A_6 = vector.extract_strided_slice %squeeze3A {offsets = [0, 64], sizes = [1000, 1], strides = [1, 1]} : vector<1000x80xf32> to vector<1000x1xf32>
    %slice3A_7 = vector.extract_strided_slice %get3A_2 {offsets = [0, 0, 0], sizes = [1, 1000, 80], strides = [1, 1, 1]} : vector<2x1000x80xf32> to vector<1x1000x80xf32>
    %squeeze3A_8 = vector.shape_cast %slice3A_7 : vector<1x1000x80xf32> to vector<1000x80xf32>
    %slice3A_9 = vector.extract_strided_slice %squeeze3A_8 {offsets = [0, 0], sizes = [1000, 64], strides = [1, 1]} : vector<1000x80xf32> to vector<1000x64xf32>
    %broadcast_in_dim3A = vector.shape_cast %slice3A_6 : vector<1000x1xf32> to vector<1000x1xf32>
    %broadcast_in_dim3A_10 = vector.broadcast %broadcast_in_dim3A : vector<1000x1xf32> to vector<1000x64xf32>
    %add3A = arith.constant 9.99999971E-10 : f32
    %add3A_11 = vector.broadcast %add3A : f32 to vector<1000x64xf32>
    %add3A_12 = arith.addf %broadcast_in_dim3A_10, %add3A_11 : vector<1000x64xf32>
    %div3A = arith.divf %slice3A_9, %add3A_12 : vector<1000x64xf32>
    %slice3A_13 = vector.extract_strided_slice %get3A_2 {offsets = [1, 0, 0], sizes = [1, 1000, 80], strides = [1, 1, 1]} : vector<2x1000x80xf32> to vector<1x1000x80xf32>
    %squeeze3A_14 = vector.shape_cast %slice3A_13 : vector<1x1000x80xf32> to vector<1000x80xf32>
    %slice3A_15 = vector.extract_strided_slice %squeeze3A_14 {offsets = [0, 64], sizes = [1000, 1], strides = [1, 1]} : vector<1000x80xf32> to vector<1000x1xf32>
    %slice3A_16 = vector.extract_strided_slice %get3A_2 {offsets = [1, 0, 0], sizes = [1, 1000, 80], strides = [1, 1, 1]} : vector<2x1000x80xf32> to vector<1x1000x80xf32>
    %squeeze3A_17 = vector.shape_cast %slice3A_16 : vector<1x1000x80xf32> to vector<1000x80xf32>
    %slice3A_18 = vector.extract_strided_slice %squeeze3A_17 {offsets = [0, 0], sizes = [1000, 64], strides = [1, 1]} : vector<1000x80xf32> to vector<1000x64xf32>
    %broadcast_in_dim3A_19 = vector.shape_cast %slice3A_15 : vector<1000x1xf32> to vector<1000x1xf32>
    %broadcast_in_dim3A_20 = vector.broadcast %broadcast_in_dim3A_19 : vector<1000x1xf32> to vector<1000x64xf32>
    %add3A_21 = arith.constant 9.99999971E-10 : f32
    %add3A_22 = vector.broadcast %add3A_21 : f32 to vector<1000x64xf32>
    %add3A_23 = arith.addf %broadcast_in_dim3A_20, %add3A_22 : vector<1000x64xf32>
    %div3A_24 = arith.divf %slice3A_18, %add3A_23 : vector<1000x64xf32>
    %concatenate3A = tpu.concatenate %div3A, %div3A_24 in 1 : vector<1000x64xf32>, vector<1000x64xf32> -> vector<1000x128xf32>
    %add3A_25 = arith.addf %concatenate3A, %get3A_5 : vector<1000x128xf32>
    %get3A_26 = arith.constant 0 : index
    %get3A_27 = arith.constant 0 : index
    %get3A_28 = vector.load %arg3[%get3A_26, %get3A_27] : memref<1x128xf32, #tpu.memory_space<vmem>>, vector<1x128xf32>
    %get3A_29 = arith.constant 0 : index
    %get3A_30 = arith.constant 0 : index
    %get3A_31 = vector.load %arg4[%get3A_29, %get3A_30] : memref<1x128xf32, #tpu.memory_space<vmem>>, vector<1x128xf32>
    %abs3A = math.absf %add3A_25 : vector<1000x128xf32>
    %add3A_32 = arith.constant 9.99999993E-9 : f32
    %add3A_33 = vector.broadcast %add3A_32 : f32 to vector<1000x128xf32>
    %add3A_34 = arith.addf %abs3A, %add3A_33 : vector<1000x128xf32>
    %div3A_35 = arith.divf %add3A_25, %add3A_34 : vector<1000x128xf32>
    %mul3A = vector.broadcast %get3A_28 : vector<1x128xf32> to vector<1000x128xf32>
    %mul3A_36 = arith.mulf %abs3A, %mul3A : vector<1000x128xf32>
    %add3A_37 = vector.broadcast %get3A_31 : vector<1x128xf32> to vector<1000x128xf32>
    %add3A_38 = arith.addf %mul3A_36, %add3A_37 : vector<1000x128xf32>
    %max3A = arith.constant 0.000000e+00 : f32
    %max3A_39 = vector.broadcast %max3A : f32 to vector<1000x128xf32>
    %max3A_40 = arith.maximumf %add3A_38, %max3A_39 : vector<1000x128xf32>
    %mul3A_41 = arith.mulf %max3A_40, %div3A_35 : vector<1000x128xf32>
    %get3A_42 = arith.constant 0 : index
    %get3A_43 = arith.constant 0 : index
    %get3A_44 = vector.load %arg5[%get3A_42, %get3A_43] : memref<128x128xf32, #tpu.memory_space<vmem>>, vector<128x128xf32>
    %dot_general3A = arith.constant dense<0.000000e+00> : vector<1000x128xf32>
    %dot_general3A_45 = tpu.matmul %mul3A_41, %get3A_44, %dot_general3A {dimension_numbers = #tpu.dot_dimension_numbers<[1], [0], [0], [1], [0, 0, 1, 1], [], []>, precision = #tpu.contract_precision<fp32>, transpose_lhs_hint = false} : vector<1000x128xf32>, vector<128x128xf32>, vector<1000x128xf32> -> vector<1000x128xf32>
    %get3A_46 = arith.constant 0 : index
    %get3A_47 = arith.constant 0 : index
    %get3A_48 = vector.load %arg6[%get3A_46, %get3A_47] : memref<128x128xf32, #tpu.memory_space<vmem>>, vector<128x128xf32>
    %dot_general3A_49 = arith.constant dense<0.000000e+00> : vector<1000x128xf32>
    %dot_general3A_50 = tpu.matmul %mul3A_41, %get3A_48, %dot_general3A_49 {dimension_numbers = #tpu.dot_dimension_numbers<[1], [0], [0], [1], [0, 0, 1, 1], [], []>, precision = #tpu.contract_precision<fp32>, transpose_lhs_hint = false} : vector<1000x128xf32>, vector<128x128xf32>, vector<1000x128xf32> -> vector<1000x128xf32>
    %get3A_51 = arith.constant 0 : index
    %get3A_52 = arith.constant 0 : index
    %get3A_53 = vector.load %arg7[%get3A_51, %get3A_52] : memref<128x128xf32, #tpu.memory_space<vmem>>, vector<128x128xf32>
    %dot_general3A_54 = arith.constant dense<0.000000e+00> : vector<1000x128xf32>
    %dot_general3A_55 = tpu.matmul %mul3A_41, %get3A_53, %dot_general3A_54 {dimension_numbers = #tpu.dot_dimension_numbers<[1], [0], [0], [1], [0, 0, 1, 1], [], []>, precision = #tpu.contract_precision<fp32>, transpose_lhs_hint = false} : vector<1000x128xf32>, vector<128x128xf32>, vector<1000x128xf32> -> vector<1000x128xf32>
    %slice3A_56 = vector.extract_strided_slice %dot_general3A_45 {offsets = [0, 0], sizes = [1000, 64], strides = [1, 1]} : vector<1000x128xf32> to vector<1000x64xf32>
    %swap3A = arith.constant 0 : index
    %swap3A_57 = arith.constant 0 : index
    %swap3A_58 = arith.constant 0 : index
    %swap3A_59 = vector.load %arg9[%swap3A, %swap3A_57, %swap3A_58] : memref<2x1000x64xf32, #tpu.memory_space<vmem>>, vector<1x1000x64xf32>
    %swap3A_60 = vector.shape_cast %swap3A_59 : vector<1x1000x64xf32> to vector<1000x64xf32>
    %swap3A_61 = vector.shape_cast %slice3A_56 : vector<1000x64xf32> to vector<1x1000x64xf32>
    tpu.vector_store %arg9[%swap3A, %swap3A_57, %swap3A_58], %swap3A_61 {strides = array<i32>} : memref<2x1000x64xf32, #tpu.memory_space<vmem>>, vector<1x1000x64xf32>,
    %slice3A_62 = vector.extract_strided_slice %dot_general3A_45 {offsets = [0, 64], sizes = [1000, 64], strides = [1, 1]} : vector<1000x128xf32> to vector<1000x64xf32>
    %swap3A_63 = arith.constant 1 : index
    %swap3A_64 = arith.constant 0 : index
    %swap3A_65 = arith.constant 0 : index
    %swap3A_66 = vector.load %arg9[%swap3A_63, %swap3A_64, %swap3A_65] : memref<2x1000x64xf32, #tpu.memory_space<vmem>>, vector<1x1000x64xf32>
    %swap3A_67 = vector.shape_cast %swap3A_66 : vector<1x1000x64xf32> to vector<1000x64xf32>
    %swap3A_68 = vector.shape_cast %slice3A_62 : vector<1000x64xf32> to vector<1x1000x64xf32>
    tpu.vector_store %arg9[%swap3A_63, %swap3A_64, %swap3A_65], %swap3A_68 {strides = array<i32>} : memref<2x1000x64xf32, #tpu.memory_space<vmem>>, vector<1x1000x64xf32>,
    %slice3A_69 = vector.extract_strided_slice %dot_general3A_50 {offsets = [0, 0], sizes = [1000, 64], strides = [1, 1]} : vector<1000x128xf32> to vector<1000x64xf32>
    %swap3A_70 = arith.constant 0 : index
    %swap3A_71 = arith.constant 0 : index
    %swap3A_72 = arith.constant 0 : index
    %swap3A_73 = vector.load %arg10[%swap3A_70, %swap3A_71, %swap3A_72] : memref<2x1000x64xf32, #tpu.memory_space<vmem>>, vector<1x1000x64xf32>
    %swap3A_74 = vector.shape_cast %swap3A_73 : vector<1x1000x64xf32> to vector<1000x64xf32>
    %swap3A_75 = vector.shape_cast %slice3A_69 : vector<1000x64xf32> to vector<1x1000x64xf32>
    tpu.vector_store %arg10[%swap3A_70, %swap3A_71, %swap3A_72], %swap3A_75 {strides = array<i32>} : memref<2x1000x64xf32, #tpu.memory_space<vmem>>, vector<1x1000x64xf32>,
    %slice3A_76 = vector.extract_strided_slice %dot_general3A_50 {offsets = [0, 64], sizes = [1000, 64], strides = [1, 1]} : vector<1000x128xf32> to vector<1000x64xf32>
    %swap3A_77 = arith.constant 1 : index
    %swap3A_78 = arith.constant 0 : index
    %swap3A_79 = arith.constant 0 : index
    %swap3A_80 = vector.load %arg10[%swap3A_77, %swap3A_78, %swap3A_79] : memref<2x1000x64xf32, #tpu.memory_space<vmem>>, vector<1x1000x64xf32>
    %swap3A_81 = vector.shape_cast %swap3A_80 : vector<1x1000x64xf32> to vector<1000x64xf32>
    %swap3A_82 = vector.shape_cast %slice3A_76 : vector<1000x64xf32> to vector<1x1000x64xf32>
    tpu.vector_store %arg10[%swap3A_77, %swap3A_78, %swap3A_79], %swap3A_82 {strides = array<i32>} : memref<2x1000x64xf32, #tpu.memory_space<vmem>>, vector<1x1000x64xf32>,
    %slice3A_83 = vector.extract_strided_slice %dot_general3A_55 {offsets = [0, 0], sizes = [1000, 64], strides = [1, 1]} : vector<1000x128xf32> to vector<1000x64xf32>
    %swap3A_84 = arith.constant 0 : index
    %swap3A_85 = arith.constant 0 : index
    %swap3A_86 = arith.constant 0 : index
    %swap3A_87 = vector.load %arg11[%swap3A_84, %swap3A_85, %swap3A_86] : memref<2x1000x64xf32, #tpu.memory_space<vmem>>, vector<1x1000x64xf32>
    %swap3A_88 = vector.shape_cast %swap3A_87 : vector<1x1000x64xf32> to vector<1000x64xf32>
    %swap3A_89 = vector.shape_cast %slice3A_83 : vector<1000x64xf32> to vector<1x1000x64xf32>
    tpu.vector_store %arg11[%swap3A_84, %swap3A_85, %swap3A_86], %swap3A_89 {strides = array<i32>} : memref<2x1000x64xf32, #tpu.memory_space<vmem>>, vector<1x1000x64xf32>,
    %slice3A_90 = vector.extract_strided_slice %dot_general3A_55 {offsets = [0, 64], sizes = [1000, 64], strides = [1, 1]} : vector<1000x128xf32> to vector<1000x64xf32>
    %swap3A_91 = arith.constant 1 : index
    %swap3A_92 = arith.constant 0 : index
    %swap3A_93 = arith.constant 0 : index
    %swap3A_94 = vector.load %arg11[%swap3A_91, %swap3A_92, %swap3A_93] : memref<2x1000x64xf32, #tpu.memory_space<vmem>>, vector<1x1000x64xf32>
    %swap3A_95 = vector.shape_cast %swap3A_94 : vector<1x1000x64xf32> to vector<1000x64xf32>
    %swap3A_96 = vector.shape_cast %slice3A_90 : vector<1000x64xf32> to vector<1x1000x64xf32>
    tpu.vector_store %arg11[%swap3A_91, %swap3A_92, %swap3A_93], %swap3A_96 {strides = array<i32>} : memref<2x1000x64xf32, #tpu.memory_space<vmem>>, vector<1x1000x64xf32>,
    %get3A_97 = arith.constant 0 : index
    %get3A_98 = arith.constant 0 : index
    %get3A_99 = vector.load %arg8[%get3A_97, %get3A_98] : memref<128x128xf32, #tpu.memory_space<vmem>>, vector<128x128xf32>
    %dot_general3A_100 = arith.constant dense<0.000000e+00> : vector<1000x128xf32>
    %dot_general3A_101 = tpu.matmul %mul3A_41, %get3A_99, %dot_general3A_100 {dimension_numbers = #tpu.dot_dimension_numbers<[1], [0], [0], [1], [0, 0, 1, 1], [], []>, precision = #tpu.contract_precision<fp32>, transpose_lhs_hint = false} : vector<1000x128xf32>, vector<128x128xf32>, vector<1000x128xf32> -> vector<1000x128xf32>
    %swap3A_102 = arith.constant 0 : index
    %swap3A_103 = arith.constant 0 : index
    %swap3A_104 = vector.load %arg12[%swap3A_102, %swap3A_103] : memref<1000x128xf32, #tpu.memory_space<vmem>>, vector<1000x128xf32>
    tpu.vector_store %arg12[%swap3A_102, %swap3A_103], %dot_general3A_101 {strides = array<i32>} : memref<1000x128xf32, #tpu.memory_space<vmem>>, vector<1000x128xf32>,
    return
  }
  func.func @transform_0(%arg0: i32) -> (i32, i32, i32) {
    %c0_i32 = arith.constant 0 : i32
    %c0_i32_0 = arith.constant 0 : i32
    %c0_i32_1 = arith.constant 0 : i32
    return %c0_i32, %arg0, %c0_i32_0 : i32, i32, i32
  }
  func.func @transform_1(%arg0: i32) -> (i32, i32) {
    %c0_i32 = arith.constant 0 : i32
    %c0_i32_0 = arith.constant 0 : i32
    return %arg0, %c0_i32 : i32, i32
  }
  func.func @transform_2(%arg0: i32) -> (i32, i32) {
    %c0_i32 = arith.constant 0 : i32
    %c0_i32_0 = arith.constant 0 : i32
    %c0_i32_1 = arith.constant 0 : i32
    return %c0_i32, %c0_i32_0 : i32, i32
  }
  func.func @transform_3(%arg0: i32) -> (i32, i32) {
    %c0_i32 = arith.constant 0 : i32
    %c0_i32_0 = arith.constant 0 : i32
    %c0_i32_1 = arith.constant 0 : i32
    return %c0_i32, %c0_i32_0 : i32, i32
  }
  func.func @transform_4(%arg0: i32) -> (i32, i32) {
    %c0_i32 = arith.constant 0 : i32
    %c0_i32_0 = arith.constant 0 : i32
    %c0_i32_1 = arith.constant 0 : i32
    return %c0_i32, %c0_i32_0 : i32, i32
  }
  func.func @transform_5(%arg0: i32) -> (i32, i32) {
    %c0_i32 = arith.constant 0 : i32
    %c0_i32_0 = arith.constant 0 : i32
    %c0_i32_1 = arith.constant 0 : i32
    return %c0_i32, %c0_i32_0 : i32, i32
  }
  func.func @transform_6(%arg0: i32) -> (i32, i32) {
    %c0_i32 = arith.constant 0 : i32
    %c0_i32_0 = arith.constant 0 : i32
    %c0_i32_1 = arith.constant 0 : i32
    return %c0_i32, %c0_i32_0 : i32, i32
  }
  func.func @transform_7(%arg0: i32) -> (i32, i32) {
    %c0_i32 = arith.constant 0 : i32
    %c0_i32_0 = arith.constant 0 : i32
    %c0_i32_1 = arith.constant 0 : i32
    return %c0_i32, %c0_i32_0 : i32, i32
  }
  func.func @transform_8(%arg0: i32) -> (i32, i32, i32) {
    %c0_i32 = arith.constant 0 : i32
    %c0_i32_0 = arith.constant 0 : i32
    %c0_i32_1 = arith.constant 0 : i32
    return %c0_i32, %arg0, %c0_i32_0 : i32, i32, i32
  }
  func.func @transform_9(%arg0: i32) -> (i32, i32, i32) {
    %c0_i32 = arith.constant 0 : i32
    %c0_i32_0 = arith.constant 0 : i32
    %c0_i32_1 = arith.constant 0 : i32
    return %c0_i32, %arg0, %c0_i32_0 : i32, i32, i32
  }
  func.func @transform_10(%arg0: i32) -> (i32, i32, i32) {
    %c0_i32 = arith.constant 0 : i32
    %c0_i32_0 = arith.constant 0 : i32
    %c0_i32_1 = arith.constant 0 : i32
    return %c0_i32, %arg0, %c0_i32_0 : i32, i32, i32
  }
  func.func @transform_11(%arg0: i32) -> (i32, i32) {
    %c0_i32 = arith.constant 0 : i32
    %c0_i32_0 = arith.constant 0 : i32
    return %arg0, %c0_i32 : i32, i32
  }
}

module attributes {stable_mosaic.version = 14 : i64} {
  func.func @_combine_final_body(%arg0: i32, %arg1: memref<2x1000x80xf32, #tpu.memory_space<vmem>>, %arg2: memref<1000x128xf32, #tpu.memory_space<vmem>>, %arg3: memref<1x128xf32, #tpu.memory_space<vmem>>, %arg4: memref<1x128xf32, #tpu.memory_space<vmem>>, %arg5: memref<128x128xf32, #tpu.memory_space<vmem>>, %arg6: memref<1000x128xf32, #tpu.memory_space<vmem>>) attributes {dimension_semantics = [#tpu.dimension_semantics<arbitrary>], iteration_bounds = array<i64: 10>, scalar_prefetch = 0 : i64, scratch_operands = 0 : i64, tpu.core_type = #tpu.core_type<tc>, window_params = [{transform_indices = @transform_0, window_bounds = array<i64: 2, 1000, 80>}, {transform_indices = @transform_1, window_bounds = array<i64: 1000, 128>}, {pipeline_mode = #tpu.pipeline_mode<synchronous>, transform_indices = @transform_2, window_bounds = array<i64: 1, 128>}, {pipeline_mode = #tpu.pipeline_mode<synchronous>, transform_indices = @transform_3, window_bounds = array<i64: 1, 128>}, {pipeline_mode = #tpu.pipeline_mode<synchronous>, transform_indices = @transform_4, window_bounds = array<i64: 128, 128>}, {transform_indices = @transform_5, window_bounds = array<i64: 1000, 128>}]} {
    %get3A = arith.constant 0 : index
    %get3A_0 = arith.constant 0 : index
    %get3A_1 = arith.constant 0 : index
    %get3A_2 = vector.load %arg1[%get3A, %get3A_0, %get3A_1] : memref<2x1000x80xf32, #tpu.memory_space<vmem>>, vector<2x1000x80xf32>
    %get3A_3 = arith.constant 0 : index
    %get3A_4 = arith.constant 0 : index
    %get3A_5 = vector.load %arg2[%get3A_3, %get3A_4] : memref<1000x128xf32, #tpu.memory_space<vmem>>, vector<1000x128xf32>
    %slice3A = vector.extract_strided_slice %get3A_2 {offsets = [0, 0, 0], sizes = [1, 1000, 80], strides = [1, 1, 1]} : vector<2x1000x80xf32> to vector<1x1000x80xf32>
    %squeeze3A = vector.shape_cast %slice3A : vector<1x1000x80xf32> to vector<1000x80xf32>
    %slice3A_6 = vector.extract_strided_slice %squeeze3A {offsets = [0, 64], sizes = [1000, 1], strides = [1, 1]} : vector<1000x80xf32> to vector<1000x1xf32>
    %slice3A_7 = vector.extract_strided_slice %get3A_2 {offsets = [0, 0, 0], sizes = [1, 1000, 80], strides = [1, 1, 1]} : vector<2x1000x80xf32> to vector<1x1000x80xf32>
    %squeeze3A_8 = vector.shape_cast %slice3A_7 : vector<1x1000x80xf32> to vector<1000x80xf32>
    %slice3A_9 = vector.extract_strided_slice %squeeze3A_8 {offsets = [0, 0], sizes = [1000, 64], strides = [1, 1]} : vector<1000x80xf32> to vector<1000x64xf32>
    %broadcast_in_dim3A = vector.shape_cast %slice3A_6 : vector<1000x1xf32> to vector<1000x1xf32>
    %broadcast_in_dim3A_10 = vector.broadcast %broadcast_in_dim3A : vector<1000x1xf32> to vector<1000x64xf32>
    %add3A = arith.constant 9.99999971E-10 : f32
    %add3A_11 = vector.broadcast %add3A : f32 to vector<1000x64xf32>
    %add3A_12 = arith.addf %broadcast_in_dim3A_10, %add3A_11 : vector<1000x64xf32>
    %div3A = arith.divf %slice3A_9, %add3A_12 : vector<1000x64xf32>
    %slice3A_13 = vector.extract_strided_slice %get3A_2 {offsets = [1, 0, 0], sizes = [1, 1000, 80], strides = [1, 1, 1]} : vector<2x1000x80xf32> to vector<1x1000x80xf32>
    %squeeze3A_14 = vector.shape_cast %slice3A_13 : vector<1x1000x80xf32> to vector<1000x80xf32>
    %slice3A_15 = vector.extract_strided_slice %squeeze3A_14 {offsets = [0, 64], sizes = [1000, 1], strides = [1, 1]} : vector<1000x80xf32> to vector<1000x1xf32>
    %slice3A_16 = vector.extract_strided_slice %get3A_2 {offsets = [1, 0, 0], sizes = [1, 1000, 80], strides = [1, 1, 1]} : vector<2x1000x80xf32> to vector<1x1000x80xf32>
    %squeeze3A_17 = vector.shape_cast %slice3A_16 : vector<1x1000x80xf32> to vector<1000x80xf32>
    %slice3A_18 = vector.extract_strided_slice %squeeze3A_17 {offsets = [0, 0], sizes = [1000, 64], strides = [1, 1]} : vector<1000x80xf32> to vector<1000x64xf32>
    %broadcast_in_dim3A_19 = vector.shape_cast %slice3A_15 : vector<1000x1xf32> to vector<1000x1xf32>
    %broadcast_in_dim3A_20 = vector.broadcast %broadcast_in_dim3A_19 : vector<1000x1xf32> to vector<1000x64xf32>
    %add3A_21 = arith.constant 9.99999971E-10 : f32
    %add3A_22 = vector.broadcast %add3A_21 : f32 to vector<1000x64xf32>
    %add3A_23 = arith.addf %broadcast_in_dim3A_20, %add3A_22 : vector<1000x64xf32>
    %div3A_24 = arith.divf %slice3A_18, %add3A_23 : vector<1000x64xf32>
    %concatenate3A = tpu.concatenate %div3A, %div3A_24 in 1 : vector<1000x64xf32>, vector<1000x64xf32> -> vector<1000x128xf32>
    %add3A_25 = arith.addf %concatenate3A, %get3A_5 : vector<1000x128xf32>
    %get3A_26 = arith.constant 0 : index
    %get3A_27 = arith.constant 0 : index
    %get3A_28 = vector.load %arg3[%get3A_26, %get3A_27] : memref<1x128xf32, #tpu.memory_space<vmem>>, vector<1x128xf32>
    %get3A_29 = arith.constant 0 : index
    %get3A_30 = arith.constant 0 : index
    %get3A_31 = vector.load %arg4[%get3A_29, %get3A_30] : memref<1x128xf32, #tpu.memory_space<vmem>>, vector<1x128xf32>
    %abs3A = math.absf %add3A_25 : vector<1000x128xf32>
    %add3A_32 = arith.constant 9.99999993E-9 : f32
    %add3A_33 = vector.broadcast %add3A_32 : f32 to vector<1000x128xf32>
    %add3A_34 = arith.addf %abs3A, %add3A_33 : vector<1000x128xf32>
    %div3A_35 = arith.divf %add3A_25, %add3A_34 : vector<1000x128xf32>
    %mul3A = vector.broadcast %get3A_28 : vector<1x128xf32> to vector<1000x128xf32>
    %mul3A_36 = arith.mulf %abs3A, %mul3A : vector<1000x128xf32>
    %add3A_37 = vector.broadcast %get3A_31 : vector<1x128xf32> to vector<1000x128xf32>
    %add3A_38 = arith.addf %mul3A_36, %add3A_37 : vector<1000x128xf32>
    %max3A = arith.constant 0.000000e+00 : f32
    %max3A_39 = vector.broadcast %max3A : f32 to vector<1000x128xf32>
    %max3A_40 = arith.maximumf %add3A_38, %max3A_39 : vector<1000x128xf32>
    %mul3A_41 = arith.mulf %max3A_40, %div3A_35 : vector<1000x128xf32>
    %get3A_42 = arith.constant 0 : index
    %get3A_43 = arith.constant 0 : index
    %get3A_44 = vector.load %arg5[%get3A_42, %get3A_43] : memref<128x128xf32, #tpu.memory_space<vmem>>, vector<128x128xf32>
    %dot_general3A = arith.constant dense<0.000000e+00> : vector<1000x128xf32>
    %dot_general3A_45 = tpu.matmul %mul3A_41, %get3A_44, %dot_general3A {dimension_numbers = #tpu.dot_dimension_numbers<[1], [0], [0], [1], [0, 0, 1, 1], [], []>, precision = #tpu.contract_precision<fp32>, transpose_lhs_hint = false} : vector<1000x128xf32>, vector<128x128xf32>, vector<1000x128xf32> -> vector<1000x128xf32>
    %swap3A = arith.constant 0 : index
    %swap3A_46 = arith.constant 0 : index
    %swap3A_47 = vector.load %arg6[%swap3A, %swap3A_46] : memref<1000x128xf32, #tpu.memory_space<vmem>>, vector<1000x128xf32>
    tpu.vector_store %arg6[%swap3A, %swap3A_46], %dot_general3A_45 {strides = array<i32>} : memref<1000x128xf32, #tpu.memory_space<vmem>>, vector<1000x128xf32>,
    return
  }
  func.func @transform_0(%arg0: i32) -> (i32, i32, i32) {
    %c0_i32 = arith.constant 0 : i32
    %c0_i32_0 = arith.constant 0 : i32
    %c0_i32_1 = arith.constant 0 : i32
    return %c0_i32, %arg0, %c0_i32_0 : i32, i32, i32
  }
  func.func @transform_1(%arg0: i32) -> (i32, i32) {
    %c0_i32 = arith.constant 0 : i32
    %c0_i32_0 = arith.constant 0 : i32
    return %arg0, %c0_i32 : i32, i32
  }
  func.func @transform_2(%arg0: i32) -> (i32, i32) {
    %c0_i32 = arith.constant 0 : i32
    %c0_i32_0 = arith.constant 0 : i32
    %c0_i32_1 = arith.constant 0 : i32
    return %c0_i32, %c0_i32_0 : i32, i32
  }
  func.func @transform_3(%arg0: i32) -> (i32, i32) {
    %c0_i32 = arith.constant 0 : i32
    %c0_i32_0 = arith.constant 0 : i32
    %c0_i32_1 = arith.constant 0 : i32
    return %c0_i32, %c0_i32_0 : i32, i32
  }
  func.func @transform_4(%arg0: i32) -> (i32, i32) {
    %c0_i32 = arith.constant 0 : i32
    %c0_i32_0 = arith.constant 0 : i32
    %c0_i32_1 = arith.constant 0 : i32
    return %c0_i32, %c0_i32_0 : i32, i32
  }
  func.func @transform_5(%arg0: i32) -> (i32, i32) {
    %c0_i32 = arith.constant 0 : i32
    %c0_i32_0 = arith.constant 0 : i32
    return %arg0, %c0_i32 : i32, i32
  }
}

</mosaic_0001>

<sc_bundles>
// kernel: kernel.10.cloned.1.call-start
scs
__scs_entry_jumppad:
0x0: {  	(pc) =	sbr.rel $0x88, $3  }
0x1: {  	(tag) =	ssettag $0x0;
	lr =	simm.s32 $0x1  }
0x2: {  	[smem:$0x3F90] =	sst lr;
	_ =	strace $0xD0000000  }
0x3: {  	_ = 	snop  }
0x4: {  	_ = 	snop  }
0x5: {  	_ = 	snop  }
0x6: {  	_ = 	snop  }
0x7: {  	_ = 	snop  }
__scs_overlays_trampoline_lowered:
0x8: {  	[smem:$0x3F9F] =	sst s0  }
0x9: {  	[smem:$0x3FA0] =	sst s1  }
0xa: {  	[smem:$0x3FA1] =	sst s2  }
0xb: {  	[smem:$0x3FA2] =	sst s3  }
0xc: {  	[smem:$0x3FA3] =	sst s4  }
0xd: {  	[smem:$0x3FA4] =	sst s5  }
0xe: {  	[smem:$0x3FA5] =	sst s6  }
0xf: {  	[smem:$0x3FA6] =	sst s7  }
0x10: {  	[smem:$0x3FA7] =	sst s8  }
0x11: {  	[smem:$0x3FA8] =	sst s9;
	s0 =	simm.s32 @!p0 $0x0  }
0x12: {  	s1 =	sld [smem:$0x3F8E];
	s0 =	simm.s32 @p0 $0x1  }
0x13: {  	[smem:$0x3FA9] =	sst s0;
	s0 =	simm.s32 @!p1 $0x0  }
0x14: {  	s2 =	sld [smem:$0x3F8D];
	s0 =	simm.s32 @p1 $0x1  }
0x15: {  	[smem:$0x3FAA] =	sst s0;
	s0 =	simm.s32 @!p2 $0x0  }
0x16: {  	s3 =	sld [smem:$0x3FDB];
	s0 =	simm.s32 @p2 $0x1  }
0x17: {  	s4 =	simm.s32 $0x1BF5;
	[smem:$0x3FAC] =	sst s0  }
0x18: {  	s0 =	sld [smem:$0x3F8F];
	_ =	swait.ge [sflag:s4], $0x0  }
0x19: {  	s7 =	sld [smem:$0x3F90]  }
0x1a: {  	s8 =	sadd.s32 $0xFFFFE003, lr  }
0x1b: {  	s9 =	sadd.s32 $0xFFFFFEF7, lr;
	s5 =	simm.s32 $0xFFFFFFFF;
	p2 =	slt.u32 s8, $0xFFFFF086  }
0x1c: {  	p1 =	slt.u32 s9, $0xF7A;
	s5 =	simm.s32 @!p2 $0x0  }
0x1d: {  	s5 =	simm.s32 @p1 $0x1;
	p0 =	seq.s32 s7, s2  }
0x1e: {  	s7 =	smul.u32 @!p0 $0xF7A, s2;
	p2 =	seq.s32 @!p0 s5, $0x0  }
0x1f: {  	s9 =	smul.u32 $0xF7A, s1;
	s8 =	simm.s32 @!p0 $0x1BF5;
	p2 =	por !p2, p0  }
0x20: {  	[sflag:s8] =	ssyncset.s32 @!p0 $0xFFFFF086;
	s6 =	sadd.s32 @!p0 s3, s7;
	s7 =	simm.s32 @!p0 $0x108  }
0x21: {  	s3 =	sadd.s32 s3, s9;
	s6 =	sadd.s32 @!p0 $0x88, s6;
	s7 =	simm.s32 @p2 $0x1082  }
0x22: {  	[simem:s7], [sflag:s8] =	dma.local @!p0 [hbm:s6], $0xF7A  }
0x23: {  	s9 =	sor.u32 $0xD0000000, s2;
	s6 =	simm.s32 $0x108;
	_ =	swait.ge @!p0 [sflag:s8], $0x0  }
0x24: {  	s3 =	sadd.s32 $0x88, s3;
	s6 =	simm.s32 @!p1 $0x1082;
	[sflag:s4] =	ssyncset.s32 $0xFFFFF086  }
0x25: {  	[simem:s6], [sflag:s4] =	dma.local [hbm:s3], $0xF7A  }
0x26: {  	[smem:$0x3F90] =	sst s1;
	(tag) =	ssettag s2;
	_ =	strace s9  }
0x27: {  	s1 =	sld [smem:$0x3FA0]  }
0x28: {  	s2 =	sld [smem:$0x3FA1]  }
0x29: {  	s4 =	sld [smem:$0x3FA3]  }
0x2a: {  	p0 =	seq.s32 s5, $0x0;
	s5 =	sld [smem:$0x3FA4]  }
0x2b: {  	s6 =	sld [smem:$0x3FA5]  }
0x2c: {  	s7 =	sld [smem:$0x3FA6]  }
0x2d: {  	s3 =	simm.s32 $0x108;
	s8 =	sld [smem:$0x3FA7]  }
0x2e: {  	s3 =	simm.s32 @!p0 $0x1082;
	s9 =	sld [smem:$0x3FA8]  }
0x2f: {  	lr =	sadd.s32 s0, s3;
	s0 =	sld [smem:$0x3F9F]  }
0x30: {  	s3 =	sld [smem:$0x3FA2]  }
0x31: {  	[smem:$0x3FAB] =	sst s10  }
0x32: {  	s10 =	sld [smem:$0x3FA9];
	_ =	sdelay $0x3  }
0x33: {  	p0 =	seq.s32 s10, $0x1;
	s10 =	sld [smem:$0x3FAB];
	_ =	sdelay $0x3  }
0x34: {  	[smem:$0x3FAB] =	sst s10  }
0x35: {  	s10 =	sld [smem:$0x3FAA];
	_ =	sdelay $0x3  }
0x36: {  	p1 =	seq.s32 s10, $0x1;
	s10 =	sld [smem:$0x3FAB];
	_ =	sdelay $0x3  }
0x37: {  	[smem:$0x3FAB] =	sst s10  }
0x38: {  	s10 =	sld [smem:$0x3FAC]  }
0x39: {  	_ = 	snop;
	(pc) =	sbr.ind lr, $3  }
0x3a: {  	_ = 	snop  }
0x3b: {  	_ = 	snop  }
0x3c: {  	p2 =	seq.s32 s10, $0x1;
	s10 =	sld [smem:$0x3FAB]  }
0x3d: {  	_ =	shalt  }
0x3e: {  	_ =	shalt  }
0x3f: {  	_ =	shalt  }
0x40: {  	_ =	shalt  }
0x41: {  	_ =	shalt  }
0x42: {  	_ =	shalt  }
0x43: {  	_ =	shalt  }
0x44: {  	_ =	shalt  }
0x45: {  	_ =	shalt  }
0x46: {  	_ =	shalt  }
0x47: {  	_ =	shalt  }
0x48: {  	_ =	shalt  }
0x49: {  	_ =	shalt  }
0x4a: {  	_ =	shalt  }
0x4b: {  	_ =	shalt  }
0x4c: {  	_ =	shalt  }
0x4d: {  	_ =	shalt  }
0x4e: {  	_ =	shalt  }
0x4f: {  	_ =	shalt  }
0x50: {  	_ =	shalt  }
0x51: {  	_ =	shalt  }
0x52: {  	_ =	shalt  }
0x53: {  	_ =	shalt  }
0x54: {  	_ =	shalt  }
0x55: {  	_ =	shalt  }
0x56: {  	_ =	shalt  }
0x57: {  	_ =	shalt  }
0x58: {  	_ =	shalt  }
0x59: {  	_ =	shalt  }
0x5a: {  	_ =	shalt  }
0x5b: {  	_ =	shalt  }
0x5c: {  	_ =	shalt  }
0x5d: {  	_ =	shalt  }
0x5e: {  	_ =	shalt  }
0x5f: {  	_ =	shalt  }
0x60: {  	_ =	shalt  }
0x61: {  	_ =	shalt  }
0x62: {  	_ =	shalt  }
0x63: {  	_ =	shalt  }
0x64: {  	_ =	shalt  }
0x65: {  	_ =	shalt  }
0x66: {  	_ =	shalt  }
0x67: {  	_ =	shalt  }
0x68: {  	_ =	shalt  }
0x69: {  	_ =	shalt  }
0x6a: {  	_ =	shalt  }
0x6b: {  	_ =	shalt  }
0x6c: {  	_ =	shalt  }
0x6d: {  	_ =	shalt  }
0x6e: {  	_ =	shalt  }
0x6f: {  	_ =	shalt  }
0x70: {  	_ =	shalt  }
0x71: {  	_ =	shalt  }
0x72: {  	_ =	shalt  }
0x73: {  	_ =	shalt  }
0x74: {  	_ =	shalt  }
0x75: {  	_ =	shalt  }
0x76: {  	_ =	shalt  }
0x77: {  	_ =	shalt  }
0x78: {  	_ =	shalt  }
0x79: {  	_ =	shalt  }
0x7a: {  	_ =	shalt  }
0x7b: {  	_ =	shalt  }
0x7c: {  	_ =	shalt  }
0x7d: {  	_ =	shalt  }
0x7e: {  	_ =	shalt  }
0x7f: {  	_ =	shalt  }
0x80: {  	_ =	shalt  }
0x81: {  	_ =	shalt  }
0x82: {  	_ =	shalt  }
0x83: {  	_ =	shalt  }
0x84: {  	_ =	shalt  }
0x85: {  	_ =	shalt  }
0x86: {  	_ =	shalt  }
0x87: {  	_ =	shalt  }
.Lfunc_end0:
.L_simem_size_0:
called_computation_lowered:
.L_overlay_start_0:
0x88: {  	s2 =	sld [smem:$0x3FD9]  }
0x89: {  	s3 =	sld [smem:$0x3FFE];
	_ =	sdelay $0x1  }
0x8a: {  	s1 =	srdreg.scid  }
0x8b: {  	s0 =	sand.u32 $0x1, s1  }
0x8c: {  	s16 =	sshll.u32 s0, $0xA;
	s2 =	sadd.s32 s3, s2  }
0x8d: {  	s2 =	sadd.s32 s2, s16  }
0x8e: {  	[smem:$0x3FB7] =	sst s2  }
0x8f: {  	_ = 	snop  }
0x90: {  	(tm) =	ssettm $0x1  }
0x91: {  	s17 =	sld [smem:$0x3FFB];
	_ =	sdelay $0x3  }
0x92: {  	_ =	strace s17  }
0x93: {  	s2 =	sld [smem:$0x3FFC];
	_ =	sdelay $0x3  }
0x94: {  	_ =	strace s2  }
0x95: {  	s2 =	sld [smem:$0x3FFD];
	_ =	sdelay $0x3  }
0x96: {  	_ =	strace s2  }
0x97: {  	_ =	strace $0x8FFFFFFF  }
0x98: {  	s18 =	sld [smem:$0x3FDB];
	_ =	sdelay $0x1  }
0x99: {  	s19 =	simm.s32 $_scs_section_size  }
0x9a: {  	s4 =	simm.s32 $_size__tile_overlayer_lowered;
	s5 =	simm.s32 $_tile_overlayer_lowered  }
0x9b: {  	s22 =	simm.s32 $0x1BFF;
	s21 =	sshll.u32 s5, $0x1;
	s2 =	sadd.s32 s19, s18  }
0x9c: {  	s6 =	simm.s32 $0x0;
	s20 =	sshll.u32 s4, $0x1;
	s4 =	sadd.s32 s21, s2  }
0x9d: {  	[timem:s6], [sflag:s22] =	dma.local [hbm:s4], s20  }
0x9e: {  	_ =	swait.ge [sflag:s22], s20  }
0x9f: {  	s3 =	ssub.s32 $0x0, s20;
	[sflag:s22] =	ssyncset.done $0x0  }
0xa0: {  	[sflag:s22] =	ssyncadd.s32 s3;
	_ =	sdelay $0x1  }
0xa1: {  	s23 =	simm.s32 $0x1B8B  }
0xa2: {  	_ =	swait.ge [sflag:s23], $0x1  }
0xa3: {  	[sflag:s23] =	ssyncset.done $0x0  }
0xa4: {  	s25 =	simm.s32 $0x1B8E;
	s24 =	sld [smem:$0x3FFE];
	[sflag:s23] =	ssyncadd.s32 $0xFFFFFFFF  }
0xa5: {  	s26 =	simm.s32 $execute0_lowered;
	[smem:$0x3FD2] =	sst s25  }
0xa6: {  	s4 =	sshll.u32 s26, $0x1;
	_ =	strace $0x80000046;
	[dreg:$0x1] =	wrdreg $0xFFFFFFFF  }
0xa7: {  	s28 =	simm.s32 $_size_execute0_lowered;
	s2 =	sadd.s32 s2, s4;
	[dreg:$0x0] =	wrdreg $0x0  }
0xa8: {  	s4 =	sshll.u32 s28, $0x1;
	[dreg:$0x2] =	wrdreg s2  }
0xa9: {  	[dreg:$0x3] =	wrdreg s4  }
0xaa: {  	[dreg:$0x4] =	wrdreg $0xC0  }
0xab: {  	_ =	task [dreg:s6], $0x5FFFF  }
0xac: {  	[dreg:$0x1] =	wrdreg $0xFFFFFFFF  }
0xad: {  	[dreg:$0x0] =	wrdreg $0x60  }
0xae: {  	[dreg:$0x2] =	wrdreg s24  }
0xaf: {  	[dreg:$0x3] =	wrdreg $0x9  }
0xb0: {  	_ =	task.clear_ibuf [dreg:s6], $0x4FFFF;
	_ =	strace $0x90000046  }
0xb1: {  	s29 =	simm.s32 $0x9;
	_ =	strace $0x80000048  }
0xb2: {  	_ =	swait.ge [sflag:s29], $0x1  }
0xb3: {  	[sflag:s29] =	ssyncadd.s32 $0xFFFFFFFF  }
0xb4: {  	_ =	strace $0x90000048  }
0xb5: {  	_ =	sfence  }
0xb6: {  	s30 =	sld [smem:$0x0];
	_ =	sdelay $0x2  }
0xb7: {  	s31 =	sshll.u32 s1, $0xD;
	s1 =	sshrl.u32 s1, $0x2  }
0xb8: {  	s3 =	sand.u32 $0x4000, s31;
	s1 =	sadd.s32 s1, s30  }
0xb9: {  	s0 =	sor.u32 s3, s0;
	s1 =	sshll.u32 s1, $0x11  }
0xba: {  	s0 =	sor.u32 s1, s0  }
0xbb: {  	s0 =	sadd.s32 $0x8F2B, s0  }
0xbc: {  	[sflag:s0] =	ssyncadd.remote.s32 $0x1  }
0xbd: {  	_ =	sfence.sel $0xFFFF  }
0xbe: {  	[dreg:$0x0] =	wrdreg $0xFFFFFFFF;
	(pc) =	sbr.abs _section_cstart, $3  }
0xbf: {  	[dreg:$0x1] =	wrdreg $0xFFFFFFFF  }
0xc0: {  	_ =	task.clear_ibuf [dreg:s6], $0x2FFFF;
	_ =	strace $0x9FFFFFFF  }
0xc1: {  	(tm) =	ssettm $0x7FFFFFFF  }
tec
execute0_lowered:
.L_overlay_start_1:
0x0: {  	(tag) =	ssettag $0x1  }
0x1: {  	s6 =	rddreg [dreg:$0x0]  }
0x2: {  	s0 =	rddreg [dreg:$0x1]  }
0x3: {  	s3 =	srdreg.scid;
	s1 =	stileid.u32;
	s2 =	simm.s32 $0x0  }
0x4: {  	s11 =	simm.s32 $0x2710;
	s12 =	simm.s32 $0x4E20;
	s13 =	simm.s32 $0x7530  }
0x5: {  	s14 =	simm.s32 $0x9C40;
	s5 =	sand.u32 $0x1, s3;
	s30 =	sshll.u32 s1, $0x1  }
0x6: {  	s15 =	simm.s32 $0xC350;
	s16 =	simm.s32 $0x0;
	s3 =	sor.u32 s5, s30  }
0x7: {  	[smem:$0x7FF] =	sst s2;
	s4 =	sadd.s32 $0x19C00, s6;
	s7 =	smul.u32 $0x4E2, s3  }
0x8: {  	_ =	strace $0x80000047;
	s8 =	ssub.s32 $0x2, s5;
	s5 =	sadd.s32 $0x19600, s6  }
0x9: {  	s3 =	sadd.s32 $0x1A200, s6;
	s31 =	sshrl.u32 s8, $0x1;
	s9 =	sadd.s32 s7, s6  }
0xa: {  	s10 =	ssub.s32 s8, s31;
	s6 =	sadd.s32 $0x5A00, s9;
	s7 =	sadd.s32 $0xF800, s9  }
0xb: {  	s8 =	sadd.s32 $0x1A800, s9;
	s9 =	smax.u32 s10, $0x1;
	s10 =	simm.s32 $0x1  }
.LBB2_1:
0xc: {  	[tilespmem:s2], [sflag:$0x1] =	stream.linear.gather [hbm4b:s3+s2], $0x2710, $0x38;
	[tilespmem:$0xEA60] =	vst v63  }
0xd: {  	_ =	swait.ge [sflag:s10], $0x2710  }
0xe: {  	[sflag:s10] =	ssyncset.done $0x0  }
0xf: {  	[sflag:s10] =	ssyncadd.s32 $0xFFFFD8F0  }
0x10: {  	[tilespmem:s11], [sflag:$0x1] =	stream.linear.gather [hbm4b:s4+s2], $0x2710, $0x38;
	[tilespmem:$0xEA60] =	vst v63  }
0x11: {  	_ =	swait.ge [sflag:s10], $0x2710  }
0x12: {  	[sflag:s10] =	ssyncset.done $0x0  }
0x13: {  	[sflag:s10] =	ssyncadd.s32 $0xFFFFD8F0  }
0x14: {  	[tilespmem:s12], [sflag:$0x1] =	stream.linear.gather [hbm4b:s5+s2], $0x2710, $0x38;
	[tilespmem:$0xEA60] =	vst v63  }
0x15: {  	_ =	swait.ge [sflag:s10], $0x2710  }
0x16: {  	[sflag:s10] =	ssyncset.done $0x0  }
0x17: {  	[sflag:s10] =	ssyncadd.s32 $0xFFFFD8F0  }
0x18: {  	[tilespmem:s13], [sflag:$0x1] =	stream.linear.gather [hbm4b:s6+s2], $0x2710, $0x38;
	[tilespmem:$0xEA60] =	vst v63  }
0x19: {  	_ =	swait.ge [sflag:s10], $0x2710  }
0x1a: {  	[sflag:s10] =	ssyncset.done $0x0  }
0x1b: {  	[sflag:s10] =	ssyncadd.s32 $0xFFFFD8F0  }
0x1c: {  	[tilespmem:s14], [sflag:$0x1] =	stream.linear.gather [hbm4b:s7+s2], $0x2710, $0x38;
	[tilespmem:$0xEA60] =	vst v63  }
0x1d: {  	_ =	swait.ge [sflag:s10], $0x2710  }
0x1e: {  	[sflag:s10] =	ssyncset.done $0x0  }
0x1f: {  	s17 =	simm.s32 $0x0;
	[sflag:s10] =	ssyncadd.s32 $0xFFFFD8F0  }
0x20: {  	v0 =	vld [tilespmem:s17+$0x7530]  }
0x21: {  	v1 =	vld [tilespmem:s17+$0x9C40];
	_ =	sdelay $0x6  }
0x22: {  	v2 =	vld.idx.msk [tilespmem:v0+s2+$0x0], $0xffff  }
0x23: {  	v3 =	vld.idx.msk [tilespmem:v1+s2+$0x0], $0xffff  }
0x24: {  	v4 =	vld.idx.msk [tilespmem:v1+s11+$0x0], $0xffff  }
0x25: {  	v5 =	vld.idx.msk [tilespmem:v0+s11+$0x0], $0xffff  }
0x26: {  	v6 =	vld.idx.msk [tilespmem:v1+s12+$0x0], $0xffff  }
0x27: {  	v7 =	vld.idx.msk [tilespmem:v0+s12+$0x0], $0xffff;
	_ =	sdelay $0x2  }
0x28: {  	s18 =	simm.s32 $0x10;
	v3 =	vsub.f32 v3, v2;
	v4 =	vsub.f32 v4, v5  }
0x29: {  	v0 =	vld [tilespmem:s18+$0x7530]  }
0x2a: {  	v1 =	vld [tilespmem:s18+$0x9C40];
	v2 =	vsub.f32 v6, v7;
	v3 =	vmul.f32 v3, v3;
	v4 =	vmul.f32 v4, v4  }
0x2b: {  	s19 =	simm.s32 $0x80  }
.LBB2_2:
0x2c: {  	p0 =	sne.s32 s19, $0x9C00;
	v3 =	vadd.f32 v4, v3;
	v2 =	vmul.f32 v2, v2;
	_ =	sdelay $0x1  }
0x2d: {  	v2 =	vadd.f32 v2, v3;
	_ =	sdelay $0x1  }
0x2e: {  	[tilespmem:s17+$0xC350] =	vst v2;
	s17 =	smov.u32 s18  }
0x2f: {  	v2 =	vld.idx.msk [tilespmem:v0+s2+$0x0], $0xffff  }
0x30: {  	v3 =	vld.idx.msk [tilespmem:v1+s2+$0x0], $0xffff  }
0x31: {  	v4 =	vld.idx.msk [tilespmem:v1+s11+$0x0], $0xffff  }
0x32: {  	v5 =	vld.idx.msk [tilespmem:v0+s11+$0x0], $0xffff  }
0x33: {  	v6 =	vld.idx.msk [tilespmem:v1+s12+$0x0], $0xffff  }
0x34: {  	v7 =	vld.idx.msk [tilespmem:v0+s12+$0x0], $0xffff;
	_ =	sdelay $0x2  }
.Ltmp0:
0x35: {  	(pc) =	sbr.rel @p0 .LBB2_2-.Ltmp0, $4  }
0x36: {  	s18 =	sshra.s32 s19, $0x2;
	v3 =	vsub.f32 v3, v2;
	v4 =	vsub.f32 v4, v5  }
0x37: {  	v0 =	vld [tilespmem:s18+$0x7530]  }
0x38: {  	v3 =	vmul.f32 v3, v3;
	v2 =	vsub.f32 v6, v7;
	v4 =	vmul.f32 v4, v4;
	v1 =	vld [tilespmem:s18+$0x9C40]  }
0x39: {  	s19 =	sadd.s32 $0x40, s19  }
0x3a: {  	_ = 	snop  }
0x3b: {  	v3 =	vadd.f32 v4, v3;
	v2 =	vmul.f32 v2, v2;
	_ =	sdelay $0x1  }
0x3c: {  	v2 =	vadd.f32 v2, v3;
	_ =	sdelay $0x1  }
0x3d: {  	[tilespmem:s17+$0xC350] =	vst v2  }
0x3e: {  	v2 =	vld.idx.msk [tilespmem:v0+s2+$0x0], $0xffff  }
0x3f: {  	v57 =	vld.idx.msk [tilespmem:v1+s2+$0x0], $0xffff  }
0x40: {  	v58 =	vld.idx.msk [tilespmem:v1+s11+$0x0], $0xffff  }
0x41: {  	v5 =	vld.idx.msk [tilespmem:v0+s11+$0x0], $0xffff  }
0x42: {  	v59 =	vld.idx.msk [tilespmem:v1+s12+$0x0], $0xffff  }
0x43: {  	v60 =	vld.idx.msk [tilespmem:v0+s12+$0x0], $0xffff;
	_ =	sdelay $0x2  }
0x44: {  	v2 =	vsub.f32 v57, v2;
	v61 =	vsub.f32 v58, v5;
	_ =	sdelay $0x1  }
0x45: {  	v0 =	vsub.f32 v59, v60;
	v62 =	vmul.f32 v2, v2;
	v63 =	vmul.f32 v61, v61;
	_ =	sdelay $0x1  }
0x46: {  	v0 =	vmul.f32 v0, v0;
	v1 =	vadd.f32 v63, v62;
	_ =	sdelay $0x1  }
0x47: {  	s16 =	sadd.s32 $0x1, s16;
	v0 =	vadd.f32 v0, v1  }
0x48: {  	p0 =	sne.s32 s16, s9  }
.Ltmp1:
0x49: {  	[tilespmem:s18+$0xC350] =	vst v0;
	(pc) =	sbr.rel @p0 .LBB2_1-.Ltmp1, $4  }
0x4a: {  	[hbm4b:s8+s2] =	stream.linear.scatter [tilespmem:s15], [sflag:$0x1], $0x2710, $0x38;
	[tilespmem:$0xEA60] =	vst v63  }
0x4b: {  	_ =	swait.ge [sflag:s10], $0x2710  }
0x4c: {  	[sflag:s10] =	ssyncset.done $0x0  }
0x4d: {  	[sflag:s10] =	ssyncadd.s32 $0xFFFFD8F0  }
0x4e: {  	_ =	sfence.sel $0x180000  }
0x4f: {  	[bflag:$0x0] =	sbarrier.arrive $0xFFFF  }
0x50: {  	p0 =	sne.s32 s1, $0x0;
	_ =	strace $0x90000047  }
0x51: {  	s0 =	sadd.s32 @!p0 $0x100000, s0;
	[bflag:$0x2] =	sbarrier.arrive $0xFFFF  }
0x52: {  	[sflag:s0] =	ssyncadd.tile.s32 @!p0 $0x1;
	_ =	shalt  }
.Lfunc_end2:
_tile_overlayer_lowered:
.L_overlay_start_2:
0x53: {  	(tag) =	ssettag $0x2  }
0x54: {  	s0 =	rddreg [dreg:$0x0];
	s2 =	stileid.u32  }
0x55: {  	s1 =	rddreg [dreg:$0x1];
	p0 =	sne.s32 s2, $0x0  }
0x56: {  	s3 =	rddreg [dreg:$0x2];
	[bflag:$0x3] =	sbarrier.arrive $0xFFFF;
	s2 =	simm.s32 @!p0 $0x1C01  }
0x57: {  	[timem:s3], [sflag:s2] =	dma.local @!p0 [hbm:s0], s1  }
0x58: {  	s0 =	simm.s32 @!p0 $0x1  }
0x59: {  	_ =	swait.ge @!p0 [sflag:s0], s1  }
0x5a: {  	s1 =	ssub.s32 @!p0 $0x0, s1;
	[sflag:s0] =	ssyncset.done @!p0 $0x0  }
0x5b: {  	[sflag:s0] =	ssyncadd.s32 @!p0 s1  }
0x5c: {  	[bflag:$0x3] =	sbarrier.arrive $0xFFFF  }
0x5d: {  	_ =	shalt  }

// kernel: kernel.13.cloned.1.call-start
scs
__scs_entry_jumppad:
0x0: {  	(pc) =	sbr.rel $0x88, $3  }
0x1: {  	(tag) =	ssettag $0x0;
	lr =	simm.s32 $0x1  }
0x2: {  	[smem:$0x3F90] =	sst lr;
	_ =	strace $0xD0000000  }
0x3: {  	_ = 	snop  }
0x4: {  	_ = 	snop  }
0x5: {  	_ = 	snop  }
0x6: {  	_ = 	snop  }
0x7: {  	_ = 	snop  }
__scs_overlays_trampoline_lowered:
0x8: {  	[smem:$0x3F9F] =	sst s0  }
0x9: {  	[smem:$0x3FA0] =	sst s1  }
0xa: {  	[smem:$0x3FA1] =	sst s2  }
0xb: {  	[smem:$0x3FA2] =	sst s3  }
0xc: {  	[smem:$0x3FA3] =	sst s4  }
0xd: {  	[smem:$0x3FA4] =	sst s5  }
0xe: {  	[smem:$0x3FA5] =	sst s6  }
0xf: {  	[smem:$0x3FA6] =	sst s7  }
0x10: {  	[smem:$0x3FA7] =	sst s8  }
0x11: {  	[smem:$0x3FA8] =	sst s9;
	s0 =	simm.s32 @!p0 $0x0  }
0x12: {  	s1 =	sld [smem:$0x3F8E];
	s0 =	simm.s32 @p0 $0x1  }
0x13: {  	[smem:$0x3FA9] =	sst s0;
	s0 =	simm.s32 @!p1 $0x0  }
0x14: {  	s2 =	sld [smem:$0x3F8D];
	s0 =	simm.s32 @p1 $0x1  }
0x15: {  	[smem:$0x3FAA] =	sst s0;
	s0 =	simm.s32 @!p2 $0x0  }
0x16: {  	s3 =	sld [smem:$0x3FDB];
	s0 =	simm.s32 @p2 $0x1  }
0x17: {  	s4 =	simm.s32 $0x1BF5;
	[smem:$0x3FAC] =	sst s0  }
0x18: {  	s0 =	sld [smem:$0x3F8F];
	_ =	swait.ge [sflag:s4], $0x0  }
0x19: {  	s7 =	sld [smem:$0x3F90]  }
0x1a: {  	s8 =	sadd.s32 $0xFFFFE003, lr  }
0x1b: {  	s9 =	sadd.s32 $0xFFFFFEF7, lr;
	s5 =	simm.s32 $0xFFFFFFFF;
	p2 =	slt.u32 s8, $0xFFFFF086  }
0x1c: {  	p1 =	slt.u32 s9, $0xF7A;
	s5 =	simm.s32 @!p2 $0x0  }
0x1d: {  	s5 =	simm.s32 @p1 $0x1;
	p0 =	seq.s32 s7, s2  }
0x1e: {  	s7 =	smul.u32 @!p0 $0xF7A, s2;
	p2 =	seq.s32 @!p0 s5, $0x0  }
0x1f: {  	s9 =	smul.u32 $0xF7A, s1;
	s8 =	simm.s32 @!p0 $0x1BF5;
	p2 =	por !p2, p0  }
0x20: {  	[sflag:s8] =	ssyncset.s32 @!p0 $0xFFFFF086;
	s6 =	sadd.s32 @!p0 s3, s7;
	s7 =	simm.s32 @!p0 $0x108  }
0x21: {  	s3 =	sadd.s32 s3, s9;
	s6 =	sadd.s32 @!p0 $0x88, s6;
	s7 =	simm.s32 @p2 $0x1082  }
0x22: {  	[simem:s7], [sflag:s8] =	dma.local @!p0 [hbm:s6], $0xF7A  }
0x23: {  	s9 =	sor.u32 $0xD0000000, s2;
	s6 =	simm.s32 $0x108;
	_ =	swait.ge @!p0 [sflag:s8], $0x0  }
0x24: {  	s3 =	sadd.s32 $0x88, s3;
	s6 =	simm.s32 @!p1 $0x1082;
	[sflag:s4] =	ssyncset.s32 $0xFFFFF086  }
0x25: {  	[simem:s6], [sflag:s4] =	dma.local [hbm:s3], $0xF7A  }
0x26: {  	[smem:$0x3F90] =	sst s1;
	(tag) =	ssettag s2;
	_ =	strace s9  }
0x27: {  	s1 =	sld [smem:$0x3FA0]  }
0x28: {  	s2 =	sld [smem:$0x3FA1]  }
0x29: {  	s4 =	sld [smem:$0x3FA3]  }
0x2a: {  	p0 =	seq.s32 s5, $0x0;
	s5 =	sld [smem:$0x3FA4]  }
0x2b: {  	s6 =	sld [smem:$0x3FA5]  }
0x2c: {  	s7 =	sld [smem:$0x3FA6]  }
0x2d: {  	s3 =	simm.s32 $0x108;
	s8 =	sld [smem:$0x3FA7]  }
0x2e: {  	s3 =	simm.s32 @!p0 $0x1082;
	s9 =	sld [smem:$0x3FA8]  }
0x2f: {  	lr =	sadd.s32 s0, s3;
	s0 =	sld [smem:$0x3F9F]  }
0x30: {  	s3 =	sld [smem:$0x3FA2]  }
0x31: {  	[smem:$0x3FAB] =	sst s10  }
0x32: {  	s10 =	sld [smem:$0x3FA9];
	_ =	sdelay $0x3  }
0x33: {  	p0 =	seq.s32 s10, $0x1;
	s10 =	sld [smem:$0x3FAB];
	_ =	sdelay $0x3  }
0x34: {  	[smem:$0x3FAB] =	sst s10  }
0x35: {  	s10 =	sld [smem:$0x3FAA];
	_ =	sdelay $0x3  }
0x36: {  	p1 =	seq.s32 s10, $0x1;
	s10 =	sld [smem:$0x3FAB];
	_ =	sdelay $0x3  }
0x37: {  	[smem:$0x3FAB] =	sst s10  }
0x38: {  	s10 =	sld [smem:$0x3FAC]  }
0x39: {  	_ = 	snop;
	(pc) =	sbr.ind lr, $3  }
0x3a: {  	_ = 	snop  }
0x3b: {  	_ = 	snop  }
0x3c: {  	p2 =	seq.s32 s10, $0x1;
	s10 =	sld [smem:$0x3FAB]  }
0x3d: {  	_ =	shalt  }
0x3e: {  	_ =	shalt  }
0x3f: {  	_ =	shalt  }
0x40: {  	_ =	shalt  }
0x41: {  	_ =	shalt  }
0x42: {  	_ =	shalt  }
0x43: {  	_ =	shalt  }
0x44: {  	_ =	shalt  }
0x45: {  	_ =	shalt  }
0x46: {  	_ =	shalt  }
0x47: {  	_ =	shalt  }
0x48: {  	_ =	shalt  }
0x49: {  	_ =	shalt  }
0x4a: {  	_ =	shalt  }
0x4b: {  	_ =	shalt  }
0x4c: {  	_ =	shalt  }
0x4d: {  	_ =	shalt  }
0x4e: {  	_ =	shalt  }
0x4f: {  	_ =	shalt  }
0x50: {  	_ =	shalt  }
0x51: {  	_ =	shalt  }
0x52: {  	_ =	shalt  }
0x53: {  	_ =	shalt  }
0x54: {  	_ =	shalt  }
0x55: {  	_ =	shalt  }
0x56: {  	_ =	shalt  }
0x57: {  	_ =	shalt  }
0x58: {  	_ =	shalt  }
0x59: {  	_ =	shalt  }
0x5a: {  	_ =	shalt  }
0x5b: {  	_ =	shalt  }
0x5c: {  	_ =	shalt  }
0x5d: {  	_ =	shalt  }
0x5e: {  	_ =	shalt  }
0x5f: {  	_ =	shalt  }
0x60: {  	_ =	shalt  }
0x61: {  	_ =	shalt  }
0x62: {  	_ =	shalt  }
0x63: {  	_ =	shalt  }
0x64: {  	_ =	shalt  }
0x65: {  	_ =	shalt  }
0x66: {  	_ =	shalt  }
0x67: {  	_ =	shalt  }
0x68: {  	_ =	shalt  }
0x69: {  	_ =	shalt  }
0x6a: {  	_ =	shalt  }
0x6b: {  	_ =	shalt  }
0x6c: {  	_ =	shalt  }
0x6d: {  	_ =	shalt  }
0x6e: {  	_ =	shalt  }
0x6f: {  	_ =	shalt  }
0x70: {  	_ =	shalt  }
0x71: {  	_ =	shalt  }
0x72: {  	_ =	shalt  }
0x73: {  	_ =	shalt  }
0x74: {  	_ =	shalt  }
0x75: {  	_ =	shalt  }
0x76: {  	_ =	shalt  }
0x77: {  	_ =	shalt  }
0x78: {  	_ =	shalt  }
0x79: {  	_ =	shalt  }
0x7a: {  	_ =	shalt  }
0x7b: {  	_ =	shalt  }
0x7c: {  	_ =	shalt  }
0x7d: {  	_ =	shalt  }
0x7e: {  	_ =	shalt  }
0x7f: {  	_ =	shalt  }
0x80: {  	_ =	shalt  }
0x81: {  	_ =	shalt  }
0x82: {  	_ =	shalt  }
0x83: {  	_ =	shalt  }
0x84: {  	_ =	shalt  }
0x85: {  	_ =	shalt  }
0x86: {  	_ =	shalt  }
0x87: {  	_ =	shalt  }
.Lfunc_end0:
.L_simem_size_0:
called_computation.1_lowered:
.L_overlay_start_0:
0x88: {  	s2 =	sld [smem:$0x3FD9]  }
0x89: {  	s3 =	sld [smem:$0x3FFE];
	_ =	sdelay $0x1  }
0x8a: {  	s1 =	srdreg.scid  }
0x8b: {  	s0 =	sand.u32 $0x1, s1  }
0x8c: {  	s17 =	sshll.u32 s0, $0xA;
	s2 =	sadd.s32 s3, s2  }
0x8d: {  	s2 =	sadd.s32 s2, s17  }
0x8e: {  	[smem:$0x3FB7] =	sst s2  }
0x8f: {  	_ = 	snop  }
0x90: {  	s2 =	sld [smem:$0x3FD0];
	(tm) =	ssettm $0x1  }
0x91: {  	s18 =	sld [smem:$0x3FFB];
	_ =	sdelay $0x3  }
0x92: {  	_ =	strace s18  }
0x93: {  	s3 =	sld [smem:$0x3FFC];
	_ =	sdelay $0x3  }
0x94: {  	_ =	strace s3  }
0x95: {  	s3 =	sld [smem:$0x3FFD];
	_ =	sdelay $0x3  }
0x96: {  	_ =	strace s3  }
0x97: {  	_ =	strace $0x8FFFFFFF  }
0x98: {  	s19 =	sld [smem:$0x3FDB];
	_ =	sdelay $0x1  }
0x99: {  	s4 =	simm.s32 $_scs_section_size  }
0x9a: {  	s5 =	simm.s32 $_size__tile_overlayer_lowered;
	s6 =	simm.s32 $_tile_overlayer_lowered  }
0x9b: {  	s22 =	simm.s32 $0x1BFF;
	s21 =	sshll.u32 s6, $0x1;
	s3 =	sadd.s32 s4, s19  }
0x9c: {  	s7 =	simm.s32 $0x0;
	s20 =	sshll.u32 s5, $0x1;
	s5 =	sadd.s32 s21, s3  }
0x9d: {  	[timem:s7], [sflag:s22] =	dma.local [hbm:s5], s20  }
0x9e: {  	_ =	swait.ge [sflag:s22], s20  }
0x9f: {  	s4 =	ssub.s32 $0x0, s20;
	[sflag:s22] =	ssyncset.done $0x0  }
0xa0: {  	[sflag:s22] =	ssyncadd.s32 s4;
	_ =	sdelay $0x1  }
0xa1: {  	s23 =	simm.s32 $0x1B8B  }
0xa2: {  	_ =	swait.ge [sflag:s23], $0x1  }
0xa3: {  	[sflag:s23] =	ssyncset.done $0x0  }
0xa4: {  	s25 =	simm.s32 $0x1B8E;
	s24 =	sld [smem:$0x3FFE];
	[sflag:s23] =	ssyncadd.s32 $0xFFFFFFFF  }
0xa5: {  	s26 =	simm.s32 $execute0_lowered;
	[smem:$0x3FD2] =	sst s25  }
0xa6: {  	s5 =	sshll.u32 s26, $0x1;
	_ =	strace $0x80000049;
	[dreg:$0x1] =	wrdreg $0xFFFFFFFF  }
0xa7: {  	s28 =	simm.s32 $_size_execute0_lowered;
	s3 =	sadd.s32 s3, s5;
	[dreg:$0x0] =	wrdreg $0x0  }
0xa8: {  	s5 =	sshll.u32 s28, $0x1;
	[dreg:$0x2] =	wrdreg s3  }
0xa9: {  	[dreg:$0x3] =	wrdreg s5  }
0xaa: {  	[dreg:$0x4] =	wrdreg $0xC0  }
0xab: {  	_ =	task [dreg:s7], $0x5FFFF  }
0xac: {  	[dreg:$0x1] =	wrdreg $0xFFFFFFFF  }
0xad: {  	[dreg:$0x0] =	wrdreg $0x60  }
0xae: {  	[dreg:$0x2] =	wrdreg s2  }
0xaf: {  	[dreg:$0x3] =	wrdreg s24  }
0xb0: {  	[dreg:$0x4] =	wrdreg $0x122000  }
0xb1: {  	[dreg:$0x5] =	wrdreg $0x9  }
0xb2: {  	_ =	task.clear_ibuf [dreg:s7], $0x6FFFF;
	_ =	strace $0x90000049  }
0xb3: {  	s29 =	simm.s32 $0x9;
	_ =	strace $0x8000004B  }
0xb4: {  	_ =	swait.ge [sflag:s29], $0x1  }
0xb5: {  	[sflag:s29] =	ssyncadd.s32 $0xFFFFFFFF  }
0xb6: {  	_ =	strace $0x9000004B  }
0xb7: {  	_ =	sfence  }
0xb8: {  	s30 =	sld [smem:$0x0];
	_ =	sdelay $0x2  }
0xb9: {  	s31 =	sshll.u32 s1, $0xD;
	s1 =	sshrl.u32 s1, $0x2  }
0xba: {  	s3 =	sand.u32 $0x4000, s31;
	s1 =	sadd.s32 s1, s30  }
0xbb: {  	s0 =	sor.u32 s3, s0;
	s1 =	sshll.u32 s1, $0x11  }
0xbc: {  	s0 =	sor.u32 s1, s0  }
0xbd: {  	s0 =	sadd.s32 $0x8F2B, s0  }
0xbe: {  	[sflag:s0] =	ssyncadd.remote.s32 $0x1  }
0xbf: {  	_ =	sfence.sel $0xFFFF  }
0xc0: {  	[dreg:$0x0] =	wrdreg $0xFFFFFFFF;
	(pc) =	sbr.abs _section_cstart, $3  }
0xc1: {  	[dreg:$0x1] =	wrdreg $0xFFFFFFFF  }
0xc2: {  	_ =	task.clear_ibuf [dreg:s7], $0x2FFFF;
	_ =	strace $0x9FFFFFFF  }
0xc3: {  	(tm) =	ssettm $0x7FFFFFFF  }
tec
execute0_lowered:
.L_overlay_start_1:
0x0: {  	(tag) =	ssettag $0x1  }
0x1: {  	s1 =	rddreg [dreg:$0x0]  }
0x2: {  	s0 =	rddreg [dreg:$0x1]  }
0x3: {  	s3 =	rddreg [dreg:$0x2];
	s4 =	simm.s32 $0x0;
	s17 =	stileid.u32  }
0x4: {  	s6 =	srdreg.scid;
	s20 =	simm.s32 $0x5;
	s30 =	simm.s32 $0x8B10  }
0x5: {  	[smem:$0x7FF] =	sst s4;
	s2 =	smul.u32 $0x4E20, s17;
	s5 =	sadd.s32 $0x508600, s0  }
0x6: {  	s9 =	smul.u32 $0xC800, s17;
	s10 =	sand.u32 $0x1, s6;
	s6 =	sadd.s32 $0x5CBC00, s0  }
0x7: {  	s31 =	simm.s32 $0x4;
	s7 =	sadd.s32 $0x1498E00, s0;
	s8 =	sadd.s32 $0x52F800, s0  }
0x8: {  	s23 =	sshll.u32 s17, $0x6;
	_ =	strace $0x8000004A;
	s12 =	smul.u32 $0xC8000, s10  }
0x9: {  	s14 =	ssub.s32 $0x2, s10;
	s16 =	smul.u32 $0x4E200, s10;
	s17 =	sor.u32 $0x1C05, s23  }
0xa: {  	s10 =	smul.u32 $0x2710, s10;
	s23 =	simm.s32 $0x3;
	s11 =	sshrl.u32 s2, $0x3  }
0xb: {  	s13 =	sshrl.u32 s9, $0x3;
	s15 =	sshrl.u32 s14, $0x1;
	s22 =	sadd.s32 s9, s3  }
0xc: {  	[dreg:$0x5] =	wrdreg s17;
	s11 =	sadd.s32 s11, s0;
	s12 =	sadd.s32 s9, s12  }
0xd: {  	s13 =	sadd.s32 s13, s0;
	s21 =	ssub.s32 s14, s15;
	s9 =	sadd.s32 s2, s16  }
0xe: {  	s15 =	simm.s32 $0x1;
	v0 =	vmov s10;
	s10 =	simm.s32 $0x0;
	s24 =	sadd.s32 $0x544000, s13  }
0xf: {  	s12 =	sshrl.u32 s12, $0x3;
	s11 =	sadd.s32 $0xF800, s11;
	[dreg:$0x4] =	wrdreg s24  }
0x10: {  	s25 =	sshrl.u32 s9, $0x3;
	s29 =	smax.u32 s21, $0x1;
	[dreg:$0x6] =	wrdreg s11  }
0x11: {  	s28 =	sshll.u32 s9, $0x3;
	s26 =	sadd.s32 s8, s25;
	[dreg:$0xb] =	wrdreg s29  }
0x12: {  	s16 =	sadd.s32 $0xF0, s9;
	s2 =	sadd.s32 s7, s28;
	[dreg:$0x7] =	wrdreg s26  }
0x13: {  	s0 =	sadd.s32 s12, s0;
	s11 =	sadd.s32 $0xA, s26;
	[dreg:$0x9] =	wrdreg s2  }
0x14: {  	s21 =	simm.s32 $0x4E20;
	s0 =	sadd.s32 $0x55D000, s0;
	[dreg:$0x8] =	wrdreg s11  }
0x15: {  	s13 =	simm.s32 $0x2;
	s2 =	sshrl.u32 s22, $0x3;
	[dreg:$0xa] =	wrdreg s0  }
0x16: {  	vm0 =	vmmov $0x1;
	s24 =	simm.s32 $0x50;
	s22 =	simm.s32 $0xB810;
	[dreg:$0xc] =	wrdreg s2  }
.LBB2_1:
0x17: {  	[dreg:$0xd] =	wrdreg s10  }
0x18: {  	s0 =	rddreg [dreg:$0x4]  }
0x19: {  	[spmem:s2], [sflag:s17] =	dma.local [hbm:s0], $0x1900  }
0x1a: {  	_ =	swait.ge [sflag:s20], $0x1900  }
0x1b: {  	[sflag:s20] =	ssyncset.done $0x0  }
0x1c: {  	s14 =	rddreg [dreg:$0x6];
	[sflag:s20] =	ssyncadd.s32 $0xFFFFE700  }
0x1d: {  	[tilespmem:s4], [sflag:$0x5] =	stream.linear.gather [hbm4b:s14+s4], $0x4E20, $0x38;
	[tilespmem:$0x1EA00] =	vst v63  }
0x1e: {  	_ =	swait.ge [sflag:s20], $0x4E20  }
0x1f: {  	[sflag:s20] =	ssyncset.done $0x0  }
0x20: {  	[sflag:s20] =	ssyncadd.s32 $0xFFFFB1E0  }
0x21: {  	[bflag:$0x0] =	sbarrier.arrive $0xFFFF  }
0x22: {  	s17 =	rddreg [dreg:$0x7]  }
0x23: {  	[tilespmem:s21], [sflag:$0x3] =	stream.linear.gather [hbm4b:s17+s4], $0x50, $0x38;
	[tilespmem:$0x1EA00] =	vst v63  }
0x24: {  	s18 =	rddreg [dreg:$0x8]  }
0x25: {  	[tilespmem:s22], [sflag:$0x4] =	stream.linear.gather [hbm4b:s18+s4], $0x50, $0x38;
	[tilespmem:$0x1EA00] =	vst v63  }
0x26: {  	v1 =	vld [tilespmem:$0x0]  }
0x27: {  	v2 =	vld [tilespmem:$0x10]  }
0x28: {  	v3 =	vld [tilespmem:$0x20];
	_ =	sdelay $0x1  }
0x29: {  	v63 =	vld [tilespmem:$0x30]  }
0x2a: {  	[tilespmem:$0x4EC0] =	vst v1  }
0x2b: {  	[tilespmem:$0x4ED0] =	vst v2  }
0x2c: {  	v4 =	vadd.s32 v0, v1;
	v1 =	vadd.s32 v0, v2;
	[tilespmem:$0x4EE0] =	vst v3  }
0x2d: {  	[tilespmem:$0x4E80] =	vst v1;
	v1 =	vld [tilespmem:$0x40]  }
0x2e: {  	[tilespmem:$0x4EF0] =	vst v63  }
0x2f: {  	v2 =	vadd.s32 v0, v3;
	[tilespmem:$0x4E70] =	vst v4  }
0x30: {  	[tilespmem:$0x4E90] =	vst v2;
	v2 =	vadd.s32 v0, v63  }
0x31: {  	[tilespmem:$0x4EA0] =	vst v2  }
0x32: {  	v2 =	vadd.s32 v0, v1;
	[tilespmem:$0x4F00] =	vst v1  }
0x33: {  	[tilespmem:$0x4EB0] =	vst v2  }
0x34: {  	_ =	swait.ge [sflag:s23], $0x50  }
0x35: {  	[sflag:s23] =	ssyncset.done $0x0  }
0x36: {  	s19 =	simm.s32 $0x4E70;
	s25 =	simm.s32 $0x4F10;
	[sflag:s23] =	ssyncadd.s32 $0xFFFFFFB0  }
0x37: {  	[tilespmem:s25], [sflag:$0x1] =	stream.indirect.gather [hbm4b:s1+s24], $0x40, s19, s24, $0xb8;
	[tilespmem:$0x1EA00] =	vst v63  }
0x38: {  	s26 =	simm.s32 $0x6310  }
0x39: {  	[tilespmem:s26], [sflag:$0x1] =	stream.indirect.gather [hbm4b:s5+s24], $0x40, s21, s24, $0xb8;
	[tilespmem:$0x1EA00] =	vst v63  }
0x3a: {  	s28 =	simm.s32 $0x7710  }
0x3b: {  	[tilespmem:s28], [sflag:$0x1] =	stream.indirect.gather [hbm4b:s6+s24], $0x40, s21, s24, $0xb8;
	[tilespmem:$0x1EA00] =	vst v63  }
0x3c: {  	s0 =	simm.s32 $0x0;
	s29 =	rddreg [dreg:$0x9]  }
0x3d: {  	[tilespmem:s30], [sflag:$0x1] =	stream.linear.gather [hbm4b:s29+s4], $0x1400, $0x38;
	[tilespmem:$0x1EA00] =	vst v63  }
.LBB2_2:
0x3e: {  	s2 =	smul.u32 $0xA0, s0;
	_ =	sdelay $0x1  }
0x3f: {  	v1 =	vld [tilespmem:s2+$0x50];
	_ =	sdelay $0x4  }
0x40: {  	v2 =	vadd.s32 v0, v1;
	[tilespmem:$0xB8B0] =	vst v1  }
0x41: {  	[tilespmem:$0xB860] =	vst v2  }
0x42: {  	v1 =	vld [tilespmem:s2+$0x60];
	_ =	sdelay $0x4  }
0x43: {  	v2 =	vadd.s32 v0, v1;
	[tilespmem:$0xB8C0] =	vst v1  }
0x44: {  	[tilespmem:$0xB870] =	vst v2  }
0x45: {  	v1 =	vld [tilespmem:s2+$0x70];
	_ =	sdelay $0x4  }
0x46: {  	v2 =	vadd.s32 v0, v1;
	[tilespmem:$0xB8D0] =	vst v1  }
0x47: {  	[tilespmem:$0xB880] =	vst v2  }
0x48: {  	v1 =	vld [tilespmem:s2+$0x80];
	_ =	sdelay $0x4  }
0x49: {  	v2 =	vadd.s32 v0, v1;
	[tilespmem:$0xB8E0] =	vst v1  }
0x4a: {  	[tilespmem:$0xB890] =	vst v2  }
0x4b: {  	v1 =	vld [tilespmem:s2+$0x90];
	_ =	sdelay $0x4  }
0x4c: {  	v2 =	vadd.s32 v0, v1;
	[tilespmem:$0xB8F0] =	vst v1  }
0x4d: {  	[tilespmem:$0xB8A0] =	vst v2  }
0x4e: {  	_ =	swait.ge [sflag:s31], $0x50  }
0x4f: {  	s10 =	simm.s32 $0xB860;
	[sflag:s31] =	ssyncset.done $0x0  }
0x50: {  	s11 =	simm.s32 $0xB900;
	s2 =	sadd.s32 $0x50, s2;
	[sflag:s31] =	ssyncadd.s32 $0xFFFFFFB0  }
0x51: {  	[tilespmem:s11], [sflag:$0x2] =	stream.indirect.gather [hbm4b:s1+s24], $0x40, s10, s24, $0xb8;
	[tilespmem:$0x1EA00] =	vst v63  }
0x52: {  	s14 =	simm.s32 $0xCD00;
	s2 =	sadd.s32 s9, s2  }
0x53: {  	[tilespmem:s14], [sflag:$0x2] =	stream.indirect.gather [hbm4b:s5+s24], $0x40, s22, s24, $0xb8;
	[tilespmem:$0x1EA00] =	vst v63  }
0x54: {  	s17 =	simm.s32 $0xE100;
	s2 =	sshll.u32 s2, $0x3  }
0x55: {  	[tilespmem:s17], [sflag:$0x2] =	stream.indirect.gather [hbm4b:s6+s24], $0x40, s22, s24, $0xb8;
	[tilespmem:$0x1EA00] =	vst v63  }
0x56: {  	s18 =	simm.s32 $0xF500;
	s2 =	sadd.s32 s7, s2  }
0x57: {  	[tilespmem:s18], [sflag:$0x2] =	stream.linear.gather [hbm4b:s2+s4], $0x1400, $0x38;
	[tilespmem:$0x1EA00] =	vst v63  }
0x58: {  	_ =	swait.ge [sflag:s15], $0x1400  }
0x59: {  	[sflag:s15] =	ssyncset.done $0x0  }
0x5a: {  	[sflag:s15] =	ssyncadd.s32 $0xFFFFEC00  }
0x5b: {  	_ =	swait.ge [sflag:s15], $0x1400  }
0x5c: {  	s2 =	sshll.u32 s0, $0x1;
	[sflag:s15] =	ssyncset.done $0x0  }
0x5d: {  	s19 =	smin.u32 s2, $0xF7;
	[sflag:s15] =	ssyncadd.s32 $0xFFFFEC00  }
0x5e: {  	s14 =	smul.u32 $0x50, s19;
	_ =	swait.ge [sflag:s15], $0x1400  }
0x5f: {  	[sflag:s15] =	ssyncset.done $0x0  }
0x60: {  	s12 =	sadd.s32 $0xA0, s14;
	[sflag:s15] =	ssyncadd.s32 $0xFFFFEC00  }
0x61: {  	s10 =	sadd.s32 s12, s9;
	_ =	swait.ge [sflag:s15], $0x1400  }
0x62: {  	s25 =	sshrl.u32 s10, $0x3;
	[sflag:s15] =	ssyncset.done $0x0  }
0x63: {  	s17 =	simm.s32 $0x6350;
	s11 =	sadd.s32 s8, s25;
	[sflag:s15] =	ssyncadd.s32 $0xFFFFEC00  }
0x64: {  	[tilespmem:s21], [sflag:$0x3] =	stream.linear.gather [hbm4b:s11+s4], $0x50, $0x38;
	[tilespmem:$0x1EA00] =	vst v63  }
0x65: {  	v1 =	vld [tilespmem:s17+$0xFFFFFFF0]  }
0x66: {  	v2 =	vld [tilespmem:s17+$0xFFFFFFE0]  }
0x67: {  	s19 =	simm.s32 $0x8B50;
	v3 =	vld [tilespmem:s17+$0xFFFFFFD0]  }
0x68: {  	v4 =	vld [tilespmem:s19+$0xFFFFFFC0]  }
0x69: {  	v5 =	vld [tilespmem:s17+$0xFFFFFFC0]  }
0x6a: {  	s25 =	simm.s32 $0x4F50;
	v6 =	vld [tilespmem:s19+$0xFFFFFFD0]  }
0x6b: {  	v7 =	vld [tilespmem:s25+$0xFFFFFFC0]  }
0x6c: {  	v8 =	vld [tilespmem:s19+$0xFFFFFFE0]  }
0x6d: {  	v9 =	vld [tilespmem:s25+$0xFFFFFFD0]  }
0x6e: {  	v10 =	vld [tilespmem:s19+$0xFFFFFFF0];
	v5 =	vmul.f32 v5, v4  }
0x6f: {  	v11 =	vld [tilespmem:s25+$0xFFFFFFE0]  }
0x70: {  	v3 =	vmul.f32 v3, v6;
	v5 =	vmul.f32 v5, v7  }
0x71: {  	v7 =	vld [tilespmem:s25+$0xFFFFFFF0]  }
0x72: {  	v2 =	vmul.f32 v2, v8;
	v3 =	vmul.f32 v3, v9;
	v5 =	vadd.f32 $0.0e+00, v5;
	_ =	sdelay $0x1  }
0x73: {  	v1 =	vmul.f32 v1, v10;
	v2 =	vmul.f32 v2, v11;
	v3 =	vadd.f32 v3, v5;
	_ =	sdelay $0x1  }
0x74: {  	v1 =	vmul.f32 v1, v7;
	v2 =	vadd.f32 v2, v3;
	_ =	sdelay $0x1  }
0x75: {  	v1 =	vadd.f32 v1, v2;
	_ =	sdelay $0x1  }
0x76: {  	(xrf2) =	vadd.scan.msk.f32 $0xffff, v1;
	_ =	sdelay $0x9  }
0x77: {  	v1, _, _ =	vpop (xrf2)  }
0x78: {  	(v2sf) =	vpush v1, $0xF;
	_ =	sdelay $0xe  }
0x79: {  	s26 =	spop (v2sf)  }
0x7a: {  	s11 =	smul.f32 $1.250000000e-01, s26;
	_ =	sdelay $0x1  }
0x7b: {  	s11 =	smin.f32 s11, $7.500000000e+01  }
0x7c: {  	v1 =	vmov s11  }
0x7d: {  	v1 =	vmul.f32 $1.442695020e+00, v1;
	_ =	sdelay $0x1  }
0x7e: {  	v1 =	vbroadcast v1, $0x0;
	_ =	sdelay $0x1  }
0x7f: {  	(erf) = vpow2.f32 v1;
	_ =	sdelay $0x1  }
0x80: {  	s11 =	simm.s32 $0x7750  }
0x81: {  	v1 =	vld [tilespmem:s11+$0xFFFFFFF0]  }
0x82: {  	v2 =	vld [tilespmem:s11+$0xFFFFFFC0]  }
0x83: {  	v3 =	vld [tilespmem:s11+$0xFFFFFFD0]  }
0x84: {  	v5 =	vld [tilespmem:s11+$0xFFFFFFE0];
	_ =	sdelay $0x1  }
0x85: {  	v1 =	vmul.f32 v1, v10  }
0x86: {  	v2 =	vmul.f32 v2, v4;
	v4 =	vpop (erf)  }
0x87: {  	s18 =	simm.s32 $0x9F60;
	v3 =	vmul.f32 v3, v6;
	v1 =	vmul.f32 v4, v1;
	v6 =	vnsel vm0, $0x0, v4  }
0x88: {  	v5 =	vmul.f32 v5, v8;
	v2 =	vmul.f32 v4, v2;
	[tilespmem:s18+$0xFFFFFFF0] =	vst v6  }
0x89: {  	v3 =	vmul.f32 v4, v3;
	[tilespmem:s18+$0xFFFFFFE0] =	vst v1  }
0x8a: {  	v1 =	vmul.f32 v4, v5;
	[tilespmem:s18+$0xFFFFFFB0] =	vst v2  }
0x8b: {  	[tilespmem:s18+$0xFFFFFFC0] =	vst v3  }
0x8c: {  	[tilespmem:s18+$0xFFFFFFD0] =	vst v1  }
0x8d: {  	v4 =	vld [tilespmem:s19+$0x20]  }
0x8e: {  	v1 =	vld [tilespmem:s19+$0x10]  }
0x8f: {  	v3 =	vld [tilespmem:s17+$0x0]  }
0x90: {  	v5 =	vld [tilespmem:s17+$0x20]  }
0x91: {  	v2 =	vld [tilespmem:s19+$0x0]  }
0x92: {  	v6 =	vld [tilespmem:s17+$0x10]  }
0x93: {  	v7 =	vld [tilespmem:s25+$0x0]  }
0x94: {  	v8 =	vld [tilespmem:s25+$0x10]  }
0x95: {  	v60 =	vld [tilespmem:s25+$0x20]  }
0x96: {  	v62 =	vld [tilespmem:s17+$0x30];
	v61 =	vmul.f32 v3, v2  }
0x97: {  	v3 =	vld [tilespmem:s19+$0x30]  }
0x98: {  	v6 =	vmul.f32 v6, v1;
	v7 =	vmul.f32 v61, v7  }
0x99: {  	v63 =	vld [tilespmem:s25+$0x30]  }
0x9a: {  	v5 =	vmul.f32 v5, v4;
	v6 =	vmul.f32 v6, v8;
	v7 =	vadd.f32 $0.0e+00, v7;
	_ =	sdelay $0x1  }
0x9b: {  	v5 =	vmul.f32 v5, v60;
	v6 =	vadd.f32 v6, v7;
	v7 =	vmul.f32 v62, v3;
	_ =	sdelay $0x1  }
0x9c: {  	v5 =	vadd.f32 v5, v6;
	v6 =	vmul.f32 v7, v63;
	_ =	sdelay $0x1  }
0x9d: {  	v5 =	vadd.f32 v6, v5;
	_ =	sdelay $0x1  }
0x9e: {  	(xrf2) =	vadd.scan.msk.f32 $0xffff, v5;
	_ =	sdelay $0x9  }
0x9f: {  	v5, _, _ =	vpop (xrf2)  }
0xa0: {  	(v2sf) =	vpush v5, $0xF;
	_ =	sdelay $0xe  }
0xa1: {  	s29 =	spop (v2sf)  }
0xa2: {  	s19 =	smul.f32 $1.250000000e-01, s29;
	_ =	sdelay $0x1  }
0xa3: {  	s19 =	smin.f32 s19, $7.500000000e+01  }
0xa4: {  	v5 =	vmov s19  }
0xa5: {  	v7 =	vld [tilespmem:s11+$0x20];
	v6 =	vmul.f32 $1.442695020e+00, v5;
	_ =	sdelay $0x1  }
0xa6: {  	v8 =	vbroadcast v6, $0x0;
	_ =	sdelay $0x1  }
0xa7: {  	(erf) = vpow2.f32 v8  }
0xa8: {  	v4 =	vmul.f32 v7, v4;
	v7 =	vld [tilespmem:s11+$0x0]  }
0xa9: {  	s28 =	simm.s32 $0xA000;
	v5 =	vld [tilespmem:s11+$0x30]  }
0xaa: {  	s26 =	simm.s32 $0x8BD0;
	s25 =	simm.s32 $0x4FD0;
	s19 =	simm.s32 $0x0;
	v6 =	vld [tilespmem:s11+$0x10]  }
.LBB2_3:
0xab: {  	s19 =	sadd.s32 $0x2, s19;
	s11 =	sadd.s32 $0x80, s11;
	s17 =	sadd.s32 $0x80, s17  }
0xac: {  	p0 =	slt.u32 s19, $0x4E;
	_ =	sdelay $0x2  }
0xad: {  	v1 =	vmul.f32 v6, v1;
	v2 =	vmul.f32 v7, v2  }
0xae: {  	v3 =	vmul.f32 v5, v3;
	v5 =	vpop (erf)  }
0xaf: {  	v2 =	vmul.f32 v5, v2;
	v1 =	vmul.f32 v5, v1;
	v6 =	vnsel vm0, $0x0, v5  }
0xb0: {  	v4 =	vmul.f32 v5, v4;
	v3 =	vmul.f32 v5, v3;
	[tilespmem:s18+$0x40] =	vst v6  }
0xb1: {  	[tilespmem:s18+$0x0] =	vst v2  }
0xb2: {  	[tilespmem:s18+$0x30] =	vst v3  }
0xb3: {  	[tilespmem:s18+$0x10] =	vst v1  }
0xb4: {  	[tilespmem:s18+$0x20] =	vst v4;
	s18 =	smov.u32 s28  }
0xb5: {  	v1 =	vld [tilespmem:s17+$0xFFFFFFF0]  }
0xb6: {  	v2 =	vld [tilespmem:s17+$0xFFFFFFE0]  }
0xb7: {  	v3 =	vld [tilespmem:s17+$0xFFFFFFD0]  }
0xb8: {  	v4 =	vld [tilespmem:s26+$0xFFFFFFC0]  }
0xb9: {  	v5 =	vld [tilespmem:s17+$0xFFFFFFC0]  }
0xba: {  	v6 =	vld [tilespmem:s26+$0xFFFFFFD0]  }
0xbb: {  	v7 =	vld [tilespmem:s25+$0xFFFFFFC0]  }
0xbc: {  	v8 =	vld [tilespmem:s26+$0xFFFFFFE0]  }
0xbd: {  	v9 =	vld [tilespmem:s25+$0xFFFFFFD0]  }
0xbe: {  	v5 =	vmul.f32 v5, v4;
	v10 =	vld [tilespmem:s26+$0xFFFFFFF0]  }
0xbf: {  	v3 =	vmul.f32 v3, v6;
	v11 =	vld [tilespmem:s25+$0xFFFFFFE0]  }
0xc0: {  	v5 =	vmul.f32 v5, v7  }
0xc1: {  	v2 =	vmul.f32 v2, v8;
	v7 =	vld [tilespmem:s25+$0xFFFFFFF0]  }
0xc2: {  	v5 =	vadd.f32 $0.0e+00, v5;
	v3 =	vmul.f32 v3, v9  }
0xc3: {  	v1 =	vmul.f32 v1, v10  }
0xc4: {  	v3 =	vadd.f32 v3, v5;
	v2 =	vmul.f32 v2, v11;
	_ =	sdelay $0x1  }
0xc5: {  	v2 =	vadd.f32 v2, v3;
	v1 =	vmul.f32 v1, v7;
	_ =	sdelay $0x1  }
0xc6: {  	v1 =	vadd.f32 v1, v2;
	_ =	sdelay $0x1  }
0xc7: {  	(xrf2) =	vadd.scan.msk.f32 $0xffff, v1;
	_ =	sdelay $0x9  }
0xc8: {  	v1, _, _ =	vpop (xrf2)  }
0xc9: {  	(v2sf) =	vpush v1, $0xF;
	_ =	sdelay $0xe  }
0xca: {  	s29 =	spop (v2sf)  }
0xcb: {  	s29 =	smul.f32 $1.250000000e-01, s29;
	_ =	sdelay $0x1  }
0xcc: {  	s29 =	smin.f32 s29, $7.500000000e+01  }
0xcd: {  	v1 =	vmov s29  }
0xce: {  	v1 =	vmul.f32 $1.442695020e+00, v1;
	_ =	sdelay $0x1  }
0xcf: {  	v1 =	vbroadcast v1, $0x0;
	_ =	sdelay $0x1  }
0xd0: {  	(erf) = vpow2.f32 v1  }
0xd1: {  	v1 =	vld [tilespmem:s11+$0xFFFFFFE0]  }
0xd2: {  	v2 =	vld [tilespmem:s11+$0xFFFFFFF0]  }
0xd3: {  	v3 =	vld [tilespmem:s11+$0xFFFFFFC0]  }
0xd4: {  	v5 =	vld [tilespmem:s11+$0xFFFFFFD0];
	_ =	sdelay $0x2  }
0xd5: {  	v2 =	vmul.f32 v2, v10  }
0xd6: {  	v1 =	vmul.f32 v1, v8;
	v3 =	vmul.f32 v3, v4  }
0xd7: {  	v4 =	vmul.f32 v5, v6;
	v5 =	vpop (erf)  }
0xd8: {  	v3 =	vmul.f32 v5, v3;
	v2 =	vmul.f32 v5, v2;
	v6 =	vnsel vm0, $0x0, v5  }
0xd9: {  	v1 =	vmul.f32 v5, v1;
	v4 =	vmul.f32 v5, v4;
	[tilespmem:s28+$0xFFFFFFF0] =	vst v6  }
0xda: {  	[tilespmem:s28+$0xFFFFFFE0] =	vst v2  }
0xdb: {  	[tilespmem:s28+$0xFFFFFFB0] =	vst v3  }
0xdc: {  	[tilespmem:s28+$0xFFFFFFC0] =	vst v4  }
0xdd: {  	[tilespmem:s28+$0xFFFFFFD0] =	vst v1  }
0xde: {  	v4 =	vld [tilespmem:s26+$0x20]  }
0xdf: {  	v1 =	vld [tilespmem:s26+$0x10]  }
0xe0: {  	v3 =	vld [tilespmem:s17+$0x0]  }
0xe1: {  	v5 =	vld [tilespmem:s17+$0x20]  }
0xe2: {  	v6 =	vld [tilespmem:s17+$0x10]  }
0xe3: {  	v2 =	vld [tilespmem:s26+$0x0]  }
0xe4: {  	v7 =	vld [tilespmem:s25+$0x10]  }
0xe5: {  	v8 =	vld [tilespmem:s25+$0x0]  }
0xe6: {  	v9 =	vld [tilespmem:s25+$0x20]  }
0xe7: {  	v6 =	vmul.f32 v6, v1;
	v10 =	vld [tilespmem:s11+$0x20]  }
0xe8: {  	v12 =	vmul.f32 v5, v4;
	v11 =	vmul.f32 v3, v2;
	v13 =	vld [tilespmem:s17+$0x30]  }
0xe9: {  	v6 =	vmul.f32 v6, v7;
	v3 =	vld [tilespmem:s26+$0x30]  }
0xea: {  	v7 =	vmul.f32 v11, v8;
	v5 =	vld [tilespmem:s11+$0x30]  }
0xeb: {  	v8 =	vmul.f32 v12, v9;
	v9 =	vld [tilespmem:s25+$0x30]  }
0xec: {  	v7 =	vadd.f32 $0.0e+00, v7;
	v4 =	vmul.f32 v10, v4;
	_ =	sdelay $0x1  }
0xed: {  	v6 =	vadd.f32 v6, v7;
	v7 =	vmul.f32 v13, v3;
	_ =	sdelay $0x1  }
0xee: {  	v6 =	vadd.f32 v8, v6;
	v7 =	vmul.f32 v7, v9;
	_ =	sdelay $0x1  }
0xef: {  	v6 =	vadd.f32 v7, v6;
	_ =	sdelay $0x1  }
0xf0: {  	(xrf2) =	vadd.scan.msk.f32 $0xffff, v6;
	_ =	sdelay $0x9  }
0xf1: {  	v6, _, _ =	vpop (xrf2)  }
0xf2: {  	(v2sf) =	vpush v6, $0xF;
	_ =	sdelay $0xe  }
0xf3: {  	s29 =	spop (v2sf)  }
0xf4: {  	s29 =	smul.f32 $1.250000000e-01, s29;
	_ =	sdelay $0x1  }
0xf5: {  	s29 =	smin.f32 s29, $7.500000000e+01  }
0xf6: {  	v6 =	vmov s29  }
0xf7: {  	v6 =	vmul.f32 $1.442695020e+00, v6;
	_ =	sdelay $0x1  }
0xf8: {  	v6 =	vbroadcast v6, $0x0  }
.Ltmp0:
0xf9: {  	(pc) =	sbr.rel @p0 .LBB2_3-.Ltmp0, $3  }
0xfa: {  	(erf) = vpow2.f32 v6;
	_ =	sdelay $0x1  }
0xfb: {  	v6 =	vld [tilespmem:s11+$0x10]  }
0xfc: {  	s28 =	sadd.s32 $0xA0, s28;
	s26 =	sadd.s32 $0x80, s26;
	s25 =	sadd.s32 $0x80, s25;
	v7 =	vld [tilespmem:s11+$0x0]  }
0xfd: {  	_ =	sdelay $0x3  }
0xfe: {  	v2 =	vmul.f32 v7, v2  }
0xff: {  	v3 =	vmul.f32 v5, v3;
	v5 =	vpop (erf)  }
0x100: {  	v1 =	vmul.f32 v6, v1;
	v2 =	vmul.f32 v5, v2;
	v6 =	vnsel vm0, $0x0, v5  }
0x101: {  	v3 =	vmul.f32 v5, v3;
	[tilespmem:s18+$0x40] =	vst v6  }
0x102: {  	v1 =	vmul.f32 v5, v1;
	[tilespmem:s18+$0x0] =	vst v2  }
0x103: {  	v2 =	vmul.f32 v5, v4;
	[tilespmem:s18+$0x30] =	vst v3  }
0x104: {  	[tilespmem:s18+$0x10] =	vst v1  }
0x105: {  	s11 =	simm.s32 $0x4EC0;
	s17 =	simm.s32 $0x9F10;
	[tilespmem:s18+$0x20] =	vst v2  }
0x106: {  	[spmem:s3] =	stream.indirect.scatter.add.f32 [tilespmem:s17], [sflag:$0x5], $0x50, s11, s24, $0xb8;
	[tilespmem:$0x1EA00] =	vst v63  }
0x107: {  	_ =	swait.ge [sflag:s20], $0x1900  }
0x108: {  	[sflag:s20] =	ssyncset.done $0x0  }
0x109: {  	[sflag:s20] =	ssyncadd.s32 $0xFFFFE700  }
0x10a: {  	v1 =	vld [tilespmem:s14+$0xA0];
	_ =	sdelay $0x4  }
0x10b: {  	v2 =	vadd.s32 v0, v1;
	[tilespmem:$0x4EC0] =	vst v1  }
0x10c: {  	[tilespmem:$0x4E70] =	vst v2  }
0x10d: {  	v1 =	vld [tilespmem:s12+$0x10];
	_ =	sdelay $0x4  }
0x10e: {  	v2 =	vadd.s32 v0, v1;
	[tilespmem:$0x4ED0] =	vst v1  }
0x10f: {  	[tilespmem:$0x4E80] =	vst v2  }
0x110: {  	v1 =	vld [tilespmem:s12+$0x20];
	_ =	sdelay $0x4  }
0x111: {  	v2 =	vadd.s32 v0, v1;
	[tilespmem:$0x4EE0] =	vst v1  }
0x112: {  	[tilespmem:$0x4E90] =	vst v2  }
0x113: {  	v1 =	vld [tilespmem:s12+$0x30];
	_ =	sdelay $0x4  }
0x114: {  	v2 =	vadd.s32 v0, v1;
	[tilespmem:$0x4EF0] =	vst v1  }
0x115: {  	[tilespmem:$0x4EA0] =	vst v2  }
0x116: {  	v1 =	vld [tilespmem:s12+$0x40];
	_ =	sdelay $0x4  }
0x117: {  	v2 =	vadd.s32 v0, v1;
	[tilespmem:$0x4F00] =	vst v1  }
0x118: {  	[tilespmem:$0x4EB0] =	vst v2  }
0x119: {  	_ =	swait.ge [sflag:s23], $0x50  }
0x11a: {  	[sflag:s23] =	ssyncset.done $0x0  }
0x11b: {  	s17 =	simm.s32 $0x4F10;
	s14 =	simm.s32 $0x4E70;
	[sflag:s23] =	ssyncadd.s32 $0xFFFFFFB0  }
0x11c: {  	[tilespmem:s17], [sflag:$0x1] =	stream.indirect.gather [hbm4b:s1+s24], $0x40, s14, s24, $0xb8;
	[tilespmem:$0x1EA00] =	vst v63  }
0x11d: {  	s18 =	simm.s32 $0x6310  }
0x11e: {  	[tilespmem:s18], [sflag:$0x1] =	stream.indirect.gather [hbm4b:s5+s24], $0x40, s21, s24, $0xb8;
	[tilespmem:$0x1EA00] =	vst v63  }
0x11f: {  	s19 =	simm.s32 $0x7710;
	s10 =	sshll.u32 s10, $0x3  }
0x120: {  	[tilespmem:s19], [sflag:$0x1] =	stream.indirect.gather [hbm4b:s6+s24], $0x40, s21, s24, $0xb8;
	[tilespmem:$0x1EA00] =	vst v63  }
0x121: {  	s10 =	sadd.s32 s7, s10  }
0x122: {  	[tilespmem:s30], [sflag:$0x1] =	stream.linear.gather [hbm4b:s10+s4], $0x1400, $0x38;
	[tilespmem:$0x1EA00] =	vst v63  }
0x123: {  	_ =	swait.ge [sflag:s13], $0x1400  }
0x124: {  	[sflag:s13] =	ssyncset.done $0x0  }
0x125: {  	[sflag:s13] =	ssyncadd.s32 $0xFFFFEC00  }
0x126: {  	_ =	swait.ge [sflag:s13], $0x1400  }
0x127: {  	[sflag:s13] =	ssyncset.done $0x0  }
0x128: {  	[sflag:s13] =	ssyncadd.s32 $0xFFFFEC00  }
0x129: {  	s2 =	smin.u32 s2, $0xF6;
	_ =	swait.ge [sflag:s13], $0x1400  }
0x12a: {  	s2 =	smul.u32 $0x50, s2;
	[sflag:s13] =	ssyncset.done $0x0  }
0x12b: {  	[sflag:s13] =	ssyncadd.s32 $0xFFFFEC00  }
0x12c: {  	s2 =	sadd.s32 s2, s16;
	_ =	swait.ge [sflag:s13], $0x1400  }
0x12d: {  	s2 =	sshrl.u32 s2, $0x3;
	[sflag:s13] =	ssyncset.done $0x0  }
0x12e: {  	s2 =	sadd.s32 s8, s2;
	[sflag:s13] =	ssyncadd.s32 $0xFFFFEC00  }
0x12f: {  	[tilespmem:s22], [sflag:$0x4] =	stream.linear.gather [hbm4b:s2+s4], $0x50, $0x38;
	[tilespmem:$0x1EA00] =	vst v63  }
0x130: {  	s2 =	simm.s32 $0xCD40  }
0x131: {  	v1 =	vld [tilespmem:s2+$0xFFFFFFF0]  }
0x132: {  	v2 =	vld [tilespmem:s2+$0xFFFFFFE0]  }
0x133: {  	s25 =	simm.s32 $0xF540;
	v3 =	vld [tilespmem:s2+$0xFFFFFFD0]  }
0x134: {  	v4 =	vld [tilespmem:s25+$0xFFFFFFC0]  }
0x135: {  	v5 =	vld [tilespmem:s2+$0xFFFFFFC0]  }
0x136: {  	s26 =	simm.s32 $0xB940;
	v6 =	vld [tilespmem:s25+$0xFFFFFFD0]  }
0x137: {  	v7 =	vld [tilespmem:s26+$0xFFFFFFC0]  }
0x138: {  	v8 =	vld [tilespmem:s25+$0xFFFFFFE0]  }
0x139: {  	v9 =	vld [tilespmem:s26+$0xFFFFFFD0]  }
0x13a: {  	v10 =	vld [tilespmem:s25+$0xFFFFFFF0];
	v5 =	vmul.f32 v5, v4  }
0x13b: {  	v11 =	vld [tilespmem:s26+$0xFFFFFFE0]  }
0x13c: {  	v3 =	vmul.f32 v3, v6;
	v5 =	vmul.f32 v5, v7  }
0x13d: {  	v7 =	vld [tilespmem:s26+$0xFFFFFFF0]  }
0x13e: {  	v2 =	vmul.f32 v2, v8;
	v3 =	vmul.f32 v3, v9;
	v5 =	vadd.f32 $0.0e+00, v5;
	_ =	sdelay $0x1  }
0x13f: {  	v1 =	vmul.f32 v1, v10;
	v2 =	vmul.f32 v2, v11;
	v3 =	vadd.f32 v3, v5;
	_ =	sdelay $0x1  }
0x140: {  	v1 =	vmul.f32 v1, v7;
	v2 =	vadd.f32 v2, v3;
	_ =	sdelay $0x1  }
0x141: {  	v1 =	vadd.f32 v1, v2;
	_ =	sdelay $0x1  }
0x142: {  	(xrf2) =	vadd.scan.msk.f32 $0xffff, v1;
	_ =	sdelay $0x9  }
0x143: {  	v1, _, _ =	vpop (xrf2)  }
0x144: {  	(v2sf) =	vpush v1, $0xF;
	_ =	sdelay $0xe  }
0x145: {  	s28 =	spop (v2sf)  }
0x146: {  	s10 =	smul.f32 $1.250000000e-01, s28;
	_ =	sdelay $0x1  }
0x147: {  	s10 =	smin.f32 s10, $7.500000000e+01  }
0x148: {  	v1 =	vmov s10  }
0x149: {  	v1 =	vmul.f32 $1.442695020e+00, v1;
	_ =	sdelay $0x1  }
0x14a: {  	v1 =	vbroadcast v1, $0x0;
	_ =	sdelay $0x1  }
0x14b: {  	(erf) = vpow2.f32 v1;
	_ =	sdelay $0x1  }
0x14c: {  	s11 =	simm.s32 $0xE140  }
0x14d: {  	v1 =	vld [tilespmem:s11+$0xFFFFFFF0]  }
0x14e: {  	v2 =	vld [tilespmem:s11+$0xFFFFFFC0]  }
0x14f: {  	v3 =	vld [tilespmem:s11+$0xFFFFFFD0]  }
0x150: {  	v5 =	vld [tilespmem:s11+$0xFFFFFFE0];
	_ =	sdelay $0x1  }
0x151: {  	v1 =	vmul.f32 v1, v10  }
0x152: {  	v2 =	vmul.f32 v2, v4;
	v4 =	vpop (erf)  }
0x153: {  	v3 =	vmul.f32 v3, v6;
	s10 =	simm.s32 $0x10950;
	v1 =	vmul.f32 v4, v1;
	v6 =	vnsel vm0, $0x0, v4  }
0x154: {  	v5 =	vmul.f32 v5, v8;
	v2 =	vmul.f32 v4, v2;
	[tilespmem:s10+$0xFFFFFFF0] =	vst v6  }
0x155: {  	v3 =	vmul.f32 v4, v3;
	[tilespmem:s10+$0xFFFFFFE0] =	vst v1  }
0x156: {  	v1 =	vmul.f32 v4, v5;
	[tilespmem:s10+$0xFFFFFFB0] =	vst v2  }
0x157: {  	[tilespmem:s10+$0xFFFFFFC0] =	vst v3  }
0x158: {  	[tilespmem:s10+$0xFFFFFFD0] =	vst v1  }
0x159: {  	v4 =	vld [tilespmem:s25+$0x20]  }
0x15a: {  	v1 =	vld [tilespmem:s25+$0x10]  }
0x15b: {  	v3 =	vld [tilespmem:s2+$0x0]  }
0x15c: {  	v5 =	vld [tilespmem:s2+$0x20]  }
0x15d: {  	v2 =	vld [tilespmem:s25+$0x0]  }
0x15e: {  	v6 =	vld [tilespmem:s2+$0x10]  }
0x15f: {  	v7 =	vld [tilespmem:s26+$0x0]  }
0x160: {  	v8 =	vld [tilespmem:s26+$0x10]  }
0x161: {  	v60 =	vld [tilespmem:s26+$0x20]  }
0x162: {  	v62 =	vld [tilespmem:s2+$0x30];
	v61 =	vmul.f32 v3, v2  }
0x163: {  	v3 =	vld [tilespmem:s25+$0x30]  }
0x164: {  	v6 =	vmul.f32 v6, v1;
	v7 =	vmul.f32 v61, v7  }
0x165: {  	v63 =	vld [tilespmem:s26+$0x30]  }
0x166: {  	v5 =	vmul.f32 v5, v4;
	v6 =	vmul.f32 v6, v8;
	v7 =	vadd.f32 $0.0e+00, v7;
	_ =	sdelay $0x1  }
0x167: {  	v5 =	vmul.f32 v5, v60;
	v6 =	vadd.f32 v6, v7;
	v7 =	vmul.f32 v62, v3;
	_ =	sdelay $0x1  }
0x168: {  	v5 =	vadd.f32 v5, v6;
	v6 =	vmul.f32 v7, v63;
	_ =	sdelay $0x1  }
0x169: {  	v5 =	vadd.f32 v6, v5;
	_ =	sdelay $0x1  }
0x16a: {  	(xrf2) =	vadd.scan.msk.f32 $0xffff, v5;
	_ =	sdelay $0x9  }
0x16b: {  	v5, _, _ =	vpop (xrf2)  }
0x16c: {  	(v2sf) =	vpush v5, $0xF;
	_ =	sdelay $0xe  }
0x16d: {  	s29 =	spop (v2sf)  }
0x16e: {  	s12 =	smul.f32 $1.250000000e-01, s29;
	_ =	sdelay $0x1  }
0x16f: {  	s12 =	smin.f32 s12, $7.500000000e+01  }
0x170: {  	v5 =	vmov s12  }
0x171: {  	v7 =	vld [tilespmem:s11+$0x20];
	v6 =	vmul.f32 $1.442695020e+00, v5;
	_ =	sdelay $0x1  }
0x172: {  	v8 =	vbroadcast v6, $0x0;
	_ =	sdelay $0x1  }
0x173: {  	(erf) = vpow2.f32 v8  }
0x174: {  	v4 =	vmul.f32 v7, v4;
	v7 =	vld [tilespmem:s11+$0x0]  }
0x175: {  	s14 =	simm.s32 $0xB9C0;
	v5 =	vld [tilespmem:s11+$0x30]  }
0x176: {  	s17 =	simm.s32 $0xF5C0;
	s18 =	simm.s32 $0x109F0;
	s12 =	simm.s32 $0x0;
	v6 =	vld [tilespmem:s11+$0x10]  }
.LBB2_5:
0x177: {  	s12 =	sadd.s32 $0x2, s12;
	s11 =	sadd.s32 $0x80, s11;
	s2 =	sadd.s32 $0x80, s2  }
0x178: {  	p0 =	slt.u32 s12, $0x4E;
	_ =	sdelay $0x2  }
0x179: {  	v1 =	vmul.f32 v6, v1;
	v2 =	vmul.f32 v7, v2  }
0x17a: {  	v3 =	vmul.f32 v5, v3;
	v5 =	vpop (erf)  }
0x17b: {  	v2 =	vmul.f32 v5, v2;
	v1 =	vmul.f32 v5, v1;
	v6 =	vnsel vm0, $0x0, v5  }
0x17c: {  	v4 =	vmul.f32 v5, v4;
	v3 =	vmul.f32 v5, v3;
	[tilespmem:s10+$0x40] =	vst v6  }
0x17d: {  	[tilespmem:s10+$0x0] =	vst v2  }
0x17e: {  	[tilespmem:s10+$0x30] =	vst v3  }
0x17f: {  	[tilespmem:s10+$0x10] =	vst v1  }
0x180: {  	[tilespmem:s10+$0x20] =	vst v4;
	s10 =	smov.u32 s18  }
0x181: {  	v1 =	vld [tilespmem:s2+$0xFFFFFFF0]  }
0x182: {  	v2 =	vld [tilespmem:s2+$0xFFFFFFE0]  }
0x183: {  	v3 =	vld [tilespmem:s2+$0xFFFFFFD0]  }
0x184: {  	v4 =	vld [tilespmem:s17+$0xFFFFFFC0]  }
0x185: {  	v5 =	vld [tilespmem:s2+$0xFFFFFFC0]  }
0x186: {  	v6 =	vld [tilespmem:s17+$0xFFFFFFD0]  }
0x187: {  	v7 =	vld [tilespmem:s14+$0xFFFFFFC0]  }
0x188: {  	v8 =	vld [tilespmem:s17+$0xFFFFFFE0]  }
0x189: {  	v9 =	vld [tilespmem:s14+$0xFFFFFFD0]  }
0x18a: {  	v5 =	vmul.f32 v5, v4;
	v10 =	vld [tilespmem:s17+$0xFFFFFFF0]  }
0x18b: {  	v3 =	vmul.f32 v3, v6;
	v11 =	vld [tilespmem:s14+$0xFFFFFFE0]  }
0x18c: {  	v5 =	vmul.f32 v5, v7  }
0x18d: {  	v2 =	vmul.f32 v2, v8;
	v7 =	vld [tilespmem:s14+$0xFFFFFFF0]  }
0x18e: {  	v5 =	vadd.f32 $0.0e+00, v5;
	v3 =	vmul.f32 v3, v9  }
0x18f: {  	v1 =	vmul.f32 v1, v10  }
0x190: {  	v3 =	vadd.f32 v3, v5;
	v2 =	vmul.f32 v2, v11;
	_ =	sdelay $0x1  }
0x191: {  	v2 =	vadd.f32 v2, v3;
	v1 =	vmul.f32 v1, v7;
	_ =	sdelay $0x1  }
0x192: {  	v1 =	vadd.f32 v1, v2;
	_ =	sdelay $0x1  }
0x193: {  	(xrf2) =	vadd.scan.msk.f32 $0xffff, v1;
	_ =	sdelay $0x9  }
0x194: {  	v1, _, _ =	vpop (xrf2)  }
0x195: {  	(v2sf) =	vpush v1, $0xF;
	_ =	sdelay $0xe  }
0x196: {  	s19 =	spop (v2sf)  }
0x197: {  	s19 =	smul.f32 $1.250000000e-01, s19;
	_ =	sdelay $0x1  }
0x198: {  	s19 =	smin.f32 s19, $7.500000000e+01  }
0x199: {  	v1 =	vmov s19  }
0x19a: {  	v1 =	vmul.f32 $1.442695020e+00, v1;
	_ =	sdelay $0x1  }
0x19b: {  	v1 =	vbroadcast v1, $0x0;
	_ =	sdelay $0x1  }
0x19c: {  	(erf) = vpow2.f32 v1  }
0x19d: {  	v1 =	vld [tilespmem:s11+$0xFFFFFFE0]  }
0x19e: {  	v2 =	vld [tilespmem:s11+$0xFFFFFFF0]  }
0x19f: {  	v3 =	vld [tilespmem:s11+$0xFFFFFFC0]  }
0x1a0: {  	v5 =	vld [tilespmem:s11+$0xFFFFFFD0];
	_ =	sdelay $0x2  }
0x1a1: {  	v2 =	vmul.f32 v2, v10  }
0x1a2: {  	v1 =	vmul.f32 v1, v8;
	v3 =	vmul.f32 v3, v4  }
0x1a3: {  	v4 =	vmul.f32 v5, v6;
	v5 =	vpop (erf)  }
0x1a4: {  	v3 =	vmul.f32 v5, v3;
	v2 =	vmul.f32 v5, v2;
	v6 =	vnsel vm0, $0x0, v5  }
0x1a5: {  	v1 =	vmul.f32 v5, v1;
	v4 =	vmul.f32 v5, v4;
	[tilespmem:s18+$0xFFFFFFF0] =	vst v6  }
0x1a6: {  	[tilespmem:s18+$0xFFFFFFE0] =	vst v2  }
0x1a7: {  	[tilespmem:s18+$0xFFFFFFB0] =	vst v3  }
0x1a8: {  	[tilespmem:s18+$0xFFFFFFC0] =	vst v4  }
0x1a9: {  	[tilespmem:s18+$0xFFFFFFD0] =	vst v1  }
0x1aa: {  	v4 =	vld [tilespmem:s17+$0x20]  }
0x1ab: {  	v1 =	vld [tilespmem:s17+$0x10]  }
0x1ac: {  	v3 =	vld [tilespmem:s2+$0x0]  }
0x1ad: {  	v5 =	vld [tilespmem:s2+$0x20]  }
0x1ae: {  	v6 =	vld [tilespmem:s2+$0x10]  }
0x1af: {  	v2 =	vld [tilespmem:s17+$0x0]  }
0x1b0: {  	v7 =	vld [tilespmem:s14+$0x10]  }
0x1b1: {  	v8 =	vld [tilespmem:s14+$0x0]  }
0x1b2: {  	v9 =	vld [tilespmem:s14+$0x20]  }
0x1b3: {  	v6 =	vmul.f32 v6, v1;
	v10 =	vld [tilespmem:s11+$0x20]  }
0x1b4: {  	v12 =	vmul.f32 v5, v4;
	v11 =	vmul.f32 v3, v2;
	v13 =	vld [tilespmem:s2+$0x30]  }
0x1b5: {  	v6 =	vmul.f32 v6, v7;
	v3 =	vld [tilespmem:s17+$0x30]  }
0x1b6: {  	v7 =	vmul.f32 v11, v8;
	v5 =	vld [tilespmem:s11+$0x30]  }
0x1b7: {  	v8 =	vmul.f32 v12, v9;
	v9 =	vld [tilespmem:s14+$0x30]  }
0x1b8: {  	v7 =	vadd.f32 $0.0e+00, v7;
	v4 =	vmul.f32 v10, v4;
	_ =	sdelay $0x1  }
0x1b9: {  	v6 =	vadd.f32 v6, v7;
	v7 =	vmul.f32 v13, v3;
	_ =	sdelay $0x1  }
0x1ba: {  	v6 =	vadd.f32 v8, v6;
	v7 =	vmul.f32 v7, v9;
	_ =	sdelay $0x1  }
0x1bb: {  	v6 =	vadd.f32 v7, v6;
	_ =	sdelay $0x1  }
0x1bc: {  	(xrf2) =	vadd.scan.msk.f32 $0xffff, v6;
	_ =	sdelay $0x9  }
0x1bd: {  	v6, _, _ =	vpop (xrf2)  }
0x1be: {  	(v2sf) =	vpush v6, $0xF;
	_ =	sdelay $0xe  }
0x1bf: {  	s19 =	spop (v2sf)  }
0x1c0: {  	s19 =	smul.f32 $1.250000000e-01, s19;
	_ =	sdelay $0x1  }
0x1c1: {  	s19 =	smin.f32 s19, $7.500000000e+01  }
0x1c2: {  	v6 =	vmov s19  }
0x1c3: {  	v6 =	vmul.f32 $1.442695020e+00, v6;
	_ =	sdelay $0x1  }
0x1c4: {  	v6 =	vbroadcast v6, $0x0  }
.Ltmp1:
0x1c5: {  	(pc) =	sbr.rel @p0 .LBB2_5-.Ltmp1, $3  }
0x1c6: {  	(erf) = vpow2.f32 v6;
	_ =	sdelay $0x1  }
0x1c7: {  	v6 =	vld [tilespmem:s11+$0x10]  }
0x1c8: {  	s18 =	sadd.s32 $0xA0, s18;
	s17 =	sadd.s32 $0x80, s17;
	s14 =	sadd.s32 $0x80, s14;
	v7 =	vld [tilespmem:s11+$0x0]  }
0x1c9: {  	_ =	sdelay $0x3  }
0x1ca: {  	v2 =	vmul.f32 v7, v2  }
0x1cb: {  	v3 =	vmul.f32 v5, v3;
	v62 =	vpop (erf)  }
0x1cc: {  	v1 =	vmul.f32 v6, v1;
	v2 =	vmul.f32 v62, v2;
	v63 =	vnsel vm0, $0x0, v62  }
0x1cd: {  	v3 =	vmul.f32 v62, v3;
	[tilespmem:s10+$0x40] =	vst v63  }
0x1ce: {  	v1 =	vmul.f32 v62, v1;
	[tilespmem:s10+$0x0] =	vst v2  }
0x1cf: {  	s0 =	sadd.s32 $0x1, s0;
	v2 =	vmul.f32 v62, v4;
	[tilespmem:s10+$0x30] =	vst v3  }
0x1d0: {  	p0 =	sne.s32 s0, $0x7D;
	[tilespmem:s10+$0x10] =	vst v1  }
.Ltmp2:
0x1d1: {  	s2 =	simm.s32 $0xB8B0;
	s29 =	simm.s32 $0x10900;
	[tilespmem:s10+$0x20] =	vst v2;
	(pc) =	sbr.rel @p0 .LBB2_2-.Ltmp2, $4  }
0x1d2: {  	[spmem:s3] =	stream.indirect.scatter.add.f32 [tilespmem:s29], [sflag:$0x5], $0x50, s2, s24, $0xb8;
	[tilespmem:$0x1EA00] =	vst v63  }
0x1d3: {  	_ =	swait.ge [sflag:s20], $0x1900  }
0x1d4: {  	[sflag:s20] =	ssyncset.done $0x0  }
0x1d5: {  	[sflag:s20] =	ssyncadd.s32 $0xFFFFE700  }
0x1d6: {  	_ =	swait.ge [sflag:s15], $0x1400  }
0x1d7: {  	[sflag:s15] =	ssyncset.done $0x0  }
0x1d8: {  	[sflag:s15] =	ssyncadd.s32 $0xFFFFEC00  }
0x1d9: {  	_ =	swait.ge [sflag:s15], $0x1400  }
0x1da: {  	[sflag:s15] =	ssyncset.done $0x0  }
0x1db: {  	[sflag:s15] =	ssyncadd.s32 $0xFFFFEC00  }
0x1dc: {  	_ =	swait.ge [sflag:s15], $0x1400  }
0x1dd: {  	[sflag:s15] =	ssyncset.done $0x0  }
0x1de: {  	[sflag:s15] =	ssyncadd.s32 $0xFFFFEC00  }
0x1df: {  	_ =	swait.ge [sflag:s15], $0x1400  }
0x1e0: {  	[sflag:s15] =	ssyncset.done $0x0  }
0x1e1: {  	[sflag:s15] =	ssyncadd.s32 $0xFFFFEC00  }
0x1e2: {  	_ =	swait.ge [sflag:s31], $0x50  }
0x1e3: {  	[sflag:s31] =	ssyncset.done $0x0  }
0x1e4: {  	[sflag:s31] =	ssyncadd.s32 $0xFFFFFFB0  }
0x1e5: {  	[bflag:$0x0] =	sbarrier.arrive $0xFFFF  }
0x1e6: {  	s17 =	rddreg [dreg:$0x5]  }
0x1e7: {  	s0 =	rddreg [dreg:$0xa]  }
0x1e8: {  	s2 =	rddreg [dreg:$0xc]  }
0x1e9: {  	[hbm:s0], [sflag:s17] =	dma.local [spmem:s2], $0x1900  }
0x1ea: {  	_ =	swait.ge [sflag:s20], $0x1900  }
0x1eb: {  	s10 =	rddreg [dreg:$0xd]  }
0x1ec: {  	s29 =	rddreg [dreg:$0xb];
	s10 =	sadd.s32 $0x1, s10  }
0x1ed: {  	p0 =	sne.s32 s10, s29  }
.Ltmp3:
0x1ee: {  	_ = 	snop;
	(pc) =	sbr.rel @p0 .LBB2_1-.Ltmp3, $3  }
0x1ef: {  	_ =	sdelay $0x1  }
0x1f0: {  	[sflag:s20] =	ssyncset.done $0x0  }
0x1f1: {  	[sflag:s20] =	ssyncadd.s32 $0xFFFFE700  }
0x1f2: {  	_ =	sfence.sel $0x180000  }
0x1f3: {  	[bflag:$0x0] =	sbarrier.arrive $0xFFFF  }
0x1f4: {  	_ =	strace $0x9000004A  }
0x1f5: {  	s0 =	stileid.u32;
	[bflag:$0x2] =	sbarrier.arrive $0xFFFF  }
0x1f6: {  	p0 =	sne.s32 s0, $0x0;
	s0 =	rddreg [dreg:$0x3]  }
0x1f7: {  	s0 =	sadd.s32 @!p0 $0x100000, s0  }
0x1f8: {  	[sflag:s0] =	ssyncadd.tile.s32 @!p0 $0x1;
	_ =	shalt  }
.Lfunc_end2:
_tile_overlayer_lowered:
.L_overlay_start_2:
0x1f9: {  	(tag) =	ssettag $0x2  }
0x1fa: {  	s0 =	rddreg [dreg:$0x0];
	s2 =	stileid.u32  }
0x1fb: {  	s1 =	rddreg [dreg:$0x1];
	p0 =	sne.s32 s2, $0x0  }
0x1fc: {  	s3 =	rddreg [dreg:$0x2];
	[bflag:$0x3] =	sbarrier.arrive $0xFFFF;
	s2 =	simm.s32 @!p0 $0x1C05  }
0x1fd: {  	[timem:s3], [sflag:s2] =	dma.local @!p0 [hbm:s0], s1  }
0x1fe: {  	s0 =	simm.s32 @!p0 $0x5  }
0x1ff: {  	_ =	swait.ge @!p0 [sflag:s0], s1  }
0x200: {  	s1 =	ssub.s32 @!p0 $0x0, s1;
	[sflag:s0] =	ssyncset.done @!p0 $0x0  }
0x201: {  	[sflag:s0] =	ssyncadd.s32 @!p0 s1  }
0x202: {  	[bflag:$0x3] =	sbarrier.arrive $0xFFFF  }
0x203: {  	_ =	shalt  }

// kernel: kernel.16.cloned.1.call-start
scs
__scs_entry_jumppad:
0x0: {  	(pc) =	sbr.rel $0x88, $3  }
0x1: {  	(tag) =	ssettag $0x0;
	lr =	simm.s32 $0x1  }
0x2: {  	[smem:$0x3F90] =	sst lr;
	_ =	strace $0xD0000000  }
0x3: {  	_ = 	snop  }
0x4: {  	_ = 	snop  }
0x5: {  	_ = 	snop  }
0x6: {  	_ = 	snop  }
0x7: {  	_ = 	snop  }
__scs_overlays_trampoline_lowered:
0x8: {  	[smem:$0x3F9F] =	sst s0  }
0x9: {  	[smem:$0x3FA0] =	sst s1  }
0xa: {  	[smem:$0x3FA1] =	sst s2  }
0xb: {  	[smem:$0x3FA2] =	sst s3  }
0xc: {  	[smem:$0x3FA3] =	sst s4  }
0xd: {  	[smem:$0x3FA4] =	sst s5  }
0xe: {  	[smem:$0x3FA5] =	sst s6  }
0xf: {  	[smem:$0x3FA6] =	sst s7  }
0x10: {  	[smem:$0x3FA7] =	sst s8  }
0x11: {  	[smem:$0x3FA8] =	sst s9;
	s0 =	simm.s32 @!p0 $0x0  }
0x12: {  	s1 =	sld [smem:$0x3F8E];
	s0 =	simm.s32 @p0 $0x1  }
0x13: {  	[smem:$0x3FA9] =	sst s0;
	s0 =	simm.s32 @!p1 $0x0  }
0x14: {  	s2 =	sld [smem:$0x3F8D];
	s0 =	simm.s32 @p1 $0x1  }
0x15: {  	[smem:$0x3FAA] =	sst s0;
	s0 =	simm.s32 @!p2 $0x0  }
0x16: {  	s3 =	sld [smem:$0x3FDB];
	s0 =	simm.s32 @p2 $0x1  }
0x17: {  	s4 =	simm.s32 $0x1BF5;
	[smem:$0x3FAC] =	sst s0  }
0x18: {  	s0 =	sld [smem:$0x3F8F];
	_ =	swait.ge [sflag:s4], $0x0  }
0x19: {  	s7 =	sld [smem:$0x3F90]  }
0x1a: {  	s8 =	sadd.s32 $0xFFFFE003, lr  }
0x1b: {  	s9 =	sadd.s32 $0xFFFFFEF7, lr;
	s5 =	simm.s32 $0xFFFFFFFF;
	p2 =	slt.u32 s8, $0xFFFFF086  }
0x1c: {  	p1 =	slt.u32 s9, $0xF7A;
	s5 =	simm.s32 @!p2 $0x0  }
0x1d: {  	s5 =	simm.s32 @p1 $0x1;
	p0 =	seq.s32 s7, s2  }
0x1e: {  	s7 =	smul.u32 @!p0 $0xF7A, s2;
	p2 =	seq.s32 @!p0 s5, $0x0  }
0x1f: {  	s9 =	smul.u32 $0xF7A, s1;
	s8 =	simm.s32 @!p0 $0x1BF5;
	p2 =	por !p2, p0  }
0x20: {  	[sflag:s8] =	ssyncset.s32 @!p0 $0xFFFFF086;
	s6 =	sadd.s32 @!p0 s3, s7;
	s7 =	simm.s32 @!p0 $0x108  }
0x21: {  	s3 =	sadd.s32 s3, s9;
	s6 =	sadd.s32 @!p0 $0x88, s6;
	s7 =	simm.s32 @p2 $0x1082  }
0x22: {  	[simem:s7], [sflag:s8] =	dma.local @!p0 [hbm:s6], $0xF7A  }
0x23: {  	s9 =	sor.u32 $0xD0000000, s2;
	s6 =	simm.s32 $0x108;
	_ =	swait.ge @!p0 [sflag:s8], $0x0  }
0x24: {  	s3 =	sadd.s32 $0x88, s3;
	s6 =	simm.s32 @!p1 $0x1082;
	[sflag:s4] =	ssyncset.s32 $0xFFFFF086  }
0x25: {  	[simem:s6], [sflag:s4] =	dma.local [hbm:s3], $0xF7A  }
0x26: {  	[smem:$0x3F90] =	sst s1;
	(tag) =	ssettag s2;
	_ =	strace s9  }
0x27: {  	s1 =	sld [smem:$0x3FA0]  }
0x28: {  	s2 =	sld [smem:$0x3FA1]  }
0x29: {  	s4 =	sld [smem:$0x3FA3]  }
0x2a: {  	p0 =	seq.s32 s5, $0x0;
	s5 =	sld [smem:$0x3FA4]  }
0x2b: {  	s6 =	sld [smem:$0x3FA5]  }
0x2c: {  	s7 =	sld [smem:$0x3FA6]  }
0x2d: {  	s3 =	simm.s32 $0x108;
	s8 =	sld [smem:$0x3FA7]  }
0x2e: {  	s3 =	simm.s32 @!p0 $0x1082;
	s9 =	sld [smem:$0x3FA8]  }
0x2f: {  	lr =	sadd.s32 s0, s3;
	s0 =	sld [smem:$0x3F9F]  }
0x30: {  	s3 =	sld [smem:$0x3FA2]  }
0x31: {  	[smem:$0x3FAB] =	sst s10  }
0x32: {  	s10 =	sld [smem:$0x3FA9];
	_ =	sdelay $0x3  }
0x33: {  	p0 =	seq.s32 s10, $0x1;
	s10 =	sld [smem:$0x3FAB];
	_ =	sdelay $0x3  }
0x34: {  	[smem:$0x3FAB] =	sst s10  }
0x35: {  	s10 =	sld [smem:$0x3FAA];
	_ =	sdelay $0x3  }
0x36: {  	p1 =	seq.s32 s10, $0x1;
	s10 =	sld [smem:$0x3FAB];
	_ =	sdelay $0x3  }
0x37: {  	[smem:$0x3FAB] =	sst s10  }
0x38: {  	s10 =	sld [smem:$0x3FAC]  }
0x39: {  	_ = 	snop;
	(pc) =	sbr.ind lr, $3  }
0x3a: {  	_ = 	snop  }
0x3b: {  	_ = 	snop  }
0x3c: {  	p2 =	seq.s32 s10, $0x1;
	s10 =	sld [smem:$0x3FAB]  }
0x3d: {  	_ =	shalt  }
0x3e: {  	_ =	shalt  }
0x3f: {  	_ =	shalt  }
0x40: {  	_ =	shalt  }
0x41: {  	_ =	shalt  }
0x42: {  	_ =	shalt  }
0x43: {  	_ =	shalt  }
0x44: {  	_ =	shalt  }
0x45: {  	_ =	shalt  }
0x46: {  	_ =	shalt  }
0x47: {  	_ =	shalt  }
0x48: {  	_ =	shalt  }
0x49: {  	_ =	shalt  }
0x4a: {  	_ =	shalt  }
0x4b: {  	_ =	shalt  }
0x4c: {  	_ =	shalt  }
0x4d: {  	_ =	shalt  }
0x4e: {  	_ =	shalt  }
0x4f: {  	_ =	shalt  }
0x50: {  	_ =	shalt  }
0x51: {  	_ =	shalt  }
0x52: {  	_ =	shalt  }
0x53: {  	_ =	shalt  }
0x54: {  	_ =	shalt  }
0x55: {  	_ =	shalt  }
0x56: {  	_ =	shalt  }
0x57: {  	_ =	shalt  }
0x58: {  	_ =	shalt  }
0x59: {  	_ =	shalt  }
0x5a: {  	_ =	shalt  }
0x5b: {  	_ =	shalt  }
0x5c: {  	_ =	shalt  }
0x5d: {  	_ =	shalt  }
0x5e: {  	_ =	shalt  }
0x5f: {  	_ =	shalt  }
0x60: {  	_ =	shalt  }
0x61: {  	_ =	shalt  }
0x62: {  	_ =	shalt  }
0x63: {  	_ =	shalt  }
0x64: {  	_ =	shalt  }
0x65: {  	_ =	shalt  }
0x66: {  	_ =	shalt  }
0x67: {  	_ =	shalt  }
0x68: {  	_ =	shalt  }
0x69: {  	_ =	shalt  }
0x6a: {  	_ =	shalt  }
0x6b: {  	_ =	shalt  }
0x6c: {  	_ =	shalt  }
0x6d: {  	_ =	shalt  }
0x6e: {  	_ =	shalt  }
0x6f: {  	_ =	shalt  }
0x70: {  	_ =	shalt  }
0x71: {  	_ =	shalt  }
0x72: {  	_ =	shalt  }
0x73: {  	_ =	shalt  }
0x74: {  	_ =	shalt  }
0x75: {  	_ =	shalt  }
0x76: {  	_ =	shalt  }
0x77: {  	_ =	shalt  }
0x78: {  	_ =	shalt  }
0x79: {  	_ =	shalt  }
0x7a: {  	_ =	shalt  }
0x7b: {  	_ =	shalt  }
0x7c: {  	_ =	shalt  }
0x7d: {  	_ =	shalt  }
0x7e: {  	_ =	shalt  }
0x7f: {  	_ =	shalt  }
0x80: {  	_ =	shalt  }
0x81: {  	_ =	shalt  }
0x82: {  	_ =	shalt  }
0x83: {  	_ =	shalt  }
0x84: {  	_ =	shalt  }
0x85: {  	_ =	shalt  }
0x86: {  	_ =	shalt  }
0x87: {  	_ =	shalt  }
.Lfunc_end0:
.L_simem_size_0:
called_computation.2_lowered:
.L_overlay_start_0:
0x88: {  	s2 =	sld [smem:$0x3FD9]  }
0x89: {  	s3 =	sld [smem:$0x3FFE];
	_ =	sdelay $0x1  }
0x8a: {  	s1 =	srdreg.scid  }
0x8b: {  	s0 =	sand.u32 $0x1, s1  }
0x8c: {  	s17 =	sshll.u32 s0, $0xA;
	s2 =	sadd.s32 s3, s2  }
0x8d: {  	s2 =	sadd.s32 s2, s17  }
0x8e: {  	[smem:$0x3FB7] =	sst s2  }
0x8f: {  	_ = 	snop  }
0x90: {  	s2 =	sld [smem:$0x3FD0];
	(tm) =	ssettm $0x1  }
0x91: {  	s18 =	sld [smem:$0x3FFB];
	_ =	sdelay $0x3  }
0x92: {  	_ =	strace s18  }
0x93: {  	s3 =	sld [smem:$0x3FFC];
	_ =	sdelay $0x3  }
0x94: {  	_ =	strace s3  }
0x95: {  	s3 =	sld [smem:$0x3FFD];
	_ =	sdelay $0x3  }
0x96: {  	_ =	strace s3  }
0x97: {  	_ =	strace $0x8FFFFFFF  }
0x98: {  	s19 =	sld [smem:$0x3FDB];
	_ =	sdelay $0x1  }
0x99: {  	s4 =	simm.s32 $_scs_section_size  }
0x9a: {  	s5 =	simm.s32 $_size__tile_overlayer_lowered;
	s6 =	simm.s32 $_tile_overlayer_lowered  }
0x9b: {  	s22 =	simm.s32 $0x1BFF;
	s21 =	sshll.u32 s6, $0x1;
	s3 =	sadd.s32 s4, s19  }
0x9c: {  	s7 =	simm.s32 $0x0;
	s20 =	sshll.u32 s5, $0x1;
	s5 =	sadd.s32 s21, s3  }
0x9d: {  	[timem:s7], [sflag:s22] =	dma.local [hbm:s5], s20  }
0x9e: {  	_ =	swait.ge [sflag:s22], s20  }
0x9f: {  	s4 =	ssub.s32 $0x0, s20;
	[sflag:s22] =	ssyncset.done $0x0  }
0xa0: {  	[sflag:s22] =	ssyncadd.s32 s4;
	_ =	sdelay $0x1  }
0xa1: {  	s23 =	simm.s32 $0x1B8B  }
0xa2: {  	_ =	swait.ge [sflag:s23], $0x1  }
0xa3: {  	[sflag:s23] =	ssyncset.done $0x0  }
0xa4: {  	s25 =	simm.s32 $0x1B8E;
	s24 =	sld [smem:$0x3FFE];
	[sflag:s23] =	ssyncadd.s32 $0xFFFFFFFF  }
0xa5: {  	s26 =	simm.s32 $execute0_lowered;
	[smem:$0x3FD2] =	sst s25  }
0xa6: {  	s5 =	sshll.u32 s26, $0x1;
	_ =	strace $0x8000004C;
	[dreg:$0x1] =	wrdreg $0xFFFFFFFF  }
0xa7: {  	s28 =	simm.s32 $_size_execute0_lowered;
	s3 =	sadd.s32 s3, s5;
	[dreg:$0x0] =	wrdreg $0x0  }
0xa8: {  	s5 =	sshll.u32 s28, $0x1;
	[dreg:$0x2] =	wrdreg s3  }
0xa9: {  	[dreg:$0x3] =	wrdreg s5  }
0xaa: {  	[dreg:$0x4] =	wrdreg $0xC0  }
0xab: {  	_ =	task [dreg:s7], $0x5FFFF  }
0xac: {  	[dreg:$0x1] =	wrdreg $0xFFFFFFFF  }
0xad: {  	[dreg:$0x0] =	wrdreg $0x60  }
0xae: {  	[dreg:$0x2] =	wrdreg s2  }
0xaf: {  	[dreg:$0x3] =	wrdreg s24  }
0xb0: {  	[dreg:$0x4] =	wrdreg $0x122000  }
0xb1: {  	[dreg:$0x5] =	wrdreg $0x9  }
0xb2: {  	_ =	task.clear_ibuf [dreg:s7], $0x6FFFF;
	_ =	strace $0x9000004C  }
0xb3: {  	s29 =	simm.s32 $0x9;
	_ =	strace $0x8000004E  }
0xb4: {  	_ =	swait.ge [sflag:s29], $0x1  }
0xb5: {  	[sflag:s29] =	ssyncadd.s32 $0xFFFFFFFF  }
0xb6: {  	_ =	strace $0x9000004E  }
0xb7: {  	_ =	sfence  }
0xb8: {  	s30 =	sld [smem:$0x0];
	_ =	sdelay $0x2  }
0xb9: {  	s31 =	sshll.u32 s1, $0xD;
	s1 =	sshrl.u32 s1, $0x2  }
0xba: {  	s3 =	sand.u32 $0x4000, s31;
	s1 =	sadd.s32 s1, s30  }
0xbb: {  	s0 =	sor.u32 s3, s0;
	s1 =	sshll.u32 s1, $0x11  }
0xbc: {  	s0 =	sor.u32 s1, s0  }
0xbd: {  	s0 =	sadd.s32 $0x8F2B, s0  }
0xbe: {  	[sflag:s0] =	ssyncadd.remote.s32 $0x1  }
0xbf: {  	_ =	sfence.sel $0xFFFF  }
0xc0: {  	[dreg:$0x0] =	wrdreg $0xFFFFFFFF;
	(pc) =	sbr.abs _section_cstart, $3  }
0xc1: {  	[dreg:$0x1] =	wrdreg $0xFFFFFFFF  }
0xc2: {  	_ =	task.clear_ibuf [dreg:s7], $0x2FFFF;
	_ =	strace $0x9FFFFFFF  }
0xc3: {  	(tm) =	ssettm $0x7FFFFFFF  }
tec
execute0_lowered:
.L_overlay_start_1:
0x0: {  	(tag) =	ssettag $0x1  }
0x1: {  	s1 =	rddreg [dreg:$0x0]  }
0x2: {  	s0 =	rddreg [dreg:$0x1]  }
0x3: {  	s3 =	rddreg [dreg:$0x2];
	s4 =	simm.s32 $0x0;
	s17 =	stileid.u32  }
0x4: {  	s6 =	srdreg.scid;
	s20 =	simm.s32 $0x5;
	s30 =	simm.s32 $0x8B10  }
0x5: {  	[smem:$0x7FF] =	sst s4;
	s2 =	smul.u32 $0x4E20, s17;
	s5 =	sadd.s32 $0x55D000, s0  }
0x6: {  	s9 =	smul.u32 $0xC800, s17;
	s10 =	sand.u32 $0x1, s6;
	s6 =	sadd.s32 $0x19600, s0  }
0x7: {  	s31 =	simm.s32 $0x4;
	s7 =	sadd.s32 $0x5F2E00, s0;
	s8 =	sadd.s32 $0x52F800, s0  }
0x8: {  	s23 =	sshll.u32 s17, $0x6;
	_ =	strace $0x8000004D;
	s12 =	smul.u32 $0xC8000, s10  }
0x9: {  	s14 =	ssub.s32 $0x2, s10;
	s16 =	smul.u32 $0x4E200, s10;
	s17 =	sor.u32 $0x1C05, s23  }
0xa: {  	s10 =	smul.u32 $0x2710, s10;
	s23 =	simm.s32 $0x3;
	s11 =	sshrl.u32 s2, $0x3  }
0xb: {  	s13 =	sshrl.u32 s9, $0x3;
	s15 =	sshrl.u32 s14, $0x1;
	s22 =	sadd.s32 s9, s3  }
0xc: {  	[dreg:$0x5] =	wrdreg s17;
	s11 =	sadd.s32 s11, s0;
	s12 =	sadd.s32 s9, s12  }
0xd: {  	s13 =	sadd.s32 s13, s0;
	s21 =	ssub.s32 s14, s15;
	s9 =	sadd.s32 s2, s16  }
0xe: {  	s15 =	simm.s32 $0x1;
	v0 =	vmov s10;
	s10 =	simm.s32 $0x0;
	s24 =	sadd.s32 $0x544000, s13  }
0xf: {  	s12 =	sshrl.u32 s12, $0x3;
	s11 =	sadd.s32 $0xF800, s11;
	[dreg:$0x4] =	wrdreg s24  }
0x10: {  	s25 =	sshrl.u32 s9, $0x3;
	s29 =	smax.u32 s21, $0x1;
	[dreg:$0x6] =	wrdreg s11  }
0x11: {  	s28 =	sshll.u32 s9, $0x3;
	s26 =	sadd.s32 s8, s25;
	[dreg:$0xb] =	wrdreg s29  }
0x12: {  	s16 =	sadd.s32 $0xF0, s9;
	s2 =	sadd.s32 s7, s28;
	[dreg:$0x7] =	wrdreg s26  }
0x13: {  	s0 =	sadd.s32 s12, s0;
	s11 =	sadd.s32 $0xA, s26;
	[dreg:$0x9] =	wrdreg s2  }
0x14: {  	s21 =	simm.s32 $0x4E20;
	s0 =	sadd.s32 $0x40800, s0;
	[dreg:$0x8] =	wrdreg s11  }
0x15: {  	s13 =	simm.s32 $0x2;
	s2 =	sshrl.u32 s22, $0x3;
	[dreg:$0xa] =	wrdreg s0  }
0x16: {  	vm0 =	vmmov $0x1;
	s24 =	simm.s32 $0x50;
	s22 =	simm.s32 $0xB810;
	[dreg:$0xc] =	wrdreg s2  }
.LBB2_1:
0x17: {  	[dreg:$0xd] =	wrdreg s10  }
0x18: {  	s0 =	rddreg [dreg:$0x4]  }
0x19: {  	[spmem:s2], [sflag:s17] =	dma.local [hbm:s0], $0x1900  }
0x1a: {  	_ =	swait.ge [sflag:s20], $0x1900  }
0x1b: {  	[sflag:s20] =	ssyncset.done $0x0  }
0x1c: {  	s14 =	rddreg [dreg:$0x6];
	[sflag:s20] =	ssyncadd.s32 $0xFFFFE700  }
0x1d: {  	[tilespmem:s4], [sflag:$0x5] =	stream.linear.gather [hbm4b:s14+s4], $0x4E20, $0x38;
	[tilespmem:$0x1EA00] =	vst v63  }
0x1e: {  	_ =	swait.ge [sflag:s20], $0x4E20  }
0x1f: {  	[sflag:s20] =	ssyncset.done $0x0  }
0x20: {  	[sflag:s20] =	ssyncadd.s32 $0xFFFFB1E0  }
0x21: {  	[bflag:$0x0] =	sbarrier.arrive $0xFFFF  }
0x22: {  	s17 =	rddreg [dreg:$0x7]  }
0x23: {  	[tilespmem:s21], [sflag:$0x3] =	stream.linear.gather [hbm4b:s17+s4], $0x50, $0x38;
	[tilespmem:$0x1EA00] =	vst v63  }
0x24: {  	s18 =	rddreg [dreg:$0x8]  }
0x25: {  	[tilespmem:s22], [sflag:$0x4] =	stream.linear.gather [hbm4b:s18+s4], $0x50, $0x38;
	[tilespmem:$0x1EA00] =	vst v63  }
0x26: {  	v1 =	vld [tilespmem:$0x0]  }
0x27: {  	v2 =	vld [tilespmem:$0x10]  }
0x28: {  	v3 =	vld [tilespmem:$0x20];
	_ =	sdelay $0x1  }
0x29: {  	v63 =	vld [tilespmem:$0x30]  }
0x2a: {  	[tilespmem:$0x4EC0] =	vst v1  }
0x2b: {  	[tilespmem:$0x4ED0] =	vst v2  }
0x2c: {  	v4 =	vadd.s32 v0, v1;
	v1 =	vadd.s32 v0, v2;
	[tilespmem:$0x4EE0] =	vst v3  }
0x2d: {  	[tilespmem:$0x4E80] =	vst v1;
	v1 =	vld [tilespmem:$0x40]  }
0x2e: {  	[tilespmem:$0x4EF0] =	vst v63  }
0x2f: {  	v2 =	vadd.s32 v0, v3;
	[tilespmem:$0x4E70] =	vst v4  }
0x30: {  	[tilespmem:$0x4E90] =	vst v2;
	v2 =	vadd.s32 v0, v63  }
0x31: {  	[tilespmem:$0x4EA0] =	vst v2  }
0x32: {  	v2 =	vadd.s32 v0, v1;
	[tilespmem:$0x4F00] =	vst v1  }
0x33: {  	[tilespmem:$0x4EB0] =	vst v2  }
0x34: {  	_ =	swait.ge [sflag:s23], $0x50  }
0x35: {  	[sflag:s23] =	ssyncset.done $0x0  }
0x36: {  	s19 =	simm.s32 $0x4E70;
	s25 =	simm.s32 $0x4F10;
	[sflag:s23] =	ssyncadd.s32 $0xFFFFFFB0  }
0x37: {  	[tilespmem:s25], [sflag:$0x1] =	stream.indirect.gather [hbm4b:s1+s24], $0x40, s19, s24, $0xb8;
	[tilespmem:$0x1EA00] =	vst v63  }
0x38: {  	s26 =	simm.s32 $0x6310  }
0x39: {  	[tilespmem:s26], [sflag:$0x1] =	stream.indirect.gather [hbm4b:s5+s24], $0x40, s21, s24, $0xb8;
	[tilespmem:$0x1EA00] =	vst v63  }
0x3a: {  	s28 =	simm.s32 $0x7710  }
0x3b: {  	[tilespmem:s28], [sflag:$0x1] =	stream.indirect.gather [hbm4b:s6+s24], $0x40, s21, s24, $0xb8;
	[tilespmem:$0x1EA00] =	vst v63  }
0x3c: {  	s0 =	simm.s32 $0x0;
	s29 =	rddreg [dreg:$0x9]  }
0x3d: {  	[tilespmem:s30], [sflag:$0x1] =	stream.linear.gather [hbm4b:s29+s4], $0x1400, $0x38;
	[tilespmem:$0x1EA00] =	vst v63  }
.LBB2_2:
0x3e: {  	s2 =	smul.u32 $0xA0, s0;
	_ =	sdelay $0x1  }
0x3f: {  	v1 =	vld [tilespmem:s2+$0x50];
	_ =	sdelay $0x4  }
0x40: {  	v2 =	vadd.s32 v0, v1;
	[tilespmem:$0xB8B0] =	vst v1  }
0x41: {  	[tilespmem:$0xB860] =	vst v2  }
0x42: {  	v1 =	vld [tilespmem:s2+$0x60];
	_ =	sdelay $0x4  }
0x43: {  	v2 =	vadd.s32 v0, v1;
	[tilespmem:$0xB8C0] =	vst v1  }
0x44: {  	[tilespmem:$0xB870] =	vst v2  }
0x45: {  	v1 =	vld [tilespmem:s2+$0x70];
	_ =	sdelay $0x4  }
0x46: {  	v2 =	vadd.s32 v0, v1;
	[tilespmem:$0xB8D0] =	vst v1  }
0x47: {  	[tilespmem:$0xB880] =	vst v2  }
0x48: {  	v1 =	vld [tilespmem:s2+$0x80];
	_ =	sdelay $0x4  }
0x49: {  	v2 =	vadd.s32 v0, v1;
	[tilespmem:$0xB8E0] =	vst v1  }
0x4a: {  	[tilespmem:$0xB890] =	vst v2  }
0x4b: {  	v1 =	vld [tilespmem:s2+$0x90];
	_ =	sdelay $0x4  }
0x4c: {  	v2 =	vadd.s32 v0, v1;
	[tilespmem:$0xB8F0] =	vst v1  }
0x4d: {  	[tilespmem:$0xB8A0] =	vst v2  }
0x4e: {  	_ =	swait.ge [sflag:s31], $0x50  }
0x4f: {  	s10 =	simm.s32 $0xB860;
	[sflag:s31] =	ssyncset.done $0x0  }
0x50: {  	s11 =	simm.s32 $0xB900;
	s2 =	sadd.s32 $0x50, s2;
	[sflag:s31] =	ssyncadd.s32 $0xFFFFFFB0  }
0x51: {  	[tilespmem:s11], [sflag:$0x2] =	stream.indirect.gather [hbm4b:s1+s24], $0x40, s10, s24, $0xb8;
	[tilespmem:$0x1EA00] =	vst v63  }
0x52: {  	s14 =	simm.s32 $0xCD00;
	s2 =	sadd.s32 s9, s2  }
0x53: {  	[tilespmem:s14], [sflag:$0x2] =	stream.indirect.gather [hbm4b:s5+s24], $0x40, s22, s24, $0xb8;
	[tilespmem:$0x1EA00] =	vst v63  }
0x54: {  	s17 =	simm.s32 $0xE100;
	s2 =	sshll.u32 s2, $0x3  }
0x55: {  	[tilespmem:s17], [sflag:$0x2] =	stream.indirect.gather [hbm4b:s6+s24], $0x40, s22, s24, $0xb8;
	[tilespmem:$0x1EA00] =	vst v63  }
0x56: {  	s18 =	simm.s32 $0xF500;
	s2 =	sadd.s32 s7, s2  }
0x57: {  	[tilespmem:s18], [sflag:$0x2] =	stream.linear.gather [hbm4b:s2+s4], $0x1400, $0x38;
	[tilespmem:$0x1EA00] =	vst v63  }
0x58: {  	_ =	swait.ge [sflag:s15], $0x1400  }
0x59: {  	[sflag:s15] =	ssyncset.done $0x0  }
0x5a: {  	[sflag:s15] =	ssyncadd.s32 $0xFFFFEC00  }
0x5b: {  	_ =	swait.ge [sflag:s15], $0x1400  }
0x5c: {  	s2 =	sshll.u32 s0, $0x1;
	[sflag:s15] =	ssyncset.done $0x0  }
0x5d: {  	s19 =	smin.u32 s2, $0xF7;
	[sflag:s15] =	ssyncadd.s32 $0xFFFFEC00  }
0x5e: {  	s14 =	smul.u32 $0x50, s19;
	_ =	swait.ge [sflag:s15], $0x1400  }
0x5f: {  	[sflag:s15] =	ssyncset.done $0x0  }
0x60: {  	s12 =	sadd.s32 $0xA0, s14;
	[sflag:s15] =	ssyncadd.s32 $0xFFFFEC00  }
0x61: {  	s10 =	sadd.s32 s12, s9;
	_ =	swait.ge [sflag:s15], $0x1400  }
0x62: {  	s25 =	sshrl.u32 s10, $0x3;
	[sflag:s15] =	ssyncset.done $0x0  }
0x63: {  	s17 =	simm.s32 $0x6350;
	s11 =	sadd.s32 s8, s25;
	[sflag:s15] =	ssyncadd.s32 $0xFFFFEC00  }
0x64: {  	[tilespmem:s21], [sflag:$0x3] =	stream.linear.gather [hbm4b:s11+s4], $0x50, $0x38;
	[tilespmem:$0x1EA00] =	vst v63  }
0x65: {  	v1 =	vld [tilespmem:s17+$0xFFFFFFF0]  }
0x66: {  	v2 =	vld [tilespmem:s17+$0xFFFFFFE0]  }
0x67: {  	s19 =	simm.s32 $0x8B50;
	v3 =	vld [tilespmem:s17+$0xFFFFFFD0]  }
0x68: {  	v4 =	vld [tilespmem:s19+$0xFFFFFFC0]  }
0x69: {  	v5 =	vld [tilespmem:s17+$0xFFFFFFC0]  }
0x6a: {  	s25 =	simm.s32 $0x4F50;
	v6 =	vld [tilespmem:s19+$0xFFFFFFD0]  }
0x6b: {  	v7 =	vld [tilespmem:s25+$0xFFFFFFC0]  }
0x6c: {  	v8 =	vld [tilespmem:s19+$0xFFFFFFE0]  }
0x6d: {  	v9 =	vld [tilespmem:s25+$0xFFFFFFD0]  }
0x6e: {  	v10 =	vld [tilespmem:s19+$0xFFFFFFF0];
	v5 =	vmul.f32 v5, v4  }
0x6f: {  	v11 =	vld [tilespmem:s25+$0xFFFFFFE0]  }
0x70: {  	v3 =	vmul.f32 v3, v6;
	v5 =	vmul.f32 v5, v7  }
0x71: {  	v7 =	vld [tilespmem:s25+$0xFFFFFFF0]  }
0x72: {  	v2 =	vmul.f32 v2, v8;
	v3 =	vmul.f32 v3, v9;
	v5 =	vadd.f32 $0.0e+00, v5;
	_ =	sdelay $0x1  }
0x73: {  	v1 =	vmul.f32 v1, v10;
	v2 =	vmul.f32 v2, v11;
	v3 =	vadd.f32 v3, v5;
	_ =	sdelay $0x1  }
0x74: {  	v1 =	vmul.f32 v1, v7;
	v2 =	vadd.f32 v2, v3;
	_ =	sdelay $0x1  }
0x75: {  	v1 =	vadd.f32 v1, v2;
	_ =	sdelay $0x1  }
0x76: {  	(xrf2) =	vadd.scan.msk.f32 $0xffff, v1;
	_ =	sdelay $0x9  }
0x77: {  	v1, _, _ =	vpop (xrf2)  }
0x78: {  	(v2sf) =	vpush v1, $0xF;
	_ =	sdelay $0xe  }
0x79: {  	s26 =	spop (v2sf)  }
0x7a: {  	s11 =	smul.f32 $1.250000000e-01, s26;
	_ =	sdelay $0x1  }
0x7b: {  	s11 =	smin.f32 s11, $7.500000000e+01  }
0x7c: {  	v1 =	vmov s11  }
0x7d: {  	v1 =	vmul.f32 $1.442695020e+00, v1;
	_ =	sdelay $0x1  }
0x7e: {  	v1 =	vbroadcast v1, $0x0;
	_ =	sdelay $0x1  }
0x7f: {  	(erf) = vpow2.f32 v1;
	_ =	sdelay $0x1  }
0x80: {  	s11 =	simm.s32 $0x7750  }
0x81: {  	v1 =	vld [tilespmem:s11+$0xFFFFFFF0]  }
0x82: {  	v2 =	vld [tilespmem:s11+$0xFFFFFFC0]  }
0x83: {  	v3 =	vld [tilespmem:s11+$0xFFFFFFD0]  }
0x84: {  	v5 =	vld [tilespmem:s11+$0xFFFFFFE0];
	_ =	sdelay $0x1  }
0x85: {  	v1 =	vmul.f32 v1, v10  }
0x86: {  	v2 =	vmul.f32 v2, v4;
	v4 =	vpop (erf)  }
0x87: {  	s18 =	simm.s32 $0x9F60;
	v3 =	vmul.f32 v3, v6;
	v1 =	vmul.f32 v4, v1;
	v6 =	vnsel vm0, $0x0, v4  }
0x88: {  	v5 =	vmul.f32 v5, v8;
	v2 =	vmul.f32 v4, v2;
	[tilespmem:s18+$0xFFFFFFF0] =	vst v6  }
0x89: {  	v3 =	vmul.f32 v4, v3;
	[tilespmem:s18+$0xFFFFFFE0] =	vst v1  }
0x8a: {  	v1 =	vmul.f32 v4, v5;
	[tilespmem:s18+$0xFFFFFFB0] =	vst v2  }
0x8b: {  	[tilespmem:s18+$0xFFFFFFC0] =	vst v3  }
0x8c: {  	[tilespmem:s18+$0xFFFFFFD0] =	vst v1  }
0x8d: {  	v4 =	vld [tilespmem:s19+$0x20]  }
0x8e: {  	v1 =	vld [tilespmem:s19+$0x10]  }
0x8f: {  	v3 =	vld [tilespmem:s17+$0x0]  }
0x90: {  	v5 =	vld [tilespmem:s17+$0x20]  }
0x91: {  	v2 =	vld [tilespmem:s19+$0x0]  }
0x92: {  	v6 =	vld [tilespmem:s17+$0x10]  }
0x93: {  	v7 =	vld [tilespmem:s25+$0x0]  }
0x94: {  	v8 =	vld [tilespmem:s25+$0x10]  }
0x95: {  	v60 =	vld [tilespmem:s25+$0x20]  }
0x96: {  	v62 =	vld [tilespmem:s17+$0x30];
	v61 =	vmul.f32 v3, v2  }
0x97: {  	v3 =	vld [tilespmem:s19+$0x30]  }
0x98: {  	v6 =	vmul.f32 v6, v1;
	v7 =	vmul.f32 v61, v7  }
0x99: {  	v63 =	vld [tilespmem:s25+$0x30]  }
0x9a: {  	v5 =	vmul.f32 v5, v4;
	v6 =	vmul.f32 v6, v8;
	v7 =	vadd.f32 $0.0e+00, v7;
	_ =	sdelay $0x1  }
0x9b: {  	v5 =	vmul.f32 v5, v60;
	v6 =	vadd.f32 v6, v7;
	v7 =	vmul.f32 v62, v3;
	_ =	sdelay $0x1  }
0x9c: {  	v5 =	vadd.f32 v5, v6;
	v6 =	vmul.f32 v7, v63;
	_ =	sdelay $0x1  }
0x9d: {  	v5 =	vadd.f32 v6, v5;
	_ =	sdelay $0x1  }
0x9e: {  	(xrf2) =	vadd.scan.msk.f32 $0xffff, v5;
	_ =	sdelay $0x9  }
0x9f: {  	v5, _, _ =	vpop (xrf2)  }
0xa0: {  	(v2sf) =	vpush v5, $0xF;
	_ =	sdelay $0xe  }
0xa1: {  	s29 =	spop (v2sf)  }
0xa2: {  	s19 =	smul.f32 $1.250000000e-01, s29;
	_ =	sdelay $0x1  }
0xa3: {  	s19 =	smin.f32 s19, $7.500000000e+01  }
0xa4: {  	v5 =	vmov s19  }
0xa5: {  	v7 =	vld [tilespmem:s11+$0x20];
	v6 =	vmul.f32 $1.442695020e+00, v5;
	_ =	sdelay $0x1  }
0xa6: {  	v8 =	vbroadcast v6, $0x0;
	_ =	sdelay $0x1  }
0xa7: {  	(erf) = vpow2.f32 v8  }
0xa8: {  	v4 =	vmul.f32 v7, v4;
	v7 =	vld [tilespmem:s11+$0x0]  }
0xa9: {  	s28 =	simm.s32 $0xA000;
	v5 =	vld [tilespmem:s11+$0x30]  }
0xaa: {  	s26 =	simm.s32 $0x8BD0;
	s25 =	simm.s32 $0x4FD0;
	s19 =	simm.s32 $0x0;
	v6 =	vld [tilespmem:s11+$0x10]  }
.LBB2_3:
0xab: {  	s19 =	sadd.s32 $0x2, s19;
	s11 =	sadd.s32 $0x80, s11;
	s17 =	sadd.s32 $0x80, s17  }
0xac: {  	p0 =	slt.u32 s19, $0x4E;
	_ =	sdelay $0x2  }
0xad: {  	v1 =	vmul.f32 v6, v1;
	v2 =	vmul.f32 v7, v2  }
0xae: {  	v3 =	vmul.f32 v5, v3;
	v5 =	vpop (erf)  }
0xaf: {  	v2 =	vmul.f32 v5, v2;
	v1 =	vmul.f32 v5, v1;
	v6 =	vnsel vm0, $0x0, v5  }
0xb0: {  	v4 =	vmul.f32 v5, v4;
	v3 =	vmul.f32 v5, v3;
	[tilespmem:s18+$0x40] =	vst v6  }
0xb1: {  	[tilespmem:s18+$0x0] =	vst v2  }
0xb2: {  	[tilespmem:s18+$0x30] =	vst v3  }
0xb3: {  	[tilespmem:s18+$0x10] =	vst v1  }
0xb4: {  	[tilespmem:s18+$0x20] =	vst v4;
	s18 =	smov.u32 s28  }
0xb5: {  	v1 =	vld [tilespmem:s17+$0xFFFFFFF0]  }
0xb6: {  	v2 =	vld [tilespmem:s17+$0xFFFFFFE0]  }
0xb7: {  	v3 =	vld [tilespmem:s17+$0xFFFFFFD0]  }
0xb8: {  	v4 =	vld [tilespmem:s26+$0xFFFFFFC0]  }
0xb9: {  	v5 =	vld [tilespmem:s17+$0xFFFFFFC0]  }
0xba: {  	v6 =	vld [tilespmem:s26+$0xFFFFFFD0]  }
0xbb: {  	v7 =	vld [tilespmem:s25+$0xFFFFFFC0]  }
0xbc: {  	v8 =	vld [tilespmem:s26+$0xFFFFFFE0]  }
0xbd: {  	v9 =	vld [tilespmem:s25+$0xFFFFFFD0]  }
0xbe: {  	v5 =	vmul.f32 v5, v4;
	v10 =	vld [tilespmem:s26+$0xFFFFFFF0]  }
0xbf: {  	v3 =	vmul.f32 v3, v6;
	v11 =	vld [tilespmem:s25+$0xFFFFFFE0]  }
0xc0: {  	v5 =	vmul.f32 v5, v7  }
0xc1: {  	v2 =	vmul.f32 v2, v8;
	v7 =	vld [tilespmem:s25+$0xFFFFFFF0]  }
0xc2: {  	v5 =	vadd.f32 $0.0e+00, v5;
	v3 =	vmul.f32 v3, v9  }
0xc3: {  	v1 =	vmul.f32 v1, v10  }
0xc4: {  	v3 =	vadd.f32 v3, v5;
	v2 =	vmul.f32 v2, v11;
	_ =	sdelay $0x1  }
0xc5: {  	v2 =	vadd.f32 v2, v3;
	v1 =	vmul.f32 v1, v7;
	_ =	sdelay $0x1  }
0xc6: {  	v1 =	vadd.f32 v1, v2;
	_ =	sdelay $0x1  }
0xc7: {  	(xrf2) =	vadd.scan.msk.f32 $0xffff, v1;
	_ =	sdelay $0x9  }
0xc8: {  	v1, _, _ =	vpop (xrf2)  }
0xc9: {  	(v2sf) =	vpush v1, $0xF;
	_ =	sdelay $0xe  }
0xca: {  	s29 =	spop (v2sf)  }
0xcb: {  	s29 =	smul.f32 $1.250000000e-01, s29;
	_ =	sdelay $0x1  }
0xcc: {  	s29 =	smin.f32 s29, $7.500000000e+01  }
0xcd: {  	v1 =	vmov s29  }
0xce: {  	v1 =	vmul.f32 $1.442695020e+00, v1;
	_ =	sdelay $0x1  }
0xcf: {  	v1 =	vbroadcast v1, $0x0;
	_ =	sdelay $0x1  }
0xd0: {  	(erf) = vpow2.f32 v1  }
0xd1: {  	v1 =	vld [tilespmem:s11+$0xFFFFFFE0]  }
0xd2: {  	v2 =	vld [tilespmem:s11+$0xFFFFFFF0]  }
0xd3: {  	v3 =	vld [tilespmem:s11+$0xFFFFFFC0]  }
0xd4: {  	v5 =	vld [tilespmem:s11+$0xFFFFFFD0];
	_ =	sdelay $0x2  }
0xd5: {  	v2 =	vmul.f32 v2, v10  }
0xd6: {  	v1 =	vmul.f32 v1, v8;
	v3 =	vmul.f32 v3, v4  }
0xd7: {  	v4 =	vmul.f32 v5, v6;
	v5 =	vpop (erf)  }
0xd8: {  	v3 =	vmul.f32 v5, v3;
	v2 =	vmul.f32 v5, v2;
	v6 =	vnsel vm0, $0x0, v5  }
0xd9: {  	v1 =	vmul.f32 v5, v1;
	v4 =	vmul.f32 v5, v4;
	[tilespmem:s28+$0xFFFFFFF0] =	vst v6  }
0xda: {  	[tilespmem:s28+$0xFFFFFFE0] =	vst v2  }
0xdb: {  	[tilespmem:s28+$0xFFFFFFB0] =	vst v3  }
0xdc: {  	[tilespmem:s28+$0xFFFFFFC0] =	vst v4  }
0xdd: {  	[tilespmem:s28+$0xFFFFFFD0] =	vst v1  }
0xde: {  	v4 =	vld [tilespmem:s26+$0x20]  }
0xdf: {  	v1 =	vld [tilespmem:s26+$0x10]  }
0xe0: {  	v3 =	vld [tilespmem:s17+$0x0]  }
0xe1: {  	v5 =	vld [tilespmem:s17+$0x20]  }
0xe2: {  	v6 =	vld [tilespmem:s17+$0x10]  }
0xe3: {  	v2 =	vld [tilespmem:s26+$0x0]  }
0xe4: {  	v7 =	vld [tilespmem:s25+$0x10]  }
0xe5: {  	v8 =	vld [tilespmem:s25+$0x0]  }
0xe6: {  	v9 =	vld [tilespmem:s25+$0x20]  }
0xe7: {  	v6 =	vmul.f32 v6, v1;
	v10 =	vld [tilespmem:s11+$0x20]  }
0xe8: {  	v12 =	vmul.f32 v5, v4;
	v11 =	vmul.f32 v3, v2;
	v13 =	vld [tilespmem:s17+$0x30]  }
0xe9: {  	v6 =	vmul.f32 v6, v7;
	v3 =	vld [tilespmem:s26+$0x30]  }
0xea: {  	v7 =	vmul.f32 v11, v8;
	v5 =	vld [tilespmem:s11+$0x30]  }
0xeb: {  	v8 =	vmul.f32 v12, v9;
	v9 =	vld [tilespmem:s25+$0x30]  }
0xec: {  	v7 =	vadd.f32 $0.0e+00, v7;
	v4 =	vmul.f32 v10, v4;
	_ =	sdelay $0x1  }
0xed: {  	v6 =	vadd.f32 v6, v7;
	v7 =	vmul.f32 v13, v3;
	_ =	sdelay $0x1  }
0xee: {  	v6 =	vadd.f32 v8, v6;
	v7 =	vmul.f32 v7, v9;
	_ =	sdelay $0x1  }
0xef: {  	v6 =	vadd.f32 v7, v6;
	_ =	sdelay $0x1  }
0xf0: {  	(xrf2) =	vadd.scan.msk.f32 $0xffff, v6;
	_ =	sdelay $0x9  }
0xf1: {  	v6, _, _ =	vpop (xrf2)  }
0xf2: {  	(v2sf) =	vpush v6, $0xF;
	_ =	sdelay $0xe  }
0xf3: {  	s29 =	spop (v2sf)  }
0xf4: {  	s29 =	smul.f32 $1.250000000e-01, s29;
	_ =	sdelay $0x1  }
0xf5: {  	s29 =	smin.f32 s29, $7.500000000e+01  }
0xf6: {  	v6 =	vmov s29  }
0xf7: {  	v6 =	vmul.f32 $1.442695020e+00, v6;
	_ =	sdelay $0x1  }
0xf8: {  	v6 =	vbroadcast v6, $0x0  }
.Ltmp0:
0xf9: {  	(pc) =	sbr.rel @p0 .LBB2_3-.Ltmp0, $3  }
0xfa: {  	(erf) = vpow2.f32 v6;
	_ =	sdelay $0x1  }
0xfb: {  	v6 =	vld [tilespmem:s11+$0x10]  }
0xfc: {  	s28 =	sadd.s32 $0xA0, s28;
	s26 =	sadd.s32 $0x80, s26;
	s25 =	sadd.s32 $0x80, s25;
	v7 =	vld [tilespmem:s11+$0x0]  }
0xfd: {  	_ =	sdelay $0x3  }
0xfe: {  	v2 =	vmul.f32 v7, v2  }
0xff: {  	v3 =	vmul.f32 v5, v3;
	v5 =	vpop (erf)  }
0x100: {  	v1 =	vmul.f32 v6, v1;
	v2 =	vmul.f32 v5, v2;
	v6 =	vnsel vm0, $0x0, v5  }
0x101: {  	v3 =	vmul.f32 v5, v3;
	[tilespmem:s18+$0x40] =	vst v6  }
0x102: {  	v1 =	vmul.f32 v5, v1;
	[tilespmem:s18+$0x0] =	vst v2  }
0x103: {  	v2 =	vmul.f32 v5, v4;
	[tilespmem:s18+$0x30] =	vst v3  }
0x104: {  	[tilespmem:s18+$0x10] =	vst v1  }
0x105: {  	s11 =	simm.s32 $0x4EC0;
	s17 =	simm.s32 $0x9F10;
	[tilespmem:s18+$0x20] =	vst v2  }
0x106: {  	[spmem:s3] =	stream.indirect.scatter.add.f32 [tilespmem:s17], [sflag:$0x5], $0x50, s11, s24, $0xb8;
	[tilespmem:$0x1EA00] =	vst v63  }
0x107: {  	_ =	swait.ge [sflag:s20], $0x1900  }
0x108: {  	[sflag:s20] =	ssyncset.done $0x0  }
0x109: {  	[sflag:s20] =	ssyncadd.s32 $0xFFFFE700  }
0x10a: {  	v1 =	vld [tilespmem:s14+$0xA0];
	_ =	sdelay $0x4  }
0x10b: {  	v2 =	vadd.s32 v0, v1;
	[tilespmem:$0x4EC0] =	vst v1  }
0x10c: {  	[tilespmem:$0x4E70] =	vst v2  }
0x10d: {  	v1 =	vld [tilespmem:s12+$0x10];
	_ =	sdelay $0x4  }
0x10e: {  	v2 =	vadd.s32 v0, v1;
	[tilespmem:$0x4ED0] =	vst v1  }
0x10f: {  	[tilespmem:$0x4E80] =	vst v2  }
0x110: {  	v1 =	vld [tilespmem:s12+$0x20];
	_ =	sdelay $0x4  }
0x111: {  	v2 =	vadd.s32 v0, v1;
	[tilespmem:$0x4EE0] =	vst v1  }
0x112: {  	[tilespmem:$0x4E90] =	vst v2  }
0x113: {  	v1 =	vld [tilespmem:s12+$0x30];
	_ =	sdelay $0x4  }
0x114: {  	v2 =	vadd.s32 v0, v1;
	[tilespmem:$0x4EF0] =	vst v1  }
0x115: {  	[tilespmem:$0x4EA0] =	vst v2  }
0x116: {  	v1 =	vld [tilespmem:s12+$0x40];
	_ =	sdelay $0x4  }
0x117: {  	v2 =	vadd.s32 v0, v1;
	[tilespmem:$0x4F00] =	vst v1  }
0x118: {  	[tilespmem:$0x4EB0] =	vst v2  }
0x119: {  	_ =	swait.ge [sflag:s23], $0x50  }
0x11a: {  	[sflag:s23] =	ssyncset.done $0x0  }
0x11b: {  	s17 =	simm.s32 $0x4F10;
	s14 =	simm.s32 $0x4E70;
	[sflag:s23] =	ssyncadd.s32 $0xFFFFFFB0  }
0x11c: {  	[tilespmem:s17], [sflag:$0x1] =	stream.indirect.gather [hbm4b:s1+s24], $0x40, s14, s24, $0xb8;
	[tilespmem:$0x1EA00] =	vst v63  }
0x11d: {  	s18 =	simm.s32 $0x6310  }
0x11e: {  	[tilespmem:s18], [sflag:$0x1] =	stream.indirect.gather [hbm4b:s5+s24], $0x40, s21, s24, $0xb8;
	[tilespmem:$0x1EA00] =	vst v63  }
0x11f: {  	s19 =	simm.s32 $0x7710;
	s10 =	sshll.u32 s10, $0x3  }
0x120: {  	[tilespmem:s19], [sflag:$0x1] =	stream.indirect.gather [hbm4b:s6+s24], $0x40, s21, s24, $0xb8;
	[tilespmem:$0x1EA00] =	vst v63  }
0x121: {  	s10 =	sadd.s32 s7, s10  }
0x122: {  	[tilespmem:s30], [sflag:$0x1] =	stream.linear.gather [hbm4b:s10+s4], $0x1400, $0x38;
	[tilespmem:$0x1EA00] =	vst v63  }
0x123: {  	_ =	swait.ge [sflag:s13], $0x1400  }
0x124: {  	[sflag:s13] =	ssyncset.done $0x0  }
0x125: {  	[sflag:s13] =	ssyncadd.s32 $0xFFFFEC00  }
0x126: {  	_ =	swait.ge [sflag:s13], $0x1400  }
0x127: {  	[sflag:s13] =	ssyncset.done $0x0  }
0x128: {  	[sflag:s13] =	ssyncadd.s32 $0xFFFFEC00  }
0x129: {  	s2 =	smin.u32 s2, $0xF6;
	_ =	swait.ge [sflag:s13], $0x1400  }
0x12a: {  	s2 =	smul.u32 $0x50, s2;
	[sflag:s13] =	ssyncset.done $0x0  }
0x12b: {  	[sflag:s13] =	ssyncadd.s32 $0xFFFFEC00  }
0x12c: {  	s2 =	sadd.s32 s2, s16;
	_ =	swait.ge [sflag:s13], $0x1400  }
0x12d: {  	s2 =	sshrl.u32 s2, $0x3;
	[sflag:s13] =	ssyncset.done $0x0  }
0x12e: {  	s2 =	sadd.s32 s8, s2;
	[sflag:s13] =	ssyncadd.s32 $0xFFFFEC00  }
0x12f: {  	[tilespmem:s22], [sflag:$0x4] =	stream.linear.gather [hbm4b:s2+s4], $0x50, $0x38;
	[tilespmem:$0x1EA00] =	vst v63  }
0x130: {  	s2 =	simm.s32 $0xCD40  }
0x131: {  	v1 =	vld [tilespmem:s2+$0xFFFFFFF0]  }
0x132: {  	v2 =	vld [tilespmem:s2+$0xFFFFFFE0]  }
0x133: {  	s25 =	simm.s32 $0xF540;
	v3 =	vld [tilespmem:s2+$0xFFFFFFD0]  }
0x134: {  	v4 =	vld [tilespmem:s25+$0xFFFFFFC0]  }
0x135: {  	v5 =	vld [tilespmem:s2+$0xFFFFFFC0]  }
0x136: {  	s26 =	simm.s32 $0xB940;
	v6 =	vld [tilespmem:s25+$0xFFFFFFD0]  }
0x137: {  	v7 =	vld [tilespmem:s26+$0xFFFFFFC0]  }
0x138: {  	v8 =	vld [tilespmem:s25+$0xFFFFFFE0]  }
0x139: {  	v9 =	vld [tilespmem:s26+$0xFFFFFFD0]  }
0x13a: {  	v10 =	vld [tilespmem:s25+$0xFFFFFFF0];
	v5 =	vmul.f32 v5, v4  }
0x13b: {  	v11 =	vld [tilespmem:s26+$0xFFFFFFE0]  }
0x13c: {  	v3 =	vmul.f32 v3, v6;
	v5 =	vmul.f32 v5, v7  }
0x13d: {  	v7 =	vld [tilespmem:s26+$0xFFFFFFF0]  }
0x13e: {  	v2 =	vmul.f32 v2, v8;
	v3 =	vmul.f32 v3, v9;
	v5 =	vadd.f32 $0.0e+00, v5;
	_ =	sdelay $0x1  }
0x13f: {  	v1 =	vmul.f32 v1, v10;
	v2 =	vmul.f32 v2, v11;
	v3 =	vadd.f32 v3, v5;
	_ =	sdelay $0x1  }
0x140: {  	v1 =	vmul.f32 v1, v7;
	v2 =	vadd.f32 v2, v3;
	_ =	sdelay $0x1  }
0x141: {  	v1 =	vadd.f32 v1, v2;
	_ =	sdelay $0x1  }
0x142: {  	(xrf2) =	vadd.scan.msk.f32 $0xffff, v1;
	_ =	sdelay $0x9  }
0x143: {  	v1, _, _ =	vpop (xrf2)  }
0x144: {  	(v2sf) =	vpush v1, $0xF;
	_ =	sdelay $0xe  }
0x145: {  	s28 =	spop (v2sf)  }
0x146: {  	s10 =	smul.f32 $1.250000000e-01, s28;
	_ =	sdelay $0x1  }
0x147: {  	s10 =	smin.f32 s10, $7.500000000e+01  }
0x148: {  	v1 =	vmov s10  }
0x149: {  	v1 =	vmul.f32 $1.442695020e+00, v1;
	_ =	sdelay $0x1  }
0x14a: {  	v1 =	vbroadcast v1, $0x0;
	_ =	sdelay $0x1  }
0x14b: {  	(erf) = vpow2.f32 v1;
	_ =	sdelay $0x1  }
0x14c: {  	s11 =	simm.s32 $0xE140  }
0x14d: {  	v1 =	vld [tilespmem:s11+$0xFFFFFFF0]  }
0x14e: {  	v2 =	vld [tilespmem:s11+$0xFFFFFFC0]  }
0x14f: {  	v3 =	vld [tilespmem:s11+$0xFFFFFFD0]  }
0x150: {  	v5 =	vld [tilespmem:s11+$0xFFFFFFE0];
	_ =	sdelay $0x1  }
0x151: {  	v1 =	vmul.f32 v1, v10  }
0x152: {  	v2 =	vmul.f32 v2, v4;
	v4 =	vpop (erf)  }
0x153: {  	v3 =	vmul.f32 v3, v6;
	s10 =	simm.s32 $0x10950;
	v1 =	vmul.f32 v4, v1;
	v6 =	vnsel vm0, $0x0, v4  }
0x154: {  	v5 =	vmul.f32 v5, v8;
	v2 =	vmul.f32 v4, v2;
	[tilespmem:s10+$0xFFFFFFF0] =	vst v6  }
0x155: {  	v3 =	vmul.f32 v4, v3;
	[tilespmem:s10+$0xFFFFFFE0] =	vst v1  }
0x156: {  	v1 =	vmul.f32 v4, v5;
	[tilespmem:s10+$0xFFFFFFB0] =	vst v2  }
0x157: {  	[tilespmem:s10+$0xFFFFFFC0] =	vst v3  }
0x158: {  	[tilespmem:s10+$0xFFFFFFD0] =	vst v1  }
0x159: {  	v4 =	vld [tilespmem:s25+$0x20]  }
0x15a: {  	v1 =	vld [tilespmem:s25+$0x10]  }
0x15b: {  	v3 =	vld [tilespmem:s2+$0x0]  }
0x15c: {  	v5 =	vld [tilespmem:s2+$0x20]  }
0x15d: {  	v2 =	vld [tilespmem:s25+$0x0]  }
0x15e: {  	v6 =	vld [tilespmem:s2+$0x10]  }
0x15f: {  	v7 =	vld [tilespmem:s26+$0x0]  }
0x160: {  	v8 =	vld [tilespmem:s26+$0x10]  }
0x161: {  	v60 =	vld [tilespmem:s26+$0x20]  }
0x162: {  	v62 =	vld [tilespmem:s2+$0x30];
	v61 =	vmul.f32 v3, v2  }
0x163: {  	v3 =	vld [tilespmem:s25+$0x30]  }
0x164: {  	v6 =	vmul.f32 v6, v1;
	v7 =	vmul.f32 v61, v7  }
0x165: {  	v63 =	vld [tilespmem:s26+$0x30]  }
0x166: {  	v5 =	vmul.f32 v5, v4;
	v6 =	vmul.f32 v6, v8;
	v7 =	vadd.f32 $0.0e+00, v7;
	_ =	sdelay $0x1  }
0x167: {  	v5 =	vmul.f32 v5, v60;
	v6 =	vadd.f32 v6, v7;
	v7 =	vmul.f32 v62, v3;
	_ =	sdelay $0x1  }
0x168: {  	v5 =	vadd.f32 v5, v6;
	v6 =	vmul.f32 v7, v63;
	_ =	sdelay $0x1  }
0x169: {  	v5 =	vadd.f32 v6, v5;
	_ =	sdelay $0x1  }
0x16a: {  	(xrf2) =	vadd.scan.msk.f32 $0xffff, v5;
	_ =	sdelay $0x9  }
0x16b: {  	v5, _, _ =	vpop (xrf2)  }
0x16c: {  	(v2sf) =	vpush v5, $0xF;
	_ =	sdelay $0xe  }
0x16d: {  	s29 =	spop (v2sf)  }
0x16e: {  	s12 =	smul.f32 $1.250000000e-01, s29;
	_ =	sdelay $0x1  }
0x16f: {  	s12 =	smin.f32 s12, $7.500000000e+01  }
0x170: {  	v5 =	vmov s12  }
0x171: {  	v7 =	vld [tilespmem:s11+$0x20];
	v6 =	vmul.f32 $1.442695020e+00, v5;
	_ =	sdelay $0x1  }
0x172: {  	v8 =	vbroadcast v6, $0x0;
	_ =	sdelay $0x1  }
0x173: {  	(erf) = vpow2.f32 v8  }
0x174: {  	v4 =	vmul.f32 v7, v4;
	v7 =	vld [tilespmem:s11+$0x0]  }
0x175: {  	s14 =	simm.s32 $0xB9C0;
	v5 =	vld [tilespmem:s11+$0x30]  }
0x176: {  	s17 =	simm.s32 $0xF5C0;
	s18 =	simm.s32 $0x109F0;
	s12 =	simm.s32 $0x0;
	v6 =	vld [tilespmem:s11+$0x10]  }
.LBB2_5:
0x177: {  	s12 =	sadd.s32 $0x2, s12;
	s11 =	sadd.s32 $0x80, s11;
	s2 =	sadd.s32 $0x80, s2  }
0x178: {  	p0 =	slt.u32 s12, $0x4E;
	_ =	sdelay $0x2  }
0x179: {  	v1 =	vmul.f32 v6, v1;
	v2 =	vmul.f32 v7, v2  }
0x17a: {  	v3 =	vmul.f32 v5, v3;
	v5 =	vpop (erf)  }
0x17b: {  	v2 =	vmul.f32 v5, v2;
	v1 =	vmul.f32 v5, v1;
	v6 =	vnsel vm0, $0x0, v5  }
0x17c: {  	v4 =	vmul.f32 v5, v4;
	v3 =	vmul.f32 v5, v3;
	[tilespmem:s10+$0x40] =	vst v6  }
0x17d: {  	[tilespmem:s10+$0x0] =	vst v2  }
0x17e: {  	[tilespmem:s10+$0x30] =	vst v3  }
0x17f: {  	[tilespmem:s10+$0x10] =	vst v1  }
0x180: {  	[tilespmem:s10+$0x20] =	vst v4;
	s10 =	smov.u32 s18  }
0x181: {  	v1 =	vld [tilespmem:s2+$0xFFFFFFF0]  }
0x182: {  	v2 =	vld [tilespmem:s2+$0xFFFFFFE0]  }
0x183: {  	v3 =	vld [tilespmem:s2+$0xFFFFFFD0]  }
0x184: {  	v4 =	vld [tilespmem:s17+$0xFFFFFFC0]  }
0x185: {  	v5 =	vld [tilespmem:s2+$0xFFFFFFC0]  }
0x186: {  	v6 =	vld [tilespmem:s17+$0xFFFFFFD0]  }
0x187: {  	v7 =	vld [tilespmem:s14+$0xFFFFFFC0]  }
0x188: {  	v8 =	vld [tilespmem:s17+$0xFFFFFFE0]  }
0x189: {  	v9 =	vld [tilespmem:s14+$0xFFFFFFD0]  }
0x18a: {  	v5 =	vmul.f32 v5, v4;
	v10 =	vld [tilespmem:s17+$0xFFFFFFF0]  }
0x18b: {  	v3 =	vmul.f32 v3, v6;
	v11 =	vld [tilespmem:s14+$0xFFFFFFE0]  }
0x18c: {  	v5 =	vmul.f32 v5, v7  }
0x18d: {  	v2 =	vmul.f32 v2, v8;
	v7 =	vld [tilespmem:s14+$0xFFFFFFF0]  }
0x18e: {  	v5 =	vadd.f32 $0.0e+00, v5;
	v3 =	vmul.f32 v3, v9  }
0x18f: {  	v1 =	vmul.f32 v1, v10  }
0x190: {  	v3 =	vadd.f32 v3, v5;
	v2 =	vmul.f32 v2, v11;
	_ =	sdelay $0x1  }
0x191: {  	v2 =	vadd.f32 v2, v3;
	v1 =	vmul.f32 v1, v7;
	_ =	sdelay $0x1  }
0x192: {  	v1 =	vadd.f32 v1, v2;
	_ =	sdelay $0x1  }
0x193: {  	(xrf2) =	vadd.scan.msk.f32 $0xffff, v1;
	_ =	sdelay $0x9  }
0x194: {  	v1, _, _ =	vpop (xrf2)  }
0x195: {  	(v2sf) =	vpush v1, $0xF;
	_ =	sdelay $0xe  }
0x196: {  	s19 =	spop (v2sf)  }
0x197: {  	s19 =	smul.f32 $1.250000000e-01, s19;
	_ =	sdelay $0x1  }
0x198: {  	s19 =	smin.f32 s19, $7.500000000e+01  }
0x199: {  	v1 =	vmov s19  }
0x19a: {  	v1 =	vmul.f32 $1.442695020e+00, v1;
	_ =	sdelay $0x1  }
0x19b: {  	v1 =	vbroadcast v1, $0x0;
	_ =	sdelay $0x1  }
0x19c: {  	(erf) = vpow2.f32 v1  }
0x19d: {  	v1 =	vld [tilespmem:s11+$0xFFFFFFE0]  }
0x19e: {  	v2 =	vld [tilespmem:s11+$0xFFFFFFF0]  }
0x19f: {  	v3 =	vld [tilespmem:s11+$0xFFFFFFC0]  }
0x1a0: {  	v5 =	vld [tilespmem:s11+$0xFFFFFFD0];
	_ =	sdelay $0x2  }
0x1a1: {  	v2 =	vmul.f32 v2, v10  }
0x1a2: {  	v1 =	vmul.f32 v1, v8;
	v3 =	vmul.f32 v3, v4  }
0x1a3: {  	v4 =	vmul.f32 v5, v6;
	v5 =	vpop (erf)  }
0x1a4: {  	v3 =	vmul.f32 v5, v3;
	v2 =	vmul.f32 v5, v2;
	v6 =	vnsel vm0, $0x0, v5  }
0x1a5: {  	v1 =	vmul.f32 v5, v1;
	v4 =	vmul.f32 v5, v4;
	[tilespmem:s18+$0xFFFFFFF0] =	vst v6  }
0x1a6: {  	[tilespmem:s18+$0xFFFFFFE0] =	vst v2  }
0x1a7: {  	[tilespmem:s18+$0xFFFFFFB0] =	vst v3  }
0x1a8: {  	[tilespmem:s18+$0xFFFFFFC0] =	vst v4  }
0x1a9: {  	[tilespmem:s18+$0xFFFFFFD0] =	vst v1  }
0x1aa: {  	v4 =	vld [tilespmem:s17+$0x20]  }
0x1ab: {  	v1 =	vld [tilespmem:s17+$0x10]  }
0x1ac: {  	v3 =	vld [tilespmem:s2+$0x0]  }
0x1ad: {  	v5 =	vld [tilespmem:s2+$0x20]  }
0x1ae: {  	v6 =	vld [tilespmem:s2+$0x10]  }
0x1af: {  	v2 =	vld [tilespmem:s17+$0x0]  }
0x1b0: {  	v7 =	vld [tilespmem:s14+$0x10]  }
0x1b1: {  	v8 =	vld [tilespmem:s14+$0x0]  }
0x1b2: {  	v9 =	vld [tilespmem:s14+$0x20]  }
0x1b3: {  	v6 =	vmul.f32 v6, v1;
	v10 =	vld [tilespmem:s11+$0x20]  }
0x1b4: {  	v12 =	vmul.f32 v5, v4;
	v11 =	vmul.f32 v3, v2;
	v13 =	vld [tilespmem:s2+$0x30]  }
0x1b5: {  	v6 =	vmul.f32 v6, v7;
	v3 =	vld [tilespmem:s17+$0x30]  }
0x1b6: {  	v7 =	vmul.f32 v11, v8;
	v5 =	vld [tilespmem:s11+$0x30]  }
0x1b7: {  	v8 =	vmul.f32 v12, v9;
	v9 =	vld [tilespmem:s14+$0x30]  }
0x1b8: {  	v7 =	vadd.f32 $0.0e+00, v7;
	v4 =	vmul.f32 v10, v4;
	_ =	sdelay $0x1  }
0x1b9: {  	v6 =	vadd.f32 v6, v7;
	v7 =	vmul.f32 v13, v3;
	_ =	sdelay $0x1  }
0x1ba: {  	v6 =	vadd.f32 v8, v6;
	v7 =	vmul.f32 v7, v9;
	_ =	sdelay $0x1  }
0x1bb: {  	v6 =	vadd.f32 v7, v6;
	_ =	sdelay $0x1  }
0x1bc: {  	(xrf2) =	vadd.scan.msk.f32 $0xffff, v6;
	_ =	sdelay $0x9  }
0x1bd: {  	v6, _, _ =	vpop (xrf2)  }
0x1be: {  	(v2sf) =	vpush v6, $0xF;
	_ =	sdelay $0xe  }
0x1bf: {  	s19 =	spop (v2sf)  }
0x1c0: {  	s19 =	smul.f32 $1.250000000e-01, s19;
	_ =	sdelay $0x1  }
0x1c1: {  	s19 =	smin.f32 s19, $7.500000000e+01  }
0x1c2: {  	v6 =	vmov s19  }
0x1c3: {  	v6 =	vmul.f32 $1.442695020e+00, v6;
	_ =	sdelay $0x1  }
0x1c4: {  	v6 =	vbroadcast v6, $0x0  }
.Ltmp1:
0x1c5: {  	(pc) =	sbr.rel @p0 .LBB2_5-.Ltmp1, $3  }
0x1c6: {  	(erf) = vpow2.f32 v6;
	_ =	sdelay $0x1  }
0x1c7: {  	v6 =	vld [tilespmem:s11+$0x10]  }
0x1c8: {  	s18 =	sadd.s32 $0xA0, s18;
	s17 =	sadd.s32 $0x80, s17;
	s14 =	sadd.s32 $0x80, s14;
	v7 =	vld [tilespmem:s11+$0x0]  }
0x1c9: {  	_ =	sdelay $0x3  }
0x1ca: {  	v2 =	vmul.f32 v7, v2  }
0x1cb: {  	v3 =	vmul.f32 v5, v3;
	v62 =	vpop (erf)  }
0x1cc: {  	v1 =	vmul.f32 v6, v1;
	v2 =	vmul.f32 v62, v2;
	v63 =	vnsel vm0, $0x0, v62  }
0x1cd: {  	v3 =	vmul.f32 v62, v3;
	[tilespmem:s10+$0x40] =	vst v63  }
0x1ce: {  	v1 =	vmul.f32 v62, v1;
	[tilespmem:s10+$0x0] =	vst v2  }
0x1cf: {  	s0 =	sadd.s32 $0x1, s0;
	v2 =	vmul.f32 v62, v4;
	[tilespmem:s10+$0x30] =	vst v3  }
0x1d0: {  	p0 =	sne.s32 s0, $0x7D;
	[tilespmem:s10+$0x10] =	vst v1  }
.Ltmp2:
0x1d1: {  	s2 =	simm.s32 $0xB8B0;
	s29 =	simm.s32 $0x10900;
	[tilespmem:s10+$0x20] =	vst v2;
	(pc) =	sbr.rel @p0 .LBB2_2-.Ltmp2, $4  }
0x1d2: {  	[spmem:s3] =	stream.indirect.scatter.add.f32 [tilespmem:s29], [sflag:$0x5], $0x50, s2, s24, $0xb8;
	[tilespmem:$0x1EA00] =	vst v63  }
0x1d3: {  	_ =	swait.ge [sflag:s20], $0x1900  }
0x1d4: {  	[sflag:s20] =	ssyncset.done $0x0  }
0x1d5: {  	[sflag:s20] =	ssyncadd.s32 $0xFFFFE700  }
0x1d6: {  	_ =	swait.ge [sflag:s15], $0x1400  }
0x1d7: {  	[sflag:s15] =	ssyncset.done $0x0  }
0x1d8: {  	[sflag:s15] =	ssyncadd.s32 $0xFFFFEC00  }
0x1d9: {  	_ =	swait.ge [sflag:s15], $0x1400  }
0x1da: {  	[sflag:s15] =	ssyncset.done $0x0  }
0x1db: {  	[sflag:s15] =	ssyncadd.s32 $0xFFFFEC00  }
0x1dc: {  	_ =	swait.ge [sflag:s15], $0x1400  }
0x1dd: {  	[sflag:s15] =	ssyncset.done $0x0  }
0x1de: {  	[sflag:s15] =	ssyncadd.s32 $0xFFFFEC00  }
0x1df: {  	_ =	swait.ge [sflag:s15], $0x1400  }
0x1e0: {  	[sflag:s15] =	ssyncset.done $0x0  }
0x1e1: {  	[sflag:s15] =	ssyncadd.s32 $0xFFFFEC00  }
0x1e2: {  	_ =	swait.ge [sflag:s31], $0x50  }
0x1e3: {  	[sflag:s31] =	ssyncset.done $0x0  }
0x1e4: {  	[sflag:s31] =	ssyncadd.s32 $0xFFFFFFB0  }
0x1e5: {  	[bflag:$0x0] =	sbarrier.arrive $0xFFFF  }
0x1e6: {  	s17 =	rddreg [dreg:$0x5]  }
0x1e7: {  	s0 =	rddreg [dreg:$0xa]  }
0x1e8: {  	s2 =	rddreg [dreg:$0xc]  }
0x1e9: {  	[hbm:s0], [sflag:s17] =	dma.local [spmem:s2], $0x1900  }
0x1ea: {  	_ =	swait.ge [sflag:s20], $0x1900  }
0x1eb: {  	s10 =	rddreg [dreg:$0xd]  }
0x1ec: {  	s29 =	rddreg [dreg:$0xb];
	s10 =	sadd.s32 $0x1, s10  }
0x1ed: {  	p0 =	sne.s32 s10, s29  }
.Ltmp3:
0x1ee: {  	_ = 	snop;
	(pc) =	sbr.rel @p0 .LBB2_1-.Ltmp3, $3  }
0x1ef: {  	_ =	sdelay $0x1  }
0x1f0: {  	[sflag:s20] =	ssyncset.done $0x0  }
0x1f1: {  	[sflag:s20] =	ssyncadd.s32 $0xFFFFE700  }
0x1f2: {  	_ =	sfence.sel $0x180000  }
0x1f3: {  	[bflag:$0x0] =	sbarrier.arrive $0xFFFF  }
0x1f4: {  	_ =	strace $0x9000004D  }
0x1f5: {  	s0 =	stileid.u32;
	[bflag:$0x2] =	sbarrier.arrive $0xFFFF  }
0x1f6: {  	p0 =	sne.s32 s0, $0x0;
	s0 =	rddreg [dreg:$0x3]  }
0x1f7: {  	s0 =	sadd.s32 @!p0 $0x100000, s0  }
0x1f8: {  	[sflag:s0] =	ssyncadd.tile.s32 @!p0 $0x1;
	_ =	shalt  }
.Lfunc_end2:
_tile_overlayer_lowered:
.L_overlay_start_2:
0x1f9: {  	(tag) =	ssettag $0x2  }
0x1fa: {  	s0 =	rddreg [dreg:$0x0];
	s2 =	stileid.u32  }
0x1fb: {  	s1 =	rddreg [dreg:$0x1];
	p0 =	sne.s32 s2, $0x0  }
0x1fc: {  	s3 =	rddreg [dreg:$0x2];
	[bflag:$0x3] =	sbarrier.arrive $0xFFFF;
	s2 =	simm.s32 @!p0 $0x1C05  }
0x1fd: {  	[timem:s3], [sflag:s2] =	dma.local @!p0 [hbm:s0], s1  }
0x1fe: {  	s0 =	simm.s32 @!p0 $0x5  }
0x1ff: {  	_ =	swait.ge @!p0 [sflag:s0], s1  }
0x200: {  	s1 =	ssub.s32 @!p0 $0x0, s1;
	[sflag:s0] =	ssyncset.done @!p0 $0x0  }
0x201: {  	[sflag:s0] =	ssyncadd.s32 @!p0 s1  }
0x202: {  	[bflag:$0x3] =	sbarrier.arrive $0xFFFF  }
0x203: {  	_ =	shalt  }

</sc_bundles>
